<compile_context>
chip_gen: v7x
topology: tpu7x:2x2x1
jax: 0.10.2.dev20260603
libtpu: 0.0.44.dev20260713+nightly
codegen_flags: <defaults>
</compile_context>

<pallas_src>
import functools

import jax
import jax.numpy as jnp
from jax import lax
from jax.experimental import pallas as pl
from jax.experimental.pallas import tpu as pltpu
from jax.experimental.pallas import tpu_sc as plsc

_NC = 2
_NS = 16
_NW = _NC * _NS
_L = 16
_G = 16


def _run_phase(table_hbm, wait_tpl_hbm, bases_v, cols_v, ring, sem, n_groups,
               emb_k, lanes, per_group_fn):

    def fire(g, slot):
        bases = bases_v[pl.dslice(g * _G, _G)]
        for j in range(_G):
            bj = pl.multiple_of(bases[j], 128)
            pltpu.async_copy(
                table_hbm.at[:, pl.ds(bj, 128)], ring.at[slot * _G + j],
                sem)

    fire(0, 0)

    def g_body(g, carry):
        slot = lax.rem(g, 2)

        @pl.when(g + 1 < n_groups)
        def _():
            fire(g + 1, 1 - slot)

        pltpu.make_async_copy(
            wait_tpl_hbm, ring.at[pl.ds(slot * _G, _G)], sem).wait()

        cols = cols_v[pl.dslice(g * _G, _G)]
        per_group_fn(g, slot, cols)
        return carry

    lax.fori_loop(0, n_groups, g_body, 0)


def _mf_dot_body(b_per_w, emb_k, wt_hbm, ht_hbm, uidx_hbm, iidx_hbm,
                 wait_tpl_hbm, out_hbm,
                 uidx_v, iidx_v, ubase_v, ucol_v, ibase_v, icol_v,
                 ring, wemb_v, outc_v, sem):
    wid = lax.axis_index("s") * _NC + lax.axis_index("c")
    base = wid * b_per_w
    n_groups = b_per_w // _G
    lanes = lax.iota(jnp.int32, _L)

    pltpu.sync_copy(uidx_hbm.at[pl.ds(base, b_per_w)], uidx_v)
    pltpu.sync_copy(iidx_hbm.at[pl.ds(base, b_per_w)], iidx_v)

    for t in range(b_per_w // _L):
        sl = pl.dslice(t * _L, _L)
        u = uidx_v[sl]
        i = iidx_v[sl]
        ubase_v[sl] = (u // 128) * 128
        ucol_v[sl] = lax.rem(u, 128)
        ibase_v[sl] = (i // 128) * 128
        icol_v[sl] = lax.rem(i, 128)

    def stash_w(g, slot, cols):
        blks = slot * _G + lanes
        for k in range(emb_k):
            wrow = plsc.load_gather(
                ring, [blks, jnp.full((_L,), k, jnp.int32), cols])
            wemb_v[pl.dslice(k * b_per_w + g * _G, _G)] = wrow

    _run_phase(wt_hbm, wait_tpl_hbm, ubase_v, ucol_v, ring, sem, n_groups,
               emb_k, lanes, stash_w)

    def dot_h(g, slot, cols):
        blks = slot * _G + lanes
        acc = jnp.zeros((_L,), jnp.float32)
        for k in range(emb_k):
            hrow = plsc.load_gather(
                ring, [blks, jnp.full((_L,), k, jnp.int32), cols])
            wrow = wemb_v[pl.dslice(k * b_per_w + g * _G, _G)]
            acc = acc + wrow * hrow
        outc_v[pl.dslice(g * _G, _G)] = acc

    _run_phase(ht_hbm, wait_tpl_hbm, ibase_v, icol_v, ring, sem, n_groups,
               emb_k, lanes, dot_h)

    pltpu.sync_copy(outc_v, out_hbm.at[pl.ds(base, b_per_w)])


def kernel(x, W, H, W_r, H_r):
    del W_r, H_r
    batch = x.shape[0]
    emb_k = W.shape[1]
    b_per_w = batch // _NW

    wt = W.T
    ht = H.T
    uidx = x[:, 0]
    iidx = x[:, 1]
    wait_tpl = jnp.zeros((_G, emb_k, 128), jnp.float32)

    mesh = plsc.VectorSubcoreMesh(core_axis_name="c", subcore_axis_name="s")
    body = functools.partial(_mf_dot_body, b_per_w, emb_k)
    fn = pl.kernel(
        body,
        out_type=jax.ShapeDtypeStruct((batch,), jnp.float32),
        mesh=mesh,
        scratch_types=[
            pltpu.VMEM((b_per_w,), jnp.int32),
            pltpu.VMEM((b_per_w,), jnp.int32),
            pltpu.VMEM((b_per_w,), jnp.int32),
            pltpu.VMEM((b_per_w,), jnp.int32),
            pltpu.VMEM((b_per_w,), jnp.int32),
            pltpu.VMEM((b_per_w,), jnp.int32),
            pltpu.VMEM((2 * _G, emb_k, 128), jnp.float32),
            pltpu.VMEM((b_per_w * emb_k,), jnp.float32),
            pltpu.VMEM((b_per_w,), jnp.float32),
            pltpu.SemaphoreType.DMA,
        ],
        compiler_params=pltpu.CompilerParams(
            needs_layout_passes=False, use_tc_tiling_on_sc=True),
    )
    return fn(wt, ht, uidx, iidx, wait_tpl)

# --- scband reference (transcript-rebuilt; emitter-appended) ---
"""Pipeline reference for scband-mf-dib-77455440216511 (READ-ONLY COPY).

The authoritative reference and input builder live on the scoring server;
editing this copy changes nothing except your own understanding.
"""

import jax, jax.numpy as jnp
import numpy as np

NUM_USERS = 1000000
NUM_ITEMS = 1000000
EMB_K = 16
BATCH = 16384


def setup_inputs(seed: int = 0) -> dict:
    key = jax.random.key(seed)
    k1, k2, k3, k4, k5 = jax.random.split(key, 5)
    # x[:, 0] = user indices, x[:, 1] = item indices
    x = jax.random.randint(k1, (BATCH, 2), 0, NUM_USERS, dtype=jnp.int32)
    # nn.Embedding default init is N(0, 1)
    W = jax.random.normal(k2, (NUM_USERS, EMB_K), dtype=jnp.float32)
    H = jax.random.normal(k3, (NUM_ITEMS, EMB_K), dtype=jnp.float32)
    W_r = jax.random.normal(k4, (NUM_USERS, EMB_K), dtype=jnp.float32)
    H_r = jax.random.normal(k5, (NUM_ITEMS, EMB_K), dtype=jnp.float32)
    return {"x": x, "W": W, "H": H, "W_r": W_r, "H_r": H_r}


def reference(x, W, H, W_r, H_r):
    # Faithful translation of MF_DIB.forward with is_training=False
    user_idx = x[:, 0]
    item_idx = x[:, 1]
    U_emb = jnp.take(W, user_idx, axis=0)
    V_emb = jnp.take(H, item_idx, axis=0)
    U_emb_r = jnp.take(W_r, user_idx, axis=0)
    V_emb_r = jnp.take(H_r, item_idx, axis=0)
    U_emb_all = jnp.concatenate([U_emb, U_emb_r], axis=-1)
    V_emb_all = jnp.concatenate([V_emb, V_emb_r], axis=-1)
    out = jnp.sum(U_emb * V_emb, axis=1)
    out_r = jnp.sum(U_emb_r * V_emb_r, axis=1)
    out_all = jnp.sum(U_emb_all * V_emb_all, axis=1)
    # is_training=False -> return out only (out_r/out_all computed but unused)
    return out

if __name__ == "__main__":
    import jax
    _d = setup_inputs()
    print(jax.jit(kernel)(*tuple(_d.values())))

</pallas_src>

<mosaic_0001>
#map = affine_map<(d0, d1) -> (0, 0)>
#map1 = affine_map<(d0, d1) -> (0)>
#map2 = affine_map<(d0, d1) -> (0, 0, 0)>
module attributes {stable_mosaic.version = 14 : i64} {
  func.func @_mf_dot_body(%arg0: i32, %arg1: i32, %arg2: memref<16x1000000xf32, #tpu.memory_space<hbm>>, %arg3: memref<16x1000000xf32, #tpu.memory_space<hbm>>, %arg4: memref<16384xi32, #tpu.memory_space<hbm>>, %arg5: memref<16384xi32, #tpu.memory_space<hbm>>, %arg6: memref<16x16x128xf32, #tpu.memory_space<hbm>>, %arg7: memref<16384xf32, #tpu.memory_space<hbm>>, %arg8: memref<512xi32, #tpu.memory_space<vmem>>, %arg9: memref<512xi32, #tpu.memory_space<vmem>>, %arg10: memref<512xi32, #tpu.memory_space<vmem>>, %arg11: memref<512xi32, #tpu.memory_space<vmem>>, %arg12: memref<512xi32, #tpu.memory_space<vmem>>, %arg13: memref<512xi32, #tpu.memory_space<vmem>>, %arg14: memref<32x16x128xf32, #tpu.memory_space<vmem>>, %arg15: memref<8192xf32, #tpu.memory_space<vmem>>, %arg16: memref<512xf32, #tpu.memory_space<vmem>>, %arg17: memref<!tpu.dma_semaphore, #tpu.memory_space<semaphore_mem>>) attributes {dimension_semantics = [#tpu.dimension_semantics<core_parallel>, #tpu.dimension_semantics<subcore_parallel>], iteration_bounds = array<i64: 2, 16>, scalar_prefetch = 0 : i64, scratch_operands = 10 : i64, tpu.core_type = #tpu.core_type<sc_vector_subcore>, window_params = [{transform_indices = #map}, {transform_indices = #map}, {transform_indices = #map1}, {transform_indices = #map1}, {transform_indices = #map2}, {transform_indices = #map1}]} {
    %mul3A = arith.constant 2 : i32
    %mul3A_0 = arith.muli %arg1, %mul3A : i32
    %add3A = arith.addi %mul3A_0, %arg0 : i32
    %mul3A_1 = arith.constant 512 : i32
    %mul3A_2 = arith.muli %add3A, %mul3A_1 : i32
    %iota3A = tpu.iota {dimensions = array<i32: 0>} : vector<16xi32>
    "tpu.region"() ({
      %run_scoped3A = tpu.sem_alloc : memref<!tpu.dma_semaphore, #tpu.memory_space<semaphore_mem>>
      %dma_start3A_3268 = tpu.memref_slice %arg4[%mul3A_2] : memref<16384xi32, #tpu.memory_space<hbm>> -> memref<512xi32, #tpu.memory_space<hbm>>
      %dma_start3A_3269 = tpu.memref_slice %arg4[%mul3A_2] : memref<16384xi32, #tpu.memory_space<hbm>> -> memref<512xi32, #tpu.memory_space<hbm>>
      tpu.enqueue_dma source(%dma_start3A_3269 : memref<512xi32, #tpu.memory_space<hbm>>) target(%arg8 : memref<512xi32, #tpu.memory_space<vmem>>) target_semaphore(%run_scoped3A : memref<!tpu.dma_semaphore, #tpu.memory_space<semaphore_mem>>)
      %dma_wait3A = tpu.memref_slice %arg4[%mul3A_2] : memref<16384xi32, #tpu.memory_space<hbm>> -> memref<512xi32, #tpu.memory_space<hbm>>
      %dma_wait3A_3270 = tpu.memref_slice %arg4[%mul3A_2] : memref<16384xi32, #tpu.memory_space<hbm>> -> memref<512xi32, #tpu.memory_space<hbm>>
      tpu.wait_dma2 semaphore(%run_scoped3A : memref<!tpu.dma_semaphore, #tpu.memory_space<semaphore_mem>>) src(%dma_wait3A_3270 : memref<512xi32, #tpu.memory_space<hbm>>) dst(%arg8 : memref<512xi32, #tpu.memory_space<vmem>>)
      tpu.yield
    }) : () -> ()
    "tpu.region"() ({
      %run_scoped3A = tpu.sem_alloc : memref<!tpu.dma_semaphore, #tpu.memory_space<semaphore_mem>>
      %dma_start3A_3268 = tpu.memref_slice %arg5[%mul3A_2] : memref<16384xi32, #tpu.memory_space<hbm>> -> memref<512xi32, #tpu.memory_space<hbm>>
      %dma_start3A_3269 = tpu.memref_slice %arg5[%mul3A_2] : memref<16384xi32, #tpu.memory_space<hbm>> -> memref<512xi32, #tpu.memory_space<hbm>>
      tpu.enqueue_dma source(%dma_start3A_3269 : memref<512xi32, #tpu.memory_space<hbm>>) target(%arg9 : memref<512xi32, #tpu.memory_space<vmem>>) target_semaphore(%run_scoped3A : memref<!tpu.dma_semaphore, #tpu.memory_space<semaphore_mem>>)
      %dma_wait3A = tpu.memref_slice %arg5[%mul3A_2] : memref<16384xi32, #tpu.memory_space<hbm>> -> memref<512xi32, #tpu.memory_space<hbm>>
      %dma_wait3A_3270 = tpu.memref_slice %arg5[%mul3A_2] : memref<16384xi32, #tpu.memory_space<hbm>> -> memref<512xi32, #tpu.memory_space<hbm>>
      tpu.wait_dma2 semaphore(%run_scoped3A : memref<!tpu.dma_semaphore, #tpu.memory_space<semaphore_mem>>) src(%dma_wait3A_3270 : memref<512xi32, #tpu.memory_space<hbm>>) dst(%arg9 : memref<512xi32, #tpu.memory_space<vmem>>)
      tpu.yield
    }) : () -> ()
    %get3A = arith.constant 0 : index
    %get3A_3 = tpu.vector_load %arg8[%get3A] {strides = array<i32>} : memref<512xi32, #tpu.memory_space<vmem>>, vector<16xi32>,
    %get3A_4 = arith.constant 0 : index
    %get3A_5 = tpu.vector_load %arg9[%get3A_4] {strides = array<i32>} : memref<512xi32, #tpu.memory_space<vmem>>, vector<16xi32>,
    %jit3A = arith.constant 128 : i32
    %div3A = vector.broadcast %jit3A : i32 to vector<16xi32>
    %div3A_6 = arith.divsi %get3A_3, %div3A : vector<16xi32>
    %sign3A = arith.constant 0 : i32
    %sign3A_7 = vector.broadcast %sign3A : i32 to vector<16xi32>
    %sign3A_8 = arith.cmpi sgt, %get3A_3, %sign3A_7 : vector<16xi32>
    %sign3A_9 = arith.extui %sign3A_8 : vector<16xi1> to vector<16xi32>
    %sign3A_10 = arith.constant 0 : i32
    %sign3A_11 = vector.broadcast %sign3A_10 : i32 to vector<16xi32>
    %sign3A_12 = arith.cmpi slt, %get3A_3, %sign3A_11 : vector<16xi32>
    %sign3A_13 = arith.extui %sign3A_12 : vector<16xi1> to vector<16xi32>
    %sign3A_14 = arith.subi %sign3A_9, %sign3A_13 : vector<16xi32>
    %sign3A_15 = arith.constant 0 : i32
    %sign3A_16 = arith.cmpi sgt, %jit3A, %sign3A_15 : i32
    %sign3A_17 = arith.extui %sign3A_16 : i1 to i32
    %sign3A_18 = arith.constant 0 : i32
    %sign3A_19 = arith.cmpi slt, %jit3A, %sign3A_18 : i32
    %sign3A_20 = arith.extui %sign3A_19 : i1 to i32
    %sign3A_21 = arith.subi %sign3A_17, %sign3A_20 : i32
    %ne3A = vector.broadcast %sign3A_21 : i32 to vector<16xi32>
    %ne3A_22 = arith.cmpi ne, %sign3A_14, %ne3A : vector<16xi32>
    %rem3A = vector.broadcast %jit3A : i32 to vector<16xi32>
    %rem3A_23 = arith.remsi %get3A_3, %rem3A : vector<16xi32>
    %ne3A_24 = arith.constant 0 : i32
    %ne3A_25 = vector.broadcast %ne3A_24 : i32 to vector<16xi32>
    %ne3A_26 = arith.cmpi ne, %rem3A_23, %ne3A_25 : vector<16xi32>
    %and3A = arith.andi %ne3A_22, %ne3A_26 : vector<16xi1>
    %sub3A = arith.constant 1 : i32
    %sub3A_27 = vector.broadcast %sub3A : i32 to vector<16xi32>
    %sub3A_28 = arith.subi %div3A_6, %sub3A_27 : vector<16xi32>
    %select_n3A = arith.select %and3A, %sub3A_28, %div3A_6 : vector<16xi1>, vector<16xi32>
    %mul3A_29 = arith.constant 128 : i32
    %mul3A_30 = vector.broadcast %mul3A_29 : i32 to vector<16xi32>
    %mul3A_31 = arith.muli %select_n3A, %mul3A_30 : vector<16xi32>
    %swap3A = arith.constant 0 : index
    %swap3A_32 = tpu.vector_load %arg10[%swap3A] {strides = array<i32>} : memref<512xi32, #tpu.memory_space<vmem>>, vector<16xi32>,
    tpu.vector_store %arg10[%swap3A], %mul3A_31 {strides = array<i32>} : memref<512xi32, #tpu.memory_space<vmem>>, vector<16xi32>,
    %rem3A_33 = arith.constant 128 : i32
    %rem3A_34 = vector.broadcast %rem3A_33 : i32 to vector<16xi32>
    %rem3A_35 = arith.remsi %get3A_3, %rem3A_34 : vector<16xi32>
    %swap3A_36 = arith.constant 0 : index
    %swap3A_37 = tpu.vector_load %arg11[%swap3A_36] {strides = array<i32>} : memref<512xi32, #tpu.memory_space<vmem>>, vector<16xi32>,
    tpu.vector_store %arg11[%swap3A_36], %rem3A_35 {strides = array<i32>} : memref<512xi32, #tpu.memory_space<vmem>>, vector<16xi32>,
    %jit3A_38 = arith.constant 128 : i32
    %div3A_39 = vector.broadcast %jit3A_38 : i32 to vector<16xi32>
    %div3A_40 = arith.divsi %get3A_5, %div3A_39 : vector<16xi32>
    %sign3A_41 = arith.constant 0 : i32
    %sign3A_42 = vector.broadcast %sign3A_41 : i32 to vector<16xi32>
    %sign3A_43 = arith.cmpi sgt, %get3A_5, %sign3A_42 : vector<16xi32>
    %sign3A_44 = arith.extui %sign3A_43 : vector<16xi1> to vector<16xi32>
    %sign3A_45 = arith.constant 0 : i32
    %sign3A_46 = vector.broadcast %sign3A_45 : i32 to vector<16xi32>
    %sign3A_47 = arith.cmpi slt, %get3A_5, %sign3A_46 : vector<16xi32>
    %sign3A_48 = arith.extui %sign3A_47 : vector<16xi1> to vector<16xi32>
    %sign3A_49 = arith.subi %sign3A_44, %sign3A_48 : vector<16xi32>
    %sign3A_50 = arith.constant 0 : i32
    %sign3A_51 = arith.cmpi sgt, %jit3A_38, %sign3A_50 : i32
    %sign3A_52 = arith.extui %sign3A_51 : i1 to i32
    %sign3A_53 = arith.constant 0 : i32
    %sign3A_54 = arith.cmpi slt, %jit3A_38, %sign3A_53 : i32
    %sign3A_55 = arith.extui %sign3A_54 : i1 to i32
    %sign3A_56 = arith.subi %sign3A_52, %sign3A_55 : i32
    %ne3A_57 = vector.broadcast %sign3A_56 : i32 to vector<16xi32>
    %ne3A_58 = arith.cmpi ne, %sign3A_49, %ne3A_57 : vector<16xi32>
    %rem3A_59 = vector.broadcast %jit3A_38 : i32 to vector<16xi32>
    %rem3A_60 = arith.remsi %get3A_5, %rem3A_59 : vector<16xi32>
    %ne3A_61 = arith.constant 0 : i32
    %ne3A_62 = vector.broadcast %ne3A_61 : i32 to vector<16xi32>
    %ne3A_63 = arith.cmpi ne, %rem3A_60, %ne3A_62 : vector<16xi32>
    %and3A_64 = arith.andi %ne3A_58, %ne3A_63 : vector<16xi1>
    %sub3A_65 = arith.constant 1 : i32
    %sub3A_66 = vector.broadcast %sub3A_65 : i32 to vector<16xi32>
    %sub3A_67 = arith.subi %div3A_40, %sub3A_66 : vector<16xi32>
    %select_n3A_68 = arith.select %and3A_64, %sub3A_67, %div3A_40 : vector<16xi1>, vector<16xi32>
    %mul3A_69 = arith.constant 128 : i32
    %mul3A_70 = vector.broadcast %mul3A_69 : i32 to vector<16xi32>
    %mul3A_71 = arith.muli %select_n3A_68, %mul3A_70 : vector<16xi32>
    %swap3A_72 = arith.constant 0 : index
    %swap3A_73 = tpu.vector_load %arg12[%swap3A_72] {strides = array<i32>} : memref<512xi32, #tpu.memory_space<vmem>>, vector<16xi32>,
    tpu.vector_store %arg12[%swap3A_72], %mul3A_71 {strides = array<i32>} : memref<512xi32, #tpu.memory_space<vmem>>, vector<16xi32>,
    %rem3A_74 = arith.constant 128 : i32
    %rem3A_75 = vector.broadcast %rem3A_74 : i32 to vector<16xi32>
    %rem3A_76 = arith.remsi %get3A_5, %rem3A_75 : vector<16xi32>
    %swap3A_77 = arith.constant 0 : index
    %swap3A_78 = tpu.vector_load %arg13[%swap3A_77] {strides = array<i32>} : memref<512xi32, #tpu.memory_space<vmem>>, vector<16xi32>,
    tpu.vector_store %arg13[%swap3A_77], %rem3A_76 {strides = array<i32>} : memref<512xi32, #tpu.memory_space<vmem>>, vector<16xi32>,
    %get3A_79 = arith.constant 16 : index
    %get3A_80 = tpu.vector_load %arg8[%get3A_79] {strides = array<i32>} : memref<512xi32, #tpu.memory_space<vmem>>, vector<16xi32>,
    %get3A_81 = arith.constant 16 : index
    %get3A_82 = tpu.vector_load %arg9[%get3A_81] {strides = array<i32>} : memref<512xi32, #tpu.memory_space<vmem>>, vector<16xi32>,
    %jit3A_83 = arith.constant 128 : i32
    %div3A_84 = vector.broadcast %jit3A_83 : i32 to vector<16xi32>
    %div3A_85 = arith.divsi %get3A_80, %div3A_84 : vector<16xi32>
    %sign3A_86 = arith.constant 0 : i32
    %sign3A_87 = vector.broadcast %sign3A_86 : i32 to vector<16xi32>
    %sign3A_88 = arith.cmpi sgt, %get3A_80, %sign3A_87 : vector<16xi32>
    %sign3A_89 = arith.extui %sign3A_88 : vector<16xi1> to vector<16xi32>
    %sign3A_90 = arith.constant 0 : i32
    %sign3A_91 = vector.broadcast %sign3A_90 : i32 to vector<16xi32>
    %sign3A_92 = arith.cmpi slt, %get3A_80, %sign3A_91 : vector<16xi32>
    %sign3A_93 = arith.extui %sign3A_92 : vector<16xi1> to vector<16xi32>
    %sign3A_94 = arith.subi %sign3A_89, %sign3A_93 : vector<16xi32>
    %sign3A_95 = arith.constant 0 : i32
    %sign3A_96 = arith.cmpi sgt, %jit3A_83, %sign3A_95 : i32
    %sign3A_97 = arith.extui %sign3A_96 : i1 to i32
    %sign3A_98 = arith.constant 0 : i32
    %sign3A_99 = arith.cmpi slt, %jit3A_83, %sign3A_98 : i32
    %sign3A_100 = arith.extui %sign3A_99 : i1 to i32
    %sign3A_101 = arith.subi %sign3A_97, %sign3A_100 : i32
    %ne3A_102 = vector.broadcast %sign3A_101 : i32 to vector<16xi32>
    %ne3A_103 = arith.cmpi ne, %sign3A_94, %ne3A_102 : vector<16xi32>
    %rem3A_104 = vector.broadcast %jit3A_83 : i32 to vector<16xi32>
    %rem3A_105 = arith.remsi %get3A_80, %rem3A_104 : vector<16xi32>
    %ne3A_106 = arith.constant 0 : i32
    %ne3A_107 = vector.broadcast %ne3A_106 : i32 to vector<16xi32>
    %ne3A_108 = arith.cmpi ne, %rem3A_105, %ne3A_107 : vector<16xi32>
    %and3A_109 = arith.andi %ne3A_103, %ne3A_108 : vector<16xi1>
    %sub3A_110 = arith.constant 1 : i32
    %sub3A_111 = vector.broadcast %sub3A_110 : i32 to vector<16xi32>
    %sub3A_112 = arith.subi %div3A_85, %sub3A_111 : vector<16xi32>
    %select_n3A_113 = arith.select %and3A_109, %sub3A_112, %div3A_85 : vector<16xi1>, vector<16xi32>
    %mul3A_114 = arith.constant 128 : i32
    %mul3A_115 = vector.broadcast %mul3A_114 : i32 to vector<16xi32>
    %mul3A_116 = arith.muli %select_n3A_113, %mul3A_115 : vector<16xi32>
    %swap3A_117 = arith.constant 16 : index
    %swap3A_118 = tpu.vector_load %arg10[%swap3A_117] {strides = array<i32>} : memref<512xi32, #tpu.memory_space<vmem>>, vector<16xi32>,
    tpu.vector_store %arg10[%swap3A_117], %mul3A_116 {strides = array<i32>} : memref<512xi32, #tpu.memory_space<vmem>>, vector<16xi32>,
    %rem3A_119 = arith.constant 128 : i32
    %rem3A_120 = vector.broadcast %rem3A_119 : i32 to vector<16xi32>
    %rem3A_121 = arith.remsi %get3A_80, %rem3A_120 : vector<16xi32>
    %swap3A_122 = arith.constant 16 : index
    %swap3A_123 = tpu.vector_load %arg11[%swap3A_122] {strides = array<i32>} : memref<512xi32, #tpu.memory_space<vmem>>, vector<16xi32>,
    tpu.vector_store %arg11[%swap3A_122], %rem3A_121 {strides = array<i32>} : memref<512xi32, #tpu.memory_space<vmem>>, vector<16xi32>,
    %jit3A_124 = arith.constant 128 : i32
    %div3A_125 = vector.broadcast %jit3A_124 : i32 to vector<16xi32>
    %div3A_126 = arith.divsi %get3A_82, %div3A_125 : vector<16xi32>
    %sign3A_127 = arith.constant 0 : i32
    %sign3A_128 = vector.broadcast %sign3A_127 : i32 to vector<16xi32>
    %sign3A_129 = arith.cmpi sgt, %get3A_82, %sign3A_128 : vector<16xi32>
    %sign3A_130 = arith.extui %sign3A_129 : vector<16xi1> to vector<16xi32>
    %sign3A_131 = arith.constant 0 : i32
    %sign3A_132 = vector.broadcast %sign3A_131 : i32 to vector<16xi32>
    %sign3A_133 = arith.cmpi slt, %get3A_82, %sign3A_132 : vector<16xi32>
    %sign3A_134 = arith.extui %sign3A_133 : vector<16xi1> to vector<16xi32>
    %sign3A_135 = arith.subi %sign3A_130, %sign3A_134 : vector<16xi32>
    %sign3A_136 = arith.constant 0 : i32
    %sign3A_137 = arith.cmpi sgt, %jit3A_124, %sign3A_136 : i32
    %sign3A_138 = arith.extui %sign3A_137 : i1 to i32
    %sign3A_139 = arith.constant 0 : i32
    %sign3A_140 = arith.cmpi slt, %jit3A_124, %sign3A_139 : i32
    %sign3A_141 = arith.extui %sign3A_140 : i1 to i32
    %sign3A_142 = arith.subi %sign3A_138, %sign3A_141 : i32
    %ne3A_143 = vector.broadcast %sign3A_142 : i32 to vector<16xi32>
    %ne3A_144 = arith.cmpi ne, %sign3A_135, %ne3A_143 : vector<16xi32>
    %rem3A_145 = vector.broadcast %jit3A_124 : i32 to vector<16xi32>
    %rem3A_146 = arith.remsi %get3A_82, %rem3A_145 : vector<16xi32>
    %ne3A_147 = arith.constant 0 : i32
    %ne3A_148 = vector.broadcast %ne3A_147 : i32 to vector<16xi32>
    %ne3A_149 = arith.cmpi ne, %rem3A_146, %ne3A_148 : vector<16xi32>
    %and3A_150 = arith.andi %ne3A_144, %ne3A_149 : vector<16xi1>
    %sub3A_151 = arith.constant 1 : i32
    %sub3A_152 = vector.broadcast %sub3A_151 : i32 to vector<16xi32>
    %sub3A_153 = arith.subi %div3A_126, %sub3A_152 : vector<16xi32>
    %select_n3A_154 = arith.select %and3A_150, %sub3A_153, %div3A_126 : vector<16xi1>, vector<16xi32>
    %mul3A_155 = arith.constant 128 : i32
    %mul3A_156 = vector.broadcast %mul3A_155 : i32 to vector<16xi32>
    %mul3A_157 = arith.muli %select_n3A_154, %mul3A_156 : vector<16xi32>
    %swap3A_158 = arith.constant 16 : index
    %swap3A_159 = tpu.vector_load %arg12[%swap3A_158] {strides = array<i32>} : memref<512xi32, #tpu.memory_space<vmem>>, vector<16xi32>,
    tpu.vector_store %arg12[%swap3A_158], %mul3A_157 {strides = array<i32>} : memref<512xi32, #tpu.memory_space<vmem>>, vector<16xi32>,
    %rem3A_160 = arith.constant 128 : i32
    %rem3A_161 = vector.broadcast %rem3A_160 : i32 to vector<16xi32>
    %rem3A_162 = arith.remsi %get3A_82, %rem3A_161 : vector<16xi32>
    %swap3A_163 = arith.constant 16 : index
    %swap3A_164 = tpu.vector_load %arg13[%swap3A_163] {strides = array<i32>} : memref<512xi32, #tpu.memory_space<vmem>>, vector<16xi32>,
    tpu.vector_store %arg13[%swap3A_163], %rem3A_162 {strides = array<i32>} : memref<512xi32, #tpu.memory_space<vmem>>, vector<16xi32>,
    %get3A_165 = arith.constant 32 : index
    %get3A_166 = tpu.vector_load %arg8[%get3A_165] {strides = array<i32>} : memref<512xi32, #tpu.memory_space<vmem>>, vector<16xi32>,
    %get3A_167 = arith.constant 32 : index
    %get3A_168 = tpu.vector_load %arg9[%get3A_167] {strides = array<i32>} : memref<512xi32, #tpu.memory_space<vmem>>, vector<16xi32>,
    %jit3A_169 = arith.constant 128 : i32
    %div3A_170 = vector.broadcast %jit3A_169 : i32 to vector<16xi32>
    %div3A_171 = arith.divsi %get3A_166, %div3A_170 : vector<16xi32>
    %sign3A_172 = arith.constant 0 : i32
    %sign3A_173 = vector.broadcast %sign3A_172 : i32 to vector<16xi32>
    %sign3A_174 = arith.cmpi sgt, %get3A_166, %sign3A_173 : vector<16xi32>
    %sign3A_175 = arith.extui %sign3A_174 : vector<16xi1> to vector<16xi32>
    %sign3A_176 = arith.constant 0 : i32
    %sign3A_177 = vector.broadcast %sign3A_176 : i32 to vector<16xi32>
    %sign3A_178 = arith.cmpi slt, %get3A_166, %sign3A_177 : vector<16xi32>
    %sign3A_179 = arith.extui %sign3A_178 : vector<16xi1> to vector<16xi32>
    %sign3A_180 = arith.subi %sign3A_175, %sign3A_179 : vector<16xi32>
    %sign3A_181 = arith.constant 0 : i32
    %sign3A_182 = arith.cmpi sgt, %jit3A_169, %sign3A_181 : i32
    %sign3A_183 = arith.extui %sign3A_182 : i1 to i32
    %sign3A_184 = arith.constant 0 : i32
    %sign3A_185 = arith.cmpi slt, %jit3A_169, %sign3A_184 : i32
    %sign3A_186 = arith.extui %sign3A_185 : i1 to i32
    %sign3A_187 = arith.subi %sign3A_183, %sign3A_186 : i32
    %ne3A_188 = vector.broadcast %sign3A_187 : i32 to vector<16xi32>
    %ne3A_189 = arith.cmpi ne, %sign3A_180, %ne3A_188 : vector<16xi32>
    %rem3A_190 = vector.broadcast %jit3A_169 : i32 to vector<16xi32>
    %rem3A_191 = arith.remsi %get3A_166, %rem3A_190 : vector<16xi32>
    %ne3A_192 = arith.constant 0 : i32
    %ne3A_193 = vector.broadcast %ne3A_192 : i32 to vector<16xi32>
    %ne3A_194 = arith.cmpi ne, %rem3A_191, %ne3A_193 : vector<16xi32>
    %and3A_195 = arith.andi %ne3A_189, %ne3A_194 : vector<16xi1>
    %sub3A_196 = arith.constant 1 : i32
    %sub3A_197 = vector.broadcast %sub3A_196 : i32 to vector<16xi32>
    %sub3A_198 = arith.subi %div3A_171, %sub3A_197 : vector<16xi32>
    %select_n3A_199 = arith.select %and3A_195, %sub3A_198, %div3A_171 : vector<16xi1>, vector<16xi32>
    %mul3A_200 = arith.constant 128 : i32
    %mul3A_201 = vector.broadcast %mul3A_200 : i32 to vector<16xi32>
    %mul3A_202 = arith.muli %select_n3A_199, %mul3A_201 : vector<16xi32>
    %swap3A_203 = arith.constant 32 : index
    %swap3A_204 = tpu.vector_load %arg10[%swap3A_203] {strides = array<i32>} : memref<512xi32, #tpu.memory_space<vmem>>, vector<16xi32>,
    tpu.vector_store %arg10[%swap3A_203], %mul3A_202 {strides = array<i32>} : memref<512xi32, #tpu.memory_space<vmem>>, vector<16xi32>,
    %rem3A_205 = arith.constant 128 : i32
    %rem3A_206 = vector.broadcast %rem3A_205 : i32 to vector<16xi32>
    %rem3A_207 = arith.remsi %get3A_166, %rem3A_206 : vector<16xi32>
    %swap3A_208 = arith.constant 32 : index
    %swap3A_209 = tpu.vector_load %arg11[%swap3A_208] {strides = array<i32>} : memref<512xi32, #tpu.memory_space<vmem>>, vector<16xi32>,
    tpu.vector_store %arg11[%swap3A_208], %rem3A_207 {strides = array<i32>} : memref<512xi32, #tpu.memory_space<vmem>>, vector<16xi32>,
    %jit3A_210 = arith.constant 128 : i32
    %div3A_211 = vector.broadcast %jit3A_210 : i32 to vector<16xi32>
    %div3A_212 = arith.divsi %get3A_168, %div3A_211 : vector<16xi32>
    %sign3A_213 = arith.constant 0 : i32
    %sign3A_214 = vector.broadcast %sign3A_213 : i32 to vector<16xi32>
    %sign3A_215 = arith.cmpi sgt, %get3A_168, %sign3A_214 : vector<16xi32>
    %sign3A_216 = arith.extui %sign3A_215 : vector<16xi1> to vector<16xi32>
    %sign3A_217 = arith.constant 0 : i32
    %sign3A_218 = vector.broadcast %sign3A_217 : i32 to vector<16xi32>
    %sign3A_219 = arith.cmpi slt, %get3A_168, %sign3A_218 : vector<16xi32>
    %sign3A_220 = arith.extui %sign3A_219 : vector<16xi1> to vector<16xi32>
    %sign3A_221 = arith.subi %sign3A_216, %sign3A_220 : vector<16xi32>
    %sign3A_222 = arith.constant 0 : i32
    %sign3A_223 = arith.cmpi sgt, %jit3A_210, %sign3A_222 : i32
    %sign3A_224 = arith.extui %sign3A_223 : i1 to i32
    %sign3A_225 = arith.constant 0 : i32
    %sign3A_226 = arith.cmpi slt, %jit3A_210, %sign3A_225 : i32
    %sign3A_227 = arith.extui %sign3A_226 : i1 to i32
    %sign3A_228 = arith.subi %sign3A_224, %sign3A_227 : i32
    %ne3A_229 = vector.broadcast %sign3A_228 : i32 to vector<16xi32>
    %ne3A_230 = arith.cmpi ne, %sign3A_221, %ne3A_229 : vector<16xi32>
    %rem3A_231 = vector.broadcast %jit3A_210 : i32 to vector<16xi32>
    %rem3A_232 = arith.remsi %get3A_168, %rem3A_231 : vector<16xi32>
    %ne3A_233 = arith.constant 0 : i32
    %ne3A_234 = vector.broadcast %ne3A_233 : i32 to vector<16xi32>
    %ne3A_235 = arith.cmpi ne, %rem3A_232, %ne3A_234 : vector<16xi32>
    %and3A_236 = arith.andi %ne3A_230, %ne3A_235 : vector<16xi1>
    %sub3A_237 = arith.constant 1 : i32
    %sub3A_238 = vector.broadcast %sub3A_237 : i32 to vector<16xi32>
    %sub3A_239 = arith.subi %div3A_212, %sub3A_238 : vector<16xi32>
    %select_n3A_240 = arith.select %and3A_236, %sub3A_239, %div3A_212 : vector<16xi1>, vector<16xi32>
    %mul3A_241 = arith.constant 128 : i32
    %mul3A_242 = vector.broadcast %mul3A_241 : i32 to vector<16xi32>
    %mul3A_243 = arith.muli %select_n3A_240, %mul3A_242 : vector<16xi32>
    %swap3A_244 = arith.constant 32 : index
    %swap3A_245 = tpu.vector_load %arg12[%swap3A_244] {strides = array<i32>} : memref<512xi32, #tpu.memory_space<vmem>>, vector<16xi32>,
    tpu.vector_store %arg12[%swap3A_244], %mul3A_243 {strides = array<i32>} : memref<512xi32, #tpu.memory_space<vmem>>, vector<16xi32>,
    %rem3A_246 = arith.constant 128 : i32
    %rem3A_247 = vector.broadcast %rem3A_246 : i32 to vector<16xi32>
    %rem3A_248 = arith.remsi %get3A_168, %rem3A_247 : vector<16xi32>
    %swap3A_249 = arith.constant 32 : index
    %swap3A_250 = tpu.vector_load %arg13[%swap3A_249] {strides = array<i32>} : memref<512xi32, #tpu.memory_space<vmem>>, vector<16xi32>,
    tpu.vector_store %arg13[%swap3A_249], %rem3A_248 {strides = array<i32>} : memref<512xi32, #tpu.memory_space<vmem>>, vector<16xi32>,
    %get3A_251 = arith.constant 48 : index
    %get3A_252 = tpu.vector_load %arg8[%get3A_251] {strides = array<i32>} : memref<512xi32, #tpu.memory_space<vmem>>, vector<16xi32>,
    %get3A_253 = arith.constant 48 : index
    %get3A_254 = tpu.vector_load %arg9[%get3A_253] {strides = array<i32>} : memref<512xi32, #tpu.memory_space<vmem>>, vector<16xi32>,
    %jit3A_255 = arith.constant 128 : i32
    %div3A_256 = vector.broadcast %jit3A_255 : i32 to vector<16xi32>
    %div3A_257 = arith.divsi %get3A_252, %div3A_256 : vector<16xi32>
    %sign3A_258 = arith.constant 0 : i32
    %sign3A_259 = vector.broadcast %sign3A_258 : i32 to vector<16xi32>
    %sign3A_260 = arith.cmpi sgt, %get3A_252, %sign3A_259 : vector<16xi32>
    %sign3A_261 = arith.extui %sign3A_260 : vector<16xi1> to vector<16xi32>
    %sign3A_262 = arith.constant 0 : i32
    %sign3A_263 = vector.broadcast %sign3A_262 : i32 to vector<16xi32>
    %sign3A_264 = arith.cmpi slt, %get3A_252, %sign3A_263 : vector<16xi32>
    %sign3A_265 = arith.extui %sign3A_264 : vector<16xi1> to vector<16xi32>
    %sign3A_266 = arith.subi %sign3A_261, %sign3A_265 : vector<16xi32>
    %sign3A_267 = arith.constant 0 : i32
    %sign3A_268 = arith.cmpi sgt, %jit3A_255, %sign3A_267 : i32
    %sign3A_269 = arith.extui %sign3A_268 : i1 to i32
    %sign3A_270 = arith.constant 0 : i32
    %sign3A_271 = arith.cmpi slt, %jit3A_255, %sign3A_270 : i32
    %sign3A_272 = arith.extui %sign3A_271 : i1 to i32
    %sign3A_273 = arith.subi %sign3A_269, %sign3A_272 : i32
    %ne3A_274 = vector.broadcast %sign3A_273 : i32 to vector<16xi32>
    %ne3A_275 = arith.cmpi ne, %sign3A_266, %ne3A_274 : vector<16xi32>
    %rem3A_276 = vector.broadcast %jit3A_255 : i32 to vector<16xi32>
    %rem3A_277 = arith.remsi %get3A_252, %rem3A_276 : vector<16xi32>
    %ne3A_278 = arith.constant 0 : i32
    %ne3A_279 = vector.broadcast %ne3A_278 : i32 to vector<16xi32>
    %ne3A_280 = arith.cmpi ne, %rem3A_277, %ne3A_279 : vector<16xi32>
    %and3A_281 = arith.andi %ne3A_275, %ne3A_280 : vector<16xi1>
    %sub3A_282 = arith.constant 1 : i32
    %sub3A_283 = vector.broadcast %sub3A_282 : i32 to vector<16xi32>
    %sub3A_284 = arith.subi %div3A_257, %sub3A_283 : vector<16xi32>
    %select_n3A_285 = arith.select %and3A_281, %sub3A_284, %div3A_257 : vector<16xi1>, vector<16xi32>
    %mul3A_286 = arith.constant 128 : i32
    %mul3A_287 = vector.broadcast %mul3A_286 : i32 to vector<16xi32>
    %mul3A_288 = arith.muli %select_n3A_285, %mul3A_287 : vector<16xi32>
    %swap3A_289 = arith.constant 48 : index
    %swap3A_290 = tpu.vector_load %arg10[%swap3A_289] {strides = array<i32>} : memref<512xi32, #tpu.memory_space<vmem>>, vector<16xi32>,
    tpu.vector_store %arg10[%swap3A_289], %mul3A_288 {strides = array<i32>} : memref<512xi32, #tpu.memory_space<vmem>>, vector<16xi32>,
    %rem3A_291 = arith.constant 128 : i32
    %rem3A_292 = vector.broadcast %rem3A_291 : i32 to vector<16xi32>
    %rem3A_293 = arith.remsi %get3A_252, %rem3A_292 : vector<16xi32>
    %swap3A_294 = arith.constant 48 : index
    %swap3A_295 = tpu.vector_load %arg11[%swap3A_294] {strides = array<i32>} : memref<512xi32, #tpu.memory_space<vmem>>, vector<16xi32>,
    tpu.vector_store %arg11[%swap3A_294], %rem3A_293 {strides = array<i32>} : memref<512xi32, #tpu.memory_space<vmem>>, vector<16xi32>,
    %jit3A_296 = arith.constant 128 : i32
    %div3A_297 = vector.broadcast %jit3A_296 : i32 to vector<16xi32>
    %div3A_298 = arith.divsi %get3A_254, %div3A_297 : vector<16xi32>
    %sign3A_299 = arith.constant 0 : i32
    %sign3A_300 = vector.broadcast %sign3A_299 : i32 to vector<16xi32>
    %sign3A_301 = arith.cmpi sgt, %get3A_254, %sign3A_300 : vector<16xi32>
    %sign3A_302 = arith.extui %sign3A_301 : vector<16xi1> to vector<16xi32>
    %sign3A_303 = arith.constant 0 : i32
    %sign3A_304 = vector.broadcast %sign3A_303 : i32 to vector<16xi32>
    %sign3A_305 = arith.cmpi slt, %get3A_254, %sign3A_304 : vector<16xi32>
    %sign3A_306 = arith.extui %sign3A_305 : vector<16xi1> to vector<16xi32>
    %sign3A_307 = arith.subi %sign3A_302, %sign3A_306 : vector<16xi32>
    %sign3A_308 = arith.constant 0 : i32
    %sign3A_309 = arith.cmpi sgt, %jit3A_296, %sign3A_308 : i32
    %sign3A_310 = arith.extui %sign3A_309 : i1 to i32
    %sign3A_311 = arith.constant 0 : i32
    %sign3A_312 = arith.cmpi slt, %jit3A_296, %sign3A_311 : i32
    %sign3A_313 = arith.extui %sign3A_312 : i1 to i32
    %sign3A_314 = arith.subi %sign3A_310, %sign3A_313 : i32
    %ne3A_315 = vector.broadcast %sign3A_314 : i32 to vector<16xi32>
    %ne3A_316 = arith.cmpi ne, %sign3A_307, %ne3A_315 : vector<16xi32>
    %rem3A_317 = vector.broadcast %jit3A_296 : i32 to vector<16xi32>
    %rem3A_318 = arith.remsi %get3A_254, %rem3A_317 : vector<16xi32>
    %ne3A_319 = arith.constant 0 : i32
    %ne3A_320 = vector.broadcast %ne3A_319 : i32 to vector<16xi32>
    %ne3A_321 = arith.cmpi ne, %rem3A_318, %ne3A_320 : vector<16xi32>
    %and3A_322 = arith.andi %ne3A_316, %ne3A_321 : vector<16xi1>
    %sub3A_323 = arith.constant 1 : i32
    %sub3A_324 = vector.broadcast %sub3A_323 : i32 to vector<16xi32>
    %sub3A_325 = arith.subi %div3A_298, %sub3A_324 : vector<16xi32>
    %select_n3A_326 = arith.select %and3A_322, %sub3A_325, %div3A_298 : vector<16xi1>, vector<16xi32>
    %mul3A_327 = arith.constant 128 : i32
    %mul3A_328 = vector.broadcast %mul3A_327 : i32 to vector<16xi32>
    %mul3A_329 = arith.muli %select_n3A_326, %mul3A_328 : vector<16xi32>
    %swap3A_330 = arith.constant 48 : index
    %swap3A_331 = tpu.vector_load %arg12[%swap3A_330] {strides = array<i32>} : memref<512xi32, #tpu.memory_space<vmem>>, vector<16xi32>,
    tpu.vector_store %arg12[%swap3A_330], %mul3A_329 {strides = array<i32>} : memref<512xi32, #tpu.memory_space<vmem>>, vector<16xi32>,
    %rem3A_332 = arith.constant 128 : i32
    %rem3A_333 = vector.broadcast %rem3A_332 : i32 to vector<16xi32>
    %rem3A_334 = arith.remsi %get3A_254, %rem3A_333 : vector<16xi32>
    %swap3A_335 = arith.constant 48 : index
    %swap3A_336 = tpu.vector_load %arg13[%swap3A_335] {strides = array<i32>} : memref<512xi32, #tpu.memory_space<vmem>>, vector<16xi32>,
    tpu.vector_store %arg13[%swap3A_335], %rem3A_334 {strides = array<i32>} : memref<512xi32, #tpu.memory_space<vmem>>, vector<16xi32>,
    %get3A_337 = arith.constant 64 : index
    %get3A_338 = tpu.vector_load %arg8[%get3A_337] {strides = array<i32>} : memref<512xi32, #tpu.memory_space<vmem>>, vector<16xi32>,
    %get3A_339 = arith.constant 64 : index
    %get3A_340 = tpu.vector_load %arg9[%get3A_339] {strides = array<i32>} : memref<512xi32, #tpu.memory_space<vmem>>, vector<16xi32>,
    %jit3A_341 = arith.constant 128 : i32
    %div3A_342 = vector.broadcast %jit3A_341 : i32 to vector<16xi32>
    %div3A_343 = arith.divsi %get3A_338, %div3A_342 : vector<16xi32>
    %sign3A_344 = arith.constant 0 : i32
    %sign3A_345 = vector.broadcast %sign3A_344 : i32 to vector<16xi32>
    %sign3A_346 = arith.cmpi sgt, %get3A_338, %sign3A_345 : vector<16xi32>
    %sign3A_347 = arith.extui %sign3A_346 : vector<16xi1> to vector<16xi32>
    %sign3A_348 = arith.constant 0 : i32
    %sign3A_349 = vector.broadcast %sign3A_348 : i32 to vector<16xi32>
    %sign3A_350 = arith.cmpi slt, %get3A_338, %sign3A_349 : vector<16xi32>
    %sign3A_351 = arith.extui %sign3A_350 : vector<16xi1> to vector<16xi32>
    %sign3A_352 = arith.subi %sign3A_347, %sign3A_351 : vector<16xi32>
    %sign3A_353 = arith.constant 0 : i32
    %sign3A_354 = arith.cmpi sgt, %jit3A_341, %sign3A_353 : i32
    %sign3A_355 = arith.extui %sign3A_354 : i1 to i32
    %sign3A_356 = arith.constant 0 : i32
    %sign3A_357 = arith.cmpi slt, %jit3A_341, %sign3A_356 : i32
    %sign3A_358 = arith.extui %sign3A_357 : i1 to i32
    %sign3A_359 = arith.subi %sign3A_355, %sign3A_358 : i32
    %ne3A_360 = vector.broadcast %sign3A_359 : i32 to vector<16xi32>
    %ne3A_361 = arith.cmpi ne, %sign3A_352, %ne3A_360 : vector<16xi32>
    %rem3A_362 = vector.broadcast %jit3A_341 : i32 to vector<16xi32>
    %rem3A_363 = arith.remsi %get3A_338, %rem3A_362 : vector<16xi32>
    %ne3A_364 = arith.constant 0 : i32
    %ne3A_365 = vector.broadcast %ne3A_364 : i32 to vector<16xi32>
    %ne3A_366 = arith.cmpi ne, %rem3A_363, %ne3A_365 : vector<16xi32>
    %and3A_367 = arith.andi %ne3A_361, %ne3A_366 : vector<16xi1>
    %sub3A_368 = arith.constant 1 : i32
    %sub3A_369 = vector.broadcast %sub3A_368 : i32 to vector<16xi32>
    %sub3A_370 = arith.subi %div3A_343, %sub3A_369 : vector<16xi32>
    %select_n3A_371 = arith.select %and3A_367, %sub3A_370, %div3A_343 : vector<16xi1>, vector<16xi32>
    %mul3A_372 = arith.constant 128 : i32
    %mul3A_373 = vector.broadcast %mul3A_372 : i32 to vector<16xi32>
    %mul3A_374 = arith.muli %select_n3A_371, %mul3A_373 : vector<16xi32>
    %swap3A_375 = arith.constant 64 : index
    %swap3A_376 = tpu.vector_load %arg10[%swap3A_375] {strides = array<i32>} : memref<512xi32, #tpu.memory_space<vmem>>, vector<16xi32>,
    tpu.vector_store %arg10[%swap3A_375], %mul3A_374 {strides = array<i32>} : memref<512xi32, #tpu.memory_space<vmem>>, vector<16xi32>,
    %rem3A_377 = arith.constant 128 : i32
    %rem3A_378 = vector.broadcast %rem3A_377 : i32 to vector<16xi32>
    %rem3A_379 = arith.remsi %get3A_338, %rem3A_378 : vector<16xi32>
    %swap3A_380 = arith.constant 64 : index
    %swap3A_381 = tpu.vector_load %arg11[%swap3A_380] {strides = array<i32>} : memref<512xi32, #tpu.memory_space<vmem>>, vector<16xi32>,
    tpu.vector_store %arg11[%swap3A_380], %rem3A_379 {strides = array<i32>} : memref<512xi32, #tpu.memory_space<vmem>>, vector<16xi32>,
    %jit3A_382 = arith.constant 128 : i32
    %div3A_383 = vector.broadcast %jit3A_382 : i32 to vector<16xi32>
    %div3A_384 = arith.divsi %get3A_340, %div3A_383 : vector<16xi32>
    %sign3A_385 = arith.constant 0 : i32
    %sign3A_386 = vector.broadcast %sign3A_385 : i32 to vector<16xi32>
    %sign3A_387 = arith.cmpi sgt, %get3A_340, %sign3A_386 : vector<16xi32>
    %sign3A_388 = arith.extui %sign3A_387 : vector<16xi1> to vector<16xi32>
    %sign3A_389 = arith.constant 0 : i32
    %sign3A_390 = vector.broadcast %sign3A_389 : i32 to vector<16xi32>
    %sign3A_391 = arith.cmpi slt, %get3A_340, %sign3A_390 : vector<16xi32>
    %sign3A_392 = arith.extui %sign3A_391 : vector<16xi1> to vector<16xi32>
    %sign3A_393 = arith.subi %sign3A_388, %sign3A_392 : vector<16xi32>
    %sign3A_394 = arith.constant 0 : i32
    %sign3A_395 = arith.cmpi sgt, %jit3A_382, %sign3A_394 : i32
    %sign3A_396 = arith.extui %sign3A_395 : i1 to i32
    %sign3A_397 = arith.constant 0 : i32
    %sign3A_398 = arith.cmpi slt, %jit3A_382, %sign3A_397 : i32
    %sign3A_399 = arith.extui %sign3A_398 : i1 to i32
    %sign3A_400 = arith.subi %sign3A_396, %sign3A_399 : i32
    %ne3A_401 = vector.broadcast %sign3A_400 : i32 to vector<16xi32>
    %ne3A_402 = arith.cmpi ne, %sign3A_393, %ne3A_401 : vector<16xi32>
    %rem3A_403 = vector.broadcast %jit3A_382 : i32 to vector<16xi32>
    %rem3A_404 = arith.remsi %get3A_340, %rem3A_403 : vector<16xi32>
    %ne3A_405 = arith.constant 0 : i32
    %ne3A_406 = vector.broadcast %ne3A_405 : i32 to vector<16xi32>
    %ne3A_407 = arith.cmpi ne, %rem3A_404, %ne3A_406 : vector<16xi32>
    %and3A_408 = arith.andi %ne3A_402, %ne3A_407 : vector<16xi1>
    %sub3A_409 = arith.constant 1 : i32
    %sub3A_410 = vector.broadcast %sub3A_409 : i32 to vector<16xi32>
    %sub3A_411 = arith.subi %div3A_384, %sub3A_410 : vector<16xi32>
    %select_n3A_412 = arith.select %and3A_408, %sub3A_411, %div3A_384 : vector<16xi1>, vector<16xi32>
    %mul3A_413 = arith.constant 128 : i32
    %mul3A_414 = vector.broadcast %mul3A_413 : i32 to vector<16xi32>
    %mul3A_415 = arith.muli %select_n3A_412, %mul3A_414 : vector<16xi32>
    %swap3A_416 = arith.constant 64 : index
    %swap3A_417 = tpu.vector_load %arg12[%swap3A_416] {strides = array<i32>} : memref<512xi32, #tpu.memory_space<vmem>>, vector<16xi32>,
    tpu.vector_store %arg12[%swap3A_416], %mul3A_415 {strides = array<i32>} : memref<512xi32, #tpu.memory_space<vmem>>, vector<16xi32>,
    %rem3A_418 = arith.constant 128 : i32
    %rem3A_419 = vector.broadcast %rem3A_418 : i32 to vector<16xi32>
    %rem3A_420 = arith.remsi %get3A_340, %rem3A_419 : vector<16xi32>
    %swap3A_421 = arith.constant 64 : index
    %swap3A_422 = tpu.vector_load %arg13[%swap3A_421] {strides = array<i32>} : memref<512xi32, #tpu.memory_space<vmem>>, vector<16xi32>,
    tpu.vector_store %arg13[%swap3A_421], %rem3A_420 {strides = array<i32>} : memref<512xi32, #tpu.memory_space<vmem>>, vector<16xi32>,
    %get3A_423 = arith.constant 80 : index
    %get3A_424 = tpu.vector_load %arg8[%get3A_423] {strides = array<i32>} : memref<512xi32, #tpu.memory_space<vmem>>, vector<16xi32>,
    %get3A_425 = arith.constant 80 : index
    %get3A_426 = tpu.vector_load %arg9[%get3A_425] {strides = array<i32>} : memref<512xi32, #tpu.memory_space<vmem>>, vector<16xi32>,
    %jit3A_427 = arith.constant 128 : i32
    %div3A_428 = vector.broadcast %jit3A_427 : i32 to vector<16xi32>
    %div3A_429 = arith.divsi %get3A_424, %div3A_428 : vector<16xi32>
    %sign3A_430 = arith.constant 0 : i32
    %sign3A_431 = vector.broadcast %sign3A_430 : i32 to vector<16xi32>
    %sign3A_432 = arith.cmpi sgt, %get3A_424, %sign3A_431 : vector<16xi32>
    %sign3A_433 = arith.extui %sign3A_432 : vector<16xi1> to vector<16xi32>
    %sign3A_434 = arith.constant 0 : i32
    %sign3A_435 = vector.broadcast %sign3A_434 : i32 to vector<16xi32>
    %sign3A_436 = arith.cmpi slt, %get3A_424, %sign3A_435 : vector<16xi32>
    %sign3A_437 = arith.extui %sign3A_436 : vector<16xi1> to vector<16xi32>
    %sign3A_438 = arith.subi %sign3A_433, %sign3A_437 : vector<16xi32>
    %sign3A_439 = arith.constant 0 : i32
    %sign3A_440 = arith.cmpi sgt, %jit3A_427, %sign3A_439 : i32
    %sign3A_441 = arith.extui %sign3A_440 : i1 to i32
    %sign3A_442 = arith.constant 0 : i32
    %sign3A_443 = arith.cmpi slt, %jit3A_427, %sign3A_442 : i32
    %sign3A_444 = arith.extui %sign3A_443 : i1 to i32
    %sign3A_445 = arith.subi %sign3A_441, %sign3A_444 : i32
    %ne3A_446 = vector.broadcast %sign3A_445 : i32 to vector<16xi32>
    %ne3A_447 = arith.cmpi ne, %sign3A_438, %ne3A_446 : vector<16xi32>
    %rem3A_448 = vector.broadcast %jit3A_427 : i32 to vector<16xi32>
    %rem3A_449 = arith.remsi %get3A_424, %rem3A_448 : vector<16xi32>
    %ne3A_450 = arith.constant 0 : i32
    %ne3A_451 = vector.broadcast %ne3A_450 : i32 to vector<16xi32>
    %ne3A_452 = arith.cmpi ne, %rem3A_449, %ne3A_451 : vector<16xi32>
    %and3A_453 = arith.andi %ne3A_447, %ne3A_452 : vector<16xi1>
    %sub3A_454 = arith.constant 1 : i32
    %sub3A_455 = vector.broadcast %sub3A_454 : i32 to vector<16xi32>
    %sub3A_456 = arith.subi %div3A_429, %sub3A_455 : vector<16xi32>
    %select_n3A_457 = arith.select %and3A_453, %sub3A_456, %div3A_429 : vector<16xi1>, vector<16xi32>
    %mul3A_458 = arith.constant 128 : i32
    %mul3A_459 = vector.broadcast %mul3A_458 : i32 to vector<16xi32>
    %mul3A_460 = arith.muli %select_n3A_457, %mul3A_459 : vector<16xi32>
    %swap3A_461 = arith.constant 80 : index
    %swap3A_462 = tpu.vector_load %arg10[%swap3A_461] {strides = array<i32>} : memref<512xi32, #tpu.memory_space<vmem>>, vector<16xi32>,
    tpu.vector_store %arg10[%swap3A_461], %mul3A_460 {strides = array<i32>} : memref<512xi32, #tpu.memory_space<vmem>>, vector<16xi32>,
    %rem3A_463 = arith.constant 128 : i32
    %rem3A_464 = vector.broadcast %rem3A_463 : i32 to vector<16xi32>
    %rem3A_465 = arith.remsi %get3A_424, %rem3A_464 : vector<16xi32>
    %swap3A_466 = arith.constant 80 : index
    %swap3A_467 = tpu.vector_load %arg11[%swap3A_466] {strides = array<i32>} : memref<512xi32, #tpu.memory_space<vmem>>, vector<16xi32>,
    tpu.vector_store %arg11[%swap3A_466], %rem3A_465 {strides = array<i32>} : memref<512xi32, #tpu.memory_space<vmem>>, vector<16xi32>,
    %jit3A_468 = arith.constant 128 : i32
    %div3A_469 = vector.broadcast %jit3A_468 : i32 to vector<16xi32>
    %div3A_470 = arith.divsi %get3A_426, %div3A_469 : vector<16xi32>
    %sign3A_471 = arith.constant 0 : i32
    %sign3A_472 = vector.broadcast %sign3A_471 : i32 to vector<16xi32>
    %sign3A_473 = arith.cmpi sgt, %get3A_426, %sign3A_472 : vector<16xi32>
    %sign3A_474 = arith.extui %sign3A_473 : vector<16xi1> to vector<16xi32>
    %sign3A_475 = arith.constant 0 : i32
    %sign3A_476 = vector.broadcast %sign3A_475 : i32 to vector<16xi32>
    %sign3A_477 = arith.cmpi slt, %get3A_426, %sign3A_476 : vector<16xi32>
    %sign3A_478 = arith.extui %sign3A_477 : vector<16xi1> to vector<16xi32>
    %sign3A_479 = arith.subi %sign3A_474, %sign3A_478 : vector<16xi32>
    %sign3A_480 = arith.constant 0 : i32
    %sign3A_481 = arith.cmpi sgt, %jit3A_468, %sign3A_480 : i32
    %sign3A_482 = arith.extui %sign3A_481 : i1 to i32
    %sign3A_483 = arith.constant 0 : i32
    %sign3A_484 = arith.cmpi slt, %jit3A_468, %sign3A_483 : i32
    %sign3A_485 = arith.extui %sign3A_484 : i1 to i32
    %sign3A_486 = arith.subi %sign3A_482, %sign3A_485 : i32
    %ne3A_487 = vector.broadcast %sign3A_486 : i32 to vector<16xi32>
    %ne3A_488 = arith.cmpi ne, %sign3A_479, %ne3A_487 : vector<16xi32>
    %rem3A_489 = vector.broadcast %jit3A_468 : i32 to vector<16xi32>
    %rem3A_490 = arith.remsi %get3A_426, %rem3A_489 : vector<16xi32>
    %ne3A_491 = arith.constant 0 : i32
    %ne3A_492 = vector.broadcast %ne3A_491 : i32 to vector<16xi32>
    %ne3A_493 = arith.cmpi ne, %rem3A_490, %ne3A_492 : vector<16xi32>
    %and3A_494 = arith.andi %ne3A_488, %ne3A_493 : vector<16xi1>
    %sub3A_495 = arith.constant 1 : i32
    %sub3A_496 = vector.broadcast %sub3A_495 : i32 to vector<16xi32>
    %sub3A_497 = arith.subi %div3A_470, %sub3A_496 : vector<16xi32>
    %select_n3A_498 = arith.select %and3A_494, %sub3A_497, %div3A_470 : vector<16xi1>, vector<16xi32>
    %mul3A_499 = arith.constant 128 : i32
    %mul3A_500 = vector.broadcast %mul3A_499 : i32 to vector<16xi32>
    %mul3A_501 = arith.muli %select_n3A_498, %mul3A_500 : vector<16xi32>
    %swap3A_502 = arith.constant 80 : index
    %swap3A_503 = tpu.vector_load %arg12[%swap3A_502] {strides = array<i32>} : memref<512xi32, #tpu.memory_space<vmem>>, vector<16xi32>,
    tpu.vector_store %arg12[%swap3A_502], %mul3A_501 {strides = array<i32>} : memref<512xi32, #tpu.memory_space<vmem>>, vector<16xi32>,
    %rem3A_504 = arith.constant 128 : i32
    %rem3A_505 = vector.broadcast %rem3A_504 : i32 to vector<16xi32>
    %rem3A_506 = arith.remsi %get3A_426, %rem3A_505 : vector<16xi32>
    %swap3A_507 = arith.constant 80 : index
    %swap3A_508 = tpu.vector_load %arg13[%swap3A_507] {strides = array<i32>} : memref<512xi32, #tpu.memory_space<vmem>>, vector<16xi32>,
    tpu.vector_store %arg13[%swap3A_507], %rem3A_506 {strides = array<i32>} : memref<512xi32, #tpu.memory_space<vmem>>, vector<16xi32>,
    %get3A_509 = arith.constant 96 : index
    %get3A_510 = tpu.vector_load %arg8[%get3A_509] {strides = array<i32>} : memref<512xi32, #tpu.memory_space<vmem>>, vector<16xi32>,
    %get3A_511 = arith.constant 96 : index
    %get3A_512 = tpu.vector_load %arg9[%get3A_511] {strides = array<i32>} : memref<512xi32, #tpu.memory_space<vmem>>, vector<16xi32>,
    %jit3A_513 = arith.constant 128 : i32
    %div3A_514 = vector.broadcast %jit3A_513 : i32 to vector<16xi32>
    %div3A_515 = arith.divsi %get3A_510, %div3A_514 : vector<16xi32>
    %sign3A_516 = arith.constant 0 : i32
    %sign3A_517 = vector.broadcast %sign3A_516 : i32 to vector<16xi32>
    %sign3A_518 = arith.cmpi sgt, %get3A_510, %sign3A_517 : vector<16xi32>
    %sign3A_519 = arith.extui %sign3A_518 : vector<16xi1> to vector<16xi32>
    %sign3A_520 = arith.constant 0 : i32
    %sign3A_521 = vector.broadcast %sign3A_520 : i32 to vector<16xi32>
    %sign3A_522 = arith.cmpi slt, %get3A_510, %sign3A_521 : vector<16xi32>
    %sign3A_523 = arith.extui %sign3A_522 : vector<16xi1> to vector<16xi32>
    %sign3A_524 = arith.subi %sign3A_519, %sign3A_523 : vector<16xi32>
    %sign3A_525 = arith.constant 0 : i32
    %sign3A_526 = arith.cmpi sgt, %jit3A_513, %sign3A_525 : i32
    %sign3A_527 = arith.extui %sign3A_526 : i1 to i32
    %sign3A_528 = arith.constant 0 : i32
    %sign3A_529 = arith.cmpi slt, %jit3A_513, %sign3A_528 : i32
    %sign3A_530 = arith.extui %sign3A_529 : i1 to i32
    %sign3A_531 = arith.subi %sign3A_527, %sign3A_530 : i32
    %ne3A_532 = vector.broadcast %sign3A_531 : i32 to vector<16xi32>
    %ne3A_533 = arith.cmpi ne, %sign3A_524, %ne3A_532 : vector<16xi32>
    %rem3A_534 = vector.broadcast %jit3A_513 : i32 to vector<16xi32>
    %rem3A_535 = arith.remsi %get3A_510, %rem3A_534 : vector<16xi32>
    %ne3A_536 = arith.constant 0 : i32
    %ne3A_537 = vector.broadcast %ne3A_536 : i32 to vector<16xi32>
    %ne3A_538 = arith.cmpi ne, %rem3A_535, %ne3A_537 : vector<16xi32>
    %and3A_539 = arith.andi %ne3A_533, %ne3A_538 : vector<16xi1>
    %sub3A_540 = arith.constant 1 : i32
    %sub3A_541 = vector.broadcast %sub3A_540 : i32 to vector<16xi32>
    %sub3A_542 = arith.subi %div3A_515, %sub3A_541 : vector<16xi32>
    %select_n3A_543 = arith.select %and3A_539, %sub3A_542, %div3A_515 : vector<16xi1>, vector<16xi32>
    %mul3A_544 = arith.constant 128 : i32
    %mul3A_545 = vector.broadcast %mul3A_544 : i32 to vector<16xi32>
    %mul3A_546 = arith.muli %select_n3A_543, %mul3A_545 : vector<16xi32>
    %swap3A_547 = arith.constant 96 : index
    %swap3A_548 = tpu.vector_load %arg10[%swap3A_547] {strides = array<i32>} : memref<512xi32, #tpu.memory_space<vmem>>, vector<16xi32>,
    tpu.vector_store %arg10[%swap3A_547], %mul3A_546 {strides = array<i32>} : memref<512xi32, #tpu.memory_space<vmem>>, vector<16xi32>,
    %rem3A_549 = arith.constant 128 : i32
    %rem3A_550 = vector.broadcast %rem3A_549 : i32 to vector<16xi32>
    %rem3A_551 = arith.remsi %get3A_510, %rem3A_550 : vector<16xi32>
    %swap3A_552 = arith.constant 96 : index
    %swap3A_553 = tpu.vector_load %arg11[%swap3A_552] {strides = array<i32>} : memref<512xi32, #tpu.memory_space<vmem>>, vector<16xi32>,
    tpu.vector_store %arg11[%swap3A_552], %rem3A_551 {strides = array<i32>} : memref<512xi32, #tpu.memory_space<vmem>>, vector<16xi32>,
    %jit3A_554 = arith.constant 128 : i32
    %div3A_555 = vector.broadcast %jit3A_554 : i32 to vector<16xi32>
    %div3A_556 = arith.divsi %get3A_512, %div3A_555 : vector<16xi32>
    %sign3A_557 = arith.constant 0 : i32
    %sign3A_558 = vector.broadcast %sign3A_557 : i32 to vector<16xi32>
    %sign3A_559 = arith.cmpi sgt, %get3A_512, %sign3A_558 : vector<16xi32>
    %sign3A_560 = arith.extui %sign3A_559 : vector<16xi1> to vector<16xi32>
    %sign3A_561 = arith.constant 0 : i32
    %sign3A_562 = vector.broadcast %sign3A_561 : i32 to vector<16xi32>
    %sign3A_563 = arith.cmpi slt, %get3A_512, %sign3A_562 : vector<16xi32>
    %sign3A_564 = arith.extui %sign3A_563 : vector<16xi1> to vector<16xi32>
    %sign3A_565 = arith.subi %sign3A_560, %sign3A_564 : vector<16xi32>
    %sign3A_566 = arith.constant 0 : i32
    %sign3A_567 = arith.cmpi sgt, %jit3A_554, %sign3A_566 : i32
    %sign3A_568 = arith.extui %sign3A_567 : i1 to i32
    %sign3A_569 = arith.constant 0 : i32
    %sign3A_570 = arith.cmpi slt, %jit3A_554, %sign3A_569 : i32
    %sign3A_571 = arith.extui %sign3A_570 : i1 to i32
    %sign3A_572 = arith.subi %sign3A_568, %sign3A_571 : i32
    %ne3A_573 = vector.broadcast %sign3A_572 : i32 to vector<16xi32>
    %ne3A_574 = arith.cmpi ne, %sign3A_565, %ne3A_573 : vector<16xi32>
    %rem3A_575 = vector.broadcast %jit3A_554 : i32 to vector<16xi32>
    %rem3A_576 = arith.remsi %get3A_512, %rem3A_575 : vector<16xi32>
    %ne3A_577 = arith.constant 0 : i32
    %ne3A_578 = vector.broadcast %ne3A_577 : i32 to vector<16xi32>
    %ne3A_579 = arith.cmpi ne, %rem3A_576, %ne3A_578 : vector<16xi32>
    %and3A_580 = arith.andi %ne3A_574, %ne3A_579 : vector<16xi1>
    %sub3A_581 = arith.constant 1 : i32
    %sub3A_582 = vector.broadcast %sub3A_581 : i32 to vector<16xi32>
    %sub3A_583 = arith.subi %div3A_556, %sub3A_582 : vector<16xi32>
    %select_n3A_584 = arith.select %and3A_580, %sub3A_583, %div3A_556 : vector<16xi1>, vector<16xi32>
    %mul3A_585 = arith.constant 128 : i32
    %mul3A_586 = vector.broadcast %mul3A_585 : i32 to vector<16xi32>
    %mul3A_587 = arith.muli %select_n3A_584, %mul3A_586 : vector<16xi32>
    %swap3A_588 = arith.constant 96 : index
    %swap3A_589 = tpu.vector_load %arg12[%swap3A_588] {strides = array<i32>} : memref<512xi32, #tpu.memory_space<vmem>>, vector<16xi32>,
    tpu.vector_store %arg12[%swap3A_588], %mul3A_587 {strides = array<i32>} : memref<512xi32, #tpu.memory_space<vmem>>, vector<16xi32>,
    %rem3A_590 = arith.constant 128 : i32
    %rem3A_591 = vector.broadcast %rem3A_590 : i32 to vector<16xi32>
    %rem3A_592 = arith.remsi %get3A_512, %rem3A_591 : vector<16xi32>
    %swap3A_593 = arith.constant 96 : index
    %swap3A_594 = tpu.vector_load %arg13[%swap3A_593] {strides = array<i32>} : memref<512xi32, #tpu.memory_space<vmem>>, vector<16xi32>,
    tpu.vector_store %arg13[%swap3A_593], %rem3A_592 {strides = array<i32>} : memref<512xi32, #tpu.memory_space<vmem>>, vector<16xi32>,
    %get3A_595 = arith.constant 112 : index
    %get3A_596 = tpu.vector_load %arg8[%get3A_595] {strides = array<i32>} : memref<512xi32, #tpu.memory_space<vmem>>, vector<16xi32>,
    %get3A_597 = arith.constant 112 : index
    %get3A_598 = tpu.vector_load %arg9[%get3A_597] {strides = array<i32>} : memref<512xi32, #tpu.memory_space<vmem>>, vector<16xi32>,
    %jit3A_599 = arith.constant 128 : i32
    %div3A_600 = vector.broadcast %jit3A_599 : i32 to vector<16xi32>
    %div3A_601 = arith.divsi %get3A_596, %div3A_600 : vector<16xi32>
    %sign3A_602 = arith.constant 0 : i32
    %sign3A_603 = vector.broadcast %sign3A_602 : i32 to vector<16xi32>
    %sign3A_604 = arith.cmpi sgt, %get3A_596, %sign3A_603 : vector<16xi32>
    %sign3A_605 = arith.extui %sign3A_604 : vector<16xi1> to vector<16xi32>
    %sign3A_606 = arith.constant 0 : i32
    %sign3A_607 = vector.broadcast %sign3A_606 : i32 to vector<16xi32>
    %sign3A_608 = arith.cmpi slt, %get3A_596, %sign3A_607 : vector<16xi32>
    %sign3A_609 = arith.extui %sign3A_608 : vector<16xi1> to vector<16xi32>
    %sign3A_610 = arith.subi %sign3A_605, %sign3A_609 : vector<16xi32>
    %sign3A_611 = arith.constant 0 : i32
    %sign3A_612 = arith.cmpi sgt, %jit3A_599, %sign3A_611 : i32
    %sign3A_613 = arith.extui %sign3A_612 : i1 to i32
    %sign3A_614 = arith.constant 0 : i32
    %sign3A_615 = arith.cmpi slt, %jit3A_599, %sign3A_614 : i32
    %sign3A_616 = arith.extui %sign3A_615 : i1 to i32
    %sign3A_617 = arith.subi %sign3A_613, %sign3A_616 : i32
    %ne3A_618 = vector.broadcast %sign3A_617 : i32 to vector<16xi32>
    %ne3A_619 = arith.cmpi ne, %sign3A_610, %ne3A_618 : vector<16xi32>
    %rem3A_620 = vector.broadcast %jit3A_599 : i32 to vector<16xi32>
    %rem3A_621 = arith.remsi %get3A_596, %rem3A_620 : vector<16xi32>
    %ne3A_622 = arith.constant 0 : i32
    %ne3A_623 = vector.broadcast %ne3A_622 : i32 to vector<16xi32>
    %ne3A_624 = arith.cmpi ne, %rem3A_621, %ne3A_623 : vector<16xi32>
    %and3A_625 = arith.andi %ne3A_619, %ne3A_624 : vector<16xi1>
    %sub3A_626 = arith.constant 1 : i32
    %sub3A_627 = vector.broadcast %sub3A_626 : i32 to vector<16xi32>
    %sub3A_628 = arith.subi %div3A_601, %sub3A_627 : vector<16xi32>
    %select_n3A_629 = arith.select %and3A_625, %sub3A_628, %div3A_601 : vector<16xi1>, vector<16xi32>
    %mul3A_630 = arith.constant 128 : i32
    %mul3A_631 = vector.broadcast %mul3A_630 : i32 to vector<16xi32>
    %mul3A_632 = arith.muli %select_n3A_629, %mul3A_631 : vector<16xi32>
    %swap3A_633 = arith.constant 112 : index
    %swap3A_634 = tpu.vector_load %arg10[%swap3A_633] {strides = array<i32>} : memref<512xi32, #tpu.memory_space<vmem>>, vector<16xi32>,
    tpu.vector_store %arg10[%swap3A_633], %mul3A_632 {strides = array<i32>} : memref<512xi32, #tpu.memory_space<vmem>>, vector<16xi32>,
    %rem3A_635 = arith.constant 128 : i32
    %rem3A_636 = vector.broadcast %rem3A_635 : i32 to vector<16xi32>
    %rem3A_637 = arith.remsi %get3A_596, %rem3A_636 : vector<16xi32>
    %swap3A_638 = arith.constant 112 : index
    %swap3A_639 = tpu.vector_load %arg11[%swap3A_638] {strides = array<i32>} : memref<512xi32, #tpu.memory_space<vmem>>, vector<16xi32>,
    tpu.vector_store %arg11[%swap3A_638], %rem3A_637 {strides = array<i32>} : memref<512xi32, #tpu.memory_space<vmem>>, vector<16xi32>,
    %jit3A_640 = arith.constant 128 : i32
    %div3A_641 = vector.broadcast %jit3A_640 : i32 to vector<16xi32>
    %div3A_642 = arith.divsi %get3A_598, %div3A_641 : vector<16xi32>
    %sign3A_643 = arith.constant 0 : i32
    %sign3A_644 = vector.broadcast %sign3A_643 : i32 to vector<16xi32>
    %sign3A_645 = arith.cmpi sgt, %get3A_598, %sign3A_644 : vector<16xi32>
    %sign3A_646 = arith.extui %sign3A_645 : vector<16xi1> to vector<16xi32>
    %sign3A_647 = arith.constant 0 : i32
    %sign3A_648 = vector.broadcast %sign3A_647 : i32 to vector<16xi32>
    %sign3A_649 = arith.cmpi slt, %get3A_598, %sign3A_648 : vector<16xi32>
    %sign3A_650 = arith.extui %sign3A_649 : vector<16xi1> to vector<16xi32>
    %sign3A_651 = arith.subi %sign3A_646, %sign3A_650 : vector<16xi32>
    %sign3A_652 = arith.constant 0 : i32
    %sign3A_653 = arith.cmpi sgt, %jit3A_640, %sign3A_652 : i32
    %sign3A_654 = arith.extui %sign3A_653 : i1 to i32
    %sign3A_655 = arith.constant 0 : i32
    %sign3A_656 = arith.cmpi slt, %jit3A_640, %sign3A_655 : i32
    %sign3A_657 = arith.extui %sign3A_656 : i1 to i32
    %sign3A_658 = arith.subi %sign3A_654, %sign3A_657 : i32
    %ne3A_659 = vector.broadcast %sign3A_658 : i32 to vector<16xi32>
    %ne3A_660 = arith.cmpi ne, %sign3A_651, %ne3A_659 : vector<16xi32>
    %rem3A_661 = vector.broadcast %jit3A_640 : i32 to vector<16xi32>
    %rem3A_662 = arith.remsi %get3A_598, %rem3A_661 : vector<16xi32>
    %ne3A_663 = arith.constant 0 : i32
    %ne3A_664 = vector.broadcast %ne3A_663 : i32 to vector<16xi32>
    %ne3A_665 = arith.cmpi ne, %rem3A_662, %ne3A_664 : vector<16xi32>
    %and3A_666 = arith.andi %ne3A_660, %ne3A_665 : vector<16xi1>
    %sub3A_667 = arith.constant 1 : i32
    %sub3A_668 = vector.broadcast %sub3A_667 : i32 to vector<16xi32>
    %sub3A_669 = arith.subi %div3A_642, %sub3A_668 : vector<16xi32>
    %select_n3A_670 = arith.select %and3A_666, %sub3A_669, %div3A_642 : vector<16xi1>, vector<16xi32>
    %mul3A_671 = arith.constant 128 : i32
    %mul3A_672 = vector.broadcast %mul3A_671 : i32 to vector<16xi32>
    %mul3A_673 = arith.muli %select_n3A_670, %mul3A_672 : vector<16xi32>
    %swap3A_674 = arith.constant 112 : index
    %swap3A_675 = tpu.vector_load %arg12[%swap3A_674] {strides = array<i32>} : memref<512xi32, #tpu.memory_space<vmem>>, vector<16xi32>,
    tpu.vector_store %arg12[%swap3A_674], %mul3A_673 {strides = array<i32>} : memref<512xi32, #tpu.memory_space<vmem>>, vector<16xi32>,
    %rem3A_676 = arith.constant 128 : i32
    %rem3A_677 = vector.broadcast %rem3A_676 : i32 to vector<16xi32>
    %rem3A_678 = arith.remsi %get3A_598, %rem3A_677 : vector<16xi32>
    %swap3A_679 = arith.constant 112 : index
    %swap3A_680 = tpu.vector_load %arg13[%swap3A_679] {strides = array<i32>} : memref<512xi32, #tpu.memory_space<vmem>>, vector<16xi32>,
    tpu.vector_store %arg13[%swap3A_679], %rem3A_678 {strides = array<i32>} : memref<512xi32, #tpu.memory_space<vmem>>, vector<16xi32>,
    %get3A_681 = arith.constant 128 : index
    %get3A_682 = tpu.vector_load %arg8[%get3A_681] {strides = array<i32>} : memref<512xi32, #tpu.memory_space<vmem>>, vector<16xi32>,
    %get3A_683 = arith.constant 128 : index
    %get3A_684 = tpu.vector_load %arg9[%get3A_683] {strides = array<i32>} : memref<512xi32, #tpu.memory_space<vmem>>, vector<16xi32>,
    %jit3A_685 = arith.constant 128 : i32
    %div3A_686 = vector.broadcast %jit3A_685 : i32 to vector<16xi32>
    %div3A_687 = arith.divsi %get3A_682, %div3A_686 : vector<16xi32>
    %sign3A_688 = arith.constant 0 : i32
    %sign3A_689 = vector.broadcast %sign3A_688 : i32 to vector<16xi32>
    %sign3A_690 = arith.cmpi sgt, %get3A_682, %sign3A_689 : vector<16xi32>
    %sign3A_691 = arith.extui %sign3A_690 : vector<16xi1> to vector<16xi32>
    %sign3A_692 = arith.constant 0 : i32
    %sign3A_693 = vector.broadcast %sign3A_692 : i32 to vector<16xi32>
    %sign3A_694 = arith.cmpi slt, %get3A_682, %sign3A_693 : vector<16xi32>
    %sign3A_695 = arith.extui %sign3A_694 : vector<16xi1> to vector<16xi32>
    %sign3A_696 = arith.subi %sign3A_691, %sign3A_695 : vector<16xi32>
    %sign3A_697 = arith.constant 0 : i32
    %sign3A_698 = arith.cmpi sgt, %jit3A_685, %sign3A_697 : i32
    %sign3A_699 = arith.extui %sign3A_698 : i1 to i32
    %sign3A_700 = arith.constant 0 : i32
    %sign3A_701 = arith.cmpi slt, %jit3A_685, %sign3A_700 : i32
    %sign3A_702 = arith.extui %sign3A_701 : i1 to i32
    %sign3A_703 = arith.subi %sign3A_699, %sign3A_702 : i32
    %ne3A_704 = vector.broadcast %sign3A_703 : i32 to vector<16xi32>
    %ne3A_705 = arith.cmpi ne, %sign3A_696, %ne3A_704 : vector<16xi32>
    %rem3A_706 = vector.broadcast %jit3A_685 : i32 to vector<16xi32>
    %rem3A_707 = arith.remsi %get3A_682, %rem3A_706 : vector<16xi32>
    %ne3A_708 = arith.constant 0 : i32
    %ne3A_709 = vector.broadcast %ne3A_708 : i32 to vector<16xi32>
    %ne3A_710 = arith.cmpi ne, %rem3A_707, %ne3A_709 : vector<16xi32>
    %and3A_711 = arith.andi %ne3A_705, %ne3A_710 : vector<16xi1>
    %sub3A_712 = arith.constant 1 : i32
    %sub3A_713 = vector.broadcast %sub3A_712 : i32 to vector<16xi32>
    %sub3A_714 = arith.subi %div3A_687, %sub3A_713 : vector<16xi32>
    %select_n3A_715 = arith.select %and3A_711, %sub3A_714, %div3A_687 : vector<16xi1>, vector<16xi32>
    %mul3A_716 = arith.constant 128 : i32
    %mul3A_717 = vector.broadcast %mul3A_716 : i32 to vector<16xi32>
    %mul3A_718 = arith.muli %select_n3A_715, %mul3A_717 : vector<16xi32>
    %swap3A_719 = arith.constant 128 : index
    %swap3A_720 = tpu.vector_load %arg10[%swap3A_719] {strides = array<i32>} : memref<512xi32, #tpu.memory_space<vmem>>, vector<16xi32>,
    tpu.vector_store %arg10[%swap3A_719], %mul3A_718 {strides = array<i32>} : memref<512xi32, #tpu.memory_space<vmem>>, vector<16xi32>,
    %rem3A_721 = arith.constant 128 : i32
    %rem3A_722 = vector.broadcast %rem3A_721 : i32 to vector<16xi32>
    %rem3A_723 = arith.remsi %get3A_682, %rem3A_722 : vector<16xi32>
    %swap3A_724 = arith.constant 128 : index
    %swap3A_725 = tpu.vector_load %arg11[%swap3A_724] {strides = array<i32>} : memref<512xi32, #tpu.memory_space<vmem>>, vector<16xi32>,
    tpu.vector_store %arg11[%swap3A_724], %rem3A_723 {strides = array<i32>} : memref<512xi32, #tpu.memory_space<vmem>>, vector<16xi32>,
    %jit3A_726 = arith.constant 128 : i32
    %div3A_727 = vector.broadcast %jit3A_726 : i32 to vector<16xi32>
    %div3A_728 = arith.divsi %get3A_684, %div3A_727 : vector<16xi32>
    %sign3A_729 = arith.constant 0 : i32
    %sign3A_730 = vector.broadcast %sign3A_729 : i32 to vector<16xi32>
    %sign3A_731 = arith.cmpi sgt, %get3A_684, %sign3A_730 : vector<16xi32>
    %sign3A_732 = arith.extui %sign3A_731 : vector<16xi1> to vector<16xi32>
    %sign3A_733 = arith.constant 0 : i32
    %sign3A_734 = vector.broadcast %sign3A_733 : i32 to vector<16xi32>
    %sign3A_735 = arith.cmpi slt, %get3A_684, %sign3A_734 : vector<16xi32>
    %sign3A_736 = arith.extui %sign3A_735 : vector<16xi1> to vector<16xi32>
    %sign3A_737 = arith.subi %sign3A_732, %sign3A_736 : vector<16xi32>
    %sign3A_738 = arith.constant 0 : i32
    %sign3A_739 = arith.cmpi sgt, %jit3A_726, %sign3A_738 : i32
    %sign3A_740 = arith.extui %sign3A_739 : i1 to i32
    %sign3A_741 = arith.constant 0 : i32
    %sign3A_742 = arith.cmpi slt, %jit3A_726, %sign3A_741 : i32
    %sign3A_743 = arith.extui %sign3A_742 : i1 to i32
    %sign3A_744 = arith.subi %sign3A_740, %sign3A_743 : i32
    %ne3A_745 = vector.broadcast %sign3A_744 : i32 to vector<16xi32>
    %ne3A_746 = arith.cmpi ne, %sign3A_737, %ne3A_745 : vector<16xi32>
    %rem3A_747 = vector.broadcast %jit3A_726 : i32 to vector<16xi32>
    %rem3A_748 = arith.remsi %get3A_684, %rem3A_747 : vector<16xi32>
    %ne3A_749 = arith.constant 0 : i32
    %ne3A_750 = vector.broadcast %ne3A_749 : i32 to vector<16xi32>
    %ne3A_751 = arith.cmpi ne, %rem3A_748, %ne3A_750 : vector<16xi32>
    %and3A_752 = arith.andi %ne3A_746, %ne3A_751 : vector<16xi1>
    %sub3A_753 = arith.constant 1 : i32
    %sub3A_754 = vector.broadcast %sub3A_753 : i32 to vector<16xi32>
    %sub3A_755 = arith.subi %div3A_728, %sub3A_754 : vector<16xi32>
    %select_n3A_756 = arith.select %and3A_752, %sub3A_755, %div3A_728 : vector<16xi1>, vector<16xi32>
    %mul3A_757 = arith.constant 128 : i32
    %mul3A_758 = vector.broadcast %mul3A_757 : i32 to vector<16xi32>
    %mul3A_759 = arith.muli %select_n3A_756, %mul3A_758 : vector<16xi32>
    %swap3A_760 = arith.constant 128 : index
    %swap3A_761 = tpu.vector_load %arg12[%swap3A_760] {strides = array<i32>} : memref<512xi32, #tpu.memory_space<vmem>>, vector<16xi32>,
    tpu.vector_store %arg12[%swap3A_760], %mul3A_759 {strides = array<i32>} : memref<512xi32, #tpu.memory_space<vmem>>, vector<16xi32>,
    %rem3A_762 = arith.constant 128 : i32
    %rem3A_763 = vector.broadcast %rem3A_762 : i32 to vector<16xi32>
    %rem3A_764 = arith.remsi %get3A_684, %rem3A_763 : vector<16xi32>
    %swap3A_765 = arith.constant 128 : index
    %swap3A_766 = tpu.vector_load %arg13[%swap3A_765] {strides = array<i32>} : memref<512xi32, #tpu.memory_space<vmem>>, vector<16xi32>,
    tpu.vector_store %arg13[%swap3A_765], %rem3A_764 {strides = array<i32>} : memref<512xi32, #tpu.memory_space<vmem>>, vector<16xi32>,
    %get3A_767 = arith.constant 144 : index
    %get3A_768 = tpu.vector_load %arg8[%get3A_767] {strides = array<i32>} : memref<512xi32, #tpu.memory_space<vmem>>, vector<16xi32>,
    %get3A_769 = arith.constant 144 : index
    %get3A_770 = tpu.vector_load %arg9[%get3A_769] {strides = array<i32>} : memref<512xi32, #tpu.memory_space<vmem>>, vector<16xi32>,
    %jit3A_771 = arith.constant 128 : i32
    %div3A_772 = vector.broadcast %jit3A_771 : i32 to vector<16xi32>
    %div3A_773 = arith.divsi %get3A_768, %div3A_772 : vector<16xi32>
    %sign3A_774 = arith.constant 0 : i32
    %sign3A_775 = vector.broadcast %sign3A_774 : i32 to vector<16xi32>
    %sign3A_776 = arith.cmpi sgt, %get3A_768, %sign3A_775 : vector<16xi32>
    %sign3A_777 = arith.extui %sign3A_776 : vector<16xi1> to vector<16xi32>
    %sign3A_778 = arith.constant 0 : i32
    %sign3A_779 = vector.broadcast %sign3A_778 : i32 to vector<16xi32>
    %sign3A_780 = arith.cmpi slt, %get3A_768, %sign3A_779 : vector<16xi32>
    %sign3A_781 = arith.extui %sign3A_780 : vector<16xi1> to vector<16xi32>
    %sign3A_782 = arith.subi %sign3A_777, %sign3A_781 : vector<16xi32>
    %sign3A_783 = arith.constant 0 : i32
    %sign3A_784 = arith.cmpi sgt, %jit3A_771, %sign3A_783 : i32
    %sign3A_785 = arith.extui %sign3A_784 : i1 to i32
    %sign3A_786 = arith.constant 0 : i32
    %sign3A_787 = arith.cmpi slt, %jit3A_771, %sign3A_786 : i32
    %sign3A_788 = arith.extui %sign3A_787 : i1 to i32
    %sign3A_789 = arith.subi %sign3A_785, %sign3A_788 : i32
    %ne3A_790 = vector.broadcast %sign3A_789 : i32 to vector<16xi32>
    %ne3A_791 = arith.cmpi ne, %sign3A_782, %ne3A_790 : vector<16xi32>
    %rem3A_792 = vector.broadcast %jit3A_771 : i32 to vector<16xi32>
    %rem3A_793 = arith.remsi %get3A_768, %rem3A_792 : vector<16xi32>
    %ne3A_794 = arith.constant 0 : i32
    %ne3A_795 = vector.broadcast %ne3A_794 : i32 to vector<16xi32>
    %ne3A_796 = arith.cmpi ne, %rem3A_793, %ne3A_795 : vector<16xi32>
    %and3A_797 = arith.andi %ne3A_791, %ne3A_796 : vector<16xi1>
    %sub3A_798 = arith.constant 1 : i32
    %sub3A_799 = vector.broadcast %sub3A_798 : i32 to vector<16xi32>
    %sub3A_800 = arith.subi %div3A_773, %sub3A_799 : vector<16xi32>
    %select_n3A_801 = arith.select %and3A_797, %sub3A_800, %div3A_773 : vector<16xi1>, vector<16xi32>
    %mul3A_802 = arith.constant 128 : i32
    %mul3A_803 = vector.broadcast %mul3A_802 : i32 to vector<16xi32>
    %mul3A_804 = arith.muli %select_n3A_801, %mul3A_803 : vector<16xi32>
    %swap3A_805 = arith.constant 144 : index
    %swap3A_806 = tpu.vector_load %arg10[%swap3A_805] {strides = array<i32>} : memref<512xi32, #tpu.memory_space<vmem>>, vector<16xi32>,
    tpu.vector_store %arg10[%swap3A_805], %mul3A_804 {strides = array<i32>} : memref<512xi32, #tpu.memory_space<vmem>>, vector<16xi32>,
    %rem3A_807 = arith.constant 128 : i32
    %rem3A_808 = vector.broadcast %rem3A_807 : i32 to vector<16xi32>
    %rem3A_809 = arith.remsi %get3A_768, %rem3A_808 : vector<16xi32>
    %swap3A_810 = arith.constant 144 : index
    %swap3A_811 = tpu.vector_load %arg11[%swap3A_810] {strides = array<i32>} : memref<512xi32, #tpu.memory_space<vmem>>, vector<16xi32>,
    tpu.vector_store %arg11[%swap3A_810], %rem3A_809 {strides = array<i32>} : memref<512xi32, #tpu.memory_space<vmem>>, vector<16xi32>,
    %jit3A_812 = arith.constant 128 : i32
    %div3A_813 = vector.broadcast %jit3A_812 : i32 to vector<16xi32>
    %div3A_814 = arith.divsi %get3A_770, %div3A_813 : vector<16xi32>
    %sign3A_815 = arith.constant 0 : i32
    %sign3A_816 = vector.broadcast %sign3A_815 : i32 to vector<16xi32>
    %sign3A_817 = arith.cmpi sgt, %get3A_770, %sign3A_816 : vector<16xi32>
    %sign3A_818 = arith.extui %sign3A_817 : vector<16xi1> to vector<16xi32>
    %sign3A_819 = arith.constant 0 : i32
    %sign3A_820 = vector.broadcast %sign3A_819 : i32 to vector<16xi32>
    %sign3A_821 = arith.cmpi slt, %get3A_770, %sign3A_820 : vector<16xi32>
    %sign3A_822 = arith.extui %sign3A_821 : vector<16xi1> to vector<16xi32>
    %sign3A_823 = arith.subi %sign3A_818, %sign3A_822 : vector<16xi32>
    %sign3A_824 = arith.constant 0 : i32
    %sign3A_825 = arith.cmpi sgt, %jit3A_812, %sign3A_824 : i32
    %sign3A_826 = arith.extui %sign3A_825 : i1 to i32
    %sign3A_827 = arith.constant 0 : i32
    %sign3A_828 = arith.cmpi slt, %jit3A_812, %sign3A_827 : i32
    %sign3A_829 = arith.extui %sign3A_828 : i1 to i32
    %sign3A_830 = arith.subi %sign3A_826, %sign3A_829 : i32
    %ne3A_831 = vector.broadcast %sign3A_830 : i32 to vector<16xi32>
    %ne3A_832 = arith.cmpi ne, %sign3A_823, %ne3A_831 : vector<16xi32>
    %rem3A_833 = vector.broadcast %jit3A_812 : i32 to vector<16xi32>
    %rem3A_834 = arith.remsi %get3A_770, %rem3A_833 : vector<16xi32>
    %ne3A_835 = arith.constant 0 : i32
    %ne3A_836 = vector.broadcast %ne3A_835 : i32 to vector<16xi32>
    %ne3A_837 = arith.cmpi ne, %rem3A_834, %ne3A_836 : vector<16xi32>
    %and3A_838 = arith.andi %ne3A_832, %ne3A_837 : vector<16xi1>
    %sub3A_839 = arith.constant 1 : i32
    %sub3A_840 = vector.broadcast %sub3A_839 : i32 to vector<16xi32>
    %sub3A_841 = arith.subi %div3A_814, %sub3A_840 : vector<16xi32>
    %select_n3A_842 = arith.select %and3A_838, %sub3A_841, %div3A_814 : vector<16xi1>, vector<16xi32>
    %mul3A_843 = arith.constant 128 : i32
    %mul3A_844 = vector.broadcast %mul3A_843 : i32 to vector<16xi32>
    %mul3A_845 = arith.muli %select_n3A_842, %mul3A_844 : vector<16xi32>
    %swap3A_846 = arith.constant 144 : index
    %swap3A_847 = tpu.vector_load %arg12[%swap3A_846] {strides = array<i32>} : memref<512xi32, #tpu.memory_space<vmem>>, vector<16xi32>,
    tpu.vector_store %arg12[%swap3A_846], %mul3A_845 {strides = array<i32>} : memref<512xi32, #tpu.memory_space<vmem>>, vector<16xi32>,
    %rem3A_848 = arith.constant 128 : i32
    %rem3A_849 = vector.broadcast %rem3A_848 : i32 to vector<16xi32>
    %rem3A_850 = arith.remsi %get3A_770, %rem3A_849 : vector<16xi32>
    %swap3A_851 = arith.constant 144 : index
    %swap3A_852 = tpu.vector_load %arg13[%swap3A_851] {strides = array<i32>} : memref<512xi32, #tpu.memory_space<vmem>>, vector<16xi32>,
    tpu.vector_store %arg13[%swap3A_851], %rem3A_850 {strides = array<i32>} : memref<512xi32, #tpu.memory_space<vmem>>, vector<16xi32>,
    %get3A_853 = arith.constant 160 : index
    %get3A_854 = tpu.vector_load %arg8[%get3A_853] {strides = array<i32>} : memref<512xi32, #tpu.memory_space<vmem>>, vector<16xi32>,
    %get3A_855 = arith.constant 160 : index
    %get3A_856 = tpu.vector_load %arg9[%get3A_855] {strides = array<i32>} : memref<512xi32, #tpu.memory_space<vmem>>, vector<16xi32>,
    %jit3A_857 = arith.constant 128 : i32
    %div3A_858 = vector.broadcast %jit3A_857 : i32 to vector<16xi32>
    %div3A_859 = arith.divsi %get3A_854, %div3A_858 : vector<16xi32>
    %sign3A_860 = arith.constant 0 : i32
    %sign3A_861 = vector.broadcast %sign3A_860 : i32 to vector<16xi32>
    %sign3A_862 = arith.cmpi sgt, %get3A_854, %sign3A_861 : vector<16xi32>
    %sign3A_863 = arith.extui %sign3A_862 : vector<16xi1> to vector<16xi32>
    %sign3A_864 = arith.constant 0 : i32
    %sign3A_865 = vector.broadcast %sign3A_864 : i32 to vector<16xi32>
    %sign3A_866 = arith.cmpi slt, %get3A_854, %sign3A_865 : vector<16xi32>
    %sign3A_867 = arith.extui %sign3A_866 : vector<16xi1> to vector<16xi32>
    %sign3A_868 = arith.subi %sign3A_863, %sign3A_867 : vector<16xi32>
    %sign3A_869 = arith.constant 0 : i32
    %sign3A_870 = arith.cmpi sgt, %jit3A_857, %sign3A_869 : i32
    %sign3A_871 = arith.extui %sign3A_870 : i1 to i32
    %sign3A_872 = arith.constant 0 : i32
    %sign3A_873 = arith.cmpi slt, %jit3A_857, %sign3A_872 : i32
    %sign3A_874 = arith.extui %sign3A_873 : i1 to i32
    %sign3A_875 = arith.subi %sign3A_871, %sign3A_874 : i32
    %ne3A_876 = vector.broadcast %sign3A_875 : i32 to vector<16xi32>
    %ne3A_877 = arith.cmpi ne, %sign3A_868, %ne3A_876 : vector<16xi32>
    %rem3A_878 = vector.broadcast %jit3A_857 : i32 to vector<16xi32>
    %rem3A_879 = arith.remsi %get3A_854, %rem3A_878 : vector<16xi32>
    %ne3A_880 = arith.constant 0 : i32
    %ne3A_881 = vector.broadcast %ne3A_880 : i32 to vector<16xi32>
    %ne3A_882 = arith.cmpi ne, %rem3A_879, %ne3A_881 : vector<16xi32>
    %and3A_883 = arith.andi %ne3A_877, %ne3A_882 : vector<16xi1>
    %sub3A_884 = arith.constant 1 : i32
    %sub3A_885 = vector.broadcast %sub3A_884 : i32 to vector<16xi32>
    %sub3A_886 = arith.subi %div3A_859, %sub3A_885 : vector<16xi32>
    %select_n3A_887 = arith.select %and3A_883, %sub3A_886, %div3A_859 : vector<16xi1>, vector<16xi32>
    %mul3A_888 = arith.constant 128 : i32
    %mul3A_889 = vector.broadcast %mul3A_888 : i32 to vector<16xi32>
    %mul3A_890 = arith.muli %select_n3A_887, %mul3A_889 : vector<16xi32>
    %swap3A_891 = arith.constant 160 : index
    %swap3A_892 = tpu.vector_load %arg10[%swap3A_891] {strides = array<i32>} : memref<512xi32, #tpu.memory_space<vmem>>, vector<16xi32>,
    tpu.vector_store %arg10[%swap3A_891], %mul3A_890 {strides = array<i32>} : memref<512xi32, #tpu.memory_space<vmem>>, vector<16xi32>,
    %rem3A_893 = arith.constant 128 : i32
    %rem3A_894 = vector.broadcast %rem3A_893 : i32 to vector<16xi32>
    %rem3A_895 = arith.remsi %get3A_854, %rem3A_894 : vector<16xi32>
    %swap3A_896 = arith.constant 160 : index
    %swap3A_897 = tpu.vector_load %arg11[%swap3A_896] {strides = array<i32>} : memref<512xi32, #tpu.memory_space<vmem>>, vector<16xi32>,
    tpu.vector_store %arg11[%swap3A_896], %rem3A_895 {strides = array<i32>} : memref<512xi32, #tpu.memory_space<vmem>>, vector<16xi32>,
    %jit3A_898 = arith.constant 128 : i32
    %div3A_899 = vector.broadcast %jit3A_898 : i32 to vector<16xi32>
    %div3A_900 = arith.divsi %get3A_856, %div3A_899 : vector<16xi32>
    %sign3A_901 = arith.constant 0 : i32
    %sign3A_902 = vector.broadcast %sign3A_901 : i32 to vector<16xi32>
    %sign3A_903 = arith.cmpi sgt, %get3A_856, %sign3A_902 : vector<16xi32>
    %sign3A_904 = arith.extui %sign3A_903 : vector<16xi1> to vector<16xi32>
    %sign3A_905 = arith.constant 0 : i32
    %sign3A_906 = vector.broadcast %sign3A_905 : i32 to vector<16xi32>
    %sign3A_907 = arith.cmpi slt, %get3A_856, %sign3A_906 : vector<16xi32>
    %sign3A_908 = arith.extui %sign3A_907 : vector<16xi1> to vector<16xi32>
    %sign3A_909 = arith.subi %sign3A_904, %sign3A_908 : vector<16xi32>
    %sign3A_910 = arith.constant 0 : i32
    %sign3A_911 = arith.cmpi sgt, %jit3A_898, %sign3A_910 : i32
    %sign3A_912 = arith.extui %sign3A_911 : i1 to i32
    %sign3A_913 = arith.constant 0 : i32
    %sign3A_914 = arith.cmpi slt, %jit3A_898, %sign3A_913 : i32
    %sign3A_915 = arith.extui %sign3A_914 : i1 to i32
    %sign3A_916 = arith.subi %sign3A_912, %sign3A_915 : i32
    %ne3A_917 = vector.broadcast %sign3A_916 : i32 to vector<16xi32>
    %ne3A_918 = arith.cmpi ne, %sign3A_909, %ne3A_917 : vector<16xi32>
    %rem3A_919 = vector.broadcast %jit3A_898 : i32 to vector<16xi32>
    %rem3A_920 = arith.remsi %get3A_856, %rem3A_919 : vector<16xi32>
    %ne3A_921 = arith.constant 0 : i32
    %ne3A_922 = vector.broadcast %ne3A_921 : i32 to vector<16xi32>
    %ne3A_923 = arith.cmpi ne, %rem3A_920, %ne3A_922 : vector<16xi32>
    %and3A_924 = arith.andi %ne3A_918, %ne3A_923 : vector<16xi1>
    %sub3A_925 = arith.constant 1 : i32
    %sub3A_926 = vector.broadcast %sub3A_925 : i32 to vector<16xi32>
    %sub3A_927 = arith.subi %div3A_900, %sub3A_926 : vector<16xi32>
    %select_n3A_928 = arith.select %and3A_924, %sub3A_927, %div3A_900 : vector<16xi1>, vector<16xi32>
    %mul3A_929 = arith.constant 128 : i32
    %mul3A_930 = vector.broadcast %mul3A_929 : i32 to vector<16xi32>
    %mul3A_931 = arith.muli %select_n3A_928, %mul3A_930 : vector<16xi32>
    %swap3A_932 = arith.constant 160 : index
    %swap3A_933 = tpu.vector_load %arg12[%swap3A_932] {strides = array<i32>} : memref<512xi32, #tpu.memory_space<vmem>>, vector<16xi32>,
    tpu.vector_store %arg12[%swap3A_932], %mul3A_931 {strides = array<i32>} : memref<512xi32, #tpu.memory_space<vmem>>, vector<16xi32>,
    %rem3A_934 = arith.constant 128 : i32
    %rem3A_935 = vector.broadcast %rem3A_934 : i32 to vector<16xi32>
    %rem3A_936 = arith.remsi %get3A_856, %rem3A_935 : vector<16xi32>
    %swap3A_937 = arith.constant 160 : index
    %swap3A_938 = tpu.vector_load %arg13[%swap3A_937] {strides = array<i32>} : memref<512xi32, #tpu.memory_space<vmem>>, vector<16xi32>,
    tpu.vector_store %arg13[%swap3A_937], %rem3A_936 {strides = array<i32>} : memref<512xi32, #tpu.memory_space<vmem>>, vector<16xi32>,
    %get3A_939 = arith.constant 176 : index
    %get3A_940 = tpu.vector_load %arg8[%get3A_939] {strides = array<i32>} : memref<512xi32, #tpu.memory_space<vmem>>, vector<16xi32>,
    %get3A_941 = arith.constant 176 : index
    %get3A_942 = tpu.vector_load %arg9[%get3A_941] {strides = array<i32>} : memref<512xi32, #tpu.memory_space<vmem>>, vector<16xi32>,
    %jit3A_943 = arith.constant 128 : i32
    %div3A_944 = vector.broadcast %jit3A_943 : i32 to vector<16xi32>
    %div3A_945 = arith.divsi %get3A_940, %div3A_944 : vector<16xi32>
    %sign3A_946 = arith.constant 0 : i32
    %sign3A_947 = vector.broadcast %sign3A_946 : i32 to vector<16xi32>
    %sign3A_948 = arith.cmpi sgt, %get3A_940, %sign3A_947 : vector<16xi32>
    %sign3A_949 = arith.extui %sign3A_948 : vector<16xi1> to vector<16xi32>
    %sign3A_950 = arith.constant 0 : i32
    %sign3A_951 = vector.broadcast %sign3A_950 : i32 to vector<16xi32>
    %sign3A_952 = arith.cmpi slt, %get3A_940, %sign3A_951 : vector<16xi32>
    %sign3A_953 = arith.extui %sign3A_952 : vector<16xi1> to vector<16xi32>
    %sign3A_954 = arith.subi %sign3A_949, %sign3A_953 : vector<16xi32>
    %sign3A_955 = arith.constant 0 : i32
    %sign3A_956 = arith.cmpi sgt, %jit3A_943, %sign3A_955 : i32
    %sign3A_957 = arith.extui %sign3A_956 : i1 to i32
    %sign3A_958 = arith.constant 0 : i32
    %sign3A_959 = arith.cmpi slt, %jit3A_943, %sign3A_958 : i32
    %sign3A_960 = arith.extui %sign3A_959 : i1 to i32
    %sign3A_961 = arith.subi %sign3A_957, %sign3A_960 : i32
    %ne3A_962 = vector.broadcast %sign3A_961 : i32 to vector<16xi32>
    %ne3A_963 = arith.cmpi ne, %sign3A_954, %ne3A_962 : vector<16xi32>
    %rem3A_964 = vector.broadcast %jit3A_943 : i32 to vector<16xi32>
    %rem3A_965 = arith.remsi %get3A_940, %rem3A_964 : vector<16xi32>
    %ne3A_966 = arith.constant 0 : i32
    %ne3A_967 = vector.broadcast %ne3A_966 : i32 to vector<16xi32>
    %ne3A_968 = arith.cmpi ne, %rem3A_965, %ne3A_967 : vector<16xi32>
    %and3A_969 = arith.andi %ne3A_963, %ne3A_968 : vector<16xi1>
    %sub3A_970 = arith.constant 1 : i32
    %sub3A_971 = vector.broadcast %sub3A_970 : i32 to vector<16xi32>
    %sub3A_972 = arith.subi %div3A_945, %sub3A_971 : vector<16xi32>
    %select_n3A_973 = arith.select %and3A_969, %sub3A_972, %div3A_945 : vector<16xi1>, vector<16xi32>
    %mul3A_974 = arith.constant 128 : i32
    %mul3A_975 = vector.broadcast %mul3A_974 : i32 to vector<16xi32>
    %mul3A_976 = arith.muli %select_n3A_973, %mul3A_975 : vector<16xi32>
    %swap3A_977 = arith.constant 176 : index
    %swap3A_978 = tpu.vector_load %arg10[%swap3A_977] {strides = array<i32>} : memref<512xi32, #tpu.memory_space<vmem>>, vector<16xi32>,
    tpu.vector_store %arg10[%swap3A_977], %mul3A_976 {strides = array<i32>} : memref<512xi32, #tpu.memory_space<vmem>>, vector<16xi32>,
    %rem3A_979 = arith.constant 128 : i32
    %rem3A_980 = vector.broadcast %rem3A_979 : i32 to vector<16xi32>
    %rem3A_981 = arith.remsi %get3A_940, %rem3A_980 : vector<16xi32>
    %swap3A_982 = arith.constant 176 : index
    %swap3A_983 = tpu.vector_load %arg11[%swap3A_982] {strides = array<i32>} : memref<512xi32, #tpu.memory_space<vmem>>, vector<16xi32>,
    tpu.vector_store %arg11[%swap3A_982], %rem3A_981 {strides = array<i32>} : memref<512xi32, #tpu.memory_space<vmem>>, vector<16xi32>,
    %jit3A_984 = arith.constant 128 : i32
    %div3A_985 = vector.broadcast %jit3A_984 : i32 to vector<16xi32>
    %div3A_986 = arith.divsi %get3A_942, %div3A_985 : vector<16xi32>
    %sign3A_987 = arith.constant 0 : i32
    %sign3A_988 = vector.broadcast %sign3A_987 : i32 to vector<16xi32>
    %sign3A_989 = arith.cmpi sgt, %get3A_942, %sign3A_988 : vector<16xi32>
    %sign3A_990 = arith.extui %sign3A_989 : vector<16xi1> to vector<16xi32>
    %sign3A_991 = arith.constant 0 : i32
    %sign3A_992 = vector.broadcast %sign3A_991 : i32 to vector<16xi32>
    %sign3A_993 = arith.cmpi slt, %get3A_942, %sign3A_992 : vector<16xi32>
    %sign3A_994 = arith.extui %sign3A_993 : vector<16xi1> to vector<16xi32>
    %sign3A_995 = arith.subi %sign3A_990, %sign3A_994 : vector<16xi32>
    %sign3A_996 = arith.constant 0 : i32
    %sign3A_997 = arith.cmpi sgt, %jit3A_984, %sign3A_996 : i32
    %sign3A_998 = arith.extui %sign3A_997 : i1 to i32
    %sign3A_999 = arith.constant 0 : i32
    %sign3A_1000 = arith.cmpi slt, %jit3A_984, %sign3A_999 : i32
    %sign3A_1001 = arith.extui %sign3A_1000 : i1 to i32
    %sign3A_1002 = arith.subi %sign3A_998, %sign3A_1001 : i32
    %ne3A_1003 = vector.broadcast %sign3A_1002 : i32 to vector<16xi32>
    %ne3A_1004 = arith.cmpi ne, %sign3A_995, %ne3A_1003 : vector<16xi32>
    %rem3A_1005 = vector.broadcast %jit3A_984 : i32 to vector<16xi32>
    %rem3A_1006 = arith.remsi %get3A_942, %rem3A_1005 : vector<16xi32>
    %ne3A_1007 = arith.constant 0 : i32
    %ne3A_1008 = vector.broadcast %ne3A_1007 : i32 to vector<16xi32>
    %ne3A_1009 = arith.cmpi ne, %rem3A_1006, %ne3A_1008 : vector<16xi32>
    %and3A_1010 = arith.andi %ne3A_1004, %ne3A_1009 : vector<16xi1>
    %sub3A_1011 = arith.constant 1 : i32
    %sub3A_1012 = vector.broadcast %sub3A_1011 : i32 to vector<16xi32>
    %sub3A_1013 = arith.subi %div3A_986, %sub3A_1012 : vector<16xi32>
    %select_n3A_1014 = arith.select %and3A_1010, %sub3A_1013, %div3A_986 : vector<16xi1>, vector<16xi32>
    %mul3A_1015 = arith.constant 128 : i32
    %mul3A_1016 = vector.broadcast %mul3A_1015 : i32 to vector<16xi32>
    %mul3A_1017 = arith.muli %select_n3A_1014, %mul3A_1016 : vector<16xi32>
    %swap3A_1018 = arith.constant 176 : index
    %swap3A_1019 = tpu.vector_load %arg12[%swap3A_1018] {strides = array<i32>} : memref<512xi32, #tpu.memory_space<vmem>>, vector<16xi32>,
    tpu.vector_store %arg12[%swap3A_1018], %mul3A_1017 {strides = array<i32>} : memref<512xi32, #tpu.memory_space<vmem>>, vector<16xi32>,
    %rem3A_1020 = arith.constant 128 : i32
    %rem3A_1021 = vector.broadcast %rem3A_1020 : i32 to vector<16xi32>
    %rem3A_1022 = arith.remsi %get3A_942, %rem3A_1021 : vector<16xi32>
    %swap3A_1023 = arith.constant 176 : index
    %swap3A_1024 = tpu.vector_load %arg13[%swap3A_1023] {strides = array<i32>} : memref<512xi32, #tpu.memory_space<vmem>>, vector<16xi32>,
    tpu.vector_store %arg13[%swap3A_1023], %rem3A_1022 {strides = array<i32>} : memref<512xi32, #tpu.memory_space<vmem>>, vector<16xi32>,
    %get3A_1025 = arith.constant 192 : index
    %get3A_1026 = tpu.vector_load %arg8[%get3A_1025] {strides = array<i32>} : memref<512xi32, #tpu.memory_space<vmem>>, vector<16xi32>,
    %get3A_1027 = arith.constant 192 : index
    %get3A_1028 = tpu.vector_load %arg9[%get3A_1027] {strides = array<i32>} : memref<512xi32, #tpu.memory_space<vmem>>, vector<16xi32>,
    %jit3A_1029 = arith.constant 128 : i32
    %div3A_1030 = vector.broadcast %jit3A_1029 : i32 to vector<16xi32>
    %div3A_1031 = arith.divsi %get3A_1026, %div3A_1030 : vector<16xi32>
    %sign3A_1032 = arith.constant 0 : i32
    %sign3A_1033 = vector.broadcast %sign3A_1032 : i32 to vector<16xi32>
    %sign3A_1034 = arith.cmpi sgt, %get3A_1026, %sign3A_1033 : vector<16xi32>
    %sign3A_1035 = arith.extui %sign3A_1034 : vector<16xi1> to vector<16xi32>
    %sign3A_1036 = arith.constant 0 : i32
    %sign3A_1037 = vector.broadcast %sign3A_1036 : i32 to vector<16xi32>
    %sign3A_1038 = arith.cmpi slt, %get3A_1026, %sign3A_1037 : vector<16xi32>
    %sign3A_1039 = arith.extui %sign3A_1038 : vector<16xi1> to vector<16xi32>
    %sign3A_1040 = arith.subi %sign3A_1035, %sign3A_1039 : vector<16xi32>
    %sign3A_1041 = arith.constant 0 : i32
    %sign3A_1042 = arith.cmpi sgt, %jit3A_1029, %sign3A_1041 : i32
    %sign3A_1043 = arith.extui %sign3A_1042 : i1 to i32
    %sign3A_1044 = arith.constant 0 : i32
    %sign3A_1045 = arith.cmpi slt, %jit3A_1029, %sign3A_1044 : i32
    %sign3A_1046 = arith.extui %sign3A_1045 : i1 to i32
    %sign3A_1047 = arith.subi %sign3A_1043, %sign3A_1046 : i32
    %ne3A_1048 = vector.broadcast %sign3A_1047 : i32 to vector<16xi32>
    %ne3A_1049 = arith.cmpi ne, %sign3A_1040, %ne3A_1048 : vector<16xi32>
    %rem3A_1050 = vector.broadcast %jit3A_1029 : i32 to vector<16xi32>
    %rem3A_1051 = arith.remsi %get3A_1026, %rem3A_1050 : vector<16xi32>
    %ne3A_1052 = arith.constant 0 : i32
    %ne3A_1053 = vector.broadcast %ne3A_1052 : i32 to vector<16xi32>
    %ne3A_1054 = arith.cmpi ne, %rem3A_1051, %ne3A_1053 : vector<16xi32>
    %and3A_1055 = arith.andi %ne3A_1049, %ne3A_1054 : vector<16xi1>
    %sub3A_1056 = arith.constant 1 : i32
    %sub3A_1057 = vector.broadcast %sub3A_1056 : i32 to vector<16xi32>
    %sub3A_1058 = arith.subi %div3A_1031, %sub3A_1057 : vector<16xi32>
    %select_n3A_1059 = arith.select %and3A_1055, %sub3A_1058, %div3A_1031 : vector<16xi1>, vector<16xi32>
    %mul3A_1060 = arith.constant 128 : i32
    %mul3A_1061 = vector.broadcast %mul3A_1060 : i32 to vector<16xi32>
    %mul3A_1062 = arith.muli %select_n3A_1059, %mul3A_1061 : vector<16xi32>
    %swap3A_1063 = arith.constant 192 : index
    %swap3A_1064 = tpu.vector_load %arg10[%swap3A_1063] {strides = array<i32>} : memref<512xi32, #tpu.memory_space<vmem>>, vector<16xi32>,
    tpu.vector_store %arg10[%swap3A_1063], %mul3A_1062 {strides = array<i32>} : memref<512xi32, #tpu.memory_space<vmem>>, vector<16xi32>,
    %rem3A_1065 = arith.constant 128 : i32
    %rem3A_1066 = vector.broadcast %rem3A_1065 : i32 to vector<16xi32>
    %rem3A_1067 = arith.remsi %get3A_1026, %rem3A_1066 : vector<16xi32>
    %swap3A_1068 = arith.constant 192 : index
    %swap3A_1069 = tpu.vector_load %arg11[%swap3A_1068] {strides = array<i32>} : memref<512xi32, #tpu.memory_space<vmem>>, vector<16xi32>,
    tpu.vector_store %arg11[%swap3A_1068], %rem3A_1067 {strides = array<i32>} : memref<512xi32, #tpu.memory_space<vmem>>, vector<16xi32>,
    %jit3A_1070 = arith.constant 128 : i32
    %div3A_1071 = vector.broadcast %jit3A_1070 : i32 to vector<16xi32>
    %div3A_1072 = arith.divsi %get3A_1028, %div3A_1071 : vector<16xi32>
    %sign3A_1073 = arith.constant 0 : i32
    %sign3A_1074 = vector.broadcast %sign3A_1073 : i32 to vector<16xi32>
    %sign3A_1075 = arith.cmpi sgt, %get3A_1028, %sign3A_1074 : vector<16xi32>
    %sign3A_1076 = arith.extui %sign3A_1075 : vector<16xi1> to vector<16xi32>
    %sign3A_1077 = arith.constant 0 : i32
    %sign3A_1078 = vector.broadcast %sign3A_1077 : i32 to vector<16xi32>
    %sign3A_1079 = arith.cmpi slt, %get3A_1028, %sign3A_1078 : vector<16xi32>
    %sign3A_1080 = arith.extui %sign3A_1079 : vector<16xi1> to vector<16xi32>
    %sign3A_1081 = arith.subi %sign3A_1076, %sign3A_1080 : vector<16xi32>
    %sign3A_1082 = arith.constant 0 : i32
    %sign3A_1083 = arith.cmpi sgt, %jit3A_1070, %sign3A_1082 : i32
    %sign3A_1084 = arith.extui %sign3A_1083 : i1 to i32
    %sign3A_1085 = arith.constant 0 : i32
    %sign3A_1086 = arith.cmpi slt, %jit3A_1070, %sign3A_1085 : i32
    %sign3A_1087 = arith.extui %sign3A_1086 : i1 to i32
    %sign3A_1088 = arith.subi %sign3A_1084, %sign3A_1087 : i32
    %ne3A_1089 = vector.broadcast %sign3A_1088 : i32 to vector<16xi32>
    %ne3A_1090 = arith.cmpi ne, %sign3A_1081, %ne3A_1089 : vector<16xi32>
    %rem3A_1091 = vector.broadcast %jit3A_1070 : i32 to vector<16xi32>
    %rem3A_1092 = arith.remsi %get3A_1028, %rem3A_1091 : vector<16xi32>
    %ne3A_1093 = arith.constant 0 : i32
    %ne3A_1094 = vector.broadcast %ne3A_1093 : i32 to vector<16xi32>
    %ne3A_1095 = arith.cmpi ne, %rem3A_1092, %ne3A_1094 : vector<16xi32>
    %and3A_1096 = arith.andi %ne3A_1090, %ne3A_1095 : vector<16xi1>
    %sub3A_1097 = arith.constant 1 : i32
    %sub3A_1098 = vector.broadcast %sub3A_1097 : i32 to vector<16xi32>
    %sub3A_1099 = arith.subi %div3A_1072, %sub3A_1098 : vector<16xi32>
    %select_n3A_1100 = arith.select %and3A_1096, %sub3A_1099, %div3A_1072 : vector<16xi1>, vector<16xi32>
    %mul3A_1101 = arith.constant 128 : i32
    %mul3A_1102 = vector.broadcast %mul3A_1101 : i32 to vector<16xi32>
    %mul3A_1103 = arith.muli %select_n3A_1100, %mul3A_1102 : vector<16xi32>
    %swap3A_1104 = arith.constant 192 : index
    %swap3A_1105 = tpu.vector_load %arg12[%swap3A_1104] {strides = array<i32>} : memref<512xi32, #tpu.memory_space<vmem>>, vector<16xi32>,
    tpu.vector_store %arg12[%swap3A_1104], %mul3A_1103 {strides = array<i32>} : memref<512xi32, #tpu.memory_space<vmem>>, vector<16xi32>,
    %rem3A_1106 = arith.constant 128 : i32
    %rem3A_1107 = vector.broadcast %rem3A_1106 : i32 to vector<16xi32>
    %rem3A_1108 = arith.remsi %get3A_1028, %rem3A_1107 : vector<16xi32>
    %swap3A_1109 = arith.constant 192 : index
    %swap3A_1110 = tpu.vector_load %arg13[%swap3A_1109] {strides = array<i32>} : memref<512xi32, #tpu.memory_space<vmem>>, vector<16xi32>,
    tpu.vector_store %arg13[%swap3A_1109], %rem3A_1108 {strides = array<i32>} : memref<512xi32, #tpu.memory_space<vmem>>, vector<16xi32>,
    %get3A_1111 = arith.constant 208 : index
    %get3A_1112 = tpu.vector_load %arg8[%get3A_1111] {strides = array<i32>} : memref<512xi32, #tpu.memory_space<vmem>>, vector<16xi32>,
    %get3A_1113 = arith.constant 208 : index
    %get3A_1114 = tpu.vector_load %arg9[%get3A_1113] {strides = array<i32>} : memref<512xi32, #tpu.memory_space<vmem>>, vector<16xi32>,
    %jit3A_1115 = arith.constant 128 : i32
    %div3A_1116 = vector.broadcast %jit3A_1115 : i32 to vector<16xi32>
    %div3A_1117 = arith.divsi %get3A_1112, %div3A_1116 : vector<16xi32>
    %sign3A_1118 = arith.constant 0 : i32
    %sign3A_1119 = vector.broadcast %sign3A_1118 : i32 to vector<16xi32>
    %sign3A_1120 = arith.cmpi sgt, %get3A_1112, %sign3A_1119 : vector<16xi32>
    %sign3A_1121 = arith.extui %sign3A_1120 : vector<16xi1> to vector<16xi32>
    %sign3A_1122 = arith.constant 0 : i32
    %sign3A_1123 = vector.broadcast %sign3A_1122 : i32 to vector<16xi32>
    %sign3A_1124 = arith.cmpi slt, %get3A_1112, %sign3A_1123 : vector<16xi32>
    %sign3A_1125 = arith.extui %sign3A_1124 : vector<16xi1> to vector<16xi32>
    %sign3A_1126 = arith.subi %sign3A_1121, %sign3A_1125 : vector<16xi32>
    %sign3A_1127 = arith.constant 0 : i32
    %sign3A_1128 = arith.cmpi sgt, %jit3A_1115, %sign3A_1127 : i32
    %sign3A_1129 = arith.extui %sign3A_1128 : i1 to i32
    %sign3A_1130 = arith.constant 0 : i32
    %sign3A_1131 = arith.cmpi slt, %jit3A_1115, %sign3A_1130 : i32
    %sign3A_1132 = arith.extui %sign3A_1131 : i1 to i32
    %sign3A_1133 = arith.subi %sign3A_1129, %sign3A_1132 : i32
    %ne3A_1134 = vector.broadcast %sign3A_1133 : i32 to vector<16xi32>
    %ne3A_1135 = arith.cmpi ne, %sign3A_1126, %ne3A_1134 : vector<16xi32>
    %rem3A_1136 = vector.broadcast %jit3A_1115 : i32 to vector<16xi32>
    %rem3A_1137 = arith.remsi %get3A_1112, %rem3A_1136 : vector<16xi32>
    %ne3A_1138 = arith.constant 0 : i32
    %ne3A_1139 = vector.broadcast %ne3A_1138 : i32 to vector<16xi32>
    %ne3A_1140 = arith.cmpi ne, %rem3A_1137, %ne3A_1139 : vector<16xi32>
    %and3A_1141 = arith.andi %ne3A_1135, %ne3A_1140 : vector<16xi1>
    %sub3A_1142 = arith.constant 1 : i32
    %sub3A_1143 = vector.broadcast %sub3A_1142 : i32 to vector<16xi32>
    %sub3A_1144 = arith.subi %div3A_1117, %sub3A_1143 : vector<16xi32>
    %select_n3A_1145 = arith.select %and3A_1141, %sub3A_1144, %div3A_1117 : vector<16xi1>, vector<16xi32>
    %mul3A_1146 = arith.constant 128 : i32
    %mul3A_1147 = vector.broadcast %mul3A_1146 : i32 to vector<16xi32>
    %mul3A_1148 = arith.muli %select_n3A_1145, %mul3A_1147 : vector<16xi32>
    %swap3A_1149 = arith.constant 208 : index
    %swap3A_1150 = tpu.vector_load %arg10[%swap3A_1149] {strides = array<i32>} : memref<512xi32, #tpu.memory_space<vmem>>, vector<16xi32>,
    tpu.vector_store %arg10[%swap3A_1149], %mul3A_1148 {strides = array<i32>} : memref<512xi32, #tpu.memory_space<vmem>>, vector<16xi32>,
    %rem3A_1151 = arith.constant 128 : i32
    %rem3A_1152 = vector.broadcast %rem3A_1151 : i32 to vector<16xi32>
    %rem3A_1153 = arith.remsi %get3A_1112, %rem3A_1152 : vector<16xi32>
    %swap3A_1154 = arith.constant 208 : index
    %swap3A_1155 = tpu.vector_load %arg11[%swap3A_1154] {strides = array<i32>} : memref<512xi32, #tpu.memory_space<vmem>>, vector<16xi32>,
    tpu.vector_store %arg11[%swap3A_1154], %rem3A_1153 {strides = array<i32>} : memref<512xi32, #tpu.memory_space<vmem>>, vector<16xi32>,
    %jit3A_1156 = arith.constant 128 : i32
    %div3A_1157 = vector.broadcast %jit3A_1156 : i32 to vector<16xi32>
    %div3A_1158 = arith.divsi %get3A_1114, %div3A_1157 : vector<16xi32>
    %sign3A_1159 = arith.constant 0 : i32
    %sign3A_1160 = vector.broadcast %sign3A_1159 : i32 to vector<16xi32>
    %sign3A_1161 = arith.cmpi sgt, %get3A_1114, %sign3A_1160 : vector<16xi32>
    %sign3A_1162 = arith.extui %sign3A_1161 : vector<16xi1> to vector<16xi32>
    %sign3A_1163 = arith.constant 0 : i32
    %sign3A_1164 = vector.broadcast %sign3A_1163 : i32 to vector<16xi32>
    %sign3A_1165 = arith.cmpi slt, %get3A_1114, %sign3A_1164 : vector<16xi32>
    %sign3A_1166 = arith.extui %sign3A_1165 : vector<16xi1> to vector<16xi32>
    %sign3A_1167 = arith.subi %sign3A_1162, %sign3A_1166 : vector<16xi32>
    %sign3A_1168 = arith.constant 0 : i32
    %sign3A_1169 = arith.cmpi sgt, %jit3A_1156, %sign3A_1168 : i32
    %sign3A_1170 = arith.extui %sign3A_1169 : i1 to i32
    %sign3A_1171 = arith.constant 0 : i32
    %sign3A_1172 = arith.cmpi slt, %jit3A_1156, %sign3A_1171 : i32
    %sign3A_1173 = arith.extui %sign3A_1172 : i1 to i32
    %sign3A_1174 = arith.subi %sign3A_1170, %sign3A_1173 : i32
    %ne3A_1175 = vector.broadcast %sign3A_1174 : i32 to vector<16xi32>
    %ne3A_1176 = arith.cmpi ne, %sign3A_1167, %ne3A_1175 : vector<16xi32>
    %rem3A_1177 = vector.broadcast %jit3A_1156 : i32 to vector<16xi32>
    %rem3A_1178 = arith.remsi %get3A_1114, %rem3A_1177 : vector<16xi32>
    %ne3A_1179 = arith.constant 0 : i32
    %ne3A_1180 = vector.broadcast %ne3A_1179 : i32 to vector<16xi32>
    %ne3A_1181 = arith.cmpi ne, %rem3A_1178, %ne3A_1180 : vector<16xi32>
    %and3A_1182 = arith.andi %ne3A_1176, %ne3A_1181 : vector<16xi1>
    %sub3A_1183 = arith.constant 1 : i32
    %sub3A_1184 = vector.broadcast %sub3A_1183 : i32 to vector<16xi32>
    %sub3A_1185 = arith.subi %div3A_1158, %sub3A_1184 : vector<16xi32>
    %select_n3A_1186 = arith.select %and3A_1182, %sub3A_1185, %div3A_1158 : vector<16xi1>, vector<16xi32>
    %mul3A_1187 = arith.constant 128 : i32
    %mul3A_1188 = vector.broadcast %mul3A_1187 : i32 to vector<16xi32>
    %mul3A_1189 = arith.muli %select_n3A_1186, %mul3A_1188 : vector<16xi32>
    %swap3A_1190 = arith.constant 208 : index
    %swap3A_1191 = tpu.vector_load %arg12[%swap3A_1190] {strides = array<i32>} : memref<512xi32, #tpu.memory_space<vmem>>, vector<16xi32>,
    tpu.vector_store %arg12[%swap3A_1190], %mul3A_1189 {strides = array<i32>} : memref<512xi32, #tpu.memory_space<vmem>>, vector<16xi32>,
    %rem3A_1192 = arith.constant 128 : i32
    %rem3A_1193 = vector.broadcast %rem3A_1192 : i32 to vector<16xi32>
    %rem3A_1194 = arith.remsi %get3A_1114, %rem3A_1193 : vector<16xi32>
    %swap3A_1195 = arith.constant 208 : index
    %swap3A_1196 = tpu.vector_load %arg13[%swap3A_1195] {strides = array<i32>} : memref<512xi32, #tpu.memory_space<vmem>>, vector<16xi32>,
    tpu.vector_store %arg13[%swap3A_1195], %rem3A_1194 {strides = array<i32>} : memref<512xi32, #tpu.memory_space<vmem>>, vector<16xi32>,
    %get3A_1197 = arith.constant 224 : index
    %get3A_1198 = tpu.vector_load %arg8[%get3A_1197] {strides = array<i32>} : memref<512xi32, #tpu.memory_space<vmem>>, vector<16xi32>,
    %get3A_1199 = arith.constant 224 : index
    %get3A_1200 = tpu.vector_load %arg9[%get3A_1199] {strides = array<i32>} : memref<512xi32, #tpu.memory_space<vmem>>, vector<16xi32>,
    %jit3A_1201 = arith.constant 128 : i32
    %div3A_1202 = vector.broadcast %jit3A_1201 : i32 to vector<16xi32>
    %div3A_1203 = arith.divsi %get3A_1198, %div3A_1202 : vector<16xi32>
    %sign3A_1204 = arith.constant 0 : i32
    %sign3A_1205 = vector.broadcast %sign3A_1204 : i32 to vector<16xi32>
    %sign3A_1206 = arith.cmpi sgt, %get3A_1198, %sign3A_1205 : vector<16xi32>
    %sign3A_1207 = arith.extui %sign3A_1206 : vector<16xi1> to vector<16xi32>
    %sign3A_1208 = arith.constant 0 : i32
    %sign3A_1209 = vector.broadcast %sign3A_1208 : i32 to vector<16xi32>
    %sign3A_1210 = arith.cmpi slt, %get3A_1198, %sign3A_1209 : vector<16xi32>
    %sign3A_1211 = arith.extui %sign3A_1210 : vector<16xi1> to vector<16xi32>
    %sign3A_1212 = arith.subi %sign3A_1207, %sign3A_1211 : vector<16xi32>
    %sign3A_1213 = arith.constant 0 : i32
    %sign3A_1214 = arith.cmpi sgt, %jit3A_1201, %sign3A_1213 : i32
    %sign3A_1215 = arith.extui %sign3A_1214 : i1 to i32
    %sign3A_1216 = arith.constant 0 : i32
    %sign3A_1217 = arith.cmpi slt, %jit3A_1201, %sign3A_1216 : i32
    %sign3A_1218 = arith.extui %sign3A_1217 : i1 to i32
    %sign3A_1219 = arith.subi %sign3A_1215, %sign3A_1218 : i32
    %ne3A_1220 = vector.broadcast %sign3A_1219 : i32 to vector<16xi32>
    %ne3A_1221 = arith.cmpi ne, %sign3A_1212, %ne3A_1220 : vector<16xi32>
    %rem3A_1222 = vector.broadcast %jit3A_1201 : i32 to vector<16xi32>
    %rem3A_1223 = arith.remsi %get3A_1198, %rem3A_1222 : vector<16xi32>
    %ne3A_1224 = arith.constant 0 : i32
    %ne3A_1225 = vector.broadcast %ne3A_1224 : i32 to vector<16xi32>
    %ne3A_1226 = arith.cmpi ne, %rem3A_1223, %ne3A_1225 : vector<16xi32>
    %and3A_1227 = arith.andi %ne3A_1221, %ne3A_1226 : vector<16xi1>
    %sub3A_1228 = arith.constant 1 : i32
    %sub3A_1229 = vector.broadcast %sub3A_1228 : i32 to vector<16xi32>
    %sub3A_1230 = arith.subi %div3A_1203, %sub3A_1229 : vector<16xi32>
    %select_n3A_1231 = arith.select %and3A_1227, %sub3A_1230, %div3A_1203 : vector<16xi1>, vector<16xi32>
    %mul3A_1232 = arith.constant 128 : i32
    %mul3A_1233 = vector.broadcast %mul3A_1232 : i32 to vector<16xi32>
    %mul3A_1234 = arith.muli %select_n3A_1231, %mul3A_1233 : vector<16xi32>
    %swap3A_1235 = arith.constant 224 : index
    %swap3A_1236 = tpu.vector_load %arg10[%swap3A_1235] {strides = array<i32>} : memref<512xi32, #tpu.memory_space<vmem>>, vector<16xi32>,
    tpu.vector_store %arg10[%swap3A_1235], %mul3A_1234 {strides = array<i32>} : memref<512xi32, #tpu.memory_space<vmem>>, vector<16xi32>,
    %rem3A_1237 = arith.constant 128 : i32
    %rem3A_1238 = vector.broadcast %rem3A_1237 : i32 to vector<16xi32>
    %rem3A_1239 = arith.remsi %get3A_1198, %rem3A_1238 : vector<16xi32>
    %swap3A_1240 = arith.constant 224 : index
    %swap3A_1241 = tpu.vector_load %arg11[%swap3A_1240] {strides = array<i32>} : memref<512xi32, #tpu.memory_space<vmem>>, vector<16xi32>,
    tpu.vector_store %arg11[%swap3A_1240], %rem3A_1239 {strides = array<i32>} : memref<512xi32, #tpu.memory_space<vmem>>, vector<16xi32>,
    %jit3A_1242 = arith.constant 128 : i32
    %div3A_1243 = vector.broadcast %jit3A_1242 : i32 to vector<16xi32>
    %div3A_1244 = arith.divsi %get3A_1200, %div3A_1243 : vector<16xi32>
    %sign3A_1245 = arith.constant 0 : i32
    %sign3A_1246 = vector.broadcast %sign3A_1245 : i32 to vector<16xi32>
    %sign3A_1247 = arith.cmpi sgt, %get3A_1200, %sign3A_1246 : vector<16xi32>
    %sign3A_1248 = arith.extui %sign3A_1247 : vector<16xi1> to vector<16xi32>
    %sign3A_1249 = arith.constant 0 : i32
    %sign3A_1250 = vector.broadcast %sign3A_1249 : i32 to vector<16xi32>
    %sign3A_1251 = arith.cmpi slt, %get3A_1200, %sign3A_1250 : vector<16xi32>
    %sign3A_1252 = arith.extui %sign3A_1251 : vector<16xi1> to vector<16xi32>
    %sign3A_1253 = arith.subi %sign3A_1248, %sign3A_1252 : vector<16xi32>
    %sign3A_1254 = arith.constant 0 : i32
    %sign3A_1255 = arith.cmpi sgt, %jit3A_1242, %sign3A_1254 : i32
    %sign3A_1256 = arith.extui %sign3A_1255 : i1 to i32
    %sign3A_1257 = arith.constant 0 : i32
    %sign3A_1258 = arith.cmpi slt, %jit3A_1242, %sign3A_1257 : i32
    %sign3A_1259 = arith.extui %sign3A_1258 : i1 to i32
    %sign3A_1260 = arith.subi %sign3A_1256, %sign3A_1259 : i32
    %ne3A_1261 = vector.broadcast %sign3A_1260 : i32 to vector<16xi32>
    %ne3A_1262 = arith.cmpi ne, %sign3A_1253, %ne3A_1261 : vector<16xi32>
    %rem3A_1263 = vector.broadcast %jit3A_1242 : i32 to vector<16xi32>
    %rem3A_1264 = arith.remsi %get3A_1200, %rem3A_1263 : vector<16xi32>
    %ne3A_1265 = arith.constant 0 : i32
    %ne3A_1266 = vector.broadcast %ne3A_1265 : i32 to vector<16xi32>
    %ne3A_1267 = arith.cmpi ne, %rem3A_1264, %ne3A_1266 : vector<16xi32>
    %and3A_1268 = arith.andi %ne3A_1262, %ne3A_1267 : vector<16xi1>
    %sub3A_1269 = arith.constant 1 : i32
    %sub3A_1270 = vector.broadcast %sub3A_1269 : i32 to vector<16xi32>
    %sub3A_1271 = arith.subi %div3A_1244, %sub3A_1270 : vector<16xi32>
    %select_n3A_1272 = arith.select %and3A_1268, %sub3A_1271, %div3A_1244 : vector<16xi1>, vector<16xi32>
    %mul3A_1273 = arith.constant 128 : i32
    %mul3A_1274 = vector.broadcast %mul3A_1273 : i32 to vector<16xi32>
    %mul3A_1275 = arith.muli %select_n3A_1272, %mul3A_1274 : vector<16xi32>
    %swap3A_1276 = arith.constant 224 : index
    %swap3A_1277 = tpu.vector_load %arg12[%swap3A_1276] {strides = array<i32>} : memref<512xi32, #tpu.memory_space<vmem>>, vector<16xi32>,
    tpu.vector_store %arg12[%swap3A_1276], %mul3A_1275 {strides = array<i32>} : memref<512xi32, #tpu.memory_space<vmem>>, vector<16xi32>,
    %rem3A_1278 = arith.constant 128 : i32
    %rem3A_1279 = vector.broadcast %rem3A_1278 : i32 to vector<16xi32>
    %rem3A_1280 = arith.remsi %get3A_1200, %rem3A_1279 : vector<16xi32>
    %swap3A_1281 = arith.constant 224 : index
    %swap3A_1282 = tpu.vector_load %arg13[%swap3A_1281] {strides = array<i32>} : memref<512xi32, #tpu.memory_space<vmem>>, vector<16xi32>,
    tpu.vector_store %arg13[%swap3A_1281], %rem3A_1280 {strides = array<i32>} : memref<512xi32, #tpu.memory_space<vmem>>, vector<16xi32>,
    %get3A_1283 = arith.constant 240 : index
    %get3A_1284 = tpu.vector_load %arg8[%get3A_1283] {strides = array<i32>} : memref<512xi32, #tpu.memory_space<vmem>>, vector<16xi32>,
    %get3A_1285 = arith.constant 240 : index
    %get3A_1286 = tpu.vector_load %arg9[%get3A_1285] {strides = array<i32>} : memref<512xi32, #tpu.memory_space<vmem>>, vector<16xi32>,
    %jit3A_1287 = arith.constant 128 : i32
    %div3A_1288 = vector.broadcast %jit3A_1287 : i32 to vector<16xi32>
    %div3A_1289 = arith.divsi %get3A_1284, %div3A_1288 : vector<16xi32>
    %sign3A_1290 = arith.constant 0 : i32
    %sign3A_1291 = vector.broadcast %sign3A_1290 : i32 to vector<16xi32>
    %sign3A_1292 = arith.cmpi sgt, %get3A_1284, %sign3A_1291 : vector<16xi32>
    %sign3A_1293 = arith.extui %sign3A_1292 : vector<16xi1> to vector<16xi32>
    %sign3A_1294 = arith.constant 0 : i32
    %sign3A_1295 = vector.broadcast %sign3A_1294 : i32 to vector<16xi32>
    %sign3A_1296 = arith.cmpi slt, %get3A_1284, %sign3A_1295 : vector<16xi32>
    %sign3A_1297 = arith.extui %sign3A_1296 : vector<16xi1> to vector<16xi32>
    %sign3A_1298 = arith.subi %sign3A_1293, %sign3A_1297 : vector<16xi32>
    %sign3A_1299 = arith.constant 0 : i32
    %sign3A_1300 = arith.cmpi sgt, %jit3A_1287, %sign3A_1299 : i32
    %sign3A_1301 = arith.extui %sign3A_1300 : i1 to i32
    %sign3A_1302 = arith.constant 0 : i32
    %sign3A_1303 = arith.cmpi slt, %jit3A_1287, %sign3A_1302 : i32
    %sign3A_1304 = arith.extui %sign3A_1303 : i1 to i32
    %sign3A_1305 = arith.subi %sign3A_1301, %sign3A_1304 : i32
    %ne3A_1306 = vector.broadcast %sign3A_1305 : i32 to vector<16xi32>
    %ne3A_1307 = arith.cmpi ne, %sign3A_1298, %ne3A_1306 : vector<16xi32>
    %rem3A_1308 = vector.broadcast %jit3A_1287 : i32 to vector<16xi32>
    %rem3A_1309 = arith.remsi %get3A_1284, %rem3A_1308 : vector<16xi32>
    %ne3A_1310 = arith.constant 0 : i32
    %ne3A_1311 = vector.broadcast %ne3A_1310 : i32 to vector<16xi32>
    %ne3A_1312 = arith.cmpi ne, %rem3A_1309, %ne3A_1311 : vector<16xi32>
    %and3A_1313 = arith.andi %ne3A_1307, %ne3A_1312 : vector<16xi1>
    %sub3A_1314 = arith.constant 1 : i32
    %sub3A_1315 = vector.broadcast %sub3A_1314 : i32 to vector<16xi32>
    %sub3A_1316 = arith.subi %div3A_1289, %sub3A_1315 : vector<16xi32>
    %select_n3A_1317 = arith.select %and3A_1313, %sub3A_1316, %div3A_1289 : vector<16xi1>, vector<16xi32>
    %mul3A_1318 = arith.constant 128 : i32
    %mul3A_1319 = vector.broadcast %mul3A_1318 : i32 to vector<16xi32>
    %mul3A_1320 = arith.muli %select_n3A_1317, %mul3A_1319 : vector<16xi32>
    %swap3A_1321 = arith.constant 240 : index
    %swap3A_1322 = tpu.vector_load %arg10[%swap3A_1321] {strides = array<i32>} : memref<512xi32, #tpu.memory_space<vmem>>, vector<16xi32>,
    tpu.vector_store %arg10[%swap3A_1321], %mul3A_1320 {strides = array<i32>} : memref<512xi32, #tpu.memory_space<vmem>>, vector<16xi32>,
    %rem3A_1323 = arith.constant 128 : i32
    %rem3A_1324 = vector.broadcast %rem3A_1323 : i32 to vector<16xi32>
    %rem3A_1325 = arith.remsi %get3A_1284, %rem3A_1324 : vector<16xi32>
    %swap3A_1326 = arith.constant 240 : index
    %swap3A_1327 = tpu.vector_load %arg11[%swap3A_1326] {strides = array<i32>} : memref<512xi32, #tpu.memory_space<vmem>>, vector<16xi32>,
    tpu.vector_store %arg11[%swap3A_1326], %rem3A_1325 {strides = array<i32>} : memref<512xi32, #tpu.memory_space<vmem>>, vector<16xi32>,
    %jit3A_1328 = arith.constant 128 : i32
    %div3A_1329 = vector.broadcast %jit3A_1328 : i32 to vector<16xi32>
    %div3A_1330 = arith.divsi %get3A_1286, %div3A_1329 : vector<16xi32>
    %sign3A_1331 = arith.constant 0 : i32
    %sign3A_1332 = vector.broadcast %sign3A_1331 : i32 to vector<16xi32>
    %sign3A_1333 = arith.cmpi sgt, %get3A_1286, %sign3A_1332 : vector<16xi32>
    %sign3A_1334 = arith.extui %sign3A_1333 : vector<16xi1> to vector<16xi32>
    %sign3A_1335 = arith.constant 0 : i32
    %sign3A_1336 = vector.broadcast %sign3A_1335 : i32 to vector<16xi32>
    %sign3A_1337 = arith.cmpi slt, %get3A_1286, %sign3A_1336 : vector<16xi32>
    %sign3A_1338 = arith.extui %sign3A_1337 : vector<16xi1> to vector<16xi32>
    %sign3A_1339 = arith.subi %sign3A_1334, %sign3A_1338 : vector<16xi32>
    %sign3A_1340 = arith.constant 0 : i32
    %sign3A_1341 = arith.cmpi sgt, %jit3A_1328, %sign3A_1340 : i32
    %sign3A_1342 = arith.extui %sign3A_1341 : i1 to i32
    %sign3A_1343 = arith.constant 0 : i32
    %sign3A_1344 = arith.cmpi slt, %jit3A_1328, %sign3A_1343 : i32
    %sign3A_1345 = arith.extui %sign3A_1344 : i1 to i32
    %sign3A_1346 = arith.subi %sign3A_1342, %sign3A_1345 : i32
    %ne3A_1347 = vector.broadcast %sign3A_1346 : i32 to vector<16xi32>
    %ne3A_1348 = arith.cmpi ne, %sign3A_1339, %ne3A_1347 : vector<16xi32>
    %rem3A_1349 = vector.broadcast %jit3A_1328 : i32 to vector<16xi32>
    %rem3A_1350 = arith.remsi %get3A_1286, %rem3A_1349 : vector<16xi32>
    %ne3A_1351 = arith.constant 0 : i32
    %ne3A_1352 = vector.broadcast %ne3A_1351 : i32 to vector<16xi32>
    %ne3A_1353 = arith.cmpi ne, %rem3A_1350, %ne3A_1352 : vector<16xi32>
    %and3A_1354 = arith.andi %ne3A_1348, %ne3A_1353 : vector<16xi1>
    %sub3A_1355 = arith.constant 1 : i32
    %sub3A_1356 = vector.broadcast %sub3A_1355 : i32 to vector<16xi32>
    %sub3A_1357 = arith.subi %div3A_1330, %sub3A_1356 : vector<16xi32>
    %select_n3A_1358 = arith.select %and3A_1354, %sub3A_1357, %div3A_1330 : vector<16xi1>, vector<16xi32>
    %mul3A_1359 = arith.constant 128 : i32
    %mul3A_1360 = vector.broadcast %mul3A_1359 : i32 to vector<16xi32>
    %mul3A_1361 = arith.muli %select_n3A_1358, %mul3A_1360 : vector<16xi32>
    %swap3A_1362 = arith.constant 240 : index
    %swap3A_1363 = tpu.vector_load %arg12[%swap3A_1362] {strides = array<i32>} : memref<512xi32, #tpu.memory_space<vmem>>, vector<16xi32>,
    tpu.vector_store %arg12[%swap3A_1362], %mul3A_1361 {strides = array<i32>} : memref<512xi32, #tpu.memory_space<vmem>>, vector<16xi32>,
    %rem3A_1364 = arith.constant 128 : i32
    %rem3A_1365 = vector.broadcast %rem3A_1364 : i32 to vector<16xi32>
    %rem3A_1366 = arith.remsi %get3A_1286, %rem3A_1365 : vector<16xi32>
    %swap3A_1367 = arith.constant 240 : index
    %swap3A_1368 = tpu.vector_load %arg13[%swap3A_1367] {strides = array<i32>} : memref<512xi32, #tpu.memory_space<vmem>>, vector<16xi32>,
    tpu.vector_store %arg13[%swap3A_1367], %rem3A_1366 {strides = array<i32>} : memref<512xi32, #tpu.memory_space<vmem>>, vector<16xi32>,
    %get3A_1369 = arith.constant 256 : index
    %get3A_1370 = tpu.vector_load %arg8[%get3A_1369] {strides = array<i32>} : memref<512xi32, #tpu.memory_space<vmem>>, vector<16xi32>,
    %get3A_1371 = arith.constant 256 : index
    %get3A_1372 = tpu.vector_load %arg9[%get3A_1371] {strides = array<i32>} : memref<512xi32, #tpu.memory_space<vmem>>, vector<16xi32>,
    %jit3A_1373 = arith.constant 128 : i32
    %div3A_1374 = vector.broadcast %jit3A_1373 : i32 to vector<16xi32>
    %div3A_1375 = arith.divsi %get3A_1370, %div3A_1374 : vector<16xi32>
    %sign3A_1376 = arith.constant 0 : i32
    %sign3A_1377 = vector.broadcast %sign3A_1376 : i32 to vector<16xi32>
    %sign3A_1378 = arith.cmpi sgt, %get3A_1370, %sign3A_1377 : vector<16xi32>
    %sign3A_1379 = arith.extui %sign3A_1378 : vector<16xi1> to vector<16xi32>
    %sign3A_1380 = arith.constant 0 : i32
    %sign3A_1381 = vector.broadcast %sign3A_1380 : i32 to vector<16xi32>
    %sign3A_1382 = arith.cmpi slt, %get3A_1370, %sign3A_1381 : vector<16xi32>
    %sign3A_1383 = arith.extui %sign3A_1382 : vector<16xi1> to vector<16xi32>
    %sign3A_1384 = arith.subi %sign3A_1379, %sign3A_1383 : vector<16xi32>
    %sign3A_1385 = arith.constant 0 : i32
    %sign3A_1386 = arith.cmpi sgt, %jit3A_1373, %sign3A_1385 : i32
    %sign3A_1387 = arith.extui %sign3A_1386 : i1 to i32
    %sign3A_1388 = arith.constant 0 : i32
    %sign3A_1389 = arith.cmpi slt, %jit3A_1373, %sign3A_1388 : i32
    %sign3A_1390 = arith.extui %sign3A_1389 : i1 to i32
    %sign3A_1391 = arith.subi %sign3A_1387, %sign3A_1390 : i32
    %ne3A_1392 = vector.broadcast %sign3A_1391 : i32 to vector<16xi32>
    %ne3A_1393 = arith.cmpi ne, %sign3A_1384, %ne3A_1392 : vector<16xi32>
    %rem3A_1394 = vector.broadcast %jit3A_1373 : i32 to vector<16xi32>
    %rem3A_1395 = arith.remsi %get3A_1370, %rem3A_1394 : vector<16xi32>
    %ne3A_1396 = arith.constant 0 : i32
    %ne3A_1397 = vector.broadcast %ne3A_1396 : i32 to vector<16xi32>
    %ne3A_1398 = arith.cmpi ne, %rem3A_1395, %ne3A_1397 : vector<16xi32>
    %and3A_1399 = arith.andi %ne3A_1393, %ne3A_1398 : vector<16xi1>
    %sub3A_1400 = arith.constant 1 : i32
    %sub3A_1401 = vector.broadcast %sub3A_1400 : i32 to vector<16xi32>
    %sub3A_1402 = arith.subi %div3A_1375, %sub3A_1401 : vector<16xi32>
    %select_n3A_1403 = arith.select %and3A_1399, %sub3A_1402, %div3A_1375 : vector<16xi1>, vector<16xi32>
    %mul3A_1404 = arith.constant 128 : i32
    %mul3A_1405 = vector.broadcast %mul3A_1404 : i32 to vector<16xi32>
    %mul3A_1406 = arith.muli %select_n3A_1403, %mul3A_1405 : vector<16xi32>
    %swap3A_1407 = arith.constant 256 : index
    %swap3A_1408 = tpu.vector_load %arg10[%swap3A_1407] {strides = array<i32>} : memref<512xi32, #tpu.memory_space<vmem>>, vector<16xi32>,
    tpu.vector_store %arg10[%swap3A_1407], %mul3A_1406 {strides = array<i32>} : memref<512xi32, #tpu.memory_space<vmem>>, vector<16xi32>,
    %rem3A_1409 = arith.constant 128 : i32
    %rem3A_1410 = vector.broadcast %rem3A_1409 : i32 to vector<16xi32>
    %rem3A_1411 = arith.remsi %get3A_1370, %rem3A_1410 : vector<16xi32>
    %swap3A_1412 = arith.constant 256 : index
    %swap3A_1413 = tpu.vector_load %arg11[%swap3A_1412] {strides = array<i32>} : memref<512xi32, #tpu.memory_space<vmem>>, vector<16xi32>,
    tpu.vector_store %arg11[%swap3A_1412], %rem3A_1411 {strides = array<i32>} : memref<512xi32, #tpu.memory_space<vmem>>, vector<16xi32>,
    %jit3A_1414 = arith.constant 128 : i32
    %div3A_1415 = vector.broadcast %jit3A_1414 : i32 to vector<16xi32>
    %div3A_1416 = arith.divsi %get3A_1372, %div3A_1415 : vector<16xi32>
    %sign3A_1417 = arith.constant 0 : i32
    %sign3A_1418 = vector.broadcast %sign3A_1417 : i32 to vector<16xi32>
    %sign3A_1419 = arith.cmpi sgt, %get3A_1372, %sign3A_1418 : vector<16xi32>
    %sign3A_1420 = arith.extui %sign3A_1419 : vector<16xi1> to vector<16xi32>
    %sign3A_1421 = arith.constant 0 : i32
    %sign3A_1422 = vector.broadcast %sign3A_1421 : i32 to vector<16xi32>
    %sign3A_1423 = arith.cmpi slt, %get3A_1372, %sign3A_1422 : vector<16xi32>
    %sign3A_1424 = arith.extui %sign3A_1423 : vector<16xi1> to vector<16xi32>
    %sign3A_1425 = arith.subi %sign3A_1420, %sign3A_1424 : vector<16xi32>
    %sign3A_1426 = arith.constant 0 : i32
    %sign3A_1427 = arith.cmpi sgt, %jit3A_1414, %sign3A_1426 : i32
    %sign3A_1428 = arith.extui %sign3A_1427 : i1 to i32
    %sign3A_1429 = arith.constant 0 : i32
    %sign3A_1430 = arith.cmpi slt, %jit3A_1414, %sign3A_1429 : i32
    %sign3A_1431 = arith.extui %sign3A_1430 : i1 to i32
    %sign3A_1432 = arith.subi %sign3A_1428, %sign3A_1431 : i32
    %ne3A_1433 = vector.broadcast %sign3A_1432 : i32 to vector<16xi32>
    %ne3A_1434 = arith.cmpi ne, %sign3A_1425, %ne3A_1433 : vector<16xi32>
    %rem3A_1435 = vector.broadcast %jit3A_1414 : i32 to vector<16xi32>
    %rem3A_1436 = arith.remsi %get3A_1372, %rem3A_1435 : vector<16xi32>
    %ne3A_1437 = arith.constant 0 : i32
    %ne3A_1438 = vector.broadcast %ne3A_1437 : i32 to vector<16xi32>
    %ne3A_1439 = arith.cmpi ne, %rem3A_1436, %ne3A_1438 : vector<16xi32>
    %and3A_1440 = arith.andi %ne3A_1434, %ne3A_1439 : vector<16xi1>
    %sub3A_1441 = arith.constant 1 : i32
    %sub3A_1442 = vector.broadcast %sub3A_1441 : i32 to vector<16xi32>
    %sub3A_1443 = arith.subi %div3A_1416, %sub3A_1442 : vector<16xi32>
    %select_n3A_1444 = arith.select %and3A_1440, %sub3A_1443, %div3A_1416 : vector<16xi1>, vector<16xi32>
    %mul3A_1445 = arith.constant 128 : i32
    %mul3A_1446 = vector.broadcast %mul3A_1445 : i32 to vector<16xi32>
    %mul3A_1447 = arith.muli %select_n3A_1444, %mul3A_1446 : vector<16xi32>
    %swap3A_1448 = arith.constant 256 : index
    %swap3A_1449 = tpu.vector_load %arg12[%swap3A_1448] {strides = array<i32>} : memref<512xi32, #tpu.memory_space<vmem>>, vector<16xi32>,
    tpu.vector_store %arg12[%swap3A_1448], %mul3A_1447 {strides = array<i32>} : memref<512xi32, #tpu.memory_space<vmem>>, vector<16xi32>,
    %rem3A_1450 = arith.constant 128 : i32
    %rem3A_1451 = vector.broadcast %rem3A_1450 : i32 to vector<16xi32>
    %rem3A_1452 = arith.remsi %get3A_1372, %rem3A_1451 : vector<16xi32>
    %swap3A_1453 = arith.constant 256 : index
    %swap3A_1454 = tpu.vector_load %arg13[%swap3A_1453] {strides = array<i32>} : memref<512xi32, #tpu.memory_space<vmem>>, vector<16xi32>,
    tpu.vector_store %arg13[%swap3A_1453], %rem3A_1452 {strides = array<i32>} : memref<512xi32, #tpu.memory_space<vmem>>, vector<16xi32>,
    %get3A_1455 = arith.constant 272 : index
    %get3A_1456 = tpu.vector_load %arg8[%get3A_1455] {strides = array<i32>} : memref<512xi32, #tpu.memory_space<vmem>>, vector<16xi32>,
    %get3A_1457 = arith.constant 272 : index
    %get3A_1458 = tpu.vector_load %arg9[%get3A_1457] {strides = array<i32>} : memref<512xi32, #tpu.memory_space<vmem>>, vector<16xi32>,
    %jit3A_1459 = arith.constant 128 : i32
    %div3A_1460 = vector.broadcast %jit3A_1459 : i32 to vector<16xi32>
    %div3A_1461 = arith.divsi %get3A_1456, %div3A_1460 : vector<16xi32>
    %sign3A_1462 = arith.constant 0 : i32
    %sign3A_1463 = vector.broadcast %sign3A_1462 : i32 to vector<16xi32>
    %sign3A_1464 = arith.cmpi sgt, %get3A_1456, %sign3A_1463 : vector<16xi32>
    %sign3A_1465 = arith.extui %sign3A_1464 : vector<16xi1> to vector<16xi32>
    %sign3A_1466 = arith.constant 0 : i32
    %sign3A_1467 = vector.broadcast %sign3A_1466 : i32 to vector<16xi32>
    %sign3A_1468 = arith.cmpi slt, %get3A_1456, %sign3A_1467 : vector<16xi32>
    %sign3A_1469 = arith.extui %sign3A_1468 : vector<16xi1> to vector<16xi32>
    %sign3A_1470 = arith.subi %sign3A_1465, %sign3A_1469 : vector<16xi32>
    %sign3A_1471 = arith.constant 0 : i32
    %sign3A_1472 = arith.cmpi sgt, %jit3A_1459, %sign3A_1471 : i32
    %sign3A_1473 = arith.extui %sign3A_1472 : i1 to i32
    %sign3A_1474 = arith.constant 0 : i32
    %sign3A_1475 = arith.cmpi slt, %jit3A_1459, %sign3A_1474 : i32
    %sign3A_1476 = arith.extui %sign3A_1475 : i1 to i32
    %sign3A_1477 = arith.subi %sign3A_1473, %sign3A_1476 : i32
    %ne3A_1478 = vector.broadcast %sign3A_1477 : i32 to vector<16xi32>
    %ne3A_1479 = arith.cmpi ne, %sign3A_1470, %ne3A_1478 : vector<16xi32>
    %rem3A_1480 = vector.broadcast %jit3A_1459 : i32 to vector<16xi32>
    %rem3A_1481 = arith.remsi %get3A_1456, %rem3A_1480 : vector<16xi32>
    %ne3A_1482 = arith.constant 0 : i32
    %ne3A_1483 = vector.broadcast %ne3A_1482 : i32 to vector<16xi32>
    %ne3A_1484 = arith.cmpi ne, %rem3A_1481, %ne3A_1483 : vector<16xi32>
    %and3A_1485 = arith.andi %ne3A_1479, %ne3A_1484 : vector<16xi1>
    %sub3A_1486 = arith.constant 1 : i32
    %sub3A_1487 = vector.broadcast %sub3A_1486 : i32 to vector<16xi32>
    %sub3A_1488 = arith.subi %div3A_1461, %sub3A_1487 : vector<16xi32>
    %select_n3A_1489 = arith.select %and3A_1485, %sub3A_1488, %div3A_1461 : vector<16xi1>, vector<16xi32>
    %mul3A_1490 = arith.constant 128 : i32
    %mul3A_1491 = vector.broadcast %mul3A_1490 : i32 to vector<16xi32>
    %mul3A_1492 = arith.muli %select_n3A_1489, %mul3A_1491 : vector<16xi32>
    %swap3A_1493 = arith.constant 272 : index
    %swap3A_1494 = tpu.vector_load %arg10[%swap3A_1493] {strides = array<i32>} : memref<512xi32, #tpu.memory_space<vmem>>, vector<16xi32>,
    tpu.vector_store %arg10[%swap3A_1493], %mul3A_1492 {strides = array<i32>} : memref<512xi32, #tpu.memory_space<vmem>>, vector<16xi32>,
    %rem3A_1495 = arith.constant 128 : i32
    %rem3A_1496 = vector.broadcast %rem3A_1495 : i32 to vector<16xi32>
    %rem3A_1497 = arith.remsi %get3A_1456, %rem3A_1496 : vector<16xi32>
    %swap3A_1498 = arith.constant 272 : index
    %swap3A_1499 = tpu.vector_load %arg11[%swap3A_1498] {strides = array<i32>} : memref<512xi32, #tpu.memory_space<vmem>>, vector<16xi32>,
    tpu.vector_store %arg11[%swap3A_1498], %rem3A_1497 {strides = array<i32>} : memref<512xi32, #tpu.memory_space<vmem>>, vector<16xi32>,
    %jit3A_1500 = arith.constant 128 : i32
    %div3A_1501 = vector.broadcast %jit3A_1500 : i32 to vector<16xi32>
    %div3A_1502 = arith.divsi %get3A_1458, %div3A_1501 : vector<16xi32>
    %sign3A_1503 = arith.constant 0 : i32
    %sign3A_1504 = vector.broadcast %sign3A_1503 : i32 to vector<16xi32>
    %sign3A_1505 = arith.cmpi sgt, %get3A_1458, %sign3A_1504 : vector<16xi32>
    %sign3A_1506 = arith.extui %sign3A_1505 : vector<16xi1> to vector<16xi32>
    %sign3A_1507 = arith.constant 0 : i32
    %sign3A_1508 = vector.broadcast %sign3A_1507 : i32 to vector<16xi32>
    %sign3A_1509 = arith.cmpi slt, %get3A_1458, %sign3A_1508 : vector<16xi32>
    %sign3A_1510 = arith.extui %sign3A_1509 : vector<16xi1> to vector<16xi32>
    %sign3A_1511 = arith.subi %sign3A_1506, %sign3A_1510 : vector<16xi32>
    %sign3A_1512 = arith.constant 0 : i32
    %sign3A_1513 = arith.cmpi sgt, %jit3A_1500, %sign3A_1512 : i32
    %sign3A_1514 = arith.extui %sign3A_1513 : i1 to i32
    %sign3A_1515 = arith.constant 0 : i32
    %sign3A_1516 = arith.cmpi slt, %jit3A_1500, %sign3A_1515 : i32
    %sign3A_1517 = arith.extui %sign3A_1516 : i1 to i32
    %sign3A_1518 = arith.subi %sign3A_1514, %sign3A_1517 : i32
    %ne3A_1519 = vector.broadcast %sign3A_1518 : i32 to vector<16xi32>
    %ne3A_1520 = arith.cmpi ne, %sign3A_1511, %ne3A_1519 : vector<16xi32>
    %rem3A_1521 = vector.broadcast %jit3A_1500 : i32 to vector<16xi32>
    %rem3A_1522 = arith.remsi %get3A_1458, %rem3A_1521 : vector<16xi32>
    %ne3A_1523 = arith.constant 0 : i32
    %ne3A_1524 = vector.broadcast %ne3A_1523 : i32 to vector<16xi32>
    %ne3A_1525 = arith.cmpi ne, %rem3A_1522, %ne3A_1524 : vector<16xi32>
    %and3A_1526 = arith.andi %ne3A_1520, %ne3A_1525 : vector<16xi1>
    %sub3A_1527 = arith.constant 1 : i32
    %sub3A_1528 = vector.broadcast %sub3A_1527 : i32 to vector<16xi32>
    %sub3A_1529 = arith.subi %div3A_1502, %sub3A_1528 : vector<16xi32>
    %select_n3A_1530 = arith.select %and3A_1526, %sub3A_1529, %div3A_1502 : vector<16xi1>, vector<16xi32>
    %mul3A_1531 = arith.constant 128 : i32
    %mul3A_1532 = vector.broadcast %mul3A_1531 : i32 to vector<16xi32>
    %mul3A_1533 = arith.muli %select_n3A_1530, %mul3A_1532 : vector<16xi32>
    %swap3A_1534 = arith.constant 272 : index
    %swap3A_1535 = tpu.vector_load %arg12[%swap3A_1534] {strides = array<i32>} : memref<512xi32, #tpu.memory_space<vmem>>, vector<16xi32>,
    tpu.vector_store %arg12[%swap3A_1534], %mul3A_1533 {strides = array<i32>} : memref<512xi32, #tpu.memory_space<vmem>>, vector<16xi32>,
    %rem3A_1536 = arith.constant 128 : i32
    %rem3A_1537 = vector.broadcast %rem3A_1536 : i32 to vector<16xi32>
    %rem3A_1538 = arith.remsi %get3A_1458, %rem3A_1537 : vector<16xi32>
    %swap3A_1539 = arith.constant 272 : index
    %swap3A_1540 = tpu.vector_load %arg13[%swap3A_1539] {strides = array<i32>} : memref<512xi32, #tpu.memory_space<vmem>>, vector<16xi32>,
    tpu.vector_store %arg13[%swap3A_1539], %rem3A_1538 {strides = array<i32>} : memref<512xi32, #tpu.memory_space<vmem>>, vector<16xi32>,
    %get3A_1541 = arith.constant 288 : index
    %get3A_1542 = tpu.vector_load %arg8[%get3A_1541] {strides = array<i32>} : memref<512xi32, #tpu.memory_space<vmem>>, vector<16xi32>,
    %get3A_1543 = arith.constant 288 : index
    %get3A_1544 = tpu.vector_load %arg9[%get3A_1543] {strides = array<i32>} : memref<512xi32, #tpu.memory_space<vmem>>, vector<16xi32>,
    %jit3A_1545 = arith.constant 128 : i32
    %div3A_1546 = vector.broadcast %jit3A_1545 : i32 to vector<16xi32>
    %div3A_1547 = arith.divsi %get3A_1542, %div3A_1546 : vector<16xi32>
    %sign3A_1548 = arith.constant 0 : i32
    %sign3A_1549 = vector.broadcast %sign3A_1548 : i32 to vector<16xi32>
    %sign3A_1550 = arith.cmpi sgt, %get3A_1542, %sign3A_1549 : vector<16xi32>
    %sign3A_1551 = arith.extui %sign3A_1550 : vector<16xi1> to vector<16xi32>
    %sign3A_1552 = arith.constant 0 : i32
    %sign3A_1553 = vector.broadcast %sign3A_1552 : i32 to vector<16xi32>
    %sign3A_1554 = arith.cmpi slt, %get3A_1542, %sign3A_1553 : vector<16xi32>
    %sign3A_1555 = arith.extui %sign3A_1554 : vector<16xi1> to vector<16xi32>
    %sign3A_1556 = arith.subi %sign3A_1551, %sign3A_1555 : vector<16xi32>
    %sign3A_1557 = arith.constant 0 : i32
    %sign3A_1558 = arith.cmpi sgt, %jit3A_1545, %sign3A_1557 : i32
    %sign3A_1559 = arith.extui %sign3A_1558 : i1 to i32
    %sign3A_1560 = arith.constant 0 : i32
    %sign3A_1561 = arith.cmpi slt, %jit3A_1545, %sign3A_1560 : i32
    %sign3A_1562 = arith.extui %sign3A_1561 : i1 to i32
    %sign3A_1563 = arith.subi %sign3A_1559, %sign3A_1562 : i32
    %ne3A_1564 = vector.broadcast %sign3A_1563 : i32 to vector<16xi32>
    %ne3A_1565 = arith.cmpi ne, %sign3A_1556, %ne3A_1564 : vector<16xi32>
    %rem3A_1566 = vector.broadcast %jit3A_1545 : i32 to vector<16xi32>
    %rem3A_1567 = arith.remsi %get3A_1542, %rem3A_1566 : vector<16xi32>
    %ne3A_1568 = arith.constant 0 : i32
    %ne3A_1569 = vector.broadcast %ne3A_1568 : i32 to vector<16xi32>
    %ne3A_1570 = arith.cmpi ne, %rem3A_1567, %ne3A_1569 : vector<16xi32>
    %and3A_1571 = arith.andi %ne3A_1565, %ne3A_1570 : vector<16xi1>
    %sub3A_1572 = arith.constant 1 : i32
    %sub3A_1573 = vector.broadcast %sub3A_1572 : i32 to vector<16xi32>
    %sub3A_1574 = arith.subi %div3A_1547, %sub3A_1573 : vector<16xi32>
    %select_n3A_1575 = arith.select %and3A_1571, %sub3A_1574, %div3A_1547 : vector<16xi1>, vector<16xi32>
    %mul3A_1576 = arith.constant 128 : i32
    %mul3A_1577 = vector.broadcast %mul3A_1576 : i32 to vector<16xi32>
    %mul3A_1578 = arith.muli %select_n3A_1575, %mul3A_1577 : vector<16xi32>
    %swap3A_1579 = arith.constant 288 : index
    %swap3A_1580 = tpu.vector_load %arg10[%swap3A_1579] {strides = array<i32>} : memref<512xi32, #tpu.memory_space<vmem>>, vector<16xi32>,
    tpu.vector_store %arg10[%swap3A_1579], %mul3A_1578 {strides = array<i32>} : memref<512xi32, #tpu.memory_space<vmem>>, vector<16xi32>,
    %rem3A_1581 = arith.constant 128 : i32
    %rem3A_1582 = vector.broadcast %rem3A_1581 : i32 to vector<16xi32>
    %rem3A_1583 = arith.remsi %get3A_1542, %rem3A_1582 : vector<16xi32>
    %swap3A_1584 = arith.constant 288 : index
    %swap3A_1585 = tpu.vector_load %arg11[%swap3A_1584] {strides = array<i32>} : memref<512xi32, #tpu.memory_space<vmem>>, vector<16xi32>,
    tpu.vector_store %arg11[%swap3A_1584], %rem3A_1583 {strides = array<i32>} : memref<512xi32, #tpu.memory_space<vmem>>, vector<16xi32>,
    %jit3A_1586 = arith.constant 128 : i32
    %div3A_1587 = vector.broadcast %jit3A_1586 : i32 to vector<16xi32>
    %div3A_1588 = arith.divsi %get3A_1544, %div3A_1587 : vector<16xi32>
    %sign3A_1589 = arith.constant 0 : i32
    %sign3A_1590 = vector.broadcast %sign3A_1589 : i32 to vector<16xi32>
    %sign3A_1591 = arith.cmpi sgt, %get3A_1544, %sign3A_1590 : vector<16xi32>
    %sign3A_1592 = arith.extui %sign3A_1591 : vector<16xi1> to vector<16xi32>
    %sign3A_1593 = arith.constant 0 : i32
    %sign3A_1594 = vector.broadcast %sign3A_1593 : i32 to vector<16xi32>
    %sign3A_1595 = arith.cmpi slt, %get3A_1544, %sign3A_1594 : vector<16xi32>
    %sign3A_1596 = arith.extui %sign3A_1595 : vector<16xi1> to vector<16xi32>
    %sign3A_1597 = arith.subi %sign3A_1592, %sign3A_1596 : vector<16xi32>
    %sign3A_1598 = arith.constant 0 : i32
    %sign3A_1599 = arith.cmpi sgt, %jit3A_1586, %sign3A_1598 : i32
    %sign3A_1600 = arith.extui %sign3A_1599 : i1 to i32
    %sign3A_1601 = arith.constant 0 : i32
    %sign3A_1602 = arith.cmpi slt, %jit3A_1586, %sign3A_1601 : i32
    %sign3A_1603 = arith.extui %sign3A_1602 : i1 to i32
    %sign3A_1604 = arith.subi %sign3A_1600, %sign3A_1603 : i32
    %ne3A_1605 = vector.broadcast %sign3A_1604 : i32 to vector<16xi32>
    %ne3A_1606 = arith.cmpi ne, %sign3A_1597, %ne3A_1605 : vector<16xi32>
    %rem3A_1607 = vector.broadcast %jit3A_1586 : i32 to vector<16xi32>
    %rem3A_1608 = arith.remsi %get3A_1544, %rem3A_1607 : vector<16xi32>
    %ne3A_1609 = arith.constant 0 : i32
    %ne3A_1610 = vector.broadcast %ne3A_1609 : i32 to vector<16xi32>
    %ne3A_1611 = arith.cmpi ne, %rem3A_1608, %ne3A_1610 : vector<16xi32>
    %and3A_1612 = arith.andi %ne3A_1606, %ne3A_1611 : vector<16xi1>
    %sub3A_1613 = arith.constant 1 : i32
    %sub3A_1614 = vector.broadcast %sub3A_1613 : i32 to vector<16xi32>
    %sub3A_1615 = arith.subi %div3A_1588, %sub3A_1614 : vector<16xi32>
    %select_n3A_1616 = arith.select %and3A_1612, %sub3A_1615, %div3A_1588 : vector<16xi1>, vector<16xi32>
    %mul3A_1617 = arith.constant 128 : i32
    %mul3A_1618 = vector.broadcast %mul3A_1617 : i32 to vector<16xi32>
    %mul3A_1619 = arith.muli %select_n3A_1616, %mul3A_1618 : vector<16xi32>
    %swap3A_1620 = arith.constant 288 : index
    %swap3A_1621 = tpu.vector_load %arg12[%swap3A_1620] {strides = array<i32>} : memref<512xi32, #tpu.memory_space<vmem>>, vector<16xi32>,
    tpu.vector_store %arg12[%swap3A_1620], %mul3A_1619 {strides = array<i32>} : memref<512xi32, #tpu.memory_space<vmem>>, vector<16xi32>,
    %rem3A_1622 = arith.constant 128 : i32
    %rem3A_1623 = vector.broadcast %rem3A_1622 : i32 to vector<16xi32>
    %rem3A_1624 = arith.remsi %get3A_1544, %rem3A_1623 : vector<16xi32>
    %swap3A_1625 = arith.constant 288 : index
    %swap3A_1626 = tpu.vector_load %arg13[%swap3A_1625] {strides = array<i32>} : memref<512xi32, #tpu.memory_space<vmem>>, vector<16xi32>,
    tpu.vector_store %arg13[%swap3A_1625], %rem3A_1624 {strides = array<i32>} : memref<512xi32, #tpu.memory_space<vmem>>, vector<16xi32>,
    %get3A_1627 = arith.constant 304 : index
    %get3A_1628 = tpu.vector_load %arg8[%get3A_1627] {strides = array<i32>} : memref<512xi32, #tpu.memory_space<vmem>>, vector<16xi32>,
    %get3A_1629 = arith.constant 304 : index
    %get3A_1630 = tpu.vector_load %arg9[%get3A_1629] {strides = array<i32>} : memref<512xi32, #tpu.memory_space<vmem>>, vector<16xi32>,
    %jit3A_1631 = arith.constant 128 : i32
    %div3A_1632 = vector.broadcast %jit3A_1631 : i32 to vector<16xi32>
    %div3A_1633 = arith.divsi %get3A_1628, %div3A_1632 : vector<16xi32>
    %sign3A_1634 = arith.constant 0 : i32
    %sign3A_1635 = vector.broadcast %sign3A_1634 : i32 to vector<16xi32>
    %sign3A_1636 = arith.cmpi sgt, %get3A_1628, %sign3A_1635 : vector<16xi32>
    %sign3A_1637 = arith.extui %sign3A_1636 : vector<16xi1> to vector<16xi32>
    %sign3A_1638 = arith.constant 0 : i32
    %sign3A_1639 = vector.broadcast %sign3A_1638 : i32 to vector<16xi32>
    %sign3A_1640 = arith.cmpi slt, %get3A_1628, %sign3A_1639 : vector<16xi32>
    %sign3A_1641 = arith.extui %sign3A_1640 : vector<16xi1> to vector<16xi32>
    %sign3A_1642 = arith.subi %sign3A_1637, %sign3A_1641 : vector<16xi32>
    %sign3A_1643 = arith.constant 0 : i32
    %sign3A_1644 = arith.cmpi sgt, %jit3A_1631, %sign3A_1643 : i32
    %sign3A_1645 = arith.extui %sign3A_1644 : i1 to i32
    %sign3A_1646 = arith.constant 0 : i32
    %sign3A_1647 = arith.cmpi slt, %jit3A_1631, %sign3A_1646 : i32
    %sign3A_1648 = arith.extui %sign3A_1647 : i1 to i32
    %sign3A_1649 = arith.subi %sign3A_1645, %sign3A_1648 : i32
    %ne3A_1650 = vector.broadcast %sign3A_1649 : i32 to vector<16xi32>
    %ne3A_1651 = arith.cmpi ne, %sign3A_1642, %ne3A_1650 : vector<16xi32>
    %rem3A_1652 = vector.broadcast %jit3A_1631 : i32 to vector<16xi32>
    %rem3A_1653 = arith.remsi %get3A_1628, %rem3A_1652 : vector<16xi32>
    %ne3A_1654 = arith.constant 0 : i32
    %ne3A_1655 = vector.broadcast %ne3A_1654 : i32 to vector<16xi32>
    %ne3A_1656 = arith.cmpi ne, %rem3A_1653, %ne3A_1655 : vector<16xi32>
    %and3A_1657 = arith.andi %ne3A_1651, %ne3A_1656 : vector<16xi1>
    %sub3A_1658 = arith.constant 1 : i32
    %sub3A_1659 = vector.broadcast %sub3A_1658 : i32 to vector<16xi32>
    %sub3A_1660 = arith.subi %div3A_1633, %sub3A_1659 : vector<16xi32>
    %select_n3A_1661 = arith.select %and3A_1657, %sub3A_1660, %div3A_1633 : vector<16xi1>, vector<16xi32>
    %mul3A_1662 = arith.constant 128 : i32
    %mul3A_1663 = vector.broadcast %mul3A_1662 : i32 to vector<16xi32>
    %mul3A_1664 = arith.muli %select_n3A_1661, %mul3A_1663 : vector<16xi32>
    %swap3A_1665 = arith.constant 304 : index
    %swap3A_1666 = tpu.vector_load %arg10[%swap3A_1665] {strides = array<i32>} : memref<512xi32, #tpu.memory_space<vmem>>, vector<16xi32>,
    tpu.vector_store %arg10[%swap3A_1665], %mul3A_1664 {strides = array<i32>} : memref<512xi32, #tpu.memory_space<vmem>>, vector<16xi32>,
    %rem3A_1667 = arith.constant 128 : i32
    %rem3A_1668 = vector.broadcast %rem3A_1667 : i32 to vector<16xi32>
    %rem3A_1669 = arith.remsi %get3A_1628, %rem3A_1668 : vector<16xi32>
    %swap3A_1670 = arith.constant 304 : index
    %swap3A_1671 = tpu.vector_load %arg11[%swap3A_1670] {strides = array<i32>} : memref<512xi32, #tpu.memory_space<vmem>>, vector<16xi32>,
    tpu.vector_store %arg11[%swap3A_1670], %rem3A_1669 {strides = array<i32>} : memref<512xi32, #tpu.memory_space<vmem>>, vector<16xi32>,
    %jit3A_1672 = arith.constant 128 : i32
    %div3A_1673 = vector.broadcast %jit3A_1672 : i32 to vector<16xi32>
    %div3A_1674 = arith.divsi %get3A_1630, %div3A_1673 : vector<16xi32>
    %sign3A_1675 = arith.constant 0 : i32
    %sign3A_1676 = vector.broadcast %sign3A_1675 : i32 to vector<16xi32>
    %sign3A_1677 = arith.cmpi sgt, %get3A_1630, %sign3A_1676 : vector<16xi32>
    %sign3A_1678 = arith.extui %sign3A_1677 : vector<16xi1> to vector<16xi32>
    %sign3A_1679 = arith.constant 0 : i32
    %sign3A_1680 = vector.broadcast %sign3A_1679 : i32 to vector<16xi32>
    %sign3A_1681 = arith.cmpi slt, %get3A_1630, %sign3A_1680 : vector<16xi32>
    %sign3A_1682 = arith.extui %sign3A_1681 : vector<16xi1> to vector<16xi32>
    %sign3A_1683 = arith.subi %sign3A_1678, %sign3A_1682 : vector<16xi32>
    %sign3A_1684 = arith.constant 0 : i32
    %sign3A_1685 = arith.cmpi sgt, %jit3A_1672, %sign3A_1684 : i32
    %sign3A_1686 = arith.extui %sign3A_1685 : i1 to i32
    %sign3A_1687 = arith.constant 0 : i32
    %sign3A_1688 = arith.cmpi slt, %jit3A_1672, %sign3A_1687 : i32
    %sign3A_1689 = arith.extui %sign3A_1688 : i1 to i32
    %sign3A_1690 = arith.subi %sign3A_1686, %sign3A_1689 : i32
    %ne3A_1691 = vector.broadcast %sign3A_1690 : i32 to vector<16xi32>
    %ne3A_1692 = arith.cmpi ne, %sign3A_1683, %ne3A_1691 : vector<16xi32>
    %rem3A_1693 = vector.broadcast %jit3A_1672 : i32 to vector<16xi32>
    %rem3A_1694 = arith.remsi %get3A_1630, %rem3A_1693 : vector<16xi32>
    %ne3A_1695 = arith.constant 0 : i32
    %ne3A_1696 = vector.broadcast %ne3A_1695 : i32 to vector<16xi32>
    %ne3A_1697 = arith.cmpi ne, %rem3A_1694, %ne3A_1696 : vector<16xi32>
    %and3A_1698 = arith.andi %ne3A_1692, %ne3A_1697 : vector<16xi1>
    %sub3A_1699 = arith.constant 1 : i32
    %sub3A_1700 = vector.broadcast %sub3A_1699 : i32 to vector<16xi32>
    %sub3A_1701 = arith.subi %div3A_1674, %sub3A_1700 : vector<16xi32>
    %select_n3A_1702 = arith.select %and3A_1698, %sub3A_1701, %div3A_1674 : vector<16xi1>, vector<16xi32>
    %mul3A_1703 = arith.constant 128 : i32
    %mul3A_1704 = vector.broadcast %mul3A_1703 : i32 to vector<16xi32>
    %mul3A_1705 = arith.muli %select_n3A_1702, %mul3A_1704 : vector<16xi32>
    %swap3A_1706 = arith.constant 304 : index
    %swap3A_1707 = tpu.vector_load %arg12[%swap3A_1706] {strides = array<i32>} : memref<512xi32, #tpu.memory_space<vmem>>, vector<16xi32>,
    tpu.vector_store %arg12[%swap3A_1706], %mul3A_1705 {strides = array<i32>} : memref<512xi32, #tpu.memory_space<vmem>>, vector<16xi32>,
    %rem3A_1708 = arith.constant 128 : i32
    %rem3A_1709 = vector.broadcast %rem3A_1708 : i32 to vector<16xi32>
    %rem3A_1710 = arith.remsi %get3A_1630, %rem3A_1709 : vector<16xi32>
    %swap3A_1711 = arith.constant 304 : index
    %swap3A_1712 = tpu.vector_load %arg13[%swap3A_1711] {strides = array<i32>} : memref<512xi32, #tpu.memory_space<vmem>>, vector<16xi32>,
    tpu.vector_store %arg13[%swap3A_1711], %rem3A_1710 {strides = array<i32>} : memref<512xi32, #tpu.memory_space<vmem>>, vector<16xi32>,
    %get3A_1713 = arith.constant 320 : index
    %get3A_1714 = tpu.vector_load %arg8[%get3A_1713] {strides = array<i32>} : memref<512xi32, #tpu.memory_space<vmem>>, vector<16xi32>,
    %get3A_1715 = arith.constant 320 : index
    %get3A_1716 = tpu.vector_load %arg9[%get3A_1715] {strides = array<i32>} : memref<512xi32, #tpu.memory_space<vmem>>, vector<16xi32>,
    %jit3A_1717 = arith.constant 128 : i32
    %div3A_1718 = vector.broadcast %jit3A_1717 : i32 to vector<16xi32>
    %div3A_1719 = arith.divsi %get3A_1714, %div3A_1718 : vector<16xi32>
    %sign3A_1720 = arith.constant 0 : i32
    %sign3A_1721 = vector.broadcast %sign3A_1720 : i32 to vector<16xi32>
    %sign3A_1722 = arith.cmpi sgt, %get3A_1714, %sign3A_1721 : vector<16xi32>
    %sign3A_1723 = arith.extui %sign3A_1722 : vector<16xi1> to vector<16xi32>
    %sign3A_1724 = arith.constant 0 : i32
    %sign3A_1725 = vector.broadcast %sign3A_1724 : i32 to vector<16xi32>
    %sign3A_1726 = arith.cmpi slt, %get3A_1714, %sign3A_1725 : vector<16xi32>
    %sign3A_1727 = arith.extui %sign3A_1726 : vector<16xi1> to vector<16xi32>
    %sign3A_1728 = arith.subi %sign3A_1723, %sign3A_1727 : vector<16xi32>
    %sign3A_1729 = arith.constant 0 : i32
    %sign3A_1730 = arith.cmpi sgt, %jit3A_1717, %sign3A_1729 : i32
    %sign3A_1731 = arith.extui %sign3A_1730 : i1 to i32
    %sign3A_1732 = arith.constant 0 : i32
    %sign3A_1733 = arith.cmpi slt, %jit3A_1717, %sign3A_1732 : i32
    %sign3A_1734 = arith.extui %sign3A_1733 : i1 to i32
    %sign3A_1735 = arith.subi %sign3A_1731, %sign3A_1734 : i32
    %ne3A_1736 = vector.broadcast %sign3A_1735 : i32 to vector<16xi32>
    %ne3A_1737 = arith.cmpi ne, %sign3A_1728, %ne3A_1736 : vector<16xi32>
    %rem3A_1738 = vector.broadcast %jit3A_1717 : i32 to vector<16xi32>
    %rem3A_1739 = arith.remsi %get3A_1714, %rem3A_1738 : vector<16xi32>
    %ne3A_1740 = arith.constant 0 : i32
    %ne3A_1741 = vector.broadcast %ne3A_1740 : i32 to vector<16xi32>
    %ne3A_1742 = arith.cmpi ne, %rem3A_1739, %ne3A_1741 : vector<16xi32>
    %and3A_1743 = arith.andi %ne3A_1737, %ne3A_1742 : vector<16xi1>
    %sub3A_1744 = arith.constant 1 : i32
    %sub3A_1745 = vector.broadcast %sub3A_1744 : i32 to vector<16xi32>
    %sub3A_1746 = arith.subi %div3A_1719, %sub3A_1745 : vector<16xi32>
    %select_n3A_1747 = arith.select %and3A_1743, %sub3A_1746, %div3A_1719 : vector<16xi1>, vector<16xi32>
    %mul3A_1748 = arith.constant 128 : i32
    %mul3A_1749 = vector.broadcast %mul3A_1748 : i32 to vector<16xi32>
    %mul3A_1750 = arith.muli %select_n3A_1747, %mul3A_1749 : vector<16xi32>
    %swap3A_1751 = arith.constant 320 : index
    %swap3A_1752 = tpu.vector_load %arg10[%swap3A_1751] {strides = array<i32>} : memref<512xi32, #tpu.memory_space<vmem>>, vector<16xi32>,
    tpu.vector_store %arg10[%swap3A_1751], %mul3A_1750 {strides = array<i32>} : memref<512xi32, #tpu.memory_space<vmem>>, vector<16xi32>,
    %rem3A_1753 = arith.constant 128 : i32
    %rem3A_1754 = vector.broadcast %rem3A_1753 : i32 to vector<16xi32>
    %rem3A_1755 = arith.remsi %get3A_1714, %rem3A_1754 : vector<16xi32>
    %swap3A_1756 = arith.constant 320 : index
    %swap3A_1757 = tpu.vector_load %arg11[%swap3A_1756] {strides = array<i32>} : memref<512xi32, #tpu.memory_space<vmem>>, vector<16xi32>,
    tpu.vector_store %arg11[%swap3A_1756], %rem3A_1755 {strides = array<i32>} : memref<512xi32, #tpu.memory_space<vmem>>, vector<16xi32>,
    %jit3A_1758 = arith.constant 128 : i32
    %div3A_1759 = vector.broadcast %jit3A_1758 : i32 to vector<16xi32>
    %div3A_1760 = arith.divsi %get3A_1716, %div3A_1759 : vector<16xi32>
    %sign3A_1761 = arith.constant 0 : i32
    %sign3A_1762 = vector.broadcast %sign3A_1761 : i32 to vector<16xi32>
    %sign3A_1763 = arith.cmpi sgt, %get3A_1716, %sign3A_1762 : vector<16xi32>
    %sign3A_1764 = arith.extui %sign3A_1763 : vector<16xi1> to vector<16xi32>
    %sign3A_1765 = arith.constant 0 : i32
    %sign3A_1766 = vector.broadcast %sign3A_1765 : i32 to vector<16xi32>
    %sign3A_1767 = arith.cmpi slt, %get3A_1716, %sign3A_1766 : vector<16xi32>
    %sign3A_1768 = arith.extui %sign3A_1767 : vector<16xi1> to vector<16xi32>
    %sign3A_1769 = arith.subi %sign3A_1764, %sign3A_1768 : vector<16xi32>
    %sign3A_1770 = arith.constant 0 : i32
    %sign3A_1771 = arith.cmpi sgt, %jit3A_1758, %sign3A_1770 : i32
    %sign3A_1772 = arith.extui %sign3A_1771 : i1 to i32
    %sign3A_1773 = arith.constant 0 : i32
    %sign3A_1774 = arith.cmpi slt, %jit3A_1758, %sign3A_1773 : i32
    %sign3A_1775 = arith.extui %sign3A_1774 : i1 to i32
    %sign3A_1776 = arith.subi %sign3A_1772, %sign3A_1775 : i32
    %ne3A_1777 = vector.broadcast %sign3A_1776 : i32 to vector<16xi32>
    %ne3A_1778 = arith.cmpi ne, %sign3A_1769, %ne3A_1777 : vector<16xi32>
    %rem3A_1779 = vector.broadcast %jit3A_1758 : i32 to vector<16xi32>
    %rem3A_1780 = arith.remsi %get3A_1716, %rem3A_1779 : vector<16xi32>
    %ne3A_1781 = arith.constant 0 : i32
    %ne3A_1782 = vector.broadcast %ne3A_1781 : i32 to vector<16xi32>
    %ne3A_1783 = arith.cmpi ne, %rem3A_1780, %ne3A_1782 : vector<16xi32>
    %and3A_1784 = arith.andi %ne3A_1778, %ne3A_1783 : vector<16xi1>
    %sub3A_1785 = arith.constant 1 : i32
    %sub3A_1786 = vector.broadcast %sub3A_1785 : i32 to vector<16xi32>
    %sub3A_1787 = arith.subi %div3A_1760, %sub3A_1786 : vector<16xi32>
    %select_n3A_1788 = arith.select %and3A_1784, %sub3A_1787, %div3A_1760 : vector<16xi1>, vector<16xi32>
    %mul3A_1789 = arith.constant 128 : i32
    %mul3A_1790 = vector.broadcast %mul3A_1789 : i32 to vector<16xi32>
    %mul3A_1791 = arith.muli %select_n3A_1788, %mul3A_1790 : vector<16xi32>
    %swap3A_1792 = arith.constant 320 : index
    %swap3A_1793 = tpu.vector_load %arg12[%swap3A_1792] {strides = array<i32>} : memref<512xi32, #tpu.memory_space<vmem>>, vector<16xi32>,
    tpu.vector_store %arg12[%swap3A_1792], %mul3A_1791 {strides = array<i32>} : memref<512xi32, #tpu.memory_space<vmem>>, vector<16xi32>,
    %rem3A_1794 = arith.constant 128 : i32
    %rem3A_1795 = vector.broadcast %rem3A_1794 : i32 to vector<16xi32>
    %rem3A_1796 = arith.remsi %get3A_1716, %rem3A_1795 : vector<16xi32>
    %swap3A_1797 = arith.constant 320 : index
    %swap3A_1798 = tpu.vector_load %arg13[%swap3A_1797] {strides = array<i32>} : memref<512xi32, #tpu.memory_space<vmem>>, vector<16xi32>,
    tpu.vector_store %arg13[%swap3A_1797], %rem3A_1796 {strides = array<i32>} : memref<512xi32, #tpu.memory_space<vmem>>, vector<16xi32>,
    %get3A_1799 = arith.constant 336 : index
    %get3A_1800 = tpu.vector_load %arg8[%get3A_1799] {strides = array<i32>} : memref<512xi32, #tpu.memory_space<vmem>>, vector<16xi32>,
    %get3A_1801 = arith.constant 336 : index
    %get3A_1802 = tpu.vector_load %arg9[%get3A_1801] {strides = array<i32>} : memref<512xi32, #tpu.memory_space<vmem>>, vector<16xi32>,
    %jit3A_1803 = arith.constant 128 : i32
    %div3A_1804 = vector.broadcast %jit3A_1803 : i32 to vector<16xi32>
    %div3A_1805 = arith.divsi %get3A_1800, %div3A_1804 : vector<16xi32>
    %sign3A_1806 = arith.constant 0 : i32
    %sign3A_1807 = vector.broadcast %sign3A_1806 : i32 to vector<16xi32>
    %sign3A_1808 = arith.cmpi sgt, %get3A_1800, %sign3A_1807 : vector<16xi32>
    %sign3A_1809 = arith.extui %sign3A_1808 : vector<16xi1> to vector<16xi32>
    %sign3A_1810 = arith.constant 0 : i32
    %sign3A_1811 = vector.broadcast %sign3A_1810 : i32 to vector<16xi32>
    %sign3A_1812 = arith.cmpi slt, %get3A_1800, %sign3A_1811 : vector<16xi32>
    %sign3A_1813 = arith.extui %sign3A_1812 : vector<16xi1> to vector<16xi32>
    %sign3A_1814 = arith.subi %sign3A_1809, %sign3A_1813 : vector<16xi32>
    %sign3A_1815 = arith.constant 0 : i32
    %sign3A_1816 = arith.cmpi sgt, %jit3A_1803, %sign3A_1815 : i32
    %sign3A_1817 = arith.extui %sign3A_1816 : i1 to i32
    %sign3A_1818 = arith.constant 0 : i32
    %sign3A_1819 = arith.cmpi slt, %jit3A_1803, %sign3A_1818 : i32
    %sign3A_1820 = arith.extui %sign3A_1819 : i1 to i32
    %sign3A_1821 = arith.subi %sign3A_1817, %sign3A_1820 : i32
    %ne3A_1822 = vector.broadcast %sign3A_1821 : i32 to vector<16xi32>
    %ne3A_1823 = arith.cmpi ne, %sign3A_1814, %ne3A_1822 : vector<16xi32>
    %rem3A_1824 = vector.broadcast %jit3A_1803 : i32 to vector<16xi32>
    %rem3A_1825 = arith.remsi %get3A_1800, %rem3A_1824 : vector<16xi32>
    %ne3A_1826 = arith.constant 0 : i32
    %ne3A_1827 = vector.broadcast %ne3A_1826 : i32 to vector<16xi32>
    %ne3A_1828 = arith.cmpi ne, %rem3A_1825, %ne3A_1827 : vector<16xi32>
    %and3A_1829 = arith.andi %ne3A_1823, %ne3A_1828 : vector<16xi1>
    %sub3A_1830 = arith.constant 1 : i32
    %sub3A_1831 = vector.broadcast %sub3A_1830 : i32 to vector<16xi32>
    %sub3A_1832 = arith.subi %div3A_1805, %sub3A_1831 : vector<16xi32>
    %select_n3A_1833 = arith.select %and3A_1829, %sub3A_1832, %div3A_1805 : vector<16xi1>, vector<16xi32>
    %mul3A_1834 = arith.constant 128 : i32
    %mul3A_1835 = vector.broadcast %mul3A_1834 : i32 to vector<16xi32>
    %mul3A_1836 = arith.muli %select_n3A_1833, %mul3A_1835 : vector<16xi32>
    %swap3A_1837 = arith.constant 336 : index
    %swap3A_1838 = tpu.vector_load %arg10[%swap3A_1837] {strides = array<i32>} : memref<512xi32, #tpu.memory_space<vmem>>, vector<16xi32>,
    tpu.vector_store %arg10[%swap3A_1837], %mul3A_1836 {strides = array<i32>} : memref<512xi32, #tpu.memory_space<vmem>>, vector<16xi32>,
    %rem3A_1839 = arith.constant 128 : i32
    %rem3A_1840 = vector.broadcast %rem3A_1839 : i32 to vector<16xi32>
    %rem3A_1841 = arith.remsi %get3A_1800, %rem3A_1840 : vector<16xi32>
    %swap3A_1842 = arith.constant 336 : index
    %swap3A_1843 = tpu.vector_load %arg11[%swap3A_1842] {strides = array<i32>} : memref<512xi32, #tpu.memory_space<vmem>>, vector<16xi32>,
    tpu.vector_store %arg11[%swap3A_1842], %rem3A_1841 {strides = array<i32>} : memref<512xi32, #tpu.memory_space<vmem>>, vector<16xi32>,
    %jit3A_1844 = arith.constant 128 : i32
    %div3A_1845 = vector.broadcast %jit3A_1844 : i32 to vector<16xi32>
    %div3A_1846 = arith.divsi %get3A_1802, %div3A_1845 : vector<16xi32>
    %sign3A_1847 = arith.constant 0 : i32
    %sign3A_1848 = vector.broadcast %sign3A_1847 : i32 to vector<16xi32>
    %sign3A_1849 = arith.cmpi sgt, %get3A_1802, %sign3A_1848 : vector<16xi32>
    %sign3A_1850 = arith.extui %sign3A_1849 : vector<16xi1> to vector<16xi32>
    %sign3A_1851 = arith.constant 0 : i32
    %sign3A_1852 = vector.broadcast %sign3A_1851 : i32 to vector<16xi32>
    %sign3A_1853 = arith.cmpi slt, %get3A_1802, %sign3A_1852 : vector<16xi32>
    %sign3A_1854 = arith.extui %sign3A_1853 : vector<16xi1> to vector<16xi32>
    %sign3A_1855 = arith.subi %sign3A_1850, %sign3A_1854 : vector<16xi32>
    %sign3A_1856 = arith.constant 0 : i32
    %sign3A_1857 = arith.cmpi sgt, %jit3A_1844, %sign3A_1856 : i32
    %sign3A_1858 = arith.extui %sign3A_1857 : i1 to i32
    %sign3A_1859 = arith.constant 0 : i32
    %sign3A_1860 = arith.cmpi slt, %jit3A_1844, %sign3A_1859 : i32
    %sign3A_1861 = arith.extui %sign3A_1860 : i1 to i32
    %sign3A_1862 = arith.subi %sign3A_1858, %sign3A_1861 : i32
    %ne3A_1863 = vector.broadcast %sign3A_1862 : i32 to vector<16xi32>
    %ne3A_1864 = arith.cmpi ne, %sign3A_1855, %ne3A_1863 : vector<16xi32>
    %rem3A_1865 = vector.broadcast %jit3A_1844 : i32 to vector<16xi32>
    %rem3A_1866 = arith.remsi %get3A_1802, %rem3A_1865 : vector<16xi32>
    %ne3A_1867 = arith.constant 0 : i32
    %ne3A_1868 = vector.broadcast %ne3A_1867 : i32 to vector<16xi32>
    %ne3A_1869 = arith.cmpi ne, %rem3A_1866, %ne3A_1868 : vector<16xi32>
    %and3A_1870 = arith.andi %ne3A_1864, %ne3A_1869 : vector<16xi1>
    %sub3A_1871 = arith.constant 1 : i32
    %sub3A_1872 = vector.broadcast %sub3A_1871 : i32 to vector<16xi32>
    %sub3A_1873 = arith.subi %div3A_1846, %sub3A_1872 : vector<16xi32>
    %select_n3A_1874 = arith.select %and3A_1870, %sub3A_1873, %div3A_1846 : vector<16xi1>, vector<16xi32>
    %mul3A_1875 = arith.constant 128 : i32
    %mul3A_1876 = vector.broadcast %mul3A_1875 : i32 to vector<16xi32>
    %mul3A_1877 = arith.muli %select_n3A_1874, %mul3A_1876 : vector<16xi32>
    %swap3A_1878 = arith.constant 336 : index
    %swap3A_1879 = tpu.vector_load %arg12[%swap3A_1878] {strides = array<i32>} : memref<512xi32, #tpu.memory_space<vmem>>, vector<16xi32>,
    tpu.vector_store %arg12[%swap3A_1878], %mul3A_1877 {strides = array<i32>} : memref<512xi32, #tpu.memory_space<vmem>>, vector<16xi32>,
    %rem3A_1880 = arith.constant 128 : i32
    %rem3A_1881 = vector.broadcast %rem3A_1880 : i32 to vector<16xi32>
    %rem3A_1882 = arith.remsi %get3A_1802, %rem3A_1881 : vector<16xi32>
    %swap3A_1883 = arith.constant 336 : index
    %swap3A_1884 = tpu.vector_load %arg13[%swap3A_1883] {strides = array<i32>} : memref<512xi32, #tpu.memory_space<vmem>>, vector<16xi32>,
    tpu.vector_store %arg13[%swap3A_1883], %rem3A_1882 {strides = array<i32>} : memref<512xi32, #tpu.memory_space<vmem>>, vector<16xi32>,
    %get3A_1885 = arith.constant 352 : index
    %get3A_1886 = tpu.vector_load %arg8[%get3A_1885] {strides = array<i32>} : memref<512xi32, #tpu.memory_space<vmem>>, vector<16xi32>,
    %get3A_1887 = arith.constant 352 : index
    %get3A_1888 = tpu.vector_load %arg9[%get3A_1887] {strides = array<i32>} : memref<512xi32, #tpu.memory_space<vmem>>, vector<16xi32>,
    %jit3A_1889 = arith.constant 128 : i32
    %div3A_1890 = vector.broadcast %jit3A_1889 : i32 to vector<16xi32>
    %div3A_1891 = arith.divsi %get3A_1886, %div3A_1890 : vector<16xi32>
    %sign3A_1892 = arith.constant 0 : i32
    %sign3A_1893 = vector.broadcast %sign3A_1892 : i32 to vector<16xi32>
    %sign3A_1894 = arith.cmpi sgt, %get3A_1886, %sign3A_1893 : vector<16xi32>
    %sign3A_1895 = arith.extui %sign3A_1894 : vector<16xi1> to vector<16xi32>
    %sign3A_1896 = arith.constant 0 : i32
    %sign3A_1897 = vector.broadcast %sign3A_1896 : i32 to vector<16xi32>
    %sign3A_1898 = arith.cmpi slt, %get3A_1886, %sign3A_1897 : vector<16xi32>
    %sign3A_1899 = arith.extui %sign3A_1898 : vector<16xi1> to vector<16xi32>
    %sign3A_1900 = arith.subi %sign3A_1895, %sign3A_1899 : vector<16xi32>
    %sign3A_1901 = arith.constant 0 : i32
    %sign3A_1902 = arith.cmpi sgt, %jit3A_1889, %sign3A_1901 : i32
    %sign3A_1903 = arith.extui %sign3A_1902 : i1 to i32
    %sign3A_1904 = arith.constant 0 : i32
    %sign3A_1905 = arith.cmpi slt, %jit3A_1889, %sign3A_1904 : i32
    %sign3A_1906 = arith.extui %sign3A_1905 : i1 to i32
    %sign3A_1907 = arith.subi %sign3A_1903, %sign3A_1906 : i32
    %ne3A_1908 = vector.broadcast %sign3A_1907 : i32 to vector<16xi32>
    %ne3A_1909 = arith.cmpi ne, %sign3A_1900, %ne3A_1908 : vector<16xi32>
    %rem3A_1910 = vector.broadcast %jit3A_1889 : i32 to vector<16xi32>
    %rem3A_1911 = arith.remsi %get3A_1886, %rem3A_1910 : vector<16xi32>
    %ne3A_1912 = arith.constant 0 : i32
    %ne3A_1913 = vector.broadcast %ne3A_1912 : i32 to vector<16xi32>
    %ne3A_1914 = arith.cmpi ne, %rem3A_1911, %ne3A_1913 : vector<16xi32>
    %and3A_1915 = arith.andi %ne3A_1909, %ne3A_1914 : vector<16xi1>
    %sub3A_1916 = arith.constant 1 : i32
    %sub3A_1917 = vector.broadcast %sub3A_1916 : i32 to vector<16xi32>
    %sub3A_1918 = arith.subi %div3A_1891, %sub3A_1917 : vector<16xi32>
    %select_n3A_1919 = arith.select %and3A_1915, %sub3A_1918, %div3A_1891 : vector<16xi1>, vector<16xi32>
    %mul3A_1920 = arith.constant 128 : i32
    %mul3A_1921 = vector.broadcast %mul3A_1920 : i32 to vector<16xi32>
    %mul3A_1922 = arith.muli %select_n3A_1919, %mul3A_1921 : vector<16xi32>
    %swap3A_1923 = arith.constant 352 : index
    %swap3A_1924 = tpu.vector_load %arg10[%swap3A_1923] {strides = array<i32>} : memref<512xi32, #tpu.memory_space<vmem>>, vector<16xi32>,
    tpu.vector_store %arg10[%swap3A_1923], %mul3A_1922 {strides = array<i32>} : memref<512xi32, #tpu.memory_space<vmem>>, vector<16xi32>,
    %rem3A_1925 = arith.constant 128 : i32
    %rem3A_1926 = vector.broadcast %rem3A_1925 : i32 to vector<16xi32>
    %rem3A_1927 = arith.remsi %get3A_1886, %rem3A_1926 : vector<16xi32>
    %swap3A_1928 = arith.constant 352 : index
    %swap3A_1929 = tpu.vector_load %arg11[%swap3A_1928] {strides = array<i32>} : memref<512xi32, #tpu.memory_space<vmem>>, vector<16xi32>,
    tpu.vector_store %arg11[%swap3A_1928], %rem3A_1927 {strides = array<i32>} : memref<512xi32, #tpu.memory_space<vmem>>, vector<16xi32>,
    %jit3A_1930 = arith.constant 128 : i32
    %div3A_1931 = vector.broadcast %jit3A_1930 : i32 to vector<16xi32>
    %div3A_1932 = arith.divsi %get3A_1888, %div3A_1931 : vector<16xi32>
    %sign3A_1933 = arith.constant 0 : i32
    %sign3A_1934 = vector.broadcast %sign3A_1933 : i32 to vector<16xi32>
    %sign3A_1935 = arith.cmpi sgt, %get3A_1888, %sign3A_1934 : vector<16xi32>
    %sign3A_1936 = arith.extui %sign3A_1935 : vector<16xi1> to vector<16xi32>
    %sign3A_1937 = arith.constant 0 : i32
    %sign3A_1938 = vector.broadcast %sign3A_1937 : i32 to vector<16xi32>
    %sign3A_1939 = arith.cmpi slt, %get3A_1888, %sign3A_1938 : vector<16xi32>
    %sign3A_1940 = arith.extui %sign3A_1939 : vector<16xi1> to vector<16xi32>
    %sign3A_1941 = arith.subi %sign3A_1936, %sign3A_1940 : vector<16xi32>
    %sign3A_1942 = arith.constant 0 : i32
    %sign3A_1943 = arith.cmpi sgt, %jit3A_1930, %sign3A_1942 : i32
    %sign3A_1944 = arith.extui %sign3A_1943 : i1 to i32
    %sign3A_1945 = arith.constant 0 : i32
    %sign3A_1946 = arith.cmpi slt, %jit3A_1930, %sign3A_1945 : i32
    %sign3A_1947 = arith.extui %sign3A_1946 : i1 to i32
    %sign3A_1948 = arith.subi %sign3A_1944, %sign3A_1947 : i32
    %ne3A_1949 = vector.broadcast %sign3A_1948 : i32 to vector<16xi32>
    %ne3A_1950 = arith.cmpi ne, %sign3A_1941, %ne3A_1949 : vector<16xi32>
    %rem3A_1951 = vector.broadcast %jit3A_1930 : i32 to vector<16xi32>
    %rem3A_1952 = arith.remsi %get3A_1888, %rem3A_1951 : vector<16xi32>
    %ne3A_1953 = arith.constant 0 : i32
    %ne3A_1954 = vector.broadcast %ne3A_1953 : i32 to vector<16xi32>
    %ne3A_1955 = arith.cmpi ne, %rem3A_1952, %ne3A_1954 : vector<16xi32>
    %and3A_1956 = arith.andi %ne3A_1950, %ne3A_1955 : vector<16xi1>
    %sub3A_1957 = arith.constant 1 : i32
    %sub3A_1958 = vector.broadcast %sub3A_1957 : i32 to vector<16xi32>
    %sub3A_1959 = arith.subi %div3A_1932, %sub3A_1958 : vector<16xi32>
    %select_n3A_1960 = arith.select %and3A_1956, %sub3A_1959, %div3A_1932 : vector<16xi1>, vector<16xi32>
    %mul3A_1961 = arith.constant 128 : i32
    %mul3A_1962 = vector.broadcast %mul3A_1961 : i32 to vector<16xi32>
    %mul3A_1963 = arith.muli %select_n3A_1960, %mul3A_1962 : vector<16xi32>
    %swap3A_1964 = arith.constant 352 : index
    %swap3A_1965 = tpu.vector_load %arg12[%swap3A_1964] {strides = array<i32>} : memref<512xi32, #tpu.memory_space<vmem>>, vector<16xi32>,
    tpu.vector_store %arg12[%swap3A_1964], %mul3A_1963 {strides = array<i32>} : memref<512xi32, #tpu.memory_space<vmem>>, vector<16xi32>,
    %rem3A_1966 = arith.constant 128 : i32
    %rem3A_1967 = vector.broadcast %rem3A_1966 : i32 to vector<16xi32>
    %rem3A_1968 = arith.remsi %get3A_1888, %rem3A_1967 : vector<16xi32>
    %swap3A_1969 = arith.constant 352 : index
    %swap3A_1970 = tpu.vector_load %arg13[%swap3A_1969] {strides = array<i32>} : memref<512xi32, #tpu.memory_space<vmem>>, vector<16xi32>,
    tpu.vector_store %arg13[%swap3A_1969], %rem3A_1968 {strides = array<i32>} : memref<512xi32, #tpu.memory_space<vmem>>, vector<16xi32>,
    %get3A_1971 = arith.constant 368 : index
    %get3A_1972 = tpu.vector_load %arg8[%get3A_1971] {strides = array<i32>} : memref<512xi32, #tpu.memory_space<vmem>>, vector<16xi32>,
    %get3A_1973 = arith.constant 368 : index
    %get3A_1974 = tpu.vector_load %arg9[%get3A_1973] {strides = array<i32>} : memref<512xi32, #tpu.memory_space<vmem>>, vector<16xi32>,
    %jit3A_1975 = arith.constant 128 : i32
    %div3A_1976 = vector.broadcast %jit3A_1975 : i32 to vector<16xi32>
    %div3A_1977 = arith.divsi %get3A_1972, %div3A_1976 : vector<16xi32>
    %sign3A_1978 = arith.constant 0 : i32
    %sign3A_1979 = vector.broadcast %sign3A_1978 : i32 to vector<16xi32>
    %sign3A_1980 = arith.cmpi sgt, %get3A_1972, %sign3A_1979 : vector<16xi32>
    %sign3A_1981 = arith.extui %sign3A_1980 : vector<16xi1> to vector<16xi32>
    %sign3A_1982 = arith.constant 0 : i32
    %sign3A_1983 = vector.broadcast %sign3A_1982 : i32 to vector<16xi32>
    %sign3A_1984 = arith.cmpi slt, %get3A_1972, %sign3A_1983 : vector<16xi32>
    %sign3A_1985 = arith.extui %sign3A_1984 : vector<16xi1> to vector<16xi32>
    %sign3A_1986 = arith.subi %sign3A_1981, %sign3A_1985 : vector<16xi32>
    %sign3A_1987 = arith.constant 0 : i32
    %sign3A_1988 = arith.cmpi sgt, %jit3A_1975, %sign3A_1987 : i32
    %sign3A_1989 = arith.extui %sign3A_1988 : i1 to i32
    %sign3A_1990 = arith.constant 0 : i32
    %sign3A_1991 = arith.cmpi slt, %jit3A_1975, %sign3A_1990 : i32
    %sign3A_1992 = arith.extui %sign3A_1991 : i1 to i32
    %sign3A_1993 = arith.subi %sign3A_1989, %sign3A_1992 : i32
    %ne3A_1994 = vector.broadcast %sign3A_1993 : i32 to vector<16xi32>
    %ne3A_1995 = arith.cmpi ne, %sign3A_1986, %ne3A_1994 : vector<16xi32>
    %rem3A_1996 = vector.broadcast %jit3A_1975 : i32 to vector<16xi32>
    %rem3A_1997 = arith.remsi %get3A_1972, %rem3A_1996 : vector<16xi32>
    %ne3A_1998 = arith.constant 0 : i32
    %ne3A_1999 = vector.broadcast %ne3A_1998 : i32 to vector<16xi32>
    %ne3A_2000 = arith.cmpi ne, %rem3A_1997, %ne3A_1999 : vector<16xi32>
    %and3A_2001 = arith.andi %ne3A_1995, %ne3A_2000 : vector<16xi1>
    %sub3A_2002 = arith.constant 1 : i32
    %sub3A_2003 = vector.broadcast %sub3A_2002 : i32 to vector<16xi32>
    %sub3A_2004 = arith.subi %div3A_1977, %sub3A_2003 : vector<16xi32>
    %select_n3A_2005 = arith.select %and3A_2001, %sub3A_2004, %div3A_1977 : vector<16xi1>, vector<16xi32>
    %mul3A_2006 = arith.constant 128 : i32
    %mul3A_2007 = vector.broadcast %mul3A_2006 : i32 to vector<16xi32>
    %mul3A_2008 = arith.muli %select_n3A_2005, %mul3A_2007 : vector<16xi32>
    %swap3A_2009 = arith.constant 368 : index
    %swap3A_2010 = tpu.vector_load %arg10[%swap3A_2009] {strides = array<i32>} : memref<512xi32, #tpu.memory_space<vmem>>, vector<16xi32>,
    tpu.vector_store %arg10[%swap3A_2009], %mul3A_2008 {strides = array<i32>} : memref<512xi32, #tpu.memory_space<vmem>>, vector<16xi32>,
    %rem3A_2011 = arith.constant 128 : i32
    %rem3A_2012 = vector.broadcast %rem3A_2011 : i32 to vector<16xi32>
    %rem3A_2013 = arith.remsi %get3A_1972, %rem3A_2012 : vector<16xi32>
    %swap3A_2014 = arith.constant 368 : index
    %swap3A_2015 = tpu.vector_load %arg11[%swap3A_2014] {strides = array<i32>} : memref<512xi32, #tpu.memory_space<vmem>>, vector<16xi32>,
    tpu.vector_store %arg11[%swap3A_2014], %rem3A_2013 {strides = array<i32>} : memref<512xi32, #tpu.memory_space<vmem>>, vector<16xi32>,
    %jit3A_2016 = arith.constant 128 : i32
    %div3A_2017 = vector.broadcast %jit3A_2016 : i32 to vector<16xi32>
    %div3A_2018 = arith.divsi %get3A_1974, %div3A_2017 : vector<16xi32>
    %sign3A_2019 = arith.constant 0 : i32
    %sign3A_2020 = vector.broadcast %sign3A_2019 : i32 to vector<16xi32>
    %sign3A_2021 = arith.cmpi sgt, %get3A_1974, %sign3A_2020 : vector<16xi32>
    %sign3A_2022 = arith.extui %sign3A_2021 : vector<16xi1> to vector<16xi32>
    %sign3A_2023 = arith.constant 0 : i32
    %sign3A_2024 = vector.broadcast %sign3A_2023 : i32 to vector<16xi32>
    %sign3A_2025 = arith.cmpi slt, %get3A_1974, %sign3A_2024 : vector<16xi32>
    %sign3A_2026 = arith.extui %sign3A_2025 : vector<16xi1> to vector<16xi32>
    %sign3A_2027 = arith.subi %sign3A_2022, %sign3A_2026 : vector<16xi32>
    %sign3A_2028 = arith.constant 0 : i32
    %sign3A_2029 = arith.cmpi sgt, %jit3A_2016, %sign3A_2028 : i32
    %sign3A_2030 = arith.extui %sign3A_2029 : i1 to i32
    %sign3A_2031 = arith.constant 0 : i32
    %sign3A_2032 = arith.cmpi slt, %jit3A_2016, %sign3A_2031 : i32
    %sign3A_2033 = arith.extui %sign3A_2032 : i1 to i32
    %sign3A_2034 = arith.subi %sign3A_2030, %sign3A_2033 : i32
    %ne3A_2035 = vector.broadcast %sign3A_2034 : i32 to vector<16xi32>
    %ne3A_2036 = arith.cmpi ne, %sign3A_2027, %ne3A_2035 : vector<16xi32>
    %rem3A_2037 = vector.broadcast %jit3A_2016 : i32 to vector<16xi32>
    %rem3A_2038 = arith.remsi %get3A_1974, %rem3A_2037 : vector<16xi32>
    %ne3A_2039 = arith.constant 0 : i32
    %ne3A_2040 = vector.broadcast %ne3A_2039 : i32 to vector<16xi32>
    %ne3A_2041 = arith.cmpi ne, %rem3A_2038, %ne3A_2040 : vector<16xi32>
    %and3A_2042 = arith.andi %ne3A_2036, %ne3A_2041 : vector<16xi1>
    %sub3A_2043 = arith.constant 1 : i32
    %sub3A_2044 = vector.broadcast %sub3A_2043 : i32 to vector<16xi32>
    %sub3A_2045 = arith.subi %div3A_2018, %sub3A_2044 : vector<16xi32>
    %select_n3A_2046 = arith.select %and3A_2042, %sub3A_2045, %div3A_2018 : vector<16xi1>, vector<16xi32>
    %mul3A_2047 = arith.constant 128 : i32
    %mul3A_2048 = vector.broadcast %mul3A_2047 : i32 to vector<16xi32>
    %mul3A_2049 = arith.muli %select_n3A_2046, %mul3A_2048 : vector<16xi32>
    %swap3A_2050 = arith.constant 368 : index
    %swap3A_2051 = tpu.vector_load %arg12[%swap3A_2050] {strides = array<i32>} : memref<512xi32, #tpu.memory_space<vmem>>, vector<16xi32>,
    tpu.vector_store %arg12[%swap3A_2050], %mul3A_2049 {strides = array<i32>} : memref<512xi32, #tpu.memory_space<vmem>>, vector<16xi32>,
    %rem3A_2052 = arith.constant 128 : i32
    %rem3A_2053 = vector.broadcast %rem3A_2052 : i32 to vector<16xi32>
    %rem3A_2054 = arith.remsi %get3A_1974, %rem3A_2053 : vector<16xi32>
    %swap3A_2055 = arith.constant 368 : index
    %swap3A_2056 = tpu.vector_load %arg13[%swap3A_2055] {strides = array<i32>} : memref<512xi32, #tpu.memory_space<vmem>>, vector<16xi32>,
    tpu.vector_store %arg13[%swap3A_2055], %rem3A_2054 {strides = array<i32>} : memref<512xi32, #tpu.memory_space<vmem>>, vector<16xi32>,
    %get3A_2057 = arith.constant 384 : index
    %get3A_2058 = tpu.vector_load %arg8[%get3A_2057] {strides = array<i32>} : memref<512xi32, #tpu.memory_space<vmem>>, vector<16xi32>,
    %get3A_2059 = arith.constant 384 : index
    %get3A_2060 = tpu.vector_load %arg9[%get3A_2059] {strides = array<i32>} : memref<512xi32, #tpu.memory_space<vmem>>, vector<16xi32>,
    %jit3A_2061 = arith.constant 128 : i32
    %div3A_2062 = vector.broadcast %jit3A_2061 : i32 to vector<16xi32>
    %div3A_2063 = arith.divsi %get3A_2058, %div3A_2062 : vector<16xi32>
    %sign3A_2064 = arith.constant 0 : i32
    %sign3A_2065 = vector.broadcast %sign3A_2064 : i32 to vector<16xi32>
    %sign3A_2066 = arith.cmpi sgt, %get3A_2058, %sign3A_2065 : vector<16xi32>
    %sign3A_2067 = arith.extui %sign3A_2066 : vector<16xi1> to vector<16xi32>
    %sign3A_2068 = arith.constant 0 : i32
    %sign3A_2069 = vector.broadcast %sign3A_2068 : i32 to vector<16xi32>
    %sign3A_2070 = arith.cmpi slt, %get3A_2058, %sign3A_2069 : vector<16xi32>
    %sign3A_2071 = arith.extui %sign3A_2070 : vector<16xi1> to vector<16xi32>
    %sign3A_2072 = arith.subi %sign3A_2067, %sign3A_2071 : vector<16xi32>
    %sign3A_2073 = arith.constant 0 : i32
    %sign3A_2074 = arith.cmpi sgt, %jit3A_2061, %sign3A_2073 : i32
    %sign3A_2075 = arith.extui %sign3A_2074 : i1 to i32
    %sign3A_2076 = arith.constant 0 : i32
    %sign3A_2077 = arith.cmpi slt, %jit3A_2061, %sign3A_2076 : i32
    %sign3A_2078 = arith.extui %sign3A_2077 : i1 to i32
    %sign3A_2079 = arith.subi %sign3A_2075, %sign3A_2078 : i32
    %ne3A_2080 = vector.broadcast %sign3A_2079 : i32 to vector<16xi32>
    %ne3A_2081 = arith.cmpi ne, %sign3A_2072, %ne3A_2080 : vector<16xi32>
    %rem3A_2082 = vector.broadcast %jit3A_2061 : i32 to vector<16xi32>
    %rem3A_2083 = arith.remsi %get3A_2058, %rem3A_2082 : vector<16xi32>
    %ne3A_2084 = arith.constant 0 : i32
    %ne3A_2085 = vector.broadcast %ne3A_2084 : i32 to vector<16xi32>
    %ne3A_2086 = arith.cmpi ne, %rem3A_2083, %ne3A_2085 : vector<16xi32>
    %and3A_2087 = arith.andi %ne3A_2081, %ne3A_2086 : vector<16xi1>
    %sub3A_2088 = arith.constant 1 : i32
    %sub3A_2089 = vector.broadcast %sub3A_2088 : i32 to vector<16xi32>
    %sub3A_2090 = arith.subi %div3A_2063, %sub3A_2089 : vector<16xi32>
    %select_n3A_2091 = arith.select %and3A_2087, %sub3A_2090, %div3A_2063 : vector<16xi1>, vector<16xi32>
    %mul3A_2092 = arith.constant 128 : i32
    %mul3A_2093 = vector.broadcast %mul3A_2092 : i32 to vector<16xi32>
    %mul3A_2094 = arith.muli %select_n3A_2091, %mul3A_2093 : vector<16xi32>
    %swap3A_2095 = arith.constant 384 : index
    %swap3A_2096 = tpu.vector_load %arg10[%swap3A_2095] {strides = array<i32>} : memref<512xi32, #tpu.memory_space<vmem>>, vector<16xi32>,
    tpu.vector_store %arg10[%swap3A_2095], %mul3A_2094 {strides = array<i32>} : memref<512xi32, #tpu.memory_space<vmem>>, vector<16xi32>,
    %rem3A_2097 = arith.constant 128 : i32
    %rem3A_2098 = vector.broadcast %rem3A_2097 : i32 to vector<16xi32>
    %rem3A_2099 = arith.remsi %get3A_2058, %rem3A_2098 : vector<16xi32>
    %swap3A_2100 = arith.constant 384 : index
    %swap3A_2101 = tpu.vector_load %arg11[%swap3A_2100] {strides = array<i32>} : memref<512xi32, #tpu.memory_space<vmem>>, vector<16xi32>,
    tpu.vector_store %arg11[%swap3A_2100], %rem3A_2099 {strides = array<i32>} : memref<512xi32, #tpu.memory_space<vmem>>, vector<16xi32>,
    %jit3A_2102 = arith.constant 128 : i32
    %div3A_2103 = vector.broadcast %jit3A_2102 : i32 to vector<16xi32>
    %div3A_2104 = arith.divsi %get3A_2060, %div3A_2103 : vector<16xi32>
    %sign3A_2105 = arith.constant 0 : i32
    %sign3A_2106 = vector.broadcast %sign3A_2105 : i32 to vector<16xi32>
    %sign3A_2107 = arith.cmpi sgt, %get3A_2060, %sign3A_2106 : vector<16xi32>
    %sign3A_2108 = arith.extui %sign3A_2107 : vector<16xi1> to vector<16xi32>
    %sign3A_2109 = arith.constant 0 : i32
    %sign3A_2110 = vector.broadcast %sign3A_2109 : i32 to vector<16xi32>
    %sign3A_2111 = arith.cmpi slt, %get3A_2060, %sign3A_2110 : vector<16xi32>
    %sign3A_2112 = arith.extui %sign3A_2111 : vector<16xi1> to vector<16xi32>
    %sign3A_2113 = arith.subi %sign3A_2108, %sign3A_2112 : vector<16xi32>
    %sign3A_2114 = arith.constant 0 : i32
    %sign3A_2115 = arith.cmpi sgt, %jit3A_2102, %sign3A_2114 : i32
    %sign3A_2116 = arith.extui %sign3A_2115 : i1 to i32
    %sign3A_2117 = arith.constant 0 : i32
    %sign3A_2118 = arith.cmpi slt, %jit3A_2102, %sign3A_2117 : i32
    %sign3A_2119 = arith.extui %sign3A_2118 : i1 to i32
    %sign3A_2120 = arith.subi %sign3A_2116, %sign3A_2119 : i32
    %ne3A_2121 = vector.broadcast %sign3A_2120 : i32 to vector<16xi32>
    %ne3A_2122 = arith.cmpi ne, %sign3A_2113, %ne3A_2121 : vector<16xi32>
    %rem3A_2123 = vector.broadcast %jit3A_2102 : i32 to vector<16xi32>
    %rem3A_2124 = arith.remsi %get3A_2060, %rem3A_2123 : vector<16xi32>
    %ne3A_2125 = arith.constant 0 : i32
    %ne3A_2126 = vector.broadcast %ne3A_2125 : i32 to vector<16xi32>
    %ne3A_2127 = arith.cmpi ne, %rem3A_2124, %ne3A_2126 : vector<16xi32>
    %and3A_2128 = arith.andi %ne3A_2122, %ne3A_2127 : vector<16xi1>
    %sub3A_2129 = arith.constant 1 : i32
    %sub3A_2130 = vector.broadcast %sub3A_2129 : i32 to vector<16xi32>
    %sub3A_2131 = arith.subi %div3A_2104, %sub3A_2130 : vector<16xi32>
    %select_n3A_2132 = arith.select %and3A_2128, %sub3A_2131, %div3A_2104 : vector<16xi1>, vector<16xi32>
    %mul3A_2133 = arith.constant 128 : i32
    %mul3A_2134 = vector.broadcast %mul3A_2133 : i32 to vector<16xi32>
    %mul3A_2135 = arith.muli %select_n3A_2132, %mul3A_2134 : vector<16xi32>
    %swap3A_2136 = arith.constant 384 : index
    %swap3A_2137 = tpu.vector_load %arg12[%swap3A_2136] {strides = array<i32>} : memref<512xi32, #tpu.memory_space<vmem>>, vector<16xi32>,
    tpu.vector_store %arg12[%swap3A_2136], %mul3A_2135 {strides = array<i32>} : memref<512xi32, #tpu.memory_space<vmem>>, vector<16xi32>,
    %rem3A_2138 = arith.constant 128 : i32
    %rem3A_2139 = vector.broadcast %rem3A_2138 : i32 to vector<16xi32>
    %rem3A_2140 = arith.remsi %get3A_2060, %rem3A_2139 : vector<16xi32>
    %swap3A_2141 = arith.constant 384 : index
    %swap3A_2142 = tpu.vector_load %arg13[%swap3A_2141] {strides = array<i32>} : memref<512xi32, #tpu.memory_space<vmem>>, vector<16xi32>,
    tpu.vector_store %arg13[%swap3A_2141], %rem3A_2140 {strides = array<i32>} : memref<512xi32, #tpu.memory_space<vmem>>, vector<16xi32>,
    %get3A_2143 = arith.constant 400 : index
    %get3A_2144 = tpu.vector_load %arg8[%get3A_2143] {strides = array<i32>} : memref<512xi32, #tpu.memory_space<vmem>>, vector<16xi32>,
    %get3A_2145 = arith.constant 400 : index
    %get3A_2146 = tpu.vector_load %arg9[%get3A_2145] {strides = array<i32>} : memref<512xi32, #tpu.memory_space<vmem>>, vector<16xi32>,
    %jit3A_2147 = arith.constant 128 : i32
    %div3A_2148 = vector.broadcast %jit3A_2147 : i32 to vector<16xi32>
    %div3A_2149 = arith.divsi %get3A_2144, %div3A_2148 : vector<16xi32>
    %sign3A_2150 = arith.constant 0 : i32
    %sign3A_2151 = vector.broadcast %sign3A_2150 : i32 to vector<16xi32>
    %sign3A_2152 = arith.cmpi sgt, %get3A_2144, %sign3A_2151 : vector<16xi32>
    %sign3A_2153 = arith.extui %sign3A_2152 : vector<16xi1> to vector<16xi32>
    %sign3A_2154 = arith.constant 0 : i32
    %sign3A_2155 = vector.broadcast %sign3A_2154 : i32 to vector<16xi32>
    %sign3A_2156 = arith.cmpi slt, %get3A_2144, %sign3A_2155 : vector<16xi32>
    %sign3A_2157 = arith.extui %sign3A_2156 : vector<16xi1> to vector<16xi32>
    %sign3A_2158 = arith.subi %sign3A_2153, %sign3A_2157 : vector<16xi32>
    %sign3A_2159 = arith.constant 0 : i32
    %sign3A_2160 = arith.cmpi sgt, %jit3A_2147, %sign3A_2159 : i32
    %sign3A_2161 = arith.extui %sign3A_2160 : i1 to i32
    %sign3A_2162 = arith.constant 0 : i32
    %sign3A_2163 = arith.cmpi slt, %jit3A_2147, %sign3A_2162 : i32
    %sign3A_2164 = arith.extui %sign3A_2163 : i1 to i32
    %sign3A_2165 = arith.subi %sign3A_2161, %sign3A_2164 : i32
    %ne3A_2166 = vector.broadcast %sign3A_2165 : i32 to vector<16xi32>
    %ne3A_2167 = arith.cmpi ne, %sign3A_2158, %ne3A_2166 : vector<16xi32>
    %rem3A_2168 = vector.broadcast %jit3A_2147 : i32 to vector<16xi32>
    %rem3A_2169 = arith.remsi %get3A_2144, %rem3A_2168 : vector<16xi32>
    %ne3A_2170 = arith.constant 0 : i32
    %ne3A_2171 = vector.broadcast %ne3A_2170 : i32 to vector<16xi32>
    %ne3A_2172 = arith.cmpi ne, %rem3A_2169, %ne3A_2171 : vector<16xi32>
    %and3A_2173 = arith.andi %ne3A_2167, %ne3A_2172 : vector<16xi1>
    %sub3A_2174 = arith.constant 1 : i32
    %sub3A_2175 = vector.broadcast %sub3A_2174 : i32 to vector<16xi32>
    %sub3A_2176 = arith.subi %div3A_2149, %sub3A_2175 : vector<16xi32>
    %select_n3A_2177 = arith.select %and3A_2173, %sub3A_2176, %div3A_2149 : vector<16xi1>, vector<16xi32>
    %mul3A_2178 = arith.constant 128 : i32
    %mul3A_2179 = vector.broadcast %mul3A_2178 : i32 to vector<16xi32>
    %mul3A_2180 = arith.muli %select_n3A_2177, %mul3A_2179 : vector<16xi32>
    %swap3A_2181 = arith.constant 400 : index
    %swap3A_2182 = tpu.vector_load %arg10[%swap3A_2181] {strides = array<i32>} : memref<512xi32, #tpu.memory_space<vmem>>, vector<16xi32>,
    tpu.vector_store %arg10[%swap3A_2181], %mul3A_2180 {strides = array<i32>} : memref<512xi32, #tpu.memory_space<vmem>>, vector<16xi32>,
    %rem3A_2183 = arith.constant 128 : i32
    %rem3A_2184 = vector.broadcast %rem3A_2183 : i32 to vector<16xi32>
    %rem3A_2185 = arith.remsi %get3A_2144, %rem3A_2184 : vector<16xi32>
    %swap3A_2186 = arith.constant 400 : index
    %swap3A_2187 = tpu.vector_load %arg11[%swap3A_2186] {strides = array<i32>} : memref<512xi32, #tpu.memory_space<vmem>>, vector<16xi32>,
    tpu.vector_store %arg11[%swap3A_2186], %rem3A_2185 {strides = array<i32>} : memref<512xi32, #tpu.memory_space<vmem>>, vector<16xi32>,
    %jit3A_2188 = arith.constant 128 : i32
    %div3A_2189 = vector.broadcast %jit3A_2188 : i32 to vector<16xi32>
    %div3A_2190 = arith.divsi %get3A_2146, %div3A_2189 : vector<16xi32>
    %sign3A_2191 = arith.constant 0 : i32
    %sign3A_2192 = vector.broadcast %sign3A_2191 : i32 to vector<16xi32>
    %sign3A_2193 = arith.cmpi sgt, %get3A_2146, %sign3A_2192 : vector<16xi32>
    %sign3A_2194 = arith.extui %sign3A_2193 : vector<16xi1> to vector<16xi32>
    %sign3A_2195 = arith.constant 0 : i32
    %sign3A_2196 = vector.broadcast %sign3A_2195 : i32 to vector<16xi32>
    %sign3A_2197 = arith.cmpi slt, %get3A_2146, %sign3A_2196 : vector<16xi32>
    %sign3A_2198 = arith.extui %sign3A_2197 : vector<16xi1> to vector<16xi32>
    %sign3A_2199 = arith.subi %sign3A_2194, %sign3A_2198 : vector<16xi32>
    %sign3A_2200 = arith.constant 0 : i32
    %sign3A_2201 = arith.cmpi sgt, %jit3A_2188, %sign3A_2200 : i32
    %sign3A_2202 = arith.extui %sign3A_2201 : i1 to i32
    %sign3A_2203 = arith.constant 0 : i32
    %sign3A_2204 = arith.cmpi slt, %jit3A_2188, %sign3A_2203 : i32
    %sign3A_2205 = arith.extui %sign3A_2204 : i1 to i32
    %sign3A_2206 = arith.subi %sign3A_2202, %sign3A_2205 : i32
    %ne3A_2207 = vector.broadcast %sign3A_2206 : i32 to vector<16xi32>
    %ne3A_2208 = arith.cmpi ne, %sign3A_2199, %ne3A_2207 : vector<16xi32>
    %rem3A_2209 = vector.broadcast %jit3A_2188 : i32 to vector<16xi32>
    %rem3A_2210 = arith.remsi %get3A_2146, %rem3A_2209 : vector<16xi32>
    %ne3A_2211 = arith.constant 0 : i32
    %ne3A_2212 = vector.broadcast %ne3A_2211 : i32 to vector<16xi32>
    %ne3A_2213 = arith.cmpi ne, %rem3A_2210, %ne3A_2212 : vector<16xi32>
    %and3A_2214 = arith.andi %ne3A_2208, %ne3A_2213 : vector<16xi1>
    %sub3A_2215 = arith.constant 1 : i32
    %sub3A_2216 = vector.broadcast %sub3A_2215 : i32 to vector<16xi32>
    %sub3A_2217 = arith.subi %div3A_2190, %sub3A_2216 : vector<16xi32>
    %select_n3A_2218 = arith.select %and3A_2214, %sub3A_2217, %div3A_2190 : vector<16xi1>, vector<16xi32>
    %mul3A_2219 = arith.constant 128 : i32
    %mul3A_2220 = vector.broadcast %mul3A_2219 : i32 to vector<16xi32>
    %mul3A_2221 = arith.muli %select_n3A_2218, %mul3A_2220 : vector<16xi32>
    %swap3A_2222 = arith.constant 400 : index
    %swap3A_2223 = tpu.vector_load %arg12[%swap3A_2222] {strides = array<i32>} : memref<512xi32, #tpu.memory_space<vmem>>, vector<16xi32>,
    tpu.vector_store %arg12[%swap3A_2222], %mul3A_2221 {strides = array<i32>} : memref<512xi32, #tpu.memory_space<vmem>>, vector<16xi32>,
    %rem3A_2224 = arith.constant 128 : i32
    %rem3A_2225 = vector.broadcast %rem3A_2224 : i32 to vector<16xi32>
    %rem3A_2226 = arith.remsi %get3A_2146, %rem3A_2225 : vector<16xi32>
    %swap3A_2227 = arith.constant 400 : index
    %swap3A_2228 = tpu.vector_load %arg13[%swap3A_2227] {strides = array<i32>} : memref<512xi32, #tpu.memory_space<vmem>>, vector<16xi32>,
    tpu.vector_store %arg13[%swap3A_2227], %rem3A_2226 {strides = array<i32>} : memref<512xi32, #tpu.memory_space<vmem>>, vector<16xi32>,
    %get3A_2229 = arith.constant 416 : index
    %get3A_2230 = tpu.vector_load %arg8[%get3A_2229] {strides = array<i32>} : memref<512xi32, #tpu.memory_space<vmem>>, vector<16xi32>,
    %get3A_2231 = arith.constant 416 : index
    %get3A_2232 = tpu.vector_load %arg9[%get3A_2231] {strides = array<i32>} : memref<512xi32, #tpu.memory_space<vmem>>, vector<16xi32>,
    %jit3A_2233 = arith.constant 128 : i32
    %div3A_2234 = vector.broadcast %jit3A_2233 : i32 to vector<16xi32>
    %div3A_2235 = arith.divsi %get3A_2230, %div3A_2234 : vector<16xi32>
    %sign3A_2236 = arith.constant 0 : i32
    %sign3A_2237 = vector.broadcast %sign3A_2236 : i32 to vector<16xi32>
    %sign3A_2238 = arith.cmpi sgt, %get3A_2230, %sign3A_2237 : vector<16xi32>
    %sign3A_2239 = arith.extui %sign3A_2238 : vector<16xi1> to vector<16xi32>
    %sign3A_2240 = arith.constant 0 : i32
    %sign3A_2241 = vector.broadcast %sign3A_2240 : i32 to vector<16xi32>
    %sign3A_2242 = arith.cmpi slt, %get3A_2230, %sign3A_2241 : vector<16xi32>
    %sign3A_2243 = arith.extui %sign3A_2242 : vector<16xi1> to vector<16xi32>
    %sign3A_2244 = arith.subi %sign3A_2239, %sign3A_2243 : vector<16xi32>
    %sign3A_2245 = arith.constant 0 : i32
    %sign3A_2246 = arith.cmpi sgt, %jit3A_2233, %sign3A_2245 : i32
    %sign3A_2247 = arith.extui %sign3A_2246 : i1 to i32
    %sign3A_2248 = arith.constant 0 : i32
    %sign3A_2249 = arith.cmpi slt, %jit3A_2233, %sign3A_2248 : i32
    %sign3A_2250 = arith.extui %sign3A_2249 : i1 to i32
    %sign3A_2251 = arith.subi %sign3A_2247, %sign3A_2250 : i32
    %ne3A_2252 = vector.broadcast %sign3A_2251 : i32 to vector<16xi32>
    %ne3A_2253 = arith.cmpi ne, %sign3A_2244, %ne3A_2252 : vector<16xi32>
    %rem3A_2254 = vector.broadcast %jit3A_2233 : i32 to vector<16xi32>
    %rem3A_2255 = arith.remsi %get3A_2230, %rem3A_2254 : vector<16xi32>
    %ne3A_2256 = arith.constant 0 : i32
    %ne3A_2257 = vector.broadcast %ne3A_2256 : i32 to vector<16xi32>
    %ne3A_2258 = arith.cmpi ne, %rem3A_2255, %ne3A_2257 : vector<16xi32>
    %and3A_2259 = arith.andi %ne3A_2253, %ne3A_2258 : vector<16xi1>
    %sub3A_2260 = arith.constant 1 : i32
    %sub3A_2261 = vector.broadcast %sub3A_2260 : i32 to vector<16xi32>
    %sub3A_2262 = arith.subi %div3A_2235, %sub3A_2261 : vector<16xi32>
    %select_n3A_2263 = arith.select %and3A_2259, %sub3A_2262, %div3A_2235 : vector<16xi1>, vector<16xi32>
    %mul3A_2264 = arith.constant 128 : i32
    %mul3A_2265 = vector.broadcast %mul3A_2264 : i32 to vector<16xi32>
    %mul3A_2266 = arith.muli %select_n3A_2263, %mul3A_2265 : vector<16xi32>
    %swap3A_2267 = arith.constant 416 : index
    %swap3A_2268 = tpu.vector_load %arg10[%swap3A_2267] {strides = array<i32>} : memref<512xi32, #tpu.memory_space<vmem>>, vector<16xi32>,
    tpu.vector_store %arg10[%swap3A_2267], %mul3A_2266 {strides = array<i32>} : memref<512xi32, #tpu.memory_space<vmem>>, vector<16xi32>,
    %rem3A_2269 = arith.constant 128 : i32
    %rem3A_2270 = vector.broadcast %rem3A_2269 : i32 to vector<16xi32>
    %rem3A_2271 = arith.remsi %get3A_2230, %rem3A_2270 : vector<16xi32>
    %swap3A_2272 = arith.constant 416 : index
    %swap3A_2273 = tpu.vector_load %arg11[%swap3A_2272] {strides = array<i32>} : memref<512xi32, #tpu.memory_space<vmem>>, vector<16xi32>,
    tpu.vector_store %arg11[%swap3A_2272], %rem3A_2271 {strides = array<i32>} : memref<512xi32, #tpu.memory_space<vmem>>, vector<16xi32>,
    %jit3A_2274 = arith.constant 128 : i32
    %div3A_2275 = vector.broadcast %jit3A_2274 : i32 to vector<16xi32>
    %div3A_2276 = arith.divsi %get3A_2232, %div3A_2275 : vector<16xi32>
    %sign3A_2277 = arith.constant 0 : i32
    %sign3A_2278 = vector.broadcast %sign3A_2277 : i32 to vector<16xi32>
    %sign3A_2279 = arith.cmpi sgt, %get3A_2232, %sign3A_2278 : vector<16xi32>
    %sign3A_2280 = arith.extui %sign3A_2279 : vector<16xi1> to vector<16xi32>
    %sign3A_2281 = arith.constant 0 : i32
    %sign3A_2282 = vector.broadcast %sign3A_2281 : i32 to vector<16xi32>
    %sign3A_2283 = arith.cmpi slt, %get3A_2232, %sign3A_2282 : vector<16xi32>
    %sign3A_2284 = arith.extui %sign3A_2283 : vector<16xi1> to vector<16xi32>
    %sign3A_2285 = arith.subi %sign3A_2280, %sign3A_2284 : vector<16xi32>
    %sign3A_2286 = arith.constant 0 : i32
    %sign3A_2287 = arith.cmpi sgt, %jit3A_2274, %sign3A_2286 : i32
    %sign3A_2288 = arith.extui %sign3A_2287 : i1 to i32
    %sign3A_2289 = arith.constant 0 : i32
    %sign3A_2290 = arith.cmpi slt, %jit3A_2274, %sign3A_2289 : i32
    %sign3A_2291 = arith.extui %sign3A_2290 : i1 to i32
    %sign3A_2292 = arith.subi %sign3A_2288, %sign3A_2291 : i32
    %ne3A_2293 = vector.broadcast %sign3A_2292 : i32 to vector<16xi32>
    %ne3A_2294 = arith.cmpi ne, %sign3A_2285, %ne3A_2293 : vector<16xi32>
    %rem3A_2295 = vector.broadcast %jit3A_2274 : i32 to vector<16xi32>
    %rem3A_2296 = arith.remsi %get3A_2232, %rem3A_2295 : vector<16xi32>
    %ne3A_2297 = arith.constant 0 : i32
    %ne3A_2298 = vector.broadcast %ne3A_2297 : i32 to vector<16xi32>
    %ne3A_2299 = arith.cmpi ne, %rem3A_2296, %ne3A_2298 : vector<16xi32>
    %and3A_2300 = arith.andi %ne3A_2294, %ne3A_2299 : vector<16xi1>
    %sub3A_2301 = arith.constant 1 : i32
    %sub3A_2302 = vector.broadcast %sub3A_2301 : i32 to vector<16xi32>
    %sub3A_2303 = arith.subi %div3A_2276, %sub3A_2302 : vector<16xi32>
    %select_n3A_2304 = arith.select %and3A_2300, %sub3A_2303, %div3A_2276 : vector<16xi1>, vector<16xi32>
    %mul3A_2305 = arith.constant 128 : i32
    %mul3A_2306 = vector.broadcast %mul3A_2305 : i32 to vector<16xi32>
    %mul3A_2307 = arith.muli %select_n3A_2304, %mul3A_2306 : vector<16xi32>
    %swap3A_2308 = arith.constant 416 : index
    %swap3A_2309 = tpu.vector_load %arg12[%swap3A_2308] {strides = array<i32>} : memref<512xi32, #tpu.memory_space<vmem>>, vector<16xi32>,
    tpu.vector_store %arg12[%swap3A_2308], %mul3A_2307 {strides = array<i32>} : memref<512xi32, #tpu.memory_space<vmem>>, vector<16xi32>,
    %rem3A_2310 = arith.constant 128 : i32
    %rem3A_2311 = vector.broadcast %rem3A_2310 : i32 to vector<16xi32>
    %rem3A_2312 = arith.remsi %get3A_2232, %rem3A_2311 : vector<16xi32>
    %swap3A_2313 = arith.constant 416 : index
    %swap3A_2314 = tpu.vector_load %arg13[%swap3A_2313] {strides = array<i32>} : memref<512xi32, #tpu.memory_space<vmem>>, vector<16xi32>,
    tpu.vector_store %arg13[%swap3A_2313], %rem3A_2312 {strides = array<i32>} : memref<512xi32, #tpu.memory_space<vmem>>, vector<16xi32>,
    %get3A_2315 = arith.constant 432 : index
    %get3A_2316 = tpu.vector_load %arg8[%get3A_2315] {strides = array<i32>} : memref<512xi32, #tpu.memory_space<vmem>>, vector<16xi32>,
    %get3A_2317 = arith.constant 432 : index
    %get3A_2318 = tpu.vector_load %arg9[%get3A_2317] {strides = array<i32>} : memref<512xi32, #tpu.memory_space<vmem>>, vector<16xi32>,
    %jit3A_2319 = arith.constant 128 : i32
    %div3A_2320 = vector.broadcast %jit3A_2319 : i32 to vector<16xi32>
    %div3A_2321 = arith.divsi %get3A_2316, %div3A_2320 : vector<16xi32>
    %sign3A_2322 = arith.constant 0 : i32
    %sign3A_2323 = vector.broadcast %sign3A_2322 : i32 to vector<16xi32>
    %sign3A_2324 = arith.cmpi sgt, %get3A_2316, %sign3A_2323 : vector<16xi32>
    %sign3A_2325 = arith.extui %sign3A_2324 : vector<16xi1> to vector<16xi32>
    %sign3A_2326 = arith.constant 0 : i32
    %sign3A_2327 = vector.broadcast %sign3A_2326 : i32 to vector<16xi32>
    %sign3A_2328 = arith.cmpi slt, %get3A_2316, %sign3A_2327 : vector<16xi32>
    %sign3A_2329 = arith.extui %sign3A_2328 : vector<16xi1> to vector<16xi32>
    %sign3A_2330 = arith.subi %sign3A_2325, %sign3A_2329 : vector<16xi32>
    %sign3A_2331 = arith.constant 0 : i32
    %sign3A_2332 = arith.cmpi sgt, %jit3A_2319, %sign3A_2331 : i32
    %sign3A_2333 = arith.extui %sign3A_2332 : i1 to i32
    %sign3A_2334 = arith.constant 0 : i32
    %sign3A_2335 = arith.cmpi slt, %jit3A_2319, %sign3A_2334 : i32
    %sign3A_2336 = arith.extui %sign3A_2335 : i1 to i32
    %sign3A_2337 = arith.subi %sign3A_2333, %sign3A_2336 : i32
    %ne3A_2338 = vector.broadcast %sign3A_2337 : i32 to vector<16xi32>
    %ne3A_2339 = arith.cmpi ne, %sign3A_2330, %ne3A_2338 : vector<16xi32>
    %rem3A_2340 = vector.broadcast %jit3A_2319 : i32 to vector<16xi32>
    %rem3A_2341 = arith.remsi %get3A_2316, %rem3A_2340 : vector<16xi32>
    %ne3A_2342 = arith.constant 0 : i32
    %ne3A_2343 = vector.broadcast %ne3A_2342 : i32 to vector<16xi32>
    %ne3A_2344 = arith.cmpi ne, %rem3A_2341, %ne3A_2343 : vector<16xi32>
    %and3A_2345 = arith.andi %ne3A_2339, %ne3A_2344 : vector<16xi1>
    %sub3A_2346 = arith.constant 1 : i32
    %sub3A_2347 = vector.broadcast %sub3A_2346 : i32 to vector<16xi32>
    %sub3A_2348 = arith.subi %div3A_2321, %sub3A_2347 : vector<16xi32>
    %select_n3A_2349 = arith.select %and3A_2345, %sub3A_2348, %div3A_2321 : vector<16xi1>, vector<16xi32>
    %mul3A_2350 = arith.constant 128 : i32
    %mul3A_2351 = vector.broadcast %mul3A_2350 : i32 to vector<16xi32>
    %mul3A_2352 = arith.muli %select_n3A_2349, %mul3A_2351 : vector<16xi32>
    %swap3A_2353 = arith.constant 432 : index
    %swap3A_2354 = tpu.vector_load %arg10[%swap3A_2353] {strides = array<i32>} : memref<512xi32, #tpu.memory_space<vmem>>, vector<16xi32>,
    tpu.vector_store %arg10[%swap3A_2353], %mul3A_2352 {strides = array<i32>} : memref<512xi32, #tpu.memory_space<vmem>>, vector<16xi32>,
    %rem3A_2355 = arith.constant 128 : i32
    %rem3A_2356 = vector.broadcast %rem3A_2355 : i32 to vector<16xi32>
    %rem3A_2357 = arith.remsi %get3A_2316, %rem3A_2356 : vector<16xi32>
    %swap3A_2358 = arith.constant 432 : index
    %swap3A_2359 = tpu.vector_load %arg11[%swap3A_2358] {strides = array<i32>} : memref<512xi32, #tpu.memory_space<vmem>>, vector<16xi32>,
    tpu.vector_store %arg11[%swap3A_2358], %rem3A_2357 {strides = array<i32>} : memref<512xi32, #tpu.memory_space<vmem>>, vector<16xi32>,
    %jit3A_2360 = arith.constant 128 : i32
    %div3A_2361 = vector.broadcast %jit3A_2360 : i32 to vector<16xi32>
    %div3A_2362 = arith.divsi %get3A_2318, %div3A_2361 : vector<16xi32>
    %sign3A_2363 = arith.constant 0 : i32
    %sign3A_2364 = vector.broadcast %sign3A_2363 : i32 to vector<16xi32>
    %sign3A_2365 = arith.cmpi sgt, %get3A_2318, %sign3A_2364 : vector<16xi32>
    %sign3A_2366 = arith.extui %sign3A_2365 : vector<16xi1> to vector<16xi32>
    %sign3A_2367 = arith.constant 0 : i32
    %sign3A_2368 = vector.broadcast %sign3A_2367 : i32 to vector<16xi32>
    %sign3A_2369 = arith.cmpi slt, %get3A_2318, %sign3A_2368 : vector<16xi32>
    %sign3A_2370 = arith.extui %sign3A_2369 : vector<16xi1> to vector<16xi32>
    %sign3A_2371 = arith.subi %sign3A_2366, %sign3A_2370 : vector<16xi32>
    %sign3A_2372 = arith.constant 0 : i32
    %sign3A_2373 = arith.cmpi sgt, %jit3A_2360, %sign3A_2372 : i32
    %sign3A_2374 = arith.extui %sign3A_2373 : i1 to i32
    %sign3A_2375 = arith.constant 0 : i32
    %sign3A_2376 = arith.cmpi slt, %jit3A_2360, %sign3A_2375 : i32
    %sign3A_2377 = arith.extui %sign3A_2376 : i1 to i32
    %sign3A_2378 = arith.subi %sign3A_2374, %sign3A_2377 : i32
    %ne3A_2379 = vector.broadcast %sign3A_2378 : i32 to vector<16xi32>
    %ne3A_2380 = arith.cmpi ne, %sign3A_2371, %ne3A_2379 : vector<16xi32>
    %rem3A_2381 = vector.broadcast %jit3A_2360 : i32 to vector<16xi32>
    %rem3A_2382 = arith.remsi %get3A_2318, %rem3A_2381 : vector<16xi32>
    %ne3A_2383 = arith.constant 0 : i32
    %ne3A_2384 = vector.broadcast %ne3A_2383 : i32 to vector<16xi32>
    %ne3A_2385 = arith.cmpi ne, %rem3A_2382, %ne3A_2384 : vector<16xi32>
    %and3A_2386 = arith.andi %ne3A_2380, %ne3A_2385 : vector<16xi1>
    %sub3A_2387 = arith.constant 1 : i32
    %sub3A_2388 = vector.broadcast %sub3A_2387 : i32 to vector<16xi32>
    %sub3A_2389 = arith.subi %div3A_2362, %sub3A_2388 : vector<16xi32>
    %select_n3A_2390 = arith.select %and3A_2386, %sub3A_2389, %div3A_2362 : vector<16xi1>, vector<16xi32>
    %mul3A_2391 = arith.constant 128 : i32
    %mul3A_2392 = vector.broadcast %mul3A_2391 : i32 to vector<16xi32>
    %mul3A_2393 = arith.muli %select_n3A_2390, %mul3A_2392 : vector<16xi32>
    %swap3A_2394 = arith.constant 432 : index
    %swap3A_2395 = tpu.vector_load %arg12[%swap3A_2394] {strides = array<i32>} : memref<512xi32, #tpu.memory_space<vmem>>, vector<16xi32>,
    tpu.vector_store %arg12[%swap3A_2394], %mul3A_2393 {strides = array<i32>} : memref<512xi32, #tpu.memory_space<vmem>>, vector<16xi32>,
    %rem3A_2396 = arith.constant 128 : i32
    %rem3A_2397 = vector.broadcast %rem3A_2396 : i32 to vector<16xi32>
    %rem3A_2398 = arith.remsi %get3A_2318, %rem3A_2397 : vector<16xi32>
    %swap3A_2399 = arith.constant 432 : index
    %swap3A_2400 = tpu.vector_load %arg13[%swap3A_2399] {strides = array<i32>} : memref<512xi32, #tpu.memory_space<vmem>>, vector<16xi32>,
    tpu.vector_store %arg13[%swap3A_2399], %rem3A_2398 {strides = array<i32>} : memref<512xi32, #tpu.memory_space<vmem>>, vector<16xi32>,
    %get3A_2401 = arith.constant 448 : index
    %get3A_2402 = tpu.vector_load %arg8[%get3A_2401] {strides = array<i32>} : memref<512xi32, #tpu.memory_space<vmem>>, vector<16xi32>,
    %get3A_2403 = arith.constant 448 : index
    %get3A_2404 = tpu.vector_load %arg9[%get3A_2403] {strides = array<i32>} : memref<512xi32, #tpu.memory_space<vmem>>, vector<16xi32>,
    %jit3A_2405 = arith.constant 128 : i32
    %div3A_2406 = vector.broadcast %jit3A_2405 : i32 to vector<16xi32>
    %div3A_2407 = arith.divsi %get3A_2402, %div3A_2406 : vector<16xi32>
    %sign3A_2408 = arith.constant 0 : i32
    %sign3A_2409 = vector.broadcast %sign3A_2408 : i32 to vector<16xi32>
    %sign3A_2410 = arith.cmpi sgt, %get3A_2402, %sign3A_2409 : vector<16xi32>
    %sign3A_2411 = arith.extui %sign3A_2410 : vector<16xi1> to vector<16xi32>
    %sign3A_2412 = arith.constant 0 : i32
    %sign3A_2413 = vector.broadcast %sign3A_2412 : i32 to vector<16xi32>
    %sign3A_2414 = arith.cmpi slt, %get3A_2402, %sign3A_2413 : vector<16xi32>
    %sign3A_2415 = arith.extui %sign3A_2414 : vector<16xi1> to vector<16xi32>
    %sign3A_2416 = arith.subi %sign3A_2411, %sign3A_2415 : vector<16xi32>
    %sign3A_2417 = arith.constant 0 : i32
    %sign3A_2418 = arith.cmpi sgt, %jit3A_2405, %sign3A_2417 : i32
    %sign3A_2419 = arith.extui %sign3A_2418 : i1 to i32
    %sign3A_2420 = arith.constant 0 : i32
    %sign3A_2421 = arith.cmpi slt, %jit3A_2405, %sign3A_2420 : i32
    %sign3A_2422 = arith.extui %sign3A_2421 : i1 to i32
    %sign3A_2423 = arith.subi %sign3A_2419, %sign3A_2422 : i32
    %ne3A_2424 = vector.broadcast %sign3A_2423 : i32 to vector<16xi32>
    %ne3A_2425 = arith.cmpi ne, %sign3A_2416, %ne3A_2424 : vector<16xi32>
    %rem3A_2426 = vector.broadcast %jit3A_2405 : i32 to vector<16xi32>
    %rem3A_2427 = arith.remsi %get3A_2402, %rem3A_2426 : vector<16xi32>
    %ne3A_2428 = arith.constant 0 : i32
    %ne3A_2429 = vector.broadcast %ne3A_2428 : i32 to vector<16xi32>
    %ne3A_2430 = arith.cmpi ne, %rem3A_2427, %ne3A_2429 : vector<16xi32>
    %and3A_2431 = arith.andi %ne3A_2425, %ne3A_2430 : vector<16xi1>
    %sub3A_2432 = arith.constant 1 : i32
    %sub3A_2433 = vector.broadcast %sub3A_2432 : i32 to vector<16xi32>
    %sub3A_2434 = arith.subi %div3A_2407, %sub3A_2433 : vector<16xi32>
    %select_n3A_2435 = arith.select %and3A_2431, %sub3A_2434, %div3A_2407 : vector<16xi1>, vector<16xi32>
    %mul3A_2436 = arith.constant 128 : i32
    %mul3A_2437 = vector.broadcast %mul3A_2436 : i32 to vector<16xi32>
    %mul3A_2438 = arith.muli %select_n3A_2435, %mul3A_2437 : vector<16xi32>
    %swap3A_2439 = arith.constant 448 : index
    %swap3A_2440 = tpu.vector_load %arg10[%swap3A_2439] {strides = array<i32>} : memref<512xi32, #tpu.memory_space<vmem>>, vector<16xi32>,
    tpu.vector_store %arg10[%swap3A_2439], %mul3A_2438 {strides = array<i32>} : memref<512xi32, #tpu.memory_space<vmem>>, vector<16xi32>,
    %rem3A_2441 = arith.constant 128 : i32
    %rem3A_2442 = vector.broadcast %rem3A_2441 : i32 to vector<16xi32>
    %rem3A_2443 = arith.remsi %get3A_2402, %rem3A_2442 : vector<16xi32>
    %swap3A_2444 = arith.constant 448 : index
    %swap3A_2445 = tpu.vector_load %arg11[%swap3A_2444] {strides = array<i32>} : memref<512xi32, #tpu.memory_space<vmem>>, vector<16xi32>,
    tpu.vector_store %arg11[%swap3A_2444], %rem3A_2443 {strides = array<i32>} : memref<512xi32, #tpu.memory_space<vmem>>, vector<16xi32>,
    %jit3A_2446 = arith.constant 128 : i32
    %div3A_2447 = vector.broadcast %jit3A_2446 : i32 to vector<16xi32>
    %div3A_2448 = arith.divsi %get3A_2404, %div3A_2447 : vector<16xi32>
    %sign3A_2449 = arith.constant 0 : i32
    %sign3A_2450 = vector.broadcast %sign3A_2449 : i32 to vector<16xi32>
    %sign3A_2451 = arith.cmpi sgt, %get3A_2404, %sign3A_2450 : vector<16xi32>
    %sign3A_2452 = arith.extui %sign3A_2451 : vector<16xi1> to vector<16xi32>
    %sign3A_2453 = arith.constant 0 : i32
    %sign3A_2454 = vector.broadcast %sign3A_2453 : i32 to vector<16xi32>
    %sign3A_2455 = arith.cmpi slt, %get3A_2404, %sign3A_2454 : vector<16xi32>
    %sign3A_2456 = arith.extui %sign3A_2455 : vector<16xi1> to vector<16xi32>
    %sign3A_2457 = arith.subi %sign3A_2452, %sign3A_2456 : vector<16xi32>
    %sign3A_2458 = arith.constant 0 : i32
    %sign3A_2459 = arith.cmpi sgt, %jit3A_2446, %sign3A_2458 : i32
    %sign3A_2460 = arith.extui %sign3A_2459 : i1 to i32
    %sign3A_2461 = arith.constant 0 : i32
    %sign3A_2462 = arith.cmpi slt, %jit3A_2446, %sign3A_2461 : i32
    %sign3A_2463 = arith.extui %sign3A_2462 : i1 to i32
    %sign3A_2464 = arith.subi %sign3A_2460, %sign3A_2463 : i32
    %ne3A_2465 = vector.broadcast %sign3A_2464 : i32 to vector<16xi32>
    %ne3A_2466 = arith.cmpi ne, %sign3A_2457, %ne3A_2465 : vector<16xi32>
    %rem3A_2467 = vector.broadcast %jit3A_2446 : i32 to vector<16xi32>
    %rem3A_2468 = arith.remsi %get3A_2404, %rem3A_2467 : vector<16xi32>
    %ne3A_2469 = arith.constant 0 : i32
    %ne3A_2470 = vector.broadcast %ne3A_2469 : i32 to vector<16xi32>
    %ne3A_2471 = arith.cmpi ne, %rem3A_2468, %ne3A_2470 : vector<16xi32>
    %and3A_2472 = arith.andi %ne3A_2466, %ne3A_2471 : vector<16xi1>
    %sub3A_2473 = arith.constant 1 : i32
    %sub3A_2474 = vector.broadcast %sub3A_2473 : i32 to vector<16xi32>
    %sub3A_2475 = arith.subi %div3A_2448, %sub3A_2474 : vector<16xi32>
    %select_n3A_2476 = arith.select %and3A_2472, %sub3A_2475, %div3A_2448 : vector<16xi1>, vector<16xi32>
    %mul3A_2477 = arith.constant 128 : i32
    %mul3A_2478 = vector.broadcast %mul3A_2477 : i32 to vector<16xi32>
    %mul3A_2479 = arith.muli %select_n3A_2476, %mul3A_2478 : vector<16xi32>
    %swap3A_2480 = arith.constant 448 : index
    %swap3A_2481 = tpu.vector_load %arg12[%swap3A_2480] {strides = array<i32>} : memref<512xi32, #tpu.memory_space<vmem>>, vector<16xi32>,
    tpu.vector_store %arg12[%swap3A_2480], %mul3A_2479 {strides = array<i32>} : memref<512xi32, #tpu.memory_space<vmem>>, vector<16xi32>,
    %rem3A_2482 = arith.constant 128 : i32
    %rem3A_2483 = vector.broadcast %rem3A_2482 : i32 to vector<16xi32>
    %rem3A_2484 = arith.remsi %get3A_2404, %rem3A_2483 : vector<16xi32>
    %swap3A_2485 = arith.constant 448 : index
    %swap3A_2486 = tpu.vector_load %arg13[%swap3A_2485] {strides = array<i32>} : memref<512xi32, #tpu.memory_space<vmem>>, vector<16xi32>,
    tpu.vector_store %arg13[%swap3A_2485], %rem3A_2484 {strides = array<i32>} : memref<512xi32, #tpu.memory_space<vmem>>, vector<16xi32>,
    %get3A_2487 = arith.constant 464 : index
    %get3A_2488 = tpu.vector_load %arg8[%get3A_2487] {strides = array<i32>} : memref<512xi32, #tpu.memory_space<vmem>>, vector<16xi32>,
    %get3A_2489 = arith.constant 464 : index
    %get3A_2490 = tpu.vector_load %arg9[%get3A_2489] {strides = array<i32>} : memref<512xi32, #tpu.memory_space<vmem>>, vector<16xi32>,
    %jit3A_2491 = arith.constant 128 : i32
    %div3A_2492 = vector.broadcast %jit3A_2491 : i32 to vector<16xi32>
    %div3A_2493 = arith.divsi %get3A_2488, %div3A_2492 : vector<16xi32>
    %sign3A_2494 = arith.constant 0 : i32
    %sign3A_2495 = vector.broadcast %sign3A_2494 : i32 to vector<16xi32>
    %sign3A_2496 = arith.cmpi sgt, %get3A_2488, %sign3A_2495 : vector<16xi32>
    %sign3A_2497 = arith.extui %sign3A_2496 : vector<16xi1> to vector<16xi32>
    %sign3A_2498 = arith.constant 0 : i32
    %sign3A_2499 = vector.broadcast %sign3A_2498 : i32 to vector<16xi32>
    %sign3A_2500 = arith.cmpi slt, %get3A_2488, %sign3A_2499 : vector<16xi32>
    %sign3A_2501 = arith.extui %sign3A_2500 : vector<16xi1> to vector<16xi32>
    %sign3A_2502 = arith.subi %sign3A_2497, %sign3A_2501 : vector<16xi32>
    %sign3A_2503 = arith.constant 0 : i32
    %sign3A_2504 = arith.cmpi sgt, %jit3A_2491, %sign3A_2503 : i32
    %sign3A_2505 = arith.extui %sign3A_2504 : i1 to i32
    %sign3A_2506 = arith.constant 0 : i32
    %sign3A_2507 = arith.cmpi slt, %jit3A_2491, %sign3A_2506 : i32
    %sign3A_2508 = arith.extui %sign3A_2507 : i1 to i32
    %sign3A_2509 = arith.subi %sign3A_2505, %sign3A_2508 : i32
    %ne3A_2510 = vector.broadcast %sign3A_2509 : i32 to vector<16xi32>
    %ne3A_2511 = arith.cmpi ne, %sign3A_2502, %ne3A_2510 : vector<16xi32>
    %rem3A_2512 = vector.broadcast %jit3A_2491 : i32 to vector<16xi32>
    %rem3A_2513 = arith.remsi %get3A_2488, %rem3A_2512 : vector<16xi32>
    %ne3A_2514 = arith.constant 0 : i32
    %ne3A_2515 = vector.broadcast %ne3A_2514 : i32 to vector<16xi32>
    %ne3A_2516 = arith.cmpi ne, %rem3A_2513, %ne3A_2515 : vector<16xi32>
    %and3A_2517 = arith.andi %ne3A_2511, %ne3A_2516 : vector<16xi1>
    %sub3A_2518 = arith.constant 1 : i32
    %sub3A_2519 = vector.broadcast %sub3A_2518 : i32 to vector<16xi32>
    %sub3A_2520 = arith.subi %div3A_2493, %sub3A_2519 : vector<16xi32>
    %select_n3A_2521 = arith.select %and3A_2517, %sub3A_2520, %div3A_2493 : vector<16xi1>, vector<16xi32>
    %mul3A_2522 = arith.constant 128 : i32
    %mul3A_2523 = vector.broadcast %mul3A_2522 : i32 to vector<16xi32>
    %mul3A_2524 = arith.muli %select_n3A_2521, %mul3A_2523 : vector<16xi32>
    %swap3A_2525 = arith.constant 464 : index
    %swap3A_2526 = tpu.vector_load %arg10[%swap3A_2525] {strides = array<i32>} : memref<512xi32, #tpu.memory_space<vmem>>, vector<16xi32>,
    tpu.vector_store %arg10[%swap3A_2525], %mul3A_2524 {strides = array<i32>} : memref<512xi32, #tpu.memory_space<vmem>>, vector<16xi32>,
    %rem3A_2527 = arith.constant 128 : i32
    %rem3A_2528 = vector.broadcast %rem3A_2527 : i32 to vector<16xi32>
    %rem3A_2529 = arith.remsi %get3A_2488, %rem3A_2528 : vector<16xi32>
    %swap3A_2530 = arith.constant 464 : index
    %swap3A_2531 = tpu.vector_load %arg11[%swap3A_2530] {strides = array<i32>} : memref<512xi32, #tpu.memory_space<vmem>>, vector<16xi32>,
    tpu.vector_store %arg11[%swap3A_2530], %rem3A_2529 {strides = array<i32>} : memref<512xi32, #tpu.memory_space<vmem>>, vector<16xi32>,
    %jit3A_2532 = arith.constant 128 : i32
    %div3A_2533 = vector.broadcast %jit3A_2532 : i32 to vector<16xi32>
    %div3A_2534 = arith.divsi %get3A_2490, %div3A_2533 : vector<16xi32>
    %sign3A_2535 = arith.constant 0 : i32
    %sign3A_2536 = vector.broadcast %sign3A_2535 : i32 to vector<16xi32>
    %sign3A_2537 = arith.cmpi sgt, %get3A_2490, %sign3A_2536 : vector<16xi32>
    %sign3A_2538 = arith.extui %sign3A_2537 : vector<16xi1> to vector<16xi32>
    %sign3A_2539 = arith.constant 0 : i32
    %sign3A_2540 = vector.broadcast %sign3A_2539 : i32 to vector<16xi32>
    %sign3A_2541 = arith.cmpi slt, %get3A_2490, %sign3A_2540 : vector<16xi32>
    %sign3A_2542 = arith.extui %sign3A_2541 : vector<16xi1> to vector<16xi32>
    %sign3A_2543 = arith.subi %sign3A_2538, %sign3A_2542 : vector<16xi32>
    %sign3A_2544 = arith.constant 0 : i32
    %sign3A_2545 = arith.cmpi sgt, %jit3A_2532, %sign3A_2544 : i32
    %sign3A_2546 = arith.extui %sign3A_2545 : i1 to i32
    %sign3A_2547 = arith.constant 0 : i32
    %sign3A_2548 = arith.cmpi slt, %jit3A_2532, %sign3A_2547 : i32
    %sign3A_2549 = arith.extui %sign3A_2548 : i1 to i32
    %sign3A_2550 = arith.subi %sign3A_2546, %sign3A_2549 : i32
    %ne3A_2551 = vector.broadcast %sign3A_2550 : i32 to vector<16xi32>
    %ne3A_2552 = arith.cmpi ne, %sign3A_2543, %ne3A_2551 : vector<16xi32>
    %rem3A_2553 = vector.broadcast %jit3A_2532 : i32 to vector<16xi32>
    %rem3A_2554 = arith.remsi %get3A_2490, %rem3A_2553 : vector<16xi32>
    %ne3A_2555 = arith.constant 0 : i32
    %ne3A_2556 = vector.broadcast %ne3A_2555 : i32 to vector<16xi32>
    %ne3A_2557 = arith.cmpi ne, %rem3A_2554, %ne3A_2556 : vector<16xi32>
    %and3A_2558 = arith.andi %ne3A_2552, %ne3A_2557 : vector<16xi1>
    %sub3A_2559 = arith.constant 1 : i32
    %sub3A_2560 = vector.broadcast %sub3A_2559 : i32 to vector<16xi32>
    %sub3A_2561 = arith.subi %div3A_2534, %sub3A_2560 : vector<16xi32>
    %select_n3A_2562 = arith.select %and3A_2558, %sub3A_2561, %div3A_2534 : vector<16xi1>, vector<16xi32>
    %mul3A_2563 = arith.constant 128 : i32
    %mul3A_2564 = vector.broadcast %mul3A_2563 : i32 to vector<16xi32>
    %mul3A_2565 = arith.muli %select_n3A_2562, %mul3A_2564 : vector<16xi32>
    %swap3A_2566 = arith.constant 464 : index
    %swap3A_2567 = tpu.vector_load %arg12[%swap3A_2566] {strides = array<i32>} : memref<512xi32, #tpu.memory_space<vmem>>, vector<16xi32>,
    tpu.vector_store %arg12[%swap3A_2566], %mul3A_2565 {strides = array<i32>} : memref<512xi32, #tpu.memory_space<vmem>>, vector<16xi32>,
    %rem3A_2568 = arith.constant 128 : i32
    %rem3A_2569 = vector.broadcast %rem3A_2568 : i32 to vector<16xi32>
    %rem3A_2570 = arith.remsi %get3A_2490, %rem3A_2569 : vector<16xi32>
    %swap3A_2571 = arith.constant 464 : index
    %swap3A_2572 = tpu.vector_load %arg13[%swap3A_2571] {strides = array<i32>} : memref<512xi32, #tpu.memory_space<vmem>>, vector<16xi32>,
    tpu.vector_store %arg13[%swap3A_2571], %rem3A_2570 {strides = array<i32>} : memref<512xi32, #tpu.memory_space<vmem>>, vector<16xi32>,
    %get3A_2573 = arith.constant 480 : index
    %get3A_2574 = tpu.vector_load %arg8[%get3A_2573] {strides = array<i32>} : memref<512xi32, #tpu.memory_space<vmem>>, vector<16xi32>,
    %get3A_2575 = arith.constant 480 : index
    %get3A_2576 = tpu.vector_load %arg9[%get3A_2575] {strides = array<i32>} : memref<512xi32, #tpu.memory_space<vmem>>, vector<16xi32>,
    %jit3A_2577 = arith.constant 128 : i32
    %div3A_2578 = vector.broadcast %jit3A_2577 : i32 to vector<16xi32>
    %div3A_2579 = arith.divsi %get3A_2574, %div3A_2578 : vector<16xi32>
    %sign3A_2580 = arith.constant 0 : i32
    %sign3A_2581 = vector.broadcast %sign3A_2580 : i32 to vector<16xi32>
    %sign3A_2582 = arith.cmpi sgt, %get3A_2574, %sign3A_2581 : vector<16xi32>
    %sign3A_2583 = arith.extui %sign3A_2582 : vector<16xi1> to vector<16xi32>
    %sign3A_2584 = arith.constant 0 : i32
    %sign3A_2585 = vector.broadcast %sign3A_2584 : i32 to vector<16xi32>
    %sign3A_2586 = arith.cmpi slt, %get3A_2574, %sign3A_2585 : vector<16xi32>
    %sign3A_2587 = arith.extui %sign3A_2586 : vector<16xi1> to vector<16xi32>
    %sign3A_2588 = arith.subi %sign3A_2583, %sign3A_2587 : vector<16xi32>
    %sign3A_2589 = arith.constant 0 : i32
    %sign3A_2590 = arith.cmpi sgt, %jit3A_2577, %sign3A_2589 : i32
    %sign3A_2591 = arith.extui %sign3A_2590 : i1 to i32
    %sign3A_2592 = arith.constant 0 : i32
    %sign3A_2593 = arith.cmpi slt, %jit3A_2577, %sign3A_2592 : i32
    %sign3A_2594 = arith.extui %sign3A_2593 : i1 to i32
    %sign3A_2595 = arith.subi %sign3A_2591, %sign3A_2594 : i32
    %ne3A_2596 = vector.broadcast %sign3A_2595 : i32 to vector<16xi32>
    %ne3A_2597 = arith.cmpi ne, %sign3A_2588, %ne3A_2596 : vector<16xi32>
    %rem3A_2598 = vector.broadcast %jit3A_2577 : i32 to vector<16xi32>
    %rem3A_2599 = arith.remsi %get3A_2574, %rem3A_2598 : vector<16xi32>
    %ne3A_2600 = arith.constant 0 : i32
    %ne3A_2601 = vector.broadcast %ne3A_2600 : i32 to vector<16xi32>
    %ne3A_2602 = arith.cmpi ne, %rem3A_2599, %ne3A_2601 : vector<16xi32>
    %and3A_2603 = arith.andi %ne3A_2597, %ne3A_2602 : vector<16xi1>
    %sub3A_2604 = arith.constant 1 : i32
    %sub3A_2605 = vector.broadcast %sub3A_2604 : i32 to vector<16xi32>
    %sub3A_2606 = arith.subi %div3A_2579, %sub3A_2605 : vector<16xi32>
    %select_n3A_2607 = arith.select %and3A_2603, %sub3A_2606, %div3A_2579 : vector<16xi1>, vector<16xi32>
    %mul3A_2608 = arith.constant 128 : i32
    %mul3A_2609 = vector.broadcast %mul3A_2608 : i32 to vector<16xi32>
    %mul3A_2610 = arith.muli %select_n3A_2607, %mul3A_2609 : vector<16xi32>
    %swap3A_2611 = arith.constant 480 : index
    %swap3A_2612 = tpu.vector_load %arg10[%swap3A_2611] {strides = array<i32>} : memref<512xi32, #tpu.memory_space<vmem>>, vector<16xi32>,
    tpu.vector_store %arg10[%swap3A_2611], %mul3A_2610 {strides = array<i32>} : memref<512xi32, #tpu.memory_space<vmem>>, vector<16xi32>,
    %rem3A_2613 = arith.constant 128 : i32
    %rem3A_2614 = vector.broadcast %rem3A_2613 : i32 to vector<16xi32>
    %rem3A_2615 = arith.remsi %get3A_2574, %rem3A_2614 : vector<16xi32>
    %swap3A_2616 = arith.constant 480 : index
    %swap3A_2617 = tpu.vector_load %arg11[%swap3A_2616] {strides = array<i32>} : memref<512xi32, #tpu.memory_space<vmem>>, vector<16xi32>,
    tpu.vector_store %arg11[%swap3A_2616], %rem3A_2615 {strides = array<i32>} : memref<512xi32, #tpu.memory_space<vmem>>, vector<16xi32>,
    %jit3A_2618 = arith.constant 128 : i32
    %div3A_2619 = vector.broadcast %jit3A_2618 : i32 to vector<16xi32>
    %div3A_2620 = arith.divsi %get3A_2576, %div3A_2619 : vector<16xi32>
    %sign3A_2621 = arith.constant 0 : i32
    %sign3A_2622 = vector.broadcast %sign3A_2621 : i32 to vector<16xi32>
    %sign3A_2623 = arith.cmpi sgt, %get3A_2576, %sign3A_2622 : vector<16xi32>
    %sign3A_2624 = arith.extui %sign3A_2623 : vector<16xi1> to vector<16xi32>
    %sign3A_2625 = arith.constant 0 : i32
    %sign3A_2626 = vector.broadcast %sign3A_2625 : i32 to vector<16xi32>
    %sign3A_2627 = arith.cmpi slt, %get3A_2576, %sign3A_2626 : vector<16xi32>
    %sign3A_2628 = arith.extui %sign3A_2627 : vector<16xi1> to vector<16xi32>
    %sign3A_2629 = arith.subi %sign3A_2624, %sign3A_2628 : vector<16xi32>
    %sign3A_2630 = arith.constant 0 : i32
    %sign3A_2631 = arith.cmpi sgt, %jit3A_2618, %sign3A_2630 : i32
    %sign3A_2632 = arith.extui %sign3A_2631 : i1 to i32
    %sign3A_2633 = arith.constant 0 : i32
    %sign3A_2634 = arith.cmpi slt, %jit3A_2618, %sign3A_2633 : i32
    %sign3A_2635 = arith.extui %sign3A_2634 : i1 to i32
    %sign3A_2636 = arith.subi %sign3A_2632, %sign3A_2635 : i32
    %ne3A_2637 = vector.broadcast %sign3A_2636 : i32 to vector<16xi32>
    %ne3A_2638 = arith.cmpi ne, %sign3A_2629, %ne3A_2637 : vector<16xi32>
    %rem3A_2639 = vector.broadcast %jit3A_2618 : i32 to vector<16xi32>
    %rem3A_2640 = arith.remsi %get3A_2576, %rem3A_2639 : vector<16xi32>
    %ne3A_2641 = arith.constant 0 : i32
    %ne3A_2642 = vector.broadcast %ne3A_2641 : i32 to vector<16xi32>
    %ne3A_2643 = arith.cmpi ne, %rem3A_2640, %ne3A_2642 : vector<16xi32>
    %and3A_2644 = arith.andi %ne3A_2638, %ne3A_2643 : vector<16xi1>
    %sub3A_2645 = arith.constant 1 : i32
    %sub3A_2646 = vector.broadcast %sub3A_2645 : i32 to vector<16xi32>
    %sub3A_2647 = arith.subi %div3A_2620, %sub3A_2646 : vector<16xi32>
    %select_n3A_2648 = arith.select %and3A_2644, %sub3A_2647, %div3A_2620 : vector<16xi1>, vector<16xi32>
    %mul3A_2649 = arith.constant 128 : i32
    %mul3A_2650 = vector.broadcast %mul3A_2649 : i32 to vector<16xi32>
    %mul3A_2651 = arith.muli %select_n3A_2648, %mul3A_2650 : vector<16xi32>
    %swap3A_2652 = arith.constant 480 : index
    %swap3A_2653 = tpu.vector_load %arg12[%swap3A_2652] {strides = array<i32>} : memref<512xi32, #tpu.memory_space<vmem>>, vector<16xi32>,
    tpu.vector_store %arg12[%swap3A_2652], %mul3A_2651 {strides = array<i32>} : memref<512xi32, #tpu.memory_space<vmem>>, vector<16xi32>,
    %rem3A_2654 = arith.constant 128 : i32
    %rem3A_2655 = vector.broadcast %rem3A_2654 : i32 to vector<16xi32>
    %rem3A_2656 = arith.remsi %get3A_2576, %rem3A_2655 : vector<16xi32>
    %swap3A_2657 = arith.constant 480 : index
    %swap3A_2658 = tpu.vector_load %arg13[%swap3A_2657] {strides = array<i32>} : memref<512xi32, #tpu.memory_space<vmem>>, vector<16xi32>,
    tpu.vector_store %arg13[%swap3A_2657], %rem3A_2656 {strides = array<i32>} : memref<512xi32, #tpu.memory_space<vmem>>, vector<16xi32>,
    %get3A_2659 = arith.constant 496 : index
    %get3A_2660 = tpu.vector_load %arg8[%get3A_2659] {strides = array<i32>} : memref<512xi32, #tpu.memory_space<vmem>>, vector<16xi32>,
    %get3A_2661 = arith.constant 496 : index
    %get3A_2662 = tpu.vector_load %arg9[%get3A_2661] {strides = array<i32>} : memref<512xi32, #tpu.memory_space<vmem>>, vector<16xi32>,
    %jit3A_2663 = arith.constant 128 : i32
    %div3A_2664 = vector.broadcast %jit3A_2663 : i32 to vector<16xi32>
    %div3A_2665 = arith.divsi %get3A_2660, %div3A_2664 : vector<16xi32>
    %sign3A_2666 = arith.constant 0 : i32
    %sign3A_2667 = vector.broadcast %sign3A_2666 : i32 to vector<16xi32>
    %sign3A_2668 = arith.cmpi sgt, %get3A_2660, %sign3A_2667 : vector<16xi32>
    %sign3A_2669 = arith.extui %sign3A_2668 : vector<16xi1> to vector<16xi32>
    %sign3A_2670 = arith.constant 0 : i32
    %sign3A_2671 = vector.broadcast %sign3A_2670 : i32 to vector<16xi32>
    %sign3A_2672 = arith.cmpi slt, %get3A_2660, %sign3A_2671 : vector<16xi32>
    %sign3A_2673 = arith.extui %sign3A_2672 : vector<16xi1> to vector<16xi32>
    %sign3A_2674 = arith.subi %sign3A_2669, %sign3A_2673 : vector<16xi32>
    %sign3A_2675 = arith.constant 0 : i32
    %sign3A_2676 = arith.cmpi sgt, %jit3A_2663, %sign3A_2675 : i32
    %sign3A_2677 = arith.extui %sign3A_2676 : i1 to i32
    %sign3A_2678 = arith.constant 0 : i32
    %sign3A_2679 = arith.cmpi slt, %jit3A_2663, %sign3A_2678 : i32
    %sign3A_2680 = arith.extui %sign3A_2679 : i1 to i32
    %sign3A_2681 = arith.subi %sign3A_2677, %sign3A_2680 : i32
    %ne3A_2682 = vector.broadcast %sign3A_2681 : i32 to vector<16xi32>
    %ne3A_2683 = arith.cmpi ne, %sign3A_2674, %ne3A_2682 : vector<16xi32>
    %rem3A_2684 = vector.broadcast %jit3A_2663 : i32 to vector<16xi32>
    %rem3A_2685 = arith.remsi %get3A_2660, %rem3A_2684 : vector<16xi32>
    %ne3A_2686 = arith.constant 0 : i32
    %ne3A_2687 = vector.broadcast %ne3A_2686 : i32 to vector<16xi32>
    %ne3A_2688 = arith.cmpi ne, %rem3A_2685, %ne3A_2687 : vector<16xi32>
    %and3A_2689 = arith.andi %ne3A_2683, %ne3A_2688 : vector<16xi1>
    %sub3A_2690 = arith.constant 1 : i32
    %sub3A_2691 = vector.broadcast %sub3A_2690 : i32 to vector<16xi32>
    %sub3A_2692 = arith.subi %div3A_2665, %sub3A_2691 : vector<16xi32>
    %select_n3A_2693 = arith.select %and3A_2689, %sub3A_2692, %div3A_2665 : vector<16xi1>, vector<16xi32>
    %mul3A_2694 = arith.constant 128 : i32
    %mul3A_2695 = vector.broadcast %mul3A_2694 : i32 to vector<16xi32>
    %mul3A_2696 = arith.muli %select_n3A_2693, %mul3A_2695 : vector<16xi32>
    %swap3A_2697 = arith.constant 496 : index
    %swap3A_2698 = tpu.vector_load %arg10[%swap3A_2697] {strides = array<i32>} : memref<512xi32, #tpu.memory_space<vmem>>, vector<16xi32>,
    tpu.vector_store %arg10[%swap3A_2697], %mul3A_2696 {strides = array<i32>} : memref<512xi32, #tpu.memory_space<vmem>>, vector<16xi32>,
    %rem3A_2699 = arith.constant 128 : i32
    %rem3A_2700 = vector.broadcast %rem3A_2699 : i32 to vector<16xi32>
    %rem3A_2701 = arith.remsi %get3A_2660, %rem3A_2700 : vector<16xi32>
    %swap3A_2702 = arith.constant 496 : index
    %swap3A_2703 = tpu.vector_load %arg11[%swap3A_2702] {strides = array<i32>} : memref<512xi32, #tpu.memory_space<vmem>>, vector<16xi32>,
    tpu.vector_store %arg11[%swap3A_2702], %rem3A_2701 {strides = array<i32>} : memref<512xi32, #tpu.memory_space<vmem>>, vector<16xi32>,
    %jit3A_2704 = arith.constant 128 : i32
    %div3A_2705 = vector.broadcast %jit3A_2704 : i32 to vector<16xi32>
    %div3A_2706 = arith.divsi %get3A_2662, %div3A_2705 : vector<16xi32>
    %sign3A_2707 = arith.constant 0 : i32
    %sign3A_2708 = vector.broadcast %sign3A_2707 : i32 to vector<16xi32>
    %sign3A_2709 = arith.cmpi sgt, %get3A_2662, %sign3A_2708 : vector<16xi32>
    %sign3A_2710 = arith.extui %sign3A_2709 : vector<16xi1> to vector<16xi32>
    %sign3A_2711 = arith.constant 0 : i32
    %sign3A_2712 = vector.broadcast %sign3A_2711 : i32 to vector<16xi32>
    %sign3A_2713 = arith.cmpi slt, %get3A_2662, %sign3A_2712 : vector<16xi32>
    %sign3A_2714 = arith.extui %sign3A_2713 : vector<16xi1> to vector<16xi32>
    %sign3A_2715 = arith.subi %sign3A_2710, %sign3A_2714 : vector<16xi32>
    %sign3A_2716 = arith.constant 0 : i32
    %sign3A_2717 = arith.cmpi sgt, %jit3A_2704, %sign3A_2716 : i32
    %sign3A_2718 = arith.extui %sign3A_2717 : i1 to i32
    %sign3A_2719 = arith.constant 0 : i32
    %sign3A_2720 = arith.cmpi slt, %jit3A_2704, %sign3A_2719 : i32
    %sign3A_2721 = arith.extui %sign3A_2720 : i1 to i32
    %sign3A_2722 = arith.subi %sign3A_2718, %sign3A_2721 : i32
    %ne3A_2723 = vector.broadcast %sign3A_2722 : i32 to vector<16xi32>
    %ne3A_2724 = arith.cmpi ne, %sign3A_2715, %ne3A_2723 : vector<16xi32>
    %rem3A_2725 = vector.broadcast %jit3A_2704 : i32 to vector<16xi32>
    %rem3A_2726 = arith.remsi %get3A_2662, %rem3A_2725 : vector<16xi32>
    %ne3A_2727 = arith.constant 0 : i32
    %ne3A_2728 = vector.broadcast %ne3A_2727 : i32 to vector<16xi32>
    %ne3A_2729 = arith.cmpi ne, %rem3A_2726, %ne3A_2728 : vector<16xi32>
    %and3A_2730 = arith.andi %ne3A_2724, %ne3A_2729 : vector<16xi1>
    %sub3A_2731 = arith.constant 1 : i32
    %sub3A_2732 = vector.broadcast %sub3A_2731 : i32 to vector<16xi32>
    %sub3A_2733 = arith.subi %div3A_2706, %sub3A_2732 : vector<16xi32>
    %select_n3A_2734 = arith.select %and3A_2730, %sub3A_2733, %div3A_2706 : vector<16xi1>, vector<16xi32>
    %mul3A_2735 = arith.constant 128 : i32
    %mul3A_2736 = vector.broadcast %mul3A_2735 : i32 to vector<16xi32>
    %mul3A_2737 = arith.muli %select_n3A_2734, %mul3A_2736 : vector<16xi32>
    %swap3A_2738 = arith.constant 496 : index
    %swap3A_2739 = tpu.vector_load %arg12[%swap3A_2738] {strides = array<i32>} : memref<512xi32, #tpu.memory_space<vmem>>, vector<16xi32>,
    tpu.vector_store %arg12[%swap3A_2738], %mul3A_2737 {strides = array<i32>} : memref<512xi32, #tpu.memory_space<vmem>>, vector<16xi32>,
    %rem3A_2740 = arith.constant 128 : i32
    %rem3A_2741 = vector.broadcast %rem3A_2740 : i32 to vector<16xi32>
    %rem3A_2742 = arith.remsi %get3A_2662, %rem3A_2741 : vector<16xi32>
    %swap3A_2743 = arith.constant 496 : index
    %swap3A_2744 = tpu.vector_load %arg13[%swap3A_2743] {strides = array<i32>} : memref<512xi32, #tpu.memory_space<vmem>>, vector<16xi32>,
    tpu.vector_store %arg13[%swap3A_2743], %rem3A_2742 {strides = array<i32>} : memref<512xi32, #tpu.memory_space<vmem>>, vector<16xi32>,
    %get3A_2745 = arith.constant 0 : index
    %get3A_2746 = tpu.vector_load %arg10[%get3A_2745] {strides = array<i32>} : memref<512xi32, #tpu.memory_space<vmem>>, vector<16xi32>,
    %slice3A = vector.extract_strided_slice %get3A_2746 {offsets = [0], sizes = [1], strides = [1]} : vector<16xi32> to vector<1xi32>
    %squeeze3A = vector.extract %slice3A[0] : i32 from vector<1xi32>
    %multiple_of3A = tpu.assume_multiple %squeeze3A, 128 : i32
    %dma_start3A = arith.constant 0 : i32
    %dma_start3A_2747 = arith.constant 0 : i32
    %dma_start3A_2748 = arith.constant 0 : i32
    %dma_start3A_2749 = tpu.memref_slice %arg14[%dma_start3A, %dma_start3A_2747, %dma_start3A_2748] : memref<32x16x128xf32, #tpu.memory_space<vmem>> -> memref<1x16x128xf32, #tpu.memory_space<vmem>>
    %dma_start3A_2750 = tpu.memref_squeeze %dma_start3A_2749 : memref<1x16x128xf32, #tpu.memory_space<vmem>> -> memref<16x128xf32, #tpu.memory_space<vmem>>
    %dma_start3A_2751 = arith.constant 0 : i32
    %dma_start3A_2752 = tpu.memref_slice %arg2[%dma_start3A_2751, %multiple_of3A] : memref<16x1000000xf32, #tpu.memory_space<hbm>> -> memref<16x128xf32, #tpu.memory_space<hbm>>
    %dma_start3A_2753 = arith.constant 0 : i32
    %dma_start3A_2754 = arith.constant 0 : i32
    %dma_start3A_2755 = tpu.memref_slice %arg14[%dma_start3A, %dma_start3A_2753, %dma_start3A_2754] : memref<32x16x128xf32, #tpu.memory_space<vmem>> -> memref<1x16x128xf32, #tpu.memory_space<vmem>>
    %dma_start3A_2756 = tpu.memref_squeeze %dma_start3A_2755 : memref<1x16x128xf32, #tpu.memory_space<vmem>> -> memref<16x128xf32, #tpu.memory_space<vmem>>
    %dma_start3A_2757 = arith.constant 0 : i32
    %dma_start3A_2758 = tpu.memref_slice %arg2[%dma_start3A_2757, %multiple_of3A] : memref<16x1000000xf32, #tpu.memory_space<hbm>> -> memref<16x128xf32, #tpu.memory_space<hbm>>
    tpu.enqueue_dma source(%dma_start3A_2758 : memref<16x128xf32, #tpu.memory_space<hbm>>) target(%dma_start3A_2756 : memref<16x128xf32, #tpu.memory_space<vmem>>) target_semaphore(%arg17 : memref<!tpu.dma_semaphore, #tpu.memory_space<semaphore_mem>>)
    %slice3A_2759 = vector.extract_strided_slice %get3A_2746 {offsets = [1], sizes = [1], strides = [1]} : vector<16xi32> to vector<1xi32>
    %squeeze3A_2760 = vector.extract %slice3A_2759[0] : i32 from vector<1xi32>
    %multiple_of3A_2761 = tpu.assume_multiple %squeeze3A_2760, 128 : i32
    %dma_start3A_2762 = arith.constant 1 : i32
    %dma_start3A_2763 = arith.constant 0 : i32
    %dma_start3A_2764 = arith.constant 0 : i32
    %dma_start3A_2765 = tpu.memref_slice %arg14[%dma_start3A_2762, %dma_start3A_2763, %dma_start3A_2764] : memref<32x16x128xf32, #tpu.memory_space<vmem>> -> memref<1x16x128xf32, #tpu.memory_space<vmem>>
    %dma_start3A_2766 = tpu.memref_squeeze %dma_start3A_2765 : memref<1x16x128xf32, #tpu.memory_space<vmem>> -> memref<16x128xf32, #tpu.memory_space<vmem>>
    %dma_start3A_2767 = arith.constant 0 : i32
    %dma_start3A_2768 = tpu.memref_slice %arg2[%dma_start3A_2767, %multiple_of3A_2761] : memref<16x1000000xf32, #tpu.memory_space<hbm>> -> memref<16x128xf32, #tpu.memory_space<hbm>>
    %dma_start3A_2769 = arith.constant 0 : i32
    %dma_start3A_2770 = arith.constant 0 : i32
    %dma_start3A_2771 = tpu.memref_slice %arg14[%dma_start3A_2762, %dma_start3A_2769, %dma_start3A_2770] : memref<32x16x128xf32, #tpu.memory_space<vmem>> -> memref<1x16x128xf32, #tpu.memory_space<vmem>>
    %dma_start3A_2772 = tpu.memref_squeeze %dma_start3A_2771 : memref<1x16x128xf32, #tpu.memory_space<vmem>> -> memref<16x128xf32, #tpu.memory_space<vmem>>
    %dma_start3A_2773 = arith.constant 0 : i32
    %dma_start3A_2774 = tpu.memref_slice %arg2[%dma_start3A_2773, %multiple_of3A_2761] : memref<16x1000000xf32, #tpu.memory_space<hbm>> -> memref<16x128xf32, #tpu.memory_space<hbm>>
    tpu.enqueue_dma source(%dma_start3A_2774 : memref<16x128xf32, #tpu.memory_space<hbm>>) target(%dma_start3A_2772 : memref<16x128xf32, #tpu.memory_space<vmem>>) target_semaphore(%arg17 : memref<!tpu.dma_semaphore, #tpu.memory_space<semaphore_mem>>)
    %slice3A_2775 = vector.extract_strided_slice %get3A_2746 {offsets = [2], sizes = [1], strides = [1]} : vector<16xi32> to vector<1xi32>
    %squeeze3A_2776 = vector.extract %slice3A_2775[0] : i32 from vector<1xi32>
    %multiple_of3A_2777 = tpu.assume_multiple %squeeze3A_2776, 128 : i32
    %dma_start3A_2778 = arith.constant 2 : i32
    %dma_start3A_2779 = arith.constant 0 : i32
    %dma_start3A_2780 = arith.constant 0 : i32
    %dma_start3A_2781 = tpu.memref_slice %arg14[%dma_start3A_2778, %dma_start3A_2779, %dma_start3A_2780] : memref<32x16x128xf32, #tpu.memory_space<vmem>> -> memref<1x16x128xf32, #tpu.memory_space<vmem>>
    %dma_start3A_2782 = tpu.memref_squeeze %dma_start3A_2781 : memref<1x16x128xf32, #tpu.memory_space<vmem>> -> memref<16x128xf32, #tpu.memory_space<vmem>>
    %dma_start3A_2783 = arith.constant 0 : i32
    %dma_start3A_2784 = tpu.memref_slice %arg2[%dma_start3A_2783, %multiple_of3A_2777] : memref<16x1000000xf32, #tpu.memory_space<hbm>> -> memref<16x128xf32, #tpu.memory_space<hbm>>
    %dma_start3A_2785 = arith.constant 0 : i32
    %dma_start3A_2786 = arith.constant 0 : i32
    %dma_start3A_2787 = tpu.memref_slice %arg14[%dma_start3A_2778, %dma_start3A_2785, %dma_start3A_2786] : memref<32x16x128xf32, #tpu.memory_space<vmem>> -> memref<1x16x128xf32, #tpu.memory_space<vmem>>
    %dma_start3A_2788 = tpu.memref_squeeze %dma_start3A_2787 : memref<1x16x128xf32, #tpu.memory_space<vmem>> -> memref<16x128xf32, #tpu.memory_space<vmem>>
    %dma_start3A_2789 = arith.constant 0 : i32
    %dma_start3A_2790 = tpu.memref_slice %arg2[%dma_start3A_2789, %multiple_of3A_2777] : memref<16x1000000xf32, #tpu.memory_space<hbm>> -> memref<16x128xf32, #tpu.memory_space<hbm>>
    tpu.enqueue_dma source(%dma_start3A_2790 : memref<16x128xf32, #tpu.memory_space<hbm>>) target(%dma_start3A_2788 : memref<16x128xf32, #tpu.memory_space<vmem>>) target_semaphore(%arg17 : memref<!tpu.dma_semaphore, #tpu.memory_space<semaphore_mem>>)
    %slice3A_2791 = vector.extract_strided_slice %get3A_2746 {offsets = [3], sizes = [1], strides = [1]} : vector<16xi32> to vector<1xi32>
    %squeeze3A_2792 = vector.extract %slice3A_2791[0] : i32 from vector<1xi32>
    %multiple_of3A_2793 = tpu.assume_multiple %squeeze3A_2792, 128 : i32
    %dma_start3A_2794 = arith.constant 3 : i32
    %dma_start3A_2795 = arith.constant 0 : i32
    %dma_start3A_2796 = arith.constant 0 : i32
    %dma_start3A_2797 = tpu.memref_slice %arg14[%dma_start3A_2794, %dma_start3A_2795, %dma_start3A_2796] : memref<32x16x128xf32, #tpu.memory_space<vmem>> -> memref<1x16x128xf32, #tpu.memory_space<vmem>>
    %dma_start3A_2798 = tpu.memref_squeeze %dma_start3A_2797 : memref<1x16x128xf32, #tpu.memory_space<vmem>> -> memref<16x128xf32, #tpu.memory_space<vmem>>
    %dma_start3A_2799 = arith.constant 0 : i32
    %dma_start3A_2800 = tpu.memref_slice %arg2[%dma_start3A_2799, %multiple_of3A_2793] : memref<16x1000000xf32, #tpu.memory_space<hbm>> -> memref<16x128xf32, #tpu.memory_space<hbm>>
    %dma_start3A_2801 = arith.constant 0 : i32
    %dma_start3A_2802 = arith.constant 0 : i32
    %dma_start3A_2803 = tpu.memref_slice %arg14[%dma_start3A_2794, %dma_start3A_2801, %dma_start3A_2802] : memref<32x16x128xf32, #tpu.memory_space<vmem>> -> memref<1x16x128xf32, #tpu.memory_space<vmem>>
    %dma_start3A_2804 = tpu.memref_squeeze %dma_start3A_2803 : memref<1x16x128xf32, #tpu.memory_space<vmem>> -> memref<16x128xf32, #tpu.memory_space<vmem>>
    %dma_start3A_2805 = arith.constant 0 : i32
    %dma_start3A_2806 = tpu.memref_slice %arg2[%dma_start3A_2805, %multiple_of3A_2793] : memref<16x1000000xf32, #tpu.memory_space<hbm>> -> memref<16x128xf32, #tpu.memory_space<hbm>>
    tpu.enqueue_dma source(%dma_start3A_2806 : memref<16x128xf32, #tpu.memory_space<hbm>>) target(%dma_start3A_2804 : memref<16x128xf32, #tpu.memory_space<vmem>>) target_semaphore(%arg17 : memref<!tpu.dma_semaphore, #tpu.memory_space<semaphore_mem>>)
    %slice3A_2807 = vector.extract_strided_slice %get3A_2746 {offsets = [4], sizes = [1], strides = [1]} : vector<16xi32> to vector<1xi32>
    %squeeze3A_2808 = vector.extract %slice3A_2807[0] : i32 from vector<1xi32>
    %multiple_of3A_2809 = tpu.assume_multiple %squeeze3A_2808, 128 : i32
    %dma_start3A_2810 = arith.constant 4 : i32
    %dma_start3A_2811 = arith.constant 0 : i32
    %dma_start3A_2812 = arith.constant 0 : i32
    %dma_start3A_2813 = tpu.memref_slice %arg14[%dma_start3A_2810, %dma_start3A_2811, %dma_start3A_2812] : memref<32x16x128xf32, #tpu.memory_space<vmem>> -> memref<1x16x128xf32, #tpu.memory_space<vmem>>
    %dma_start3A_2814 = tpu.memref_squeeze %dma_start3A_2813 : memref<1x16x128xf32, #tpu.memory_space<vmem>> -> memref<16x128xf32, #tpu.memory_space<vmem>>
    %dma_start3A_2815 = arith.constant 0 : i32
    %dma_start3A_2816 = tpu.memref_slice %arg2[%dma_start3A_2815, %multiple_of3A_2809] : memref<16x1000000xf32, #tpu.memory_space<hbm>> -> memref<16x128xf32, #tpu.memory_space<hbm>>
    %dma_start3A_2817 = arith.constant 0 : i32
    %dma_start3A_2818 = arith.constant 0 : i32
    %dma_start3A_2819 = tpu.memref_slice %arg14[%dma_start3A_2810, %dma_start3A_2817, %dma_start3A_2818] : memref<32x16x128xf32, #tpu.memory_space<vmem>> -> memref<1x16x128xf32, #tpu.memory_space<vmem>>
    %dma_start3A_2820 = tpu.memref_squeeze %dma_start3A_2819 : memref<1x16x128xf32, #tpu.memory_space<vmem>> -> memref<16x128xf32, #tpu.memory_space<vmem>>
    %dma_start3A_2821 = arith.constant 0 : i32
    %dma_start3A_2822 = tpu.memref_slice %arg2[%dma_start3A_2821, %multiple_of3A_2809] : memref<16x1000000xf32, #tpu.memory_space<hbm>> -> memref<16x128xf32, #tpu.memory_space<hbm>>
    tpu.enqueue_dma source(%dma_start3A_2822 : memref<16x128xf32, #tpu.memory_space<hbm>>) target(%dma_start3A_2820 : memref<16x128xf32, #tpu.memory_space<vmem>>) target_semaphore(%arg17 : memref<!tpu.dma_semaphore, #tpu.memory_space<semaphore_mem>>)
    %slice3A_2823 = vector.extract_strided_slice %get3A_2746 {offsets = [5], sizes = [1], strides = [1]} : vector<16xi32> to vector<1xi32>
    %squeeze3A_2824 = vector.extract %slice3A_2823[0] : i32 from vector<1xi32>
    %multiple_of3A_2825 = tpu.assume_multiple %squeeze3A_2824, 128 : i32
    %dma_start3A_2826 = arith.constant 5 : i32
    %dma_start3A_2827 = arith.constant 0 : i32
    %dma_start3A_2828 = arith.constant 0 : i32
    %dma_start3A_2829 = tpu.memref_slice %arg14[%dma_start3A_2826, %dma_start3A_2827, %dma_start3A_2828] : memref<32x16x128xf32, #tpu.memory_space<vmem>> -> memref<1x16x128xf32, #tpu.memory_space<vmem>>
    %dma_start3A_2830 = tpu.memref_squeeze %dma_start3A_2829 : memref<1x16x128xf32, #tpu.memory_space<vmem>> -> memref<16x128xf32, #tpu.memory_space<vmem>>
    %dma_start3A_2831 = arith.constant 0 : i32
    %dma_start3A_2832 = tpu.memref_slice %arg2[%dma_start3A_2831, %multiple_of3A_2825] : memref<16x1000000xf32, #tpu.memory_space<hbm>> -> memref<16x128xf32, #tpu.memory_space<hbm>>
    %dma_start3A_2833 = arith.constant 0 : i32
    %dma_start3A_2834 = arith.constant 0 : i32
    %dma_start3A_2835 = tpu.memref_slice %arg14[%dma_start3A_2826, %dma_start3A_2833, %dma_start3A_2834] : memref<32x16x128xf32, #tpu.memory_space<vmem>> -> memref<1x16x128xf32, #tpu.memory_space<vmem>>
    %dma_start3A_2836 = tpu.memref_squeeze %dma_start3A_2835 : memref<1x16x128xf32, #tpu.memory_space<vmem>> -> memref<16x128xf32, #tpu.memory_space<vmem>>
    %dma_start3A_2837 = arith.constant 0 : i32
    %dma_start3A_2838 = tpu.memref_slice %arg2[%dma_start3A_2837, %multiple_of3A_2825] : memref<16x1000000xf32, #tpu.memory_space<hbm>> -> memref<16x128xf32, #tpu.memory_space<hbm>>
    tpu.enqueue_dma source(%dma_start3A_2838 : memref<16x128xf32, #tpu.memory_space<hbm>>) target(%dma_start3A_2836 : memref<16x128xf32, #tpu.memory_space<vmem>>) target_semaphore(%arg17 : memref<!tpu.dma_semaphore, #tpu.memory_space<semaphore_mem>>)
    %slice3A_2839 = vector.extract_strided_slice %get3A_2746 {offsets = [6], sizes = [1], strides = [1]} : vector<16xi32> to vector<1xi32>
    %squeeze3A_2840 = vector.extract %slice3A_2839[0] : i32 from vector<1xi32>
    %multiple_of3A_2841 = tpu.assume_multiple %squeeze3A_2840, 128 : i32
    %dma_start3A_2842 = arith.constant 6 : i32
    %dma_start3A_2843 = arith.constant 0 : i32
    %dma_start3A_2844 = arith.constant 0 : i32
    %dma_start3A_2845 = tpu.memref_slice %arg14[%dma_start3A_2842, %dma_start3A_2843, %dma_start3A_2844] : memref<32x16x128xf32, #tpu.memory_space<vmem>> -> memref<1x16x128xf32, #tpu.memory_space<vmem>>
    %dma_start3A_2846 = tpu.memref_squeeze %dma_start3A_2845 : memref<1x16x128xf32, #tpu.memory_space<vmem>> -> memref<16x128xf32, #tpu.memory_space<vmem>>
    %dma_start3A_2847 = arith.constant 0 : i32
    %dma_start3A_2848 = tpu.memref_slice %arg2[%dma_start3A_2847, %multiple_of3A_2841] : memref<16x1000000xf32, #tpu.memory_space<hbm>> -> memref<16x128xf32, #tpu.memory_space<hbm>>
    %dma_start3A_2849 = arith.constant 0 : i32
    %dma_start3A_2850 = arith.constant 0 : i32
    %dma_start3A_2851 = tpu.memref_slice %arg14[%dma_start3A_2842, %dma_start3A_2849, %dma_start3A_2850] : memref<32x16x128xf32, #tpu.memory_space<vmem>> -> memref<1x16x128xf32, #tpu.memory_space<vmem>>
    %dma_start3A_2852 = tpu.memref_squeeze %dma_start3A_2851 : memref<1x16x128xf32, #tpu.memory_space<vmem>> -> memref<16x128xf32, #tpu.memory_space<vmem>>
    %dma_start3A_2853 = arith.constant 0 : i32
    %dma_start3A_2854 = tpu.memref_slice %arg2[%dma_start3A_2853, %multiple_of3A_2841] : memref<16x1000000xf32, #tpu.memory_space<hbm>> -> memref<16x128xf32, #tpu.memory_space<hbm>>
    tpu.enqueue_dma source(%dma_start3A_2854 : memref<16x128xf32, #tpu.memory_space<hbm>>) target(%dma_start3A_2852 : memref<16x128xf32, #tpu.memory_space<vmem>>) target_semaphore(%arg17 : memref<!tpu.dma_semaphore, #tpu.memory_space<semaphore_mem>>)
    %slice3A_2855 = vector.extract_strided_slice %get3A_2746 {offsets = [7], sizes = [1], strides = [1]} : vector<16xi32> to vector<1xi32>
    %squeeze3A_2856 = vector.extract %slice3A_2855[0] : i32 from vector<1xi32>
    %multiple_of3A_2857 = tpu.assume_multiple %squeeze3A_2856, 128 : i32
    %dma_start3A_2858 = arith.constant 7 : i32
    %dma_start3A_2859 = arith.constant 0 : i32
    %dma_start3A_2860 = arith.constant 0 : i32
    %dma_start3A_2861 = tpu.memref_slice %arg14[%dma_start3A_2858, %dma_start3A_2859, %dma_start3A_2860] : memref<32x16x128xf32, #tpu.memory_space<vmem>> -> memref<1x16x128xf32, #tpu.memory_space<vmem>>
    %dma_start3A_2862 = tpu.memref_squeeze %dma_start3A_2861 : memref<1x16x128xf32, #tpu.memory_space<vmem>> -> memref<16x128xf32, #tpu.memory_space<vmem>>
    %dma_start3A_2863 = arith.constant 0 : i32
    %dma_start3A_2864 = tpu.memref_slice %arg2[%dma_start3A_2863, %multiple_of3A_2857] : memref<16x1000000xf32, #tpu.memory_space<hbm>> -> memref<16x128xf32, #tpu.memory_space<hbm>>
    %dma_start3A_2865 = arith.constant 0 : i32
    %dma_start3A_2866 = arith.constant 0 : i32
    %dma_start3A_2867 = tpu.memref_slice %arg14[%dma_start3A_2858, %dma_start3A_2865, %dma_start3A_2866] : memref<32x16x128xf32, #tpu.memory_space<vmem>> -> memref<1x16x128xf32, #tpu.memory_space<vmem>>
    %dma_start3A_2868 = tpu.memref_squeeze %dma_start3A_2867 : memref<1x16x128xf32, #tpu.memory_space<vmem>> -> memref<16x128xf32, #tpu.memory_space<vmem>>
    %dma_start3A_2869 = arith.constant 0 : i32
    %dma_start3A_2870 = tpu.memref_slice %arg2[%dma_start3A_2869, %multiple_of3A_2857] : memref<16x1000000xf32, #tpu.memory_space<hbm>> -> memref<16x128xf32, #tpu.memory_space<hbm>>
    tpu.enqueue_dma source(%dma_start3A_2870 : memref<16x128xf32, #tpu.memory_space<hbm>>) target(%dma_start3A_2868 : memref<16x128xf32, #tpu.memory_space<vmem>>) target_semaphore(%arg17 : memref<!tpu.dma_semaphore, #tpu.memory_space<semaphore_mem>>)
    %slice3A_2871 = vector.extract_strided_slice %get3A_2746 {offsets = [8], sizes = [1], strides = [1]} : vector<16xi32> to vector<1xi32>
    %squeeze3A_2872 = vector.extract %slice3A_2871[0] : i32 from vector<1xi32>
    %multiple_of3A_2873 = tpu.assume_multiple %squeeze3A_2872, 128 : i32
    %dma_start3A_2874 = arith.constant 8 : i32
    %dma_start3A_2875 = arith.constant 0 : i32
    %dma_start3A_2876 = arith.constant 0 : i32
    %dma_start3A_2877 = tpu.memref_slice %arg14[%dma_start3A_2874, %dma_start3A_2875, %dma_start3A_2876] : memref<32x16x128xf32, #tpu.memory_space<vmem>> -> memref<1x16x128xf32, #tpu.memory_space<vmem>>
    %dma_start3A_2878 = tpu.memref_squeeze %dma_start3A_2877 : memref<1x16x128xf32, #tpu.memory_space<vmem>> -> memref<16x128xf32, #tpu.memory_space<vmem>>
    %dma_start3A_2879 = arith.constant 0 : i32
    %dma_start3A_2880 = tpu.memref_slice %arg2[%dma_start3A_2879, %multiple_of3A_2873] : memref<16x1000000xf32, #tpu.memory_space<hbm>> -> memref<16x128xf32, #tpu.memory_space<hbm>>
    %dma_start3A_2881 = arith.constant 0 : i32
    %dma_start3A_2882 = arith.constant 0 : i32
    %dma_start3A_2883 = tpu.memref_slice %arg14[%dma_start3A_2874, %dma_start3A_2881, %dma_start3A_2882] : memref<32x16x128xf32, #tpu.memory_space<vmem>> -> memref<1x16x128xf32, #tpu.memory_space<vmem>>
    %dma_start3A_2884 = tpu.memref_squeeze %dma_start3A_2883 : memref<1x16x128xf32, #tpu.memory_space<vmem>> -> memref<16x128xf32, #tpu.memory_space<vmem>>
    %dma_start3A_2885 = arith.constant 0 : i32
    %dma_start3A_2886 = tpu.memref_slice %arg2[%dma_start3A_2885, %multiple_of3A_2873] : memref<16x1000000xf32, #tpu.memory_space<hbm>> -> memref<16x128xf32, #tpu.memory_space<hbm>>
    tpu.enqueue_dma source(%dma_start3A_2886 : memref<16x128xf32, #tpu.memory_space<hbm>>) target(%dma_start3A_2884 : memref<16x128xf32, #tpu.memory_space<vmem>>) target_semaphore(%arg17 : memref<!tpu.dma_semaphore, #tpu.memory_space<semaphore_mem>>)
    %slice3A_2887 = vector.extract_strided_slice %get3A_2746 {offsets = [9], sizes = [1], strides = [1]} : vector<16xi32> to vector<1xi32>
    %squeeze3A_2888 = vector.extract %slice3A_2887[0] : i32 from vector<1xi32>
    %multiple_of3A_2889 = tpu.assume_multiple %squeeze3A_2888, 128 : i32
    %dma_start3A_2890 = arith.constant 9 : i32
    %dma_start3A_2891 = arith.constant 0 : i32
    %dma_start3A_2892 = arith.constant 0 : i32
    %dma_start3A_2893 = tpu.memref_slice %arg14[%dma_start3A_2890, %dma_start3A_2891, %dma_start3A_2892] : memref<32x16x128xf32, #tpu.memory_space<vmem>> -> memref<1x16x128xf32, #tpu.memory_space<vmem>>
    %dma_start3A_2894 = tpu.memref_squeeze %dma_start3A_2893 : memref<1x16x128xf32, #tpu.memory_space<vmem>> -> memref<16x128xf32, #tpu.memory_space<vmem>>
    %dma_start3A_2895 = arith.constant 0 : i32
    %dma_start3A_2896 = tpu.memref_slice %arg2[%dma_start3A_2895, %multiple_of3A_2889] : memref<16x1000000xf32, #tpu.memory_space<hbm>> -> memref<16x128xf32, #tpu.memory_space<hbm>>
    %dma_start3A_2897 = arith.constant 0 : i32
    %dma_start3A_2898 = arith.constant 0 : i32
    %dma_start3A_2899 = tpu.memref_slice %arg14[%dma_start3A_2890, %dma_start3A_2897, %dma_start3A_2898] : memref<32x16x128xf32, #tpu.memory_space<vmem>> -> memref<1x16x128xf32, #tpu.memory_space<vmem>>
    %dma_start3A_2900 = tpu.memref_squeeze %dma_start3A_2899 : memref<1x16x128xf32, #tpu.memory_space<vmem>> -> memref<16x128xf32, #tpu.memory_space<vmem>>
    %dma_start3A_2901 = arith.constant 0 : i32
    %dma_start3A_2902 = tpu.memref_slice %arg2[%dma_start3A_2901, %multiple_of3A_2889] : memref<16x1000000xf32, #tpu.memory_space<hbm>> -> memref<16x128xf32, #tpu.memory_space<hbm>>
    tpu.enqueue_dma source(%dma_start3A_2902 : memref<16x128xf32, #tpu.memory_space<hbm>>) target(%dma_start3A_2900 : memref<16x128xf32, #tpu.memory_space<vmem>>) target_semaphore(%arg17 : memref<!tpu.dma_semaphore, #tpu.memory_space<semaphore_mem>>)
    %slice3A_2903 = vector.extract_strided_slice %get3A_2746 {offsets = [10], sizes = [1], strides = [1]} : vector<16xi32> to vector<1xi32>
    %squeeze3A_2904 = vector.extract %slice3A_2903[0] : i32 from vector<1xi32>
    %multiple_of3A_2905 = tpu.assume_multiple %squeeze3A_2904, 128 : i32
    %dma_start3A_2906 = arith.constant 10 : i32
    %dma_start3A_2907 = arith.constant 0 : i32
    %dma_start3A_2908 = arith.constant 0 : i32
    %dma_start3A_2909 = tpu.memref_slice %arg14[%dma_start3A_2906, %dma_start3A_2907, %dma_start3A_2908] : memref<32x16x128xf32, #tpu.memory_space<vmem>> -> memref<1x16x128xf32, #tpu.memory_space<vmem>>
    %dma_start3A_2910 = tpu.memref_squeeze %dma_start3A_2909 : memref<1x16x128xf32, #tpu.memory_space<vmem>> -> memref<16x128xf32, #tpu.memory_space<vmem>>
    %dma_start3A_2911 = arith.constant 0 : i32
    %dma_start3A_2912 = tpu.memref_slice %arg2[%dma_start3A_2911, %multiple_of3A_2905] : memref<16x1000000xf32, #tpu.memory_space<hbm>> -> memref<16x128xf32, #tpu.memory_space<hbm>>
    %dma_start3A_2913 = arith.constant 0 : i32
    %dma_start3A_2914 = arith.constant 0 : i32
    %dma_start3A_2915 = tpu.memref_slice %arg14[%dma_start3A_2906, %dma_start3A_2913, %dma_start3A_2914] : memref<32x16x128xf32, #tpu.memory_space<vmem>> -> memref<1x16x128xf32, #tpu.memory_space<vmem>>
    %dma_start3A_2916 = tpu.memref_squeeze %dma_start3A_2915 : memref<1x16x128xf32, #tpu.memory_space<vmem>> -> memref<16x128xf32, #tpu.memory_space<vmem>>
    %dma_start3A_2917 = arith.constant 0 : i32
    %dma_start3A_2918 = tpu.memref_slice %arg2[%dma_start3A_2917, %multiple_of3A_2905] : memref<16x1000000xf32, #tpu.memory_space<hbm>> -> memref<16x128xf32, #tpu.memory_space<hbm>>
    tpu.enqueue_dma source(%dma_start3A_2918 : memref<16x128xf32, #tpu.memory_space<hbm>>) target(%dma_start3A_2916 : memref<16x128xf32, #tpu.memory_space<vmem>>) target_semaphore(%arg17 : memref<!tpu.dma_semaphore, #tpu.memory_space<semaphore_mem>>)
    %slice3A_2919 = vector.extract_strided_slice %get3A_2746 {offsets = [11], sizes = [1], strides = [1]} : vector<16xi32> to vector<1xi32>
    %squeeze3A_2920 = vector.extract %slice3A_2919[0] : i32 from vector<1xi32>
    %multiple_of3A_2921 = tpu.assume_multiple %squeeze3A_2920, 128 : i32
    %dma_start3A_2922 = arith.constant 11 : i32
    %dma_start3A_2923 = arith.constant 0 : i32
    %dma_start3A_2924 = arith.constant 0 : i32
    %dma_start3A_2925 = tpu.memref_slice %arg14[%dma_start3A_2922, %dma_start3A_2923, %dma_start3A_2924] : memref<32x16x128xf32, #tpu.memory_space<vmem>> -> memref<1x16x128xf32, #tpu.memory_space<vmem>>
    %dma_start3A_2926 = tpu.memref_squeeze %dma_start3A_2925 : memref<1x16x128xf32, #tpu.memory_space<vmem>> -> memref<16x128xf32, #tpu.memory_space<vmem>>
    %dma_start3A_2927 = arith.constant 0 : i32
    %dma_start3A_2928 = tpu.memref_slice %arg2[%dma_start3A_2927, %multiple_of3A_2921] : memref<16x1000000xf32, #tpu.memory_space<hbm>> -> memref<16x128xf32, #tpu.memory_space<hbm>>
    %dma_start3A_2929 = arith.constant 0 : i32
    %dma_start3A_2930 = arith.constant 0 : i32
    %dma_start3A_2931 = tpu.memref_slice %arg14[%dma_start3A_2922, %dma_start3A_2929, %dma_start3A_2930] : memref<32x16x128xf32, #tpu.memory_space<vmem>> -> memref<1x16x128xf32, #tpu.memory_space<vmem>>
    %dma_start3A_2932 = tpu.memref_squeeze %dma_start3A_2931 : memref<1x16x128xf32, #tpu.memory_space<vmem>> -> memref<16x128xf32, #tpu.memory_space<vmem>>
    %dma_start3A_2933 = arith.constant 0 : i32
    %dma_start3A_2934 = tpu.memref_slice %arg2[%dma_start3A_2933, %multiple_of3A_2921] : memref<16x1000000xf32, #tpu.memory_space<hbm>> -> memref<16x128xf32, #tpu.memory_space<hbm>>
    tpu.enqueue_dma source(%dma_start3A_2934 : memref<16x128xf32, #tpu.memory_space<hbm>>) target(%dma_start3A_2932 : memref<16x128xf32, #tpu.memory_space<vmem>>) target_semaphore(%arg17 : memref<!tpu.dma_semaphore, #tpu.memory_space<semaphore_mem>>)
    %slice3A_2935 = vector.extract_strided_slice %get3A_2746 {offsets = [12], sizes = [1], strides = [1]} : vector<16xi32> to vector<1xi32>
    %squeeze3A_2936 = vector.extract %slice3A_2935[0] : i32 from vector<1xi32>
    %multiple_of3A_2937 = tpu.assume_multiple %squeeze3A_2936, 128 : i32
    %dma_start3A_2938 = arith.constant 12 : i32
    %dma_start3A_2939 = arith.constant 0 : i32
    %dma_start3A_2940 = arith.constant 0 : i32
    %dma_start3A_2941 = tpu.memref_slice %arg14[%dma_start3A_2938, %dma_start3A_2939, %dma_start3A_2940] : memref<32x16x128xf32, #tpu.memory_space<vmem>> -> memref<1x16x128xf32, #tpu.memory_space<vmem>>
    %dma_start3A_2942 = tpu.memref_squeeze %dma_start3A_2941 : memref<1x16x128xf32, #tpu.memory_space<vmem>> -> memref<16x128xf32, #tpu.memory_space<vmem>>
    %dma_start3A_2943 = arith.constant 0 : i32
    %dma_start3A_2944 = tpu.memref_slice %arg2[%dma_start3A_2943, %multiple_of3A_2937] : memref<16x1000000xf32, #tpu.memory_space<hbm>> -> memref<16x128xf32, #tpu.memory_space<hbm>>
    %dma_start3A_2945 = arith.constant 0 : i32
    %dma_start3A_2946 = arith.constant 0 : i32
    %dma_start3A_2947 = tpu.memref_slice %arg14[%dma_start3A_2938, %dma_start3A_2945, %dma_start3A_2946] : memref<32x16x128xf32, #tpu.memory_space<vmem>> -> memref<1x16x128xf32, #tpu.memory_space<vmem>>
    %dma_start3A_2948 = tpu.memref_squeeze %dma_start3A_2947 : memref<1x16x128xf32, #tpu.memory_space<vmem>> -> memref<16x128xf32, #tpu.memory_space<vmem>>
    %dma_start3A_2949 = arith.constant 0 : i32
    %dma_start3A_2950 = tpu.memref_slice %arg2[%dma_start3A_2949, %multiple_of3A_2937] : memref<16x1000000xf32, #tpu.memory_space<hbm>> -> memref<16x128xf32, #tpu.memory_space<hbm>>
    tpu.enqueue_dma source(%dma_start3A_2950 : memref<16x128xf32, #tpu.memory_space<hbm>>) target(%dma_start3A_2948 : memref<16x128xf32, #tpu.memory_space<vmem>>) target_semaphore(%arg17 : memref<!tpu.dma_semaphore, #tpu.memory_space<semaphore_mem>>)
    %slice3A_2951 = vector.extract_strided_slice %get3A_2746 {offsets = [13], sizes = [1], strides = [1]} : vector<16xi32> to vector<1xi32>
    %squeeze3A_2952 = vector.extract %slice3A_2951[0] : i32 from vector<1xi32>
    %multiple_of3A_2953 = tpu.assume_multiple %squeeze3A_2952, 128 : i32
    %dma_start3A_2954 = arith.constant 13 : i32
    %dma_start3A_2955 = arith.constant 0 : i32
    %dma_start3A_2956 = arith.constant 0 : i32
    %dma_start3A_2957 = tpu.memref_slice %arg14[%dma_start3A_2954, %dma_start3A_2955, %dma_start3A_2956] : memref<32x16x128xf32, #tpu.memory_space<vmem>> -> memref<1x16x128xf32, #tpu.memory_space<vmem>>
    %dma_start3A_2958 = tpu.memref_squeeze %dma_start3A_2957 : memref<1x16x128xf32, #tpu.memory_space<vmem>> -> memref<16x128xf32, #tpu.memory_space<vmem>>
    %dma_start3A_2959 = arith.constant 0 : i32
    %dma_start3A_2960 = tpu.memref_slice %arg2[%dma_start3A_2959, %multiple_of3A_2953] : memref<16x1000000xf32, #tpu.memory_space<hbm>> -> memref<16x128xf32, #tpu.memory_space<hbm>>
    %dma_start3A_2961 = arith.constant 0 : i32
    %dma_start3A_2962 = arith.constant 0 : i32
    %dma_start3A_2963 = tpu.memref_slice %arg14[%dma_start3A_2954, %dma_start3A_2961, %dma_start3A_2962] : memref<32x16x128xf32, #tpu.memory_space<vmem>> -> memref<1x16x128xf32, #tpu.memory_space<vmem>>
    %dma_start3A_2964 = tpu.memref_squeeze %dma_start3A_2963 : memref<1x16x128xf32, #tpu.memory_space<vmem>> -> memref<16x128xf32, #tpu.memory_space<vmem>>
    %dma_start3A_2965 = arith.constant 0 : i32
    %dma_start3A_2966 = tpu.memref_slice %arg2[%dma_start3A_2965, %multiple_of3A_2953] : memref<16x1000000xf32, #tpu.memory_space<hbm>> -> memref<16x128xf32, #tpu.memory_space<hbm>>
    tpu.enqueue_dma source(%dma_start3A_2966 : memref<16x128xf32, #tpu.memory_space<hbm>>) target(%dma_start3A_2964 : memref<16x128xf32, #tpu.memory_space<vmem>>) target_semaphore(%arg17 : memref<!tpu.dma_semaphore, #tpu.memory_space<semaphore_mem>>)
    %slice3A_2967 = vector.extract_strided_slice %get3A_2746 {offsets = [14], sizes = [1], strides = [1]} : vector<16xi32> to vector<1xi32>
    %squeeze3A_2968 = vector.extract %slice3A_2967[0] : i32 from vector<1xi32>
    %multiple_of3A_2969 = tpu.assume_multiple %squeeze3A_2968, 128 : i32
    %dma_start3A_2970 = arith.constant 14 : i32
    %dma_start3A_2971 = arith.constant 0 : i32
    %dma_start3A_2972 = arith.constant 0 : i32
    %dma_start3A_2973 = tpu.memref_slice %arg14[%dma_start3A_2970, %dma_start3A_2971, %dma_start3A_2972] : memref<32x16x128xf32, #tpu.memory_space<vmem>> -> memref<1x16x128xf32, #tpu.memory_space<vmem>>
    %dma_start3A_2974 = tpu.memref_squeeze %dma_start3A_2973 : memref<1x16x128xf32, #tpu.memory_space<vmem>> -> memref<16x128xf32, #tpu.memory_space<vmem>>
    %dma_start3A_2975 = arith.constant 0 : i32
    %dma_start3A_2976 = tpu.memref_slice %arg2[%dma_start3A_2975, %multiple_of3A_2969] : memref<16x1000000xf32, #tpu.memory_space<hbm>> -> memref<16x128xf32, #tpu.memory_space<hbm>>
    %dma_start3A_2977 = arith.constant 0 : i32
    %dma_start3A_2978 = arith.constant 0 : i32
    %dma_start3A_2979 = tpu.memref_slice %arg14[%dma_start3A_2970, %dma_start3A_2977, %dma_start3A_2978] : memref<32x16x128xf32, #tpu.memory_space<vmem>> -> memref<1x16x128xf32, #tpu.memory_space<vmem>>
    %dma_start3A_2980 = tpu.memref_squeeze %dma_start3A_2979 : memref<1x16x128xf32, #tpu.memory_space<vmem>> -> memref<16x128xf32, #tpu.memory_space<vmem>>
    %dma_start3A_2981 = arith.constant 0 : i32
    %dma_start3A_2982 = tpu.memref_slice %arg2[%dma_start3A_2981, %multiple_of3A_2969] : memref<16x1000000xf32, #tpu.memory_space<hbm>> -> memref<16x128xf32, #tpu.memory_space<hbm>>
    tpu.enqueue_dma source(%dma_start3A_2982 : memref<16x128xf32, #tpu.memory_space<hbm>>) target(%dma_start3A_2980 : memref<16x128xf32, #tpu.memory_space<vmem>>) target_semaphore(%arg17 : memref<!tpu.dma_semaphore, #tpu.memory_space<semaphore_mem>>)
    %slice3A_2983 = vector.extract_strided_slice %get3A_2746 {offsets = [15], sizes = [1], strides = [1]} : vector<16xi32> to vector<1xi32>
    %squeeze3A_2984 = vector.extract %slice3A_2983[0] : i32 from vector<1xi32>
    %multiple_of3A_2985 = tpu.assume_multiple %squeeze3A_2984, 128 : i32
    %dma_start3A_2986 = arith.constant 15 : i32
    %dma_start3A_2987 = arith.constant 0 : i32
    %dma_start3A_2988 = arith.constant 0 : i32
    %dma_start3A_2989 = tpu.memref_slice %arg14[%dma_start3A_2986, %dma_start3A_2987, %dma_start3A_2988] : memref<32x16x128xf32, #tpu.memory_space<vmem>> -> memref<1x16x128xf32, #tpu.memory_space<vmem>>
    %dma_start3A_2990 = tpu.memref_squeeze %dma_start3A_2989 : memref<1x16x128xf32, #tpu.memory_space<vmem>> -> memref<16x128xf32, #tpu.memory_space<vmem>>
    %dma_start3A_2991 = arith.constant 0 : i32
    %dma_start3A_2992 = tpu.memref_slice %arg2[%dma_start3A_2991, %multiple_of3A_2985] : memref<16x1000000xf32, #tpu.memory_space<hbm>> -> memref<16x128xf32, #tpu.memory_space<hbm>>
    %dma_start3A_2993 = arith.constant 0 : i32
    %dma_start3A_2994 = arith.constant 0 : i32
    %dma_start3A_2995 = tpu.memref_slice %arg14[%dma_start3A_2986, %dma_start3A_2993, %dma_start3A_2994] : memref<32x16x128xf32, #tpu.memory_space<vmem>> -> memref<1x16x128xf32, #tpu.memory_space<vmem>>
    %dma_start3A_2996 = tpu.memref_squeeze %dma_start3A_2995 : memref<1x16x128xf32, #tpu.memory_space<vmem>> -> memref<16x128xf32, #tpu.memory_space<vmem>>
    %dma_start3A_2997 = arith.constant 0 : i32
    %dma_start3A_2998 = tpu.memref_slice %arg2[%dma_start3A_2997, %multiple_of3A_2985] : memref<16x1000000xf32, #tpu.memory_space<hbm>> -> memref<16x128xf32, #tpu.memory_space<hbm>>
    tpu.enqueue_dma source(%dma_start3A_2998 : memref<16x128xf32, #tpu.memory_space<hbm>>) target(%dma_start3A_2996 : memref<16x128xf32, #tpu.memory_space<vmem>>) target_semaphore(%arg17 : memref<!tpu.dma_semaphore, #tpu.memory_space<semaphore_mem>>)
    %scan3A = arith.constant 0 : i32
    %scan3A_2999 = arith.constant 0 : i32
    %scan3A_3000 = arith.constant 32 : i32
    %scan3A_3001 = arith.addi %scan3A_2999, %scan3A_3000 : i32
    %scan3A_3002 = arith.constant 1 : i32
    scf.for %scan3A_3268 = %scan3A_2999 to %scan3A_3001 step %scan3A_3002  : i32 {
      %rem3A_3269 = arith.constant 2 : i32
      %rem3A_3270 = arith.remsi %scan3A_3268, %rem3A_3269 : i32
      %add3A_3271 = arith.constant 1 : i32
      %add3A_3272 = arith.addi %scan3A_3268, %add3A_3271 : i32
      %lt3A = arith.constant 32 : i32
      %lt3A_3273 = arith.cmpi slt, %add3A_3272, %lt3A : i32
      %convert_element_type3A = arith.extui %lt3A_3273 : i1 to i32
      %cond3A = arith.constant 0 : i32
      %cond3A_3274 = arith.cmpi ne, %convert_element_type3A, %cond3A : i32
      scf.if %cond3A_3274 {
        %add3A_3432 = arith.constant 1 : i32
        %add3A_3433 = arith.addi %scan3A_3268, %add3A_3432 : i32
        %sub3A_3434 = arith.constant 1 : i32
        %sub3A_3435 = arith.subi %sub3A_3434, %rem3A_3270 : i32
        %mul3A_3436 = arith.constant 16 : i32
        %mul3A_3437 = arith.muli %add3A_3433, %mul3A_3436 : i32
        %get3A_3438 = arith.index_cast %mul3A_3437 : i32 to index
        %get3A_3439 = tpu.vector_load %arg10[%get3A_3438] {strides = array<i32>} : memref<512xi32, #tpu.memory_space<vmem>>, vector<16xi32>,
        %slice3A_3440 = vector.extract_strided_slice %get3A_3439 {offsets = [0], sizes = [1], strides = [1]} : vector<16xi32> to vector<1xi32>
        %squeeze3A_3441 = vector.extract %slice3A_3440[0] : i32 from vector<1xi32>
        %multiple_of3A_3442 = tpu.assume_multiple %squeeze3A_3441, 128 : i32
        %mul3A_3443 = arith.constant 16 : i32
        %mul3A_3444 = arith.muli %sub3A_3435, %mul3A_3443 : i32
        %add3A_3445 = arith.constant 0 : i32
        %add3A_3446 = arith.addi %mul3A_3444, %add3A_3445 : i32
        %dma_start3A_3447 = arith.constant 0 : i32
        %dma_start3A_3448 = arith.constant 0 : i32
        %dma_start3A_3449 = tpu.memref_slice %arg14[%add3A_3446, %dma_start3A_3447, %dma_start3A_3448] : memref<32x16x128xf32, #tpu.memory_space<vmem>> -> memref<1x16x128xf32, #tpu.memory_space<vmem>>
        %dma_start3A_3450 = tpu.memref_squeeze %dma_start3A_3449 : memref<1x16x128xf32, #tpu.memory_space<vmem>> -> memref<16x128xf32, #tpu.memory_space<vmem>>
        %dma_start3A_3451 = arith.constant 0 : i32
        %dma_start3A_3452 = tpu.memref_slice %arg2[%dma_start3A_3451, %multiple_of3A_3442] : memref<16x1000000xf32, #tpu.memory_space<hbm>> -> memref<16x128xf32, #tpu.memory_space<hbm>>
        %dma_start3A_3453 = arith.constant 0 : i32
        %dma_start3A_3454 = arith.constant 0 : i32
        %dma_start3A_3455 = tpu.memref_slice %arg14[%add3A_3446, %dma_start3A_3453, %dma_start3A_3454] : memref<32x16x128xf32, #tpu.memory_space<vmem>> -> memref<1x16x128xf32, #tpu.memory_space<vmem>>
        %dma_start3A_3456 = tpu.memref_squeeze %dma_start3A_3455 : memref<1x16x128xf32, #tpu.memory_space<vmem>> -> memref<16x128xf32, #tpu.memory_space<vmem>>
        %dma_start3A_3457 = arith.constant 0 : i32
        %dma_start3A_3458 = tpu.memref_slice %arg2[%dma_start3A_3457, %multiple_of3A_3442] : memref<16x1000000xf32, #tpu.memory_space<hbm>> -> memref<16x128xf32, #tpu.memory_space<hbm>>
        tpu.enqueue_dma source(%dma_start3A_3458 : memref<16x128xf32, #tpu.memory_space<hbm>>) target(%dma_start3A_3456 : memref<16x128xf32, #tpu.memory_space<vmem>>) target_semaphore(%arg17 : memref<!tpu.dma_semaphore, #tpu.memory_space<semaphore_mem>>)
        %slice3A_3459 = vector.extract_strided_slice %get3A_3439 {offsets = [1], sizes = [1], strides = [1]} : vector<16xi32> to vector<1xi32>
        %squeeze3A_3460 = vector.extract %slice3A_3459[0] : i32 from vector<1xi32>
        %multiple_of3A_3461 = tpu.assume_multiple %squeeze3A_3460, 128 : i32
        %mul3A_3462 = arith.constant 16 : i32
        %mul3A_3463 = arith.muli %sub3A_3435, %mul3A_3462 : i32
        %add3A_3464 = arith.constant 1 : i32
        %add3A_3465 = arith.addi %mul3A_3463, %add3A_3464 : i32
        %dma_start3A_3466 = arith.constant 0 : i32
        %dma_start3A_3467 = arith.constant 0 : i32
        %dma_start3A_3468 = tpu.memref_slice %arg14[%add3A_3465, %dma_start3A_3466, %dma_start3A_3467] : memref<32x16x128xf32, #tpu.memory_space<vmem>> -> memref<1x16x128xf32, #tpu.memory_space<vmem>>
        %dma_start3A_3469 = tpu.memref_squeeze %dma_start3A_3468 : memref<1x16x128xf32, #tpu.memory_space<vmem>> -> memref<16x128xf32, #tpu.memory_space<vmem>>
        %dma_start3A_3470 = arith.constant 0 : i32
        %dma_start3A_3471 = tpu.memref_slice %arg2[%dma_start3A_3470, %multiple_of3A_3461] : memref<16x1000000xf32, #tpu.memory_space<hbm>> -> memref<16x128xf32, #tpu.memory_space<hbm>>
        %dma_start3A_3472 = arith.constant 0 : i32
        %dma_start3A_3473 = arith.constant 0 : i32
        %dma_start3A_3474 = tpu.memref_slice %arg14[%add3A_3465, %dma_start3A_3472, %dma_start3A_3473] : memref<32x16x128xf32, #tpu.memory_space<vmem>> -> memref<1x16x128xf32, #tpu.memory_space<vmem>>
        %dma_start3A_3475 = tpu.memref_squeeze %dma_start3A_3474 : memref<1x16x128xf32, #tpu.memory_space<vmem>> -> memref<16x128xf32, #tpu.memory_space<vmem>>
        %dma_start3A_3476 = arith.constant 0 : i32
        %dma_start3A_3477 = tpu.memref_slice %arg2[%dma_start3A_3476, %multiple_of3A_3461] : memref<16x1000000xf32, #tpu.memory_space<hbm>> -> memref<16x128xf32, #tpu.memory_space<hbm>>
        tpu.enqueue_dma source(%dma_start3A_3477 : memref<16x128xf32, #tpu.memory_space<hbm>>) target(%dma_start3A_3475 : memref<16x128xf32, #tpu.memory_space<vmem>>) target_semaphore(%arg17 : memref<!tpu.dma_semaphore, #tpu.memory_space<semaphore_mem>>)
        %slice3A_3478 = vector.extract_strided_slice %get3A_3439 {offsets = [2], sizes = [1], strides = [1]} : vector<16xi32> to vector<1xi32>
        %squeeze3A_3479 = vector.extract %slice3A_3478[0] : i32 from vector<1xi32>
        %multiple_of3A_3480 = tpu.assume_multiple %squeeze3A_3479, 128 : i32
        %mul3A_3481 = arith.constant 16 : i32
        %mul3A_3482 = arith.muli %sub3A_3435, %mul3A_3481 : i32
        %add3A_3483 = arith.constant 2 : i32
        %add3A_3484 = arith.addi %mul3A_3482, %add3A_3483 : i32
        %dma_start3A_3485 = arith.constant 0 : i32
        %dma_start3A_3486 = arith.constant 0 : i32
        %dma_start3A_3487 = tpu.memref_slice %arg14[%add3A_3484, %dma_start3A_3485, %dma_start3A_3486] : memref<32x16x128xf32, #tpu.memory_space<vmem>> -> memref<1x16x128xf32, #tpu.memory_space<vmem>>
        %dma_start3A_3488 = tpu.memref_squeeze %dma_start3A_3487 : memref<1x16x128xf32, #tpu.memory_space<vmem>> -> memref<16x128xf32, #tpu.memory_space<vmem>>
        %dma_start3A_3489 = arith.constant 0 : i32
        %dma_start3A_3490 = tpu.memref_slice %arg2[%dma_start3A_3489, %multiple_of3A_3480] : memref<16x1000000xf32, #tpu.memory_space<hbm>> -> memref<16x128xf32, #tpu.memory_space<hbm>>
        %dma_start3A_3491 = arith.constant 0 : i32
        %dma_start3A_3492 = arith.constant 0 : i32
        %dma_start3A_3493 = tpu.memref_slice %arg14[%add3A_3484, %dma_start3A_3491, %dma_start3A_3492] : memref<32x16x128xf32, #tpu.memory_space<vmem>> -> memref<1x16x128xf32, #tpu.memory_space<vmem>>
        %dma_start3A_3494 = tpu.memref_squeeze %dma_start3A_3493 : memref<1x16x128xf32, #tpu.memory_space<vmem>> -> memref<16x128xf32, #tpu.memory_space<vmem>>
        %dma_start3A_3495 = arith.constant 0 : i32
        %dma_start3A_3496 = tpu.memref_slice %arg2[%dma_start3A_3495, %multiple_of3A_3480] : memref<16x1000000xf32, #tpu.memory_space<hbm>> -> memref<16x128xf32, #tpu.memory_space<hbm>>
        tpu.enqueue_dma source(%dma_start3A_3496 : memref<16x128xf32, #tpu.memory_space<hbm>>) target(%dma_start3A_3494 : memref<16x128xf32, #tpu.memory_space<vmem>>) target_semaphore(%arg17 : memref<!tpu.dma_semaphore, #tpu.memory_space<semaphore_mem>>)
        %slice3A_3497 = vector.extract_strided_slice %get3A_3439 {offsets = [3], sizes = [1], strides = [1]} : vector<16xi32> to vector<1xi32>
        %squeeze3A_3498 = vector.extract %slice3A_3497[0] : i32 from vector<1xi32>
        %multiple_of3A_3499 = tpu.assume_multiple %squeeze3A_3498, 128 : i32
        %mul3A_3500 = arith.constant 16 : i32
        %mul3A_3501 = arith.muli %sub3A_3435, %mul3A_3500 : i32
        %add3A_3502 = arith.constant 3 : i32
        %add3A_3503 = arith.addi %mul3A_3501, %add3A_3502 : i32
        %dma_start3A_3504 = arith.constant 0 : i32
        %dma_start3A_3505 = arith.constant 0 : i32
        %dma_start3A_3506 = tpu.memref_slice %arg14[%add3A_3503, %dma_start3A_3504, %dma_start3A_3505] : memref<32x16x128xf32, #tpu.memory_space<vmem>> -> memref<1x16x128xf32, #tpu.memory_space<vmem>>
        %dma_start3A_3507 = tpu.memref_squeeze %dma_start3A_3506 : memref<1x16x128xf32, #tpu.memory_space<vmem>> -> memref<16x128xf32, #tpu.memory_space<vmem>>
        %dma_start3A_3508 = arith.constant 0 : i32
        %dma_start3A_3509 = tpu.memref_slice %arg2[%dma_start3A_3508, %multiple_of3A_3499] : memref<16x1000000xf32, #tpu.memory_space<hbm>> -> memref<16x128xf32, #tpu.memory_space<hbm>>
        %dma_start3A_3510 = arith.constant 0 : i32
        %dma_start3A_3511 = arith.constant 0 : i32
        %dma_start3A_3512 = tpu.memref_slice %arg14[%add3A_3503, %dma_start3A_3510, %dma_start3A_3511] : memref<32x16x128xf32, #tpu.memory_space<vmem>> -> memref<1x16x128xf32, #tpu.memory_space<vmem>>
        %dma_start3A_3513 = tpu.memref_squeeze %dma_start3A_3512 : memref<1x16x128xf32, #tpu.memory_space<vmem>> -> memref<16x128xf32, #tpu.memory_space<vmem>>
        %dma_start3A_3514 = arith.constant 0 : i32
        %dma_start3A_3515 = tpu.memref_slice %arg2[%dma_start3A_3514, %multiple_of3A_3499] : memref<16x1000000xf32, #tpu.memory_space<hbm>> -> memref<16x128xf32, #tpu.memory_space<hbm>>
        tpu.enqueue_dma source(%dma_start3A_3515 : memref<16x128xf32, #tpu.memory_space<hbm>>) target(%dma_start3A_3513 : memref<16x128xf32, #tpu.memory_space<vmem>>) target_semaphore(%arg17 : memref<!tpu.dma_semaphore, #tpu.memory_space<semaphore_mem>>)
        %slice3A_3516 = vector.extract_strided_slice %get3A_3439 {offsets = [4], sizes = [1], strides = [1]} : vector<16xi32> to vector<1xi32>
        %squeeze3A_3517 = vector.extract %slice3A_3516[0] : i32 from vector<1xi32>
        %multiple_of3A_3518 = tpu.assume_multiple %squeeze3A_3517, 128 : i32
        %mul3A_3519 = arith.constant 16 : i32
        %mul3A_3520 = arith.muli %sub3A_3435, %mul3A_3519 : i32
        %add3A_3521 = arith.constant 4 : i32
        %add3A_3522 = arith.addi %mul3A_3520, %add3A_3521 : i32
        %dma_start3A_3523 = arith.constant 0 : i32
        %dma_start3A_3524 = arith.constant 0 : i32
        %dma_start3A_3525 = tpu.memref_slice %arg14[%add3A_3522, %dma_start3A_3523, %dma_start3A_3524] : memref<32x16x128xf32, #tpu.memory_space<vmem>> -> memref<1x16x128xf32, #tpu.memory_space<vmem>>
        %dma_start3A_3526 = tpu.memref_squeeze %dma_start3A_3525 : memref<1x16x128xf32, #tpu.memory_space<vmem>> -> memref<16x128xf32, #tpu.memory_space<vmem>>
        %dma_start3A_3527 = arith.constant 0 : i32
        %dma_start3A_3528 = tpu.memref_slice %arg2[%dma_start3A_3527, %multiple_of3A_3518] : memref<16x1000000xf32, #tpu.memory_space<hbm>> -> memref<16x128xf32, #tpu.memory_space<hbm>>
        %dma_start3A_3529 = arith.constant 0 : i32
        %dma_start3A_3530 = arith.constant 0 : i32
        %dma_start3A_3531 = tpu.memref_slice %arg14[%add3A_3522, %dma_start3A_3529, %dma_start3A_3530] : memref<32x16x128xf32, #tpu.memory_space<vmem>> -> memref<1x16x128xf32, #tpu.memory_space<vmem>>
        %dma_start3A_3532 = tpu.memref_squeeze %dma_start3A_3531 : memref<1x16x128xf32, #tpu.memory_space<vmem>> -> memref<16x128xf32, #tpu.memory_space<vmem>>
        %dma_start3A_3533 = arith.constant 0 : i32
        %dma_start3A_3534 = tpu.memref_slice %arg2[%dma_start3A_3533, %multiple_of3A_3518] : memref<16x1000000xf32, #tpu.memory_space<hbm>> -> memref<16x128xf32, #tpu.memory_space<hbm>>
        tpu.enqueue_dma source(%dma_start3A_3534 : memref<16x128xf32, #tpu.memory_space<hbm>>) target(%dma_start3A_3532 : memref<16x128xf32, #tpu.memory_space<vmem>>) target_semaphore(%arg17 : memref<!tpu.dma_semaphore, #tpu.memory_space<semaphore_mem>>)
        %slice3A_3535 = vector.extract_strided_slice %get3A_3439 {offsets = [5], sizes = [1], strides = [1]} : vector<16xi32> to vector<1xi32>
        %squeeze3A_3536 = vector.extract %slice3A_3535[0] : i32 from vector<1xi32>
        %multiple_of3A_3537 = tpu.assume_multiple %squeeze3A_3536, 128 : i32
        %mul3A_3538 = arith.constant 16 : i32
        %mul3A_3539 = arith.muli %sub3A_3435, %mul3A_3538 : i32
        %add3A_3540 = arith.constant 5 : i32
        %add3A_3541 = arith.addi %mul3A_3539, %add3A_3540 : i32
        %dma_start3A_3542 = arith.constant 0 : i32
        %dma_start3A_3543 = arith.constant 0 : i32
        %dma_start3A_3544 = tpu.memref_slice %arg14[%add3A_3541, %dma_start3A_3542, %dma_start3A_3543] : memref<32x16x128xf32, #tpu.memory_space<vmem>> -> memref<1x16x128xf32, #tpu.memory_space<vmem>>
        %dma_start3A_3545 = tpu.memref_squeeze %dma_start3A_3544 : memref<1x16x128xf32, #tpu.memory_space<vmem>> -> memref<16x128xf32, #tpu.memory_space<vmem>>
        %dma_start3A_3546 = arith.constant 0 : i32
        %dma_start3A_3547 = tpu.memref_slice %arg2[%dma_start3A_3546, %multiple_of3A_3537] : memref<16x1000000xf32, #tpu.memory_space<hbm>> -> memref<16x128xf32, #tpu.memory_space<hbm>>
        %dma_start3A_3548 = arith.constant 0 : i32
        %dma_start3A_3549 = arith.constant 0 : i32
        %dma_start3A_3550 = tpu.memref_slice %arg14[%add3A_3541, %dma_start3A_3548, %dma_start3A_3549] : memref<32x16x128xf32, #tpu.memory_space<vmem>> -> memref<1x16x128xf32, #tpu.memory_space<vmem>>
        %dma_start3A_3551 = tpu.memref_squeeze %dma_start3A_3550 : memref<1x16x128xf32, #tpu.memory_space<vmem>> -> memref<16x128xf32, #tpu.memory_space<vmem>>
        %dma_start3A_3552 = arith.constant 0 : i32
        %dma_start3A_3553 = tpu.memref_slice %arg2[%dma_start3A_3552, %multiple_of3A_3537] : memref<16x1000000xf32, #tpu.memory_space<hbm>> -> memref<16x128xf32, #tpu.memory_space<hbm>>
        tpu.enqueue_dma source(%dma_start3A_3553 : memref<16x128xf32, #tpu.memory_space<hbm>>) target(%dma_start3A_3551 : memref<16x128xf32, #tpu.memory_space<vmem>>) target_semaphore(%arg17 : memref<!tpu.dma_semaphore, #tpu.memory_space<semaphore_mem>>)
        %slice3A_3554 = vector.extract_strided_slice %get3A_3439 {offsets = [6], sizes = [1], strides = [1]} : vector<16xi32> to vector<1xi32>
        %squeeze3A_3555 = vector.extract %slice3A_3554[0] : i32 from vector<1xi32>
        %multiple_of3A_3556 = tpu.assume_multiple %squeeze3A_3555, 128 : i32
        %mul3A_3557 = arith.constant 16 : i32
        %mul3A_3558 = arith.muli %sub3A_3435, %mul3A_3557 : i32
        %add3A_3559 = arith.constant 6 : i32
        %add3A_3560 = arith.addi %mul3A_3558, %add3A_3559 : i32
        %dma_start3A_3561 = arith.constant 0 : i32
        %dma_start3A_3562 = arith.constant 0 : i32
        %dma_start3A_3563 = tpu.memref_slice %arg14[%add3A_3560, %dma_start3A_3561, %dma_start3A_3562] : memref<32x16x128xf32, #tpu.memory_space<vmem>> -> memref<1x16x128xf32, #tpu.memory_space<vmem>>
        %dma_start3A_3564 = tpu.memref_squeeze %dma_start3A_3563 : memref<1x16x128xf32, #tpu.memory_space<vmem>> -> memref<16x128xf32, #tpu.memory_space<vmem>>
        %dma_start3A_3565 = arith.constant 0 : i32
        %dma_start3A_3566 = tpu.memref_slice %arg2[%dma_start3A_3565, %multiple_of3A_3556] : memref<16x1000000xf32, #tpu.memory_space<hbm>> -> memref<16x128xf32, #tpu.memory_space<hbm>>
        %dma_start3A_3567 = arith.constant 0 : i32
        %dma_start3A_3568 = arith.constant 0 : i32
        %dma_start3A_3569 = tpu.memref_slice %arg14[%add3A_3560, %dma_start3A_3567, %dma_start3A_3568] : memref<32x16x128xf32, #tpu.memory_space<vmem>> -> memref<1x16x128xf32, #tpu.memory_space<vmem>>
        %dma_start3A_3570 = tpu.memref_squeeze %dma_start3A_3569 : memref<1x16x128xf32, #tpu.memory_space<vmem>> -> memref<16x128xf32, #tpu.memory_space<vmem>>
        %dma_start3A_3571 = arith.constant 0 : i32
        %dma_start3A_3572 = tpu.memref_slice %arg2[%dma_start3A_3571, %multiple_of3A_3556] : memref<16x1000000xf32, #tpu.memory_space<hbm>> -> memref<16x128xf32, #tpu.memory_space<hbm>>
        tpu.enqueue_dma source(%dma_start3A_3572 : memref<16x128xf32, #tpu.memory_space<hbm>>) target(%dma_start3A_3570 : memref<16x128xf32, #tpu.memory_space<vmem>>) target_semaphore(%arg17 : memref<!tpu.dma_semaphore, #tpu.memory_space<semaphore_mem>>)
        %slice3A_3573 = vector.extract_strided_slice %get3A_3439 {offsets = [7], sizes = [1], strides = [1]} : vector<16xi32> to vector<1xi32>
        %squeeze3A_3574 = vector.extract %slice3A_3573[0] : i32 from vector<1xi32>
        %multiple_of3A_3575 = tpu.assume_multiple %squeeze3A_3574, 128 : i32
        %mul3A_3576 = arith.constant 16 : i32
        %mul3A_3577 = arith.muli %sub3A_3435, %mul3A_3576 : i32
        %add3A_3578 = arith.constant 7 : i32
        %add3A_3579 = arith.addi %mul3A_3577, %add3A_3578 : i32
        %dma_start3A_3580 = arith.constant 0 : i32
        %dma_start3A_3581 = arith.constant 0 : i32
        %dma_start3A_3582 = tpu.memref_slice %arg14[%add3A_3579, %dma_start3A_3580, %dma_start3A_3581] : memref<32x16x128xf32, #tpu.memory_space<vmem>> -> memref<1x16x128xf32, #tpu.memory_space<vmem>>
        %dma_start3A_3583 = tpu.memref_squeeze %dma_start3A_3582 : memref<1x16x128xf32, #tpu.memory_space<vmem>> -> memref<16x128xf32, #tpu.memory_space<vmem>>
        %dma_start3A_3584 = arith.constant 0 : i32
        %dma_start3A_3585 = tpu.memref_slice %arg2[%dma_start3A_3584, %multiple_of3A_3575] : memref<16x1000000xf32, #tpu.memory_space<hbm>> -> memref<16x128xf32, #tpu.memory_space<hbm>>
        %dma_start3A_3586 = arith.constant 0 : i32
        %dma_start3A_3587 = arith.constant 0 : i32
        %dma_start3A_3588 = tpu.memref_slice %arg14[%add3A_3579, %dma_start3A_3586, %dma_start3A_3587] : memref<32x16x128xf32, #tpu.memory_space<vmem>> -> memref<1x16x128xf32, #tpu.memory_space<vmem>>
        %dma_start3A_3589 = tpu.memref_squeeze %dma_start3A_3588 : memref<1x16x128xf32, #tpu.memory_space<vmem>> -> memref<16x128xf32, #tpu.memory_space<vmem>>
        %dma_start3A_3590 = arith.constant 0 : i32
        %dma_start3A_3591 = tpu.memref_slice %arg2[%dma_start3A_3590, %multiple_of3A_3575] : memref<16x1000000xf32, #tpu.memory_space<hbm>> -> memref<16x128xf32, #tpu.memory_space<hbm>>
        tpu.enqueue_dma source(%dma_start3A_3591 : memref<16x128xf32, #tpu.memory_space<hbm>>) target(%dma_start3A_3589 : memref<16x128xf32, #tpu.memory_space<vmem>>) target_semaphore(%arg17 : memref<!tpu.dma_semaphore, #tpu.memory_space<semaphore_mem>>)
        %slice3A_3592 = vector.extract_strided_slice %get3A_3439 {offsets = [8], sizes = [1], strides = [1]} : vector<16xi32> to vector<1xi32>
        %squeeze3A_3593 = vector.extract %slice3A_3592[0] : i32 from vector<1xi32>
        %multiple_of3A_3594 = tpu.assume_multiple %squeeze3A_3593, 128 : i32
        %mul3A_3595 = arith.constant 16 : i32
        %mul3A_3596 = arith.muli %sub3A_3435, %mul3A_3595 : i32
        %add3A_3597 = arith.constant 8 : i32
        %add3A_3598 = arith.addi %mul3A_3596, %add3A_3597 : i32
        %dma_start3A_3599 = arith.constant 0 : i32
        %dma_start3A_3600 = arith.constant 0 : i32
        %dma_start3A_3601 = tpu.memref_slice %arg14[%add3A_3598, %dma_start3A_3599, %dma_start3A_3600] : memref<32x16x128xf32, #tpu.memory_space<vmem>> -> memref<1x16x128xf32, #tpu.memory_space<vmem>>
        %dma_start3A_3602 = tpu.memref_squeeze %dma_start3A_3601 : memref<1x16x128xf32, #tpu.memory_space<vmem>> -> memref<16x128xf32, #tpu.memory_space<vmem>>
        %dma_start3A_3603 = arith.constant 0 : i32
        %dma_start3A_3604 = tpu.memref_slice %arg2[%dma_start3A_3603, %multiple_of3A_3594] : memref<16x1000000xf32, #tpu.memory_space<hbm>> -> memref<16x128xf32, #tpu.memory_space<hbm>>
        %dma_start3A_3605 = arith.constant 0 : i32
        %dma_start3A_3606 = arith.constant 0 : i32
        %dma_start3A_3607 = tpu.memref_slice %arg14[%add3A_3598, %dma_start3A_3605, %dma_start3A_3606] : memref<32x16x128xf32, #tpu.memory_space<vmem>> -> memref<1x16x128xf32, #tpu.memory_space<vmem>>
        %dma_start3A_3608 = tpu.memref_squeeze %dma_start3A_3607 : memref<1x16x128xf32, #tpu.memory_space<vmem>> -> memref<16x128xf32, #tpu.memory_space<vmem>>
        %dma_start3A_3609 = arith.constant 0 : i32
        %dma_start3A_3610 = tpu.memref_slice %arg2[%dma_start3A_3609, %multiple_of3A_3594] : memref<16x1000000xf32, #tpu.memory_space<hbm>> -> memref<16x128xf32, #tpu.memory_space<hbm>>
        tpu.enqueue_dma source(%dma_start3A_3610 : memref<16x128xf32, #tpu.memory_space<hbm>>) target(%dma_start3A_3608 : memref<16x128xf32, #tpu.memory_space<vmem>>) target_semaphore(%arg17 : memref<!tpu.dma_semaphore, #tpu.memory_space<semaphore_mem>>)
        %slice3A_3611 = vector.extract_strided_slice %get3A_3439 {offsets = [9], sizes = [1], strides = [1]} : vector<16xi32> to vector<1xi32>
        %squeeze3A_3612 = vector.extract %slice3A_3611[0] : i32 from vector<1xi32>
        %multiple_of3A_3613 = tpu.assume_multiple %squeeze3A_3612, 128 : i32
        %mul3A_3614 = arith.constant 16 : i32
        %mul3A_3615 = arith.muli %sub3A_3435, %mul3A_3614 : i32
        %add3A_3616 = arith.constant 9 : i32
        %add3A_3617 = arith.addi %mul3A_3615, %add3A_3616 : i32
        %dma_start3A_3618 = arith.constant 0 : i32
        %dma_start3A_3619 = arith.constant 0 : i32
        %dma_start3A_3620 = tpu.memref_slice %arg14[%add3A_3617, %dma_start3A_3618, %dma_start3A_3619] : memref<32x16x128xf32, #tpu.memory_space<vmem>> -> memref<1x16x128xf32, #tpu.memory_space<vmem>>
        %dma_start3A_3621 = tpu.memref_squeeze %dma_start3A_3620 : memref<1x16x128xf32, #tpu.memory_space<vmem>> -> memref<16x128xf32, #tpu.memory_space<vmem>>
        %dma_start3A_3622 = arith.constant 0 : i32
        %dma_start3A_3623 = tpu.memref_slice %arg2[%dma_start3A_3622, %multiple_of3A_3613] : memref<16x1000000xf32, #tpu.memory_space<hbm>> -> memref<16x128xf32, #tpu.memory_space<hbm>>
        %dma_start3A_3624 = arith.constant 0 : i32
        %dma_start3A_3625 = arith.constant 0 : i32
        %dma_start3A_3626 = tpu.memref_slice %arg14[%add3A_3617, %dma_start3A_3624, %dma_start3A_3625] : memref<32x16x128xf32, #tpu.memory_space<vmem>> -> memref<1x16x128xf32, #tpu.memory_space<vmem>>
        %dma_start3A_3627 = tpu.memref_squeeze %dma_start3A_3626 : memref<1x16x128xf32, #tpu.memory_space<vmem>> -> memref<16x128xf32, #tpu.memory_space<vmem>>
        %dma_start3A_3628 = arith.constant 0 : i32
        %dma_start3A_3629 = tpu.memref_slice %arg2[%dma_start3A_3628, %multiple_of3A_3613] : memref<16x1000000xf32, #tpu.memory_space<hbm>> -> memref<16x128xf32, #tpu.memory_space<hbm>>
        tpu.enqueue_dma source(%dma_start3A_3629 : memref<16x128xf32, #tpu.memory_space<hbm>>) target(%dma_start3A_3627 : memref<16x128xf32, #tpu.memory_space<vmem>>) target_semaphore(%arg17 : memref<!tpu.dma_semaphore, #tpu.memory_space<semaphore_mem>>)
        %slice3A_3630 = vector.extract_strided_slice %get3A_3439 {offsets = [10], sizes = [1], strides = [1]} : vector<16xi32> to vector<1xi32>
        %squeeze3A_3631 = vector.extract %slice3A_3630[0] : i32 from vector<1xi32>
        %multiple_of3A_3632 = tpu.assume_multiple %squeeze3A_3631, 128 : i32
        %mul3A_3633 = arith.constant 16 : i32
        %mul3A_3634 = arith.muli %sub3A_3435, %mul3A_3633 : i32
        %add3A_3635 = arith.constant 10 : i32
        %add3A_3636 = arith.addi %mul3A_3634, %add3A_3635 : i32
        %dma_start3A_3637 = arith.constant 0 : i32
        %dma_start3A_3638 = arith.constant 0 : i32
        %dma_start3A_3639 = tpu.memref_slice %arg14[%add3A_3636, %dma_start3A_3637, %dma_start3A_3638] : memref<32x16x128xf32, #tpu.memory_space<vmem>> -> memref<1x16x128xf32, #tpu.memory_space<vmem>>
        %dma_start3A_3640 = tpu.memref_squeeze %dma_start3A_3639 : memref<1x16x128xf32, #tpu.memory_space<vmem>> -> memref<16x128xf32, #tpu.memory_space<vmem>>
        %dma_start3A_3641 = arith.constant 0 : i32
        %dma_start3A_3642 = tpu.memref_slice %arg2[%dma_start3A_3641, %multiple_of3A_3632] : memref<16x1000000xf32, #tpu.memory_space<hbm>> -> memref<16x128xf32, #tpu.memory_space<hbm>>
        %dma_start3A_3643 = arith.constant 0 : i32
        %dma_start3A_3644 = arith.constant 0 : i32
        %dma_start3A_3645 = tpu.memref_slice %arg14[%add3A_3636, %dma_start3A_3643, %dma_start3A_3644] : memref<32x16x128xf32, #tpu.memory_space<vmem>> -> memref<1x16x128xf32, #tpu.memory_space<vmem>>
        %dma_start3A_3646 = tpu.memref_squeeze %dma_start3A_3645 : memref<1x16x128xf32, #tpu.memory_space<vmem>> -> memref<16x128xf32, #tpu.memory_space<vmem>>
        %dma_start3A_3647 = arith.constant 0 : i32
        %dma_start3A_3648 = tpu.memref_slice %arg2[%dma_start3A_3647, %multiple_of3A_3632] : memref<16x1000000xf32, #tpu.memory_space<hbm>> -> memref<16x128xf32, #tpu.memory_space<hbm>>
        tpu.enqueue_dma source(%dma_start3A_3648 : memref<16x128xf32, #tpu.memory_space<hbm>>) target(%dma_start3A_3646 : memref<16x128xf32, #tpu.memory_space<vmem>>) target_semaphore(%arg17 : memref<!tpu.dma_semaphore, #tpu.memory_space<semaphore_mem>>)
        %slice3A_3649 = vector.extract_strided_slice %get3A_3439 {offsets = [11], sizes = [1], strides = [1]} : vector<16xi32> to vector<1xi32>
        %squeeze3A_3650 = vector.extract %slice3A_3649[0] : i32 from vector<1xi32>
        %multiple_of3A_3651 = tpu.assume_multiple %squeeze3A_3650, 128 : i32
        %mul3A_3652 = arith.constant 16 : i32
        %mul3A_3653 = arith.muli %sub3A_3435, %mul3A_3652 : i32
        %add3A_3654 = arith.constant 11 : i32
        %add3A_3655 = arith.addi %mul3A_3653, %add3A_3654 : i32
        %dma_start3A_3656 = arith.constant 0 : i32
        %dma_start3A_3657 = arith.constant 0 : i32
        %dma_start3A_3658 = tpu.memref_slice %arg14[%add3A_3655, %dma_start3A_3656, %dma_start3A_3657] : memref<32x16x128xf32, #tpu.memory_space<vmem>> -> memref<1x16x128xf32, #tpu.memory_space<vmem>>
        %dma_start3A_3659 = tpu.memref_squeeze %dma_start3A_3658 : memref<1x16x128xf32, #tpu.memory_space<vmem>> -> memref<16x128xf32, #tpu.memory_space<vmem>>
        %dma_start3A_3660 = arith.constant 0 : i32
        %dma_start3A_3661 = tpu.memref_slice %arg2[%dma_start3A_3660, %multiple_of3A_3651] : memref<16x1000000xf32, #tpu.memory_space<hbm>> -> memref<16x128xf32, #tpu.memory_space<hbm>>
        %dma_start3A_3662 = arith.constant 0 : i32
        %dma_start3A_3663 = arith.constant 0 : i32
        %dma_start3A_3664 = tpu.memref_slice %arg14[%add3A_3655, %dma_start3A_3662, %dma_start3A_3663] : memref<32x16x128xf32, #tpu.memory_space<vmem>> -> memref<1x16x128xf32, #tpu.memory_space<vmem>>
        %dma_start3A_3665 = tpu.memref_squeeze %dma_start3A_3664 : memref<1x16x128xf32, #tpu.memory_space<vmem>> -> memref<16x128xf32, #tpu.memory_space<vmem>>
        %dma_start3A_3666 = arith.constant 0 : i32
        %dma_start3A_3667 = tpu.memref_slice %arg2[%dma_start3A_3666, %multiple_of3A_3651] : memref<16x1000000xf32, #tpu.memory_space<hbm>> -> memref<16x128xf32, #tpu.memory_space<hbm>>
        tpu.enqueue_dma source(%dma_start3A_3667 : memref<16x128xf32, #tpu.memory_space<hbm>>) target(%dma_start3A_3665 : memref<16x128xf32, #tpu.memory_space<vmem>>) target_semaphore(%arg17 : memref<!tpu.dma_semaphore, #tpu.memory_space<semaphore_mem>>)
        %slice3A_3668 = vector.extract_strided_slice %get3A_3439 {offsets = [12], sizes = [1], strides = [1]} : vector<16xi32> to vector<1xi32>
        %squeeze3A_3669 = vector.extract %slice3A_3668[0] : i32 from vector<1xi32>
        %multiple_of3A_3670 = tpu.assume_multiple %squeeze3A_3669, 128 : i32
        %mul3A_3671 = arith.constant 16 : i32
        %mul3A_3672 = arith.muli %sub3A_3435, %mul3A_3671 : i32
        %add3A_3673 = arith.constant 12 : i32
        %add3A_3674 = arith.addi %mul3A_3672, %add3A_3673 : i32
        %dma_start3A_3675 = arith.constant 0 : i32
        %dma_start3A_3676 = arith.constant 0 : i32
        %dma_start3A_3677 = tpu.memref_slice %arg14[%add3A_3674, %dma_start3A_3675, %dma_start3A_3676] : memref<32x16x128xf32, #tpu.memory_space<vmem>> -> memref<1x16x128xf32, #tpu.memory_space<vmem>>
        %dma_start3A_3678 = tpu.memref_squeeze %dma_start3A_3677 : memref<1x16x128xf32, #tpu.memory_space<vmem>> -> memref<16x128xf32, #tpu.memory_space<vmem>>
        %dma_start3A_3679 = arith.constant 0 : i32
        %dma_start3A_3680 = tpu.memref_slice %arg2[%dma_start3A_3679, %multiple_of3A_3670] : memref<16x1000000xf32, #tpu.memory_space<hbm>> -> memref<16x128xf32, #tpu.memory_space<hbm>>
        %dma_start3A_3681 = arith.constant 0 : i32
        %dma_start3A_3682 = arith.constant 0 : i32
        %dma_start3A_3683 = tpu.memref_slice %arg14[%add3A_3674, %dma_start3A_3681, %dma_start3A_3682] : memref<32x16x128xf32, #tpu.memory_space<vmem>> -> memref<1x16x128xf32, #tpu.memory_space<vmem>>
        %dma_start3A_3684 = tpu.memref_squeeze %dma_start3A_3683 : memref<1x16x128xf32, #tpu.memory_space<vmem>> -> memref<16x128xf32, #tpu.memory_space<vmem>>
        %dma_start3A_3685 = arith.constant 0 : i32
        %dma_start3A_3686 = tpu.memref_slice %arg2[%dma_start3A_3685, %multiple_of3A_3670] : memref<16x1000000xf32, #tpu.memory_space<hbm>> -> memref<16x128xf32, #tpu.memory_space<hbm>>
        tpu.enqueue_dma source(%dma_start3A_3686 : memref<16x128xf32, #tpu.memory_space<hbm>>) target(%dma_start3A_3684 : memref<16x128xf32, #tpu.memory_space<vmem>>) target_semaphore(%arg17 : memref<!tpu.dma_semaphore, #tpu.memory_space<semaphore_mem>>)
        %slice3A_3687 = vector.extract_strided_slice %get3A_3439 {offsets = [13], sizes = [1], strides = [1]} : vector<16xi32> to vector<1xi32>
        %squeeze3A_3688 = vector.extract %slice3A_3687[0] : i32 from vector<1xi32>
        %multiple_of3A_3689 = tpu.assume_multiple %squeeze3A_3688, 128 : i32
        %mul3A_3690 = arith.constant 16 : i32
        %mul3A_3691 = arith.muli %sub3A_3435, %mul3A_3690 : i32
        %add3A_3692 = arith.constant 13 : i32
        %add3A_3693 = arith.addi %mul3A_3691, %add3A_3692 : i32
        %dma_start3A_3694 = arith.constant 0 : i32
        %dma_start3A_3695 = arith.constant 0 : i32
        %dma_start3A_3696 = tpu.memref_slice %arg14[%add3A_3693, %dma_start3A_3694, %dma_start3A_3695] : memref<32x16x128xf32, #tpu.memory_space<vmem>> -> memref<1x16x128xf32, #tpu.memory_space<vmem>>
        %dma_start3A_3697 = tpu.memref_squeeze %dma_start3A_3696 : memref<1x16x128xf32, #tpu.memory_space<vmem>> -> memref<16x128xf32, #tpu.memory_space<vmem>>
        %dma_start3A_3698 = arith.constant 0 : i32
        %dma_start3A_3699 = tpu.memref_slice %arg2[%dma_start3A_3698, %multiple_of3A_3689] : memref<16x1000000xf32, #tpu.memory_space<hbm>> -> memref<16x128xf32, #tpu.memory_space<hbm>>
        %dma_start3A_3700 = arith.constant 0 : i32
        %dma_start3A_3701 = arith.constant 0 : i32
        %dma_start3A_3702 = tpu.memref_slice %arg14[%add3A_3693, %dma_start3A_3700, %dma_start3A_3701] : memref<32x16x128xf32, #tpu.memory_space<vmem>> -> memref<1x16x128xf32, #tpu.memory_space<vmem>>
        %dma_start3A_3703 = tpu.memref_squeeze %dma_start3A_3702 : memref<1x16x128xf32, #tpu.memory_space<vmem>> -> memref<16x128xf32, #tpu.memory_space<vmem>>
        %dma_start3A_3704 = arith.constant 0 : i32
        %dma_start3A_3705 = tpu.memref_slice %arg2[%dma_start3A_3704, %multiple_of3A_3689] : memref<16x1000000xf32, #tpu.memory_space<hbm>> -> memref<16x128xf32, #tpu.memory_space<hbm>>
        tpu.enqueue_dma source(%dma_start3A_3705 : memref<16x128xf32, #tpu.memory_space<hbm>>) target(%dma_start3A_3703 : memref<16x128xf32, #tpu.memory_space<vmem>>) target_semaphore(%arg17 : memref<!tpu.dma_semaphore, #tpu.memory_space<semaphore_mem>>)
        %slice3A_3706 = vector.extract_strided_slice %get3A_3439 {offsets = [14], sizes = [1], strides = [1]} : vector<16xi32> to vector<1xi32>
        %squeeze3A_3707 = vector.extract %slice3A_3706[0] : i32 from vector<1xi32>
        %multiple_of3A_3708 = tpu.assume_multiple %squeeze3A_3707, 128 : i32
        %mul3A_3709 = arith.constant 16 : i32
        %mul3A_3710 = arith.muli %sub3A_3435, %mul3A_3709 : i32
        %add3A_3711 = arith.constant 14 : i32
        %add3A_3712 = arith.addi %mul3A_3710, %add3A_3711 : i32
        %dma_start3A_3713 = arith.constant 0 : i32
        %dma_start3A_3714 = arith.constant 0 : i32
        %dma_start3A_3715 = tpu.memref_slice %arg14[%add3A_3712, %dma_start3A_3713, %dma_start3A_3714] : memref<32x16x128xf32, #tpu.memory_space<vmem>> -> memref<1x16x128xf32, #tpu.memory_space<vmem>>
        %dma_start3A_3716 = tpu.memref_squeeze %dma_start3A_3715 : memref<1x16x128xf32, #tpu.memory_space<vmem>> -> memref<16x128xf32, #tpu.memory_space<vmem>>
        %dma_start3A_3717 = arith.constant 0 : i32
        %dma_start3A_3718 = tpu.memref_slice %arg2[%dma_start3A_3717, %multiple_of3A_3708] : memref<16x1000000xf32, #tpu.memory_space<hbm>> -> memref<16x128xf32, #tpu.memory_space<hbm>>
        %dma_start3A_3719 = arith.constant 0 : i32
        %dma_start3A_3720 = arith.constant 0 : i32
        %dma_start3A_3721 = tpu.memref_slice %arg14[%add3A_3712, %dma_start3A_3719, %dma_start3A_3720] : memref<32x16x128xf32, #tpu.memory_space<vmem>> -> memref<1x16x128xf32, #tpu.memory_space<vmem>>
        %dma_start3A_3722 = tpu.memref_squeeze %dma_start3A_3721 : memref<1x16x128xf32, #tpu.memory_space<vmem>> -> memref<16x128xf32, #tpu.memory_space<vmem>>
        %dma_start3A_3723 = arith.constant 0 : i32
        %dma_start3A_3724 = tpu.memref_slice %arg2[%dma_start3A_3723, %multiple_of3A_3708] : memref<16x1000000xf32, #tpu.memory_space<hbm>> -> memref<16x128xf32, #tpu.memory_space<hbm>>
        tpu.enqueue_dma source(%dma_start3A_3724 : memref<16x128xf32, #tpu.memory_space<hbm>>) target(%dma_start3A_3722 : memref<16x128xf32, #tpu.memory_space<vmem>>) target_semaphore(%arg17 : memref<!tpu.dma_semaphore, #tpu.memory_space<semaphore_mem>>)
        %slice3A_3725 = vector.extract_strided_slice %get3A_3439 {offsets = [15], sizes = [1], strides = [1]} : vector<16xi32> to vector<1xi32>
        %squeeze3A_3726 = vector.extract %slice3A_3725[0] : i32 from vector<1xi32>
        %multiple_of3A_3727 = tpu.assume_multiple %squeeze3A_3726, 128 : i32
        %mul3A_3728 = arith.constant 16 : i32
        %mul3A_3729 = arith.muli %sub3A_3435, %mul3A_3728 : i32
        %add3A_3730 = arith.constant 15 : i32
        %add3A_3731 = arith.addi %mul3A_3729, %add3A_3730 : i32
        %dma_start3A_3732 = arith.constant 0 : i32
        %dma_start3A_3733 = arith.constant 0 : i32
        %dma_start3A_3734 = tpu.memref_slice %arg14[%add3A_3731, %dma_start3A_3732, %dma_start3A_3733] : memref<32x16x128xf32, #tpu.memory_space<vmem>> -> memref<1x16x128xf32, #tpu.memory_space<vmem>>
        %dma_start3A_3735 = tpu.memref_squeeze %dma_start3A_3734 : memref<1x16x128xf32, #tpu.memory_space<vmem>> -> memref<16x128xf32, #tpu.memory_space<vmem>>
        %dma_start3A_3736 = arith.constant 0 : i32
        %dma_start3A_3737 = tpu.memref_slice %arg2[%dma_start3A_3736, %multiple_of3A_3727] : memref<16x1000000xf32, #tpu.memory_space<hbm>> -> memref<16x128xf32, #tpu.memory_space<hbm>>
        %dma_start3A_3738 = arith.constant 0 : i32
        %dma_start3A_3739 = arith.constant 0 : i32
        %dma_start3A_3740 = tpu.memref_slice %arg14[%add3A_3731, %dma_start3A_3738, %dma_start3A_3739] : memref<32x16x128xf32, #tpu.memory_space<vmem>> -> memref<1x16x128xf32, #tpu.memory_space<vmem>>
        %dma_start3A_3741 = tpu.memref_squeeze %dma_start3A_3740 : memref<1x16x128xf32, #tpu.memory_space<vmem>> -> memref<16x128xf32, #tpu.memory_space<vmem>>
        %dma_start3A_3742 = arith.constant 0 : i32
        %dma_start3A_3743 = tpu.memref_slice %arg2[%dma_start3A_3742, %multiple_of3A_3727] : memref<16x1000000xf32, #tpu.memory_space<hbm>> -> memref<16x128xf32, #tpu.memory_space<hbm>>
        tpu.enqueue_dma source(%dma_start3A_3743 : memref<16x128xf32, #tpu.memory_space<hbm>>) target(%dma_start3A_3741 : memref<16x128xf32, #tpu.memory_space<vmem>>) target_semaphore(%arg17 : memref<!tpu.dma_semaphore, #tpu.memory_space<semaphore_mem>>)
      } else {
      }
      %mul3A_3275 = arith.constant 16 : i32
      %mul3A_3276 = arith.muli %rem3A_3270, %mul3A_3275 : i32
      %dma_wait3A = arith.constant 0 : i32
      %dma_wait3A_3277 = arith.constant 0 : i32
      %dma_wait3A_3278 = tpu.memref_slice %arg14[%mul3A_3276, %dma_wait3A, %dma_wait3A_3277] : memref<32x16x128xf32, #tpu.memory_space<vmem>> -> memref<16x16x128xf32, #tpu.memory_space<vmem>>
      %dma_wait3A_3279 = arith.constant 0 : i32
      %dma_wait3A_3280 = arith.constant 0 : i32
      %dma_wait3A_3281 = tpu.memref_slice %arg14[%mul3A_3276, %dma_wait3A_3279, %dma_wait3A_3280] : memref<32x16x128xf32, #tpu.memory_space<vmem>> -> memref<16x16x128xf32, #tpu.memory_space<vmem>>
      tpu.wait_dma2 semaphore(%arg17 : memref<!tpu.dma_semaphore, #tpu.memory_space<semaphore_mem>>) src(%arg6 : memref<16x16x128xf32, #tpu.memory_space<hbm>>) dst(%dma_wait3A_3281 : memref<16x16x128xf32, #tpu.memory_space<vmem>>)
      %mul3A_3282 = arith.constant 16 : i32
      %mul3A_3283 = arith.muli %scan3A_3268, %mul3A_3282 : i32
      %get3A_3284 = arith.index_cast %mul3A_3283 : i32 to index
      %get3A_3285 = tpu.vector_load %arg11[%get3A_3284] {strides = array<i32>} : memref<512xi32, #tpu.memory_space<vmem>>, vector<16xi32>,
      %mul3A_3286 = arith.constant 16 : i32
      %mul3A_3287 = arith.muli %rem3A_3270, %mul3A_3286 : i32
      %add3A_3288 = vector.broadcast %mul3A_3287 : i32 to vector<16xi32>
      %add3A_3289 = arith.addi %add3A_3288, %iota3A : vector<16xi32>
      %broadcast_in_dim3A = arith.constant 0 : i32
      %broadcast_in_dim3A_3290 = vector.broadcast %broadcast_in_dim3A : i32 to vector<16xi32>
      %gather3A = tpu.vector_load_idx %arg14[%add3A_3289, %broadcast_in_dim3A_3290, %get3A_3285] : memref<32x16x128xf32, #tpu.memory_space<vmem>>[vector<16xi32>, vector<16xi32>, vector<16xi32>], vector<16xf32>,
      %mul3A_3291 = arith.constant 16 : i32
      %mul3A_3292 = arith.muli %scan3A_3268, %mul3A_3291 : i32
      %add3A_3293 = arith.constant 0 : i32
      %add3A_3294 = arith.addi %add3A_3293, %mul3A_3292 : i32
      %swap3A_3295 = arith.index_cast %add3A_3294 : i32 to index
      %swap3A_3296 = tpu.vector_load %arg15[%swap3A_3295] {strides = array<i32>} : memref<8192xf32, #tpu.memory_space<vmem>>, vector<16xf32>,
      tpu.vector_store %arg15[%swap3A_3295], %gather3A {strides = array<i32>} : memref<8192xf32, #tpu.memory_space<vmem>>, vector<16xf32>,
      %broadcast_in_dim3A_3297 = arith.constant 1 : i32
      %broadcast_in_dim3A_3298 = vector.broadcast %broadcast_in_dim3A_3297 : i32 to vector<16xi32>
      %gather3A_3299 = tpu.vector_load_idx %arg14[%add3A_3289, %broadcast_in_dim3A_3298, %get3A_3285] : memref<32x16x128xf32, #tpu.memory_space<vmem>>[vector<16xi32>, vector<16xi32>, vector<16xi32>], vector<16xf32>,
      %mul3A_3300 = arith.constant 16 : i32
      %mul3A_3301 = arith.muli %scan3A_3268, %mul3A_3300 : i32
      %add3A_3302 = arith.constant 512 : i32
      %add3A_3303 = arith.addi %add3A_3302, %mul3A_3301 : i32
      %swap3A_3304 = arith.index_cast %add3A_3303 : i32 to index
      %swap3A_3305 = tpu.vector_load %arg15[%swap3A_3304] {strides = array<i32>} : memref<8192xf32, #tpu.memory_space<vmem>>, vector<16xf32>,
      tpu.vector_store %arg15[%swap3A_3304], %gather3A_3299 {strides = array<i32>} : memref<8192xf32, #tpu.memory_space<vmem>>, vector<16xf32>,
      %broadcast_in_dim3A_3306 = arith.constant 2 : i32
      %broadcast_in_dim3A_3307 = vector.broadcast %broadcast_in_dim3A_3306 : i32 to vector<16xi32>
      %gather3A_3308 = tpu.vector_load_idx %arg14[%add3A_3289, %broadcast_in_dim3A_3307, %get3A_3285] : memref<32x16x128xf32, #tpu.memory_space<vmem>>[vector<16xi32>, vector<16xi32>, vector<16xi32>], vector<16xf32>,
      %mul3A_3309 = arith.constant 16 : i32
      %mul3A_3310 = arith.muli %scan3A_3268, %mul3A_3309 : i32
      %add3A_3311 = arith.constant 1024 : i32
      %add3A_3312 = arith.addi %add3A_3311, %mul3A_3310 : i32
      %swap3A_3313 = arith.index_cast %add3A_3312 : i32 to index
      %swap3A_3314 = tpu.vector_load %arg15[%swap3A_3313] {strides = array<i32>} : memref<8192xf32, #tpu.memory_space<vmem>>, vector<16xf32>,
      tpu.vector_store %arg15[%swap3A_3313], %gather3A_3308 {strides = array<i32>} : memref<8192xf32, #tpu.memory_space<vmem>>, vector<16xf32>,
      %broadcast_in_dim3A_3315 = arith.constant 3 : i32
      %broadcast_in_dim3A_3316 = vector.broadcast %broadcast_in_dim3A_3315 : i32 to vector<16xi32>
      %gather3A_3317 = tpu.vector_load_idx %arg14[%add3A_3289, %broadcast_in_dim3A_3316, %get3A_3285] : memref<32x16x128xf32, #tpu.memory_space<vmem>>[vector<16xi32>, vector<16xi32>, vector<16xi32>], vector<16xf32>,
      %mul3A_3318 = arith.constant 16 : i32
      %mul3A_3319 = arith.muli %scan3A_3268, %mul3A_3318 : i32
      %add3A_3320 = arith.constant 1536 : i32
      %add3A_3321 = arith.addi %add3A_3320, %mul3A_3319 : i32
      %swap3A_3322 = arith.index_cast %add3A_3321 : i32 to index
      %swap3A_3323 = tpu.vector_load %arg15[%swap3A_3322] {strides = array<i32>} : memref<8192xf32, #tpu.memory_space<vmem>>, vector<16xf32>,
      tpu.vector_store %arg15[%swap3A_3322], %gather3A_3317 {strides = array<i32>} : memref<8192xf32, #tpu.memory_space<vmem>>, vector<16xf32>,
      %broadcast_in_dim3A_3324 = arith.constant 4 : i32
      %broadcast_in_dim3A_3325 = vector.broadcast %broadcast_in_dim3A_3324 : i32 to vector<16xi32>
      %gather3A_3326 = tpu.vector_load_idx %arg14[%add3A_3289, %broadcast_in_dim3A_3325, %get3A_3285] : memref<32x16x128xf32, #tpu.memory_space<vmem>>[vector<16xi32>, vector<16xi32>, vector<16xi32>], vector<16xf32>,
      %mul3A_3327 = arith.constant 16 : i32
      %mul3A_3328 = arith.muli %scan3A_3268, %mul3A_3327 : i32
      %add3A_3329 = arith.constant 2048 : i32
      %add3A_3330 = arith.addi %add3A_3329, %mul3A_3328 : i32
      %swap3A_3331 = arith.index_cast %add3A_3330 : i32 to index
      %swap3A_3332 = tpu.vector_load %arg15[%swap3A_3331] {strides = array<i32>} : memref<8192xf32, #tpu.memory_space<vmem>>, vector<16xf32>,
      tpu.vector_store %arg15[%swap3A_3331], %gather3A_3326 {strides = array<i32>} : memref<8192xf32, #tpu.memory_space<vmem>>, vector<16xf32>,
      %broadcast_in_dim3A_3333 = arith.constant 5 : i32
      %broadcast_in_dim3A_3334 = vector.broadcast %broadcast_in_dim3A_3333 : i32 to vector<16xi32>
      %gather3A_3335 = tpu.vector_load_idx %arg14[%add3A_3289, %broadcast_in_dim3A_3334, %get3A_3285] : memref<32x16x128xf32, #tpu.memory_space<vmem>>[vector<16xi32>, vector<16xi32>, vector<16xi32>], vector<16xf32>,
      %mul3A_3336 = arith.constant 16 : i32
      %mul3A_3337 = arith.muli %scan3A_3268, %mul3A_3336 : i32
      %add3A_3338 = arith.constant 2560 : i32
      %add3A_3339 = arith.addi %add3A_3338, %mul3A_3337 : i32
      %swap3A_3340 = arith.index_cast %add3A_3339 : i32 to index
      %swap3A_3341 = tpu.vector_load %arg15[%swap3A_3340] {strides = array<i32>} : memref<8192xf32, #tpu.memory_space<vmem>>, vector<16xf32>,
      tpu.vector_store %arg15[%swap3A_3340], %gather3A_3335 {strides = array<i32>} : memref<8192xf32, #tpu.memory_space<vmem>>, vector<16xf32>,
      %broadcast_in_dim3A_3342 = arith.constant 6 : i32
      %broadcast_in_dim3A_3343 = vector.broadcast %broadcast_in_dim3A_3342 : i32 to vector<16xi32>
      %gather3A_3344 = tpu.vector_load_idx %arg14[%add3A_3289, %broadcast_in_dim3A_3343, %get3A_3285] : memref<32x16x128xf32, #tpu.memory_space<vmem>>[vector<16xi32>, vector<16xi32>, vector<16xi32>], vector<16xf32>,
      %mul3A_3345 = arith.constant 16 : i32
      %mul3A_3346 = arith.muli %scan3A_3268, %mul3A_3345 : i32
      %add3A_3347 = arith.constant 3072 : i32
      %add3A_3348 = arith.addi %add3A_3347, %mul3A_3346 : i32
      %swap3A_3349 = arith.index_cast %add3A_3348 : i32 to index
      %swap3A_3350 = tpu.vector_load %arg15[%swap3A_3349] {strides = array<i32>} : memref<8192xf32, #tpu.memory_space<vmem>>, vector<16xf32>,
      tpu.vector_store %arg15[%swap3A_3349], %gather3A_3344 {strides = array<i32>} : memref<8192xf32, #tpu.memory_space<vmem>>, vector<16xf32>,
      %broadcast_in_dim3A_3351 = arith.constant 7 : i32
      %broadcast_in_dim3A_3352 = vector.broadcast %broadcast_in_dim3A_3351 : i32 to vector<16xi32>
      %gather3A_3353 = tpu.vector_load_idx %arg14[%add3A_3289, %broadcast_in_dim3A_3352, %get3A_3285] : memref<32x16x128xf32, #tpu.memory_space<vmem>>[vector<16xi32>, vector<16xi32>, vector<16xi32>], vector<16xf32>,
      %mul3A_3354 = arith.constant 16 : i32
      %mul3A_3355 = arith.muli %scan3A_3268, %mul3A_3354 : i32
      %add3A_3356 = arith.constant 3584 : i32
      %add3A_3357 = arith.addi %add3A_3356, %mul3A_3355 : i32
      %swap3A_3358 = arith.index_cast %add3A_3357 : i32 to index
      %swap3A_3359 = tpu.vector_load %arg15[%swap3A_3358] {strides = array<i32>} : memref<8192xf32, #tpu.memory_space<vmem>>, vector<16xf32>,
      tpu.vector_store %arg15[%swap3A_3358], %gather3A_3353 {strides = array<i32>} : memref<8192xf32, #tpu.memory_space<vmem>>, vector<16xf32>,
      %broadcast_in_dim3A_3360 = arith.constant 8 : i32
      %broadcast_in_dim3A_3361 = vector.broadcast %broadcast_in_dim3A_3360 : i32 to vector<16xi32>
      %gather3A_3362 = tpu.vector_load_idx %arg14[%add3A_3289, %broadcast_in_dim3A_3361, %get3A_3285] : memref<32x16x128xf32, #tpu.memory_space<vmem>>[vector<16xi32>, vector<16xi32>, vector<16xi32>], vector<16xf32>,
      %mul3A_3363 = arith.constant 16 : i32
      %mul3A_3364 = arith.muli %scan3A_3268, %mul3A_3363 : i32
      %add3A_3365 = arith.constant 4096 : i32
      %add3A_3366 = arith.addi %add3A_3365, %mul3A_3364 : i32
      %swap3A_3367 = arith.index_cast %add3A_3366 : i32 to index
      %swap3A_3368 = tpu.vector_load %arg15[%swap3A_3367] {strides = array<i32>} : memref<8192xf32, #tpu.memory_space<vmem>>, vector<16xf32>,
      tpu.vector_store %arg15[%swap3A_3367], %gather3A_3362 {strides = array<i32>} : memref<8192xf32, #tpu.memory_space<vmem>>, vector<16xf32>,
      %broadcast_in_dim3A_3369 = arith.constant 9 : i32
      %broadcast_in_dim3A_3370 = vector.broadcast %broadcast_in_dim3A_3369 : i32 to vector<16xi32>
      %gather3A_3371 = tpu.vector_load_idx %arg14[%add3A_3289, %broadcast_in_dim3A_3370, %get3A_3285] : memref<32x16x128xf32, #tpu.memory_space<vmem>>[vector<16xi32>, vector<16xi32>, vector<16xi32>], vector<16xf32>,
      %mul3A_3372 = arith.constant 16 : i32
      %mul3A_3373 = arith.muli %scan3A_3268, %mul3A_3372 : i32
      %add3A_3374 = arith.constant 4608 : i32
      %add3A_3375 = arith.addi %add3A_3374, %mul3A_3373 : i32
      %swap3A_3376 = arith.index_cast %add3A_3375 : i32 to index
      %swap3A_3377 = tpu.vector_load %arg15[%swap3A_3376] {strides = array<i32>} : memref<8192xf32, #tpu.memory_space<vmem>>, vector<16xf32>,
      tpu.vector_store %arg15[%swap3A_3376], %gather3A_3371 {strides = array<i32>} : memref<8192xf32, #tpu.memory_space<vmem>>, vector<16xf32>,
      %broadcast_in_dim3A_3378 = arith.constant 10 : i32
      %broadcast_in_dim3A_3379 = vector.broadcast %broadcast_in_dim3A_3378 : i32 to vector<16xi32>
      %gather3A_3380 = tpu.vector_load_idx %arg14[%add3A_3289, %broadcast_in_dim3A_3379, %get3A_3285] : memref<32x16x128xf32, #tpu.memory_space<vmem>>[vector<16xi32>, vector<16xi32>, vector<16xi32>], vector<16xf32>,
      %mul3A_3381 = arith.constant 16 : i32
      %mul3A_3382 = arith.muli %scan3A_3268, %mul3A_3381 : i32
      %add3A_3383 = arith.constant 5120 : i32
      %add3A_3384 = arith.addi %add3A_3383, %mul3A_3382 : i32
      %swap3A_3385 = arith.index_cast %add3A_3384 : i32 to index
      %swap3A_3386 = tpu.vector_load %arg15[%swap3A_3385] {strides = array<i32>} : memref<8192xf32, #tpu.memory_space<vmem>>, vector<16xf32>,
      tpu.vector_store %arg15[%swap3A_3385], %gather3A_3380 {strides = array<i32>} : memref<8192xf32, #tpu.memory_space<vmem>>, vector<16xf32>,
      %broadcast_in_dim3A_3387 = arith.constant 11 : i32
      %broadcast_in_dim3A_3388 = vector.broadcast %broadcast_in_dim3A_3387 : i32 to vector<16xi32>
      %gather3A_3389 = tpu.vector_load_idx %arg14[%add3A_3289, %broadcast_in_dim3A_3388, %get3A_3285] : memref<32x16x128xf32, #tpu.memory_space<vmem>>[vector<16xi32>, vector<16xi32>, vector<16xi32>], vector<16xf32>,
      %mul3A_3390 = arith.constant 16 : i32
      %mul3A_3391 = arith.muli %scan3A_3268, %mul3A_3390 : i32
      %add3A_3392 = arith.constant 5632 : i32
      %add3A_3393 = arith.addi %add3A_3392, %mul3A_3391 : i32
      %swap3A_3394 = arith.index_cast %add3A_3393 : i32 to index
      %swap3A_3395 = tpu.vector_load %arg15[%swap3A_3394] {strides = array<i32>} : memref<8192xf32, #tpu.memory_space<vmem>>, vector<16xf32>,
      tpu.vector_store %arg15[%swap3A_3394], %gather3A_3389 {strides = array<i32>} : memref<8192xf32, #tpu.memory_space<vmem>>, vector<16xf32>,
      %broadcast_in_dim3A_3396 = arith.constant 12 : i32
      %broadcast_in_dim3A_3397 = vector.broadcast %broadcast_in_dim3A_3396 : i32 to vector<16xi32>
      %gather3A_3398 = tpu.vector_load_idx %arg14[%add3A_3289, %broadcast_in_dim3A_3397, %get3A_3285] : memref<32x16x128xf32, #tpu.memory_space<vmem>>[vector<16xi32>, vector<16xi32>, vector<16xi32>], vector<16xf32>,
      %mul3A_3399 = arith.constant 16 : i32
      %mul3A_3400 = arith.muli %scan3A_3268, %mul3A_3399 : i32
      %add3A_3401 = arith.constant 6144 : i32
      %add3A_3402 = arith.addi %add3A_3401, %mul3A_3400 : i32
      %swap3A_3403 = arith.index_cast %add3A_3402 : i32 to index
      %swap3A_3404 = tpu.vector_load %arg15[%swap3A_3403] {strides = array<i32>} : memref<8192xf32, #tpu.memory_space<vmem>>, vector<16xf32>,
      tpu.vector_store %arg15[%swap3A_3403], %gather3A_3398 {strides = array<i32>} : memref<8192xf32, #tpu.memory_space<vmem>>, vector<16xf32>,
      %broadcast_in_dim3A_3405 = arith.constant 13 : i32
      %broadcast_in_dim3A_3406 = vector.broadcast %broadcast_in_dim3A_3405 : i32 to vector<16xi32>
      %gather3A_3407 = tpu.vector_load_idx %arg14[%add3A_3289, %broadcast_in_dim3A_3406, %get3A_3285] : memref<32x16x128xf32, #tpu.memory_space<vmem>>[vector<16xi32>, vector<16xi32>, vector<16xi32>], vector<16xf32>,
      %mul3A_3408 = arith.constant 16 : i32
      %mul3A_3409 = arith.muli %scan3A_3268, %mul3A_3408 : i32
      %add3A_3410 = arith.constant 6656 : i32
      %add3A_3411 = arith.addi %add3A_3410, %mul3A_3409 : i32
      %swap3A_3412 = arith.index_cast %add3A_3411 : i32 to index
      %swap3A_3413 = tpu.vector_load %arg15[%swap3A_3412] {strides = array<i32>} : memref<8192xf32, #tpu.memory_space<vmem>>, vector<16xf32>,
      tpu.vector_store %arg15[%swap3A_3412], %gather3A_3407 {strides = array<i32>} : memref<8192xf32, #tpu.memory_space<vmem>>, vector<16xf32>,
      %broadcast_in_dim3A_3414 = arith.constant 14 : i32
      %broadcast_in_dim3A_3415 = vector.broadcast %broadcast_in_dim3A_3414 : i32 to vector<16xi32>
      %gather3A_3416 = tpu.vector_load_idx %arg14[%add3A_3289, %broadcast_in_dim3A_3415, %get3A_3285] : memref<32x16x128xf32, #tpu.memory_space<vmem>>[vector<16xi32>, vector<16xi32>, vector<16xi32>], vector<16xf32>,
      %mul3A_3417 = arith.constant 16 : i32
      %mul3A_3418 = arith.muli %scan3A_3268, %mul3A_3417 : i32
      %add3A_3419 = arith.constant 7168 : i32
      %add3A_3420 = arith.addi %add3A_3419, %mul3A_3418 : i32
      %swap3A_3421 = arith.index_cast %add3A_3420 : i32 to index
      %swap3A_3422 = tpu.vector_load %arg15[%swap3A_3421] {strides = array<i32>} : memref<8192xf32, #tpu.memory_space<vmem>>, vector<16xf32>,
      tpu.vector_store %arg15[%swap3A_3421], %gather3A_3416 {strides = array<i32>} : memref<8192xf32, #tpu.memory_space<vmem>>, vector<16xf32>,
      %broadcast_in_dim3A_3423 = arith.constant 15 : i32
      %broadcast_in_dim3A_3424 = vector.broadcast %broadcast_in_dim3A_3423 : i32 to vector<16xi32>
      %gather3A_3425 = tpu.vector_load_idx %arg14[%add3A_3289, %broadcast_in_dim3A_3424, %get3A_3285] : memref<32x16x128xf32, #tpu.memory_space<vmem>>[vector<16xi32>, vector<16xi32>, vector<16xi32>], vector<16xf32>,
      %mul3A_3426 = arith.constant 16 : i32
      %mul3A_3427 = arith.muli %scan3A_3268, %mul3A_3426 : i32
      %add3A_3428 = arith.constant 7680 : i32
      %add3A_3429 = arith.addi %add3A_3428, %mul3A_3427 : i32
      %swap3A_3430 = arith.index_cast %add3A_3429 : i32 to index
      %swap3A_3431 = tpu.vector_load %arg15[%swap3A_3430] {strides = array<i32>} : memref<8192xf32, #tpu.memory_space<vmem>>, vector<16xf32>,
      tpu.vector_store %arg15[%swap3A_3430], %gather3A_3425 {strides = array<i32>} : memref<8192xf32, #tpu.memory_space<vmem>>, vector<16xf32>,
    }
    %scan3A_3003 = arith.constant 32 : i32
    %get3A_3004 = arith.constant 0 : index
    %get3A_3005 = tpu.vector_load %arg12[%get3A_3004] {strides = array<i32>} : memref<512xi32, #tpu.memory_space<vmem>>, vector<16xi32>,
    %slice3A_3006 = vector.extract_strided_slice %get3A_3005 {offsets = [0], sizes = [1], strides = [1]} : vector<16xi32> to vector<1xi32>
    %squeeze3A_3007 = vector.extract %slice3A_3006[0] : i32 from vector<1xi32>
    %multiple_of3A_3008 = tpu.assume_multiple %squeeze3A_3007, 128 : i32
    %dma_start3A_3009 = arith.constant 0 : i32
    %dma_start3A_3010 = arith.constant 0 : i32
    %dma_start3A_3011 = arith.constant 0 : i32
    %dma_start3A_3012 = tpu.memref_slice %arg14[%dma_start3A_3009, %dma_start3A_3010, %dma_start3A_3011] : memref<32x16x128xf32, #tpu.memory_space<vmem>> -> memref<1x16x128xf32, #tpu.memory_space<vmem>>
    %dma_start3A_3013 = tpu.memref_squeeze %dma_start3A_3012 : memref<1x16x128xf32, #tpu.memory_space<vmem>> -> memref<16x128xf32, #tpu.memory_space<vmem>>
    %dma_start3A_3014 = arith.constant 0 : i32
    %dma_start3A_3015 = tpu.memref_slice %arg3[%dma_start3A_3014, %multiple_of3A_3008] : memref<16x1000000xf32, #tpu.memory_space<hbm>> -> memref<16x128xf32, #tpu.memory_space<hbm>>
    %dma_start3A_3016 = arith.constant 0 : i32
    %dma_start3A_3017 = arith.constant 0 : i32
    %dma_start3A_3018 = tpu.memref_slice %arg14[%dma_start3A_3009, %dma_start3A_3016, %dma_start3A_3017] : memref<32x16x128xf32, #tpu.memory_space<vmem>> -> memref<1x16x128xf32, #tpu.memory_space<vmem>>
    %dma_start3A_3019 = tpu.memref_squeeze %dma_start3A_3018 : memref<1x16x128xf32, #tpu.memory_space<vmem>> -> memref<16x128xf32, #tpu.memory_space<vmem>>
    %dma_start3A_3020 = arith.constant 0 : i32
    %dma_start3A_3021 = tpu.memref_slice %arg3[%dma_start3A_3020, %multiple_of3A_3008] : memref<16x1000000xf32, #tpu.memory_space<hbm>> -> memref<16x128xf32, #tpu.memory_space<hbm>>
    tpu.enqueue_dma source(%dma_start3A_3021 : memref<16x128xf32, #tpu.memory_space<hbm>>) target(%dma_start3A_3019 : memref<16x128xf32, #tpu.memory_space<vmem>>) target_semaphore(%arg17 : memref<!tpu.dma_semaphore, #tpu.memory_space<semaphore_mem>>)
    %slice3A_3022 = vector.extract_strided_slice %get3A_3005 {offsets = [1], sizes = [1], strides = [1]} : vector<16xi32> to vector<1xi32>
    %squeeze3A_3023 = vector.extract %slice3A_3022[0] : i32 from vector<1xi32>
    %multiple_of3A_3024 = tpu.assume_multiple %squeeze3A_3023, 128 : i32
    %dma_start3A_3025 = arith.constant 1 : i32
    %dma_start3A_3026 = arith.constant 0 : i32
    %dma_start3A_3027 = arith.constant 0 : i32
    %dma_start3A_3028 = tpu.memref_slice %arg14[%dma_start3A_3025, %dma_start3A_3026, %dma_start3A_3027] : memref<32x16x128xf32, #tpu.memory_space<vmem>> -> memref<1x16x128xf32, #tpu.memory_space<vmem>>
    %dma_start3A_3029 = tpu.memref_squeeze %dma_start3A_3028 : memref<1x16x128xf32, #tpu.memory_space<vmem>> -> memref<16x128xf32, #tpu.memory_space<vmem>>
    %dma_start3A_3030 = arith.constant 0 : i32
    %dma_start3A_3031 = tpu.memref_slice %arg3[%dma_start3A_3030, %multiple_of3A_3024] : memref<16x1000000xf32, #tpu.memory_space<hbm>> -> memref<16x128xf32, #tpu.memory_space<hbm>>
    %dma_start3A_3032 = arith.constant 0 : i32
    %dma_start3A_3033 = arith.constant 0 : i32
    %dma_start3A_3034 = tpu.memref_slice %arg14[%dma_start3A_3025, %dma_start3A_3032, %dma_start3A_3033] : memref<32x16x128xf32, #tpu.memory_space<vmem>> -> memref<1x16x128xf32, #tpu.memory_space<vmem>>
    %dma_start3A_3035 = tpu.memref_squeeze %dma_start3A_3034 : memref<1x16x128xf32, #tpu.memory_space<vmem>> -> memref<16x128xf32, #tpu.memory_space<vmem>>
    %dma_start3A_3036 = arith.constant 0 : i32
    %dma_start3A_3037 = tpu.memref_slice %arg3[%dma_start3A_3036, %multiple_of3A_3024] : memref<16x1000000xf32, #tpu.memory_space<hbm>> -> memref<16x128xf32, #tpu.memory_space<hbm>>
    tpu.enqueue_dma source(%dma_start3A_3037 : memref<16x128xf32, #tpu.memory_space<hbm>>) target(%dma_start3A_3035 : memref<16x128xf32, #tpu.memory_space<vmem>>) target_semaphore(%arg17 : memref<!tpu.dma_semaphore, #tpu.memory_space<semaphore_mem>>)
    %slice3A_3038 = vector.extract_strided_slice %get3A_3005 {offsets = [2], sizes = [1], strides = [1]} : vector<16xi32> to vector<1xi32>
    %squeeze3A_3039 = vector.extract %slice3A_3038[0] : i32 from vector<1xi32>
    %multiple_of3A_3040 = tpu.assume_multiple %squeeze3A_3039, 128 : i32
    %dma_start3A_3041 = arith.constant 2 : i32
    %dma_start3A_3042 = arith.constant 0 : i32
    %dma_start3A_3043 = arith.constant 0 : i32
    %dma_start3A_3044 = tpu.memref_slice %arg14[%dma_start3A_3041, %dma_start3A_3042, %dma_start3A_3043] : memref<32x16x128xf32, #tpu.memory_space<vmem>> -> memref<1x16x128xf32, #tpu.memory_space<vmem>>
    %dma_start3A_3045 = tpu.memref_squeeze %dma_start3A_3044 : memref<1x16x128xf32, #tpu.memory_space<vmem>> -> memref<16x128xf32, #tpu.memory_space<vmem>>
    %dma_start3A_3046 = arith.constant 0 : i32
    %dma_start3A_3047 = tpu.memref_slice %arg3[%dma_start3A_3046, %multiple_of3A_3040] : memref<16x1000000xf32, #tpu.memory_space<hbm>> -> memref<16x128xf32, #tpu.memory_space<hbm>>
    %dma_start3A_3048 = arith.constant 0 : i32
    %dma_start3A_3049 = arith.constant 0 : i32
    %dma_start3A_3050 = tpu.memref_slice %arg14[%dma_start3A_3041, %dma_start3A_3048, %dma_start3A_3049] : memref<32x16x128xf32, #tpu.memory_space<vmem>> -> memref<1x16x128xf32, #tpu.memory_space<vmem>>
    %dma_start3A_3051 = tpu.memref_squeeze %dma_start3A_3050 : memref<1x16x128xf32, #tpu.memory_space<vmem>> -> memref<16x128xf32, #tpu.memory_space<vmem>>
    %dma_start3A_3052 = arith.constant 0 : i32
    %dma_start3A_3053 = tpu.memref_slice %arg3[%dma_start3A_3052, %multiple_of3A_3040] : memref<16x1000000xf32, #tpu.memory_space<hbm>> -> memref<16x128xf32, #tpu.memory_space<hbm>>
    tpu.enqueue_dma source(%dma_start3A_3053 : memref<16x128xf32, #tpu.memory_space<hbm>>) target(%dma_start3A_3051 : memref<16x128xf32, #tpu.memory_space<vmem>>) target_semaphore(%arg17 : memref<!tpu.dma_semaphore, #tpu.memory_space<semaphore_mem>>)
    %slice3A_3054 = vector.extract_strided_slice %get3A_3005 {offsets = [3], sizes = [1], strides = [1]} : vector<16xi32> to vector<1xi32>
    %squeeze3A_3055 = vector.extract %slice3A_3054[0] : i32 from vector<1xi32>
    %multiple_of3A_3056 = tpu.assume_multiple %squeeze3A_3055, 128 : i32
    %dma_start3A_3057 = arith.constant 3 : i32
    %dma_start3A_3058 = arith.constant 0 : i32
    %dma_start3A_3059 = arith.constant 0 : i32
    %dma_start3A_3060 = tpu.memref_slice %arg14[%dma_start3A_3057, %dma_start3A_3058, %dma_start3A_3059] : memref<32x16x128xf32, #tpu.memory_space<vmem>> -> memref<1x16x128xf32, #tpu.memory_space<vmem>>
    %dma_start3A_3061 = tpu.memref_squeeze %dma_start3A_3060 : memref<1x16x128xf32, #tpu.memory_space<vmem>> -> memref<16x128xf32, #tpu.memory_space<vmem>>
    %dma_start3A_3062 = arith.constant 0 : i32
    %dma_start3A_3063 = tpu.memref_slice %arg3[%dma_start3A_3062, %multiple_of3A_3056] : memref<16x1000000xf32, #tpu.memory_space<hbm>> -> memref<16x128xf32, #tpu.memory_space<hbm>>
    %dma_start3A_3064 = arith.constant 0 : i32
    %dma_start3A_3065 = arith.constant 0 : i32
    %dma_start3A_3066 = tpu.memref_slice %arg14[%dma_start3A_3057, %dma_start3A_3064, %dma_start3A_3065] : memref<32x16x128xf32, #tpu.memory_space<vmem>> -> memref<1x16x128xf32, #tpu.memory_space<vmem>>
    %dma_start3A_3067 = tpu.memref_squeeze %dma_start3A_3066 : memref<1x16x128xf32, #tpu.memory_space<vmem>> -> memref<16x128xf32, #tpu.memory_space<vmem>>
    %dma_start3A_3068 = arith.constant 0 : i32
    %dma_start3A_3069 = tpu.memref_slice %arg3[%dma_start3A_3068, %multiple_of3A_3056] : memref<16x1000000xf32, #tpu.memory_space<hbm>> -> memref<16x128xf32, #tpu.memory_space<hbm>>
    tpu.enqueue_dma source(%dma_start3A_3069 : memref<16x128xf32, #tpu.memory_space<hbm>>) target(%dma_start3A_3067 : memref<16x128xf32, #tpu.memory_space<vmem>>) target_semaphore(%arg17 : memref<!tpu.dma_semaphore, #tpu.memory_space<semaphore_mem>>)
    %slice3A_3070 = vector.extract_strided_slice %get3A_3005 {offsets = [4], sizes = [1], strides = [1]} : vector<16xi32> to vector<1xi32>
    %squeeze3A_3071 = vector.extract %slice3A_3070[0] : i32 from vector<1xi32>
    %multiple_of3A_3072 = tpu.assume_multiple %squeeze3A_3071, 128 : i32
    %dma_start3A_3073 = arith.constant 4 : i32
    %dma_start3A_3074 = arith.constant 0 : i32
    %dma_start3A_3075 = arith.constant 0 : i32
    %dma_start3A_3076 = tpu.memref_slice %arg14[%dma_start3A_3073, %dma_start3A_3074, %dma_start3A_3075] : memref<32x16x128xf32, #tpu.memory_space<vmem>> -> memref<1x16x128xf32, #tpu.memory_space<vmem>>
    %dma_start3A_3077 = tpu.memref_squeeze %dma_start3A_3076 : memref<1x16x128xf32, #tpu.memory_space<vmem>> -> memref<16x128xf32, #tpu.memory_space<vmem>>
    %dma_start3A_3078 = arith.constant 0 : i32
    %dma_start3A_3079 = tpu.memref_slice %arg3[%dma_start3A_3078, %multiple_of3A_3072] : memref<16x1000000xf32, #tpu.memory_space<hbm>> -> memref<16x128xf32, #tpu.memory_space<hbm>>
    %dma_start3A_3080 = arith.constant 0 : i32
    %dma_start3A_3081 = arith.constant 0 : i32
    %dma_start3A_3082 = tpu.memref_slice %arg14[%dma_start3A_3073, %dma_start3A_3080, %dma_start3A_3081] : memref<32x16x128xf32, #tpu.memory_space<vmem>> -> memref<1x16x128xf32, #tpu.memory_space<vmem>>
    %dma_start3A_3083 = tpu.memref_squeeze %dma_start3A_3082 : memref<1x16x128xf32, #tpu.memory_space<vmem>> -> memref<16x128xf32, #tpu.memory_space<vmem>>
    %dma_start3A_3084 = arith.constant 0 : i32
    %dma_start3A_3085 = tpu.memref_slice %arg3[%dma_start3A_3084, %multiple_of3A_3072] : memref<16x1000000xf32, #tpu.memory_space<hbm>> -> memref<16x128xf32, #tpu.memory_space<hbm>>
    tpu.enqueue_dma source(%dma_start3A_3085 : memref<16x128xf32, #tpu.memory_space<hbm>>) target(%dma_start3A_3083 : memref<16x128xf32, #tpu.memory_space<vmem>>) target_semaphore(%arg17 : memref<!tpu.dma_semaphore, #tpu.memory_space<semaphore_mem>>)
    %slice3A_3086 = vector.extract_strided_slice %get3A_3005 {offsets = [5], sizes = [1], strides = [1]} : vector<16xi32> to vector<1xi32>
    %squeeze3A_3087 = vector.extract %slice3A_3086[0] : i32 from vector<1xi32>
    %multiple_of3A_3088 = tpu.assume_multiple %squeeze3A_3087, 128 : i32
    %dma_start3A_3089 = arith.constant 5 : i32
    %dma_start3A_3090 = arith.constant 0 : i32
    %dma_start3A_3091 = arith.constant 0 : i32
    %dma_start3A_3092 = tpu.memref_slice %arg14[%dma_start3A_3089, %dma_start3A_3090, %dma_start3A_3091] : memref<32x16x128xf32, #tpu.memory_space<vmem>> -> memref<1x16x128xf32, #tpu.memory_space<vmem>>
    %dma_start3A_3093 = tpu.memref_squeeze %dma_start3A_3092 : memref<1x16x128xf32, #tpu.memory_space<vmem>> -> memref<16x128xf32, #tpu.memory_space<vmem>>
    %dma_start3A_3094 = arith.constant 0 : i32
    %dma_start3A_3095 = tpu.memref_slice %arg3[%dma_start3A_3094, %multiple_of3A_3088] : memref<16x1000000xf32, #tpu.memory_space<hbm>> -> memref<16x128xf32, #tpu.memory_space<hbm>>
    %dma_start3A_3096 = arith.constant 0 : i32
    %dma_start3A_3097 = arith.constant 0 : i32
    %dma_start3A_3098 = tpu.memref_slice %arg14[%dma_start3A_3089, %dma_start3A_3096, %dma_start3A_3097] : memref<32x16x128xf32, #tpu.memory_space<vmem>> -> memref<1x16x128xf32, #tpu.memory_space<vmem>>
    %dma_start3A_3099 = tpu.memref_squeeze %dma_start3A_3098 : memref<1x16x128xf32, #tpu.memory_space<vmem>> -> memref<16x128xf32, #tpu.memory_space<vmem>>
    %dma_start3A_3100 = arith.constant 0 : i32
    %dma_start3A_3101 = tpu.memref_slice %arg3[%dma_start3A_3100, %multiple_of3A_3088] : memref<16x1000000xf32, #tpu.memory_space<hbm>> -> memref<16x128xf32, #tpu.memory_space<hbm>>
    tpu.enqueue_dma source(%dma_start3A_3101 : memref<16x128xf32, #tpu.memory_space<hbm>>) target(%dma_start3A_3099 : memref<16x128xf32, #tpu.memory_space<vmem>>) target_semaphore(%arg17 : memref<!tpu.dma_semaphore, #tpu.memory_space<semaphore_mem>>)
    %slice3A_3102 = vector.extract_strided_slice %get3A_3005 {offsets = [6], sizes = [1], strides = [1]} : vector<16xi32> to vector<1xi32>
    %squeeze3A_3103 = vector.extract %slice3A_3102[0] : i32 from vector<1xi32>
    %multiple_of3A_3104 = tpu.assume_multiple %squeeze3A_3103, 128 : i32
    %dma_start3A_3105 = arith.constant 6 : i32
    %dma_start3A_3106 = arith.constant 0 : i32
    %dma_start3A_3107 = arith.constant 0 : i32
    %dma_start3A_3108 = tpu.memref_slice %arg14[%dma_start3A_3105, %dma_start3A_3106, %dma_start3A_3107] : memref<32x16x128xf32, #tpu.memory_space<vmem>> -> memref<1x16x128xf32, #tpu.memory_space<vmem>>
    %dma_start3A_3109 = tpu.memref_squeeze %dma_start3A_3108 : memref<1x16x128xf32, #tpu.memory_space<vmem>> -> memref<16x128xf32, #tpu.memory_space<vmem>>
    %dma_start3A_3110 = arith.constant 0 : i32
    %dma_start3A_3111 = tpu.memref_slice %arg3[%dma_start3A_3110, %multiple_of3A_3104] : memref<16x1000000xf32, #tpu.memory_space<hbm>> -> memref<16x128xf32, #tpu.memory_space<hbm>>
    %dma_start3A_3112 = arith.constant 0 : i32
    %dma_start3A_3113 = arith.constant 0 : i32
    %dma_start3A_3114 = tpu.memref_slice %arg14[%dma_start3A_3105, %dma_start3A_3112, %dma_start3A_3113] : memref<32x16x128xf32, #tpu.memory_space<vmem>> -> memref<1x16x128xf32, #tpu.memory_space<vmem>>
    %dma_start3A_3115 = tpu.memref_squeeze %dma_start3A_3114 : memref<1x16x128xf32, #tpu.memory_space<vmem>> -> memref<16x128xf32, #tpu.memory_space<vmem>>
    %dma_start3A_3116 = arith.constant 0 : i32
    %dma_start3A_3117 = tpu.memref_slice %arg3[%dma_start3A_3116, %multiple_of3A_3104] : memref<16x1000000xf32, #tpu.memory_space<hbm>> -> memref<16x128xf32, #tpu.memory_space<hbm>>
    tpu.enqueue_dma source(%dma_start3A_3117 : memref<16x128xf32, #tpu.memory_space<hbm>>) target(%dma_start3A_3115 : memref<16x128xf32, #tpu.memory_space<vmem>>) target_semaphore(%arg17 : memref<!tpu.dma_semaphore, #tpu.memory_space<semaphore_mem>>)
    %slice3A_3118 = vector.extract_strided_slice %get3A_3005 {offsets = [7], sizes = [1], strides = [1]} : vector<16xi32> to vector<1xi32>
    %squeeze3A_3119 = vector.extract %slice3A_3118[0] : i32 from vector<1xi32>
    %multiple_of3A_3120 = tpu.assume_multiple %squeeze3A_3119, 128 : i32
    %dma_start3A_3121 = arith.constant 7 : i32
    %dma_start3A_3122 = arith.constant 0 : i32
    %dma_start3A_3123 = arith.constant 0 : i32
    %dma_start3A_3124 = tpu.memref_slice %arg14[%dma_start3A_3121, %dma_start3A_3122, %dma_start3A_3123] : memref<32x16x128xf32, #tpu.memory_space<vmem>> -> memref<1x16x128xf32, #tpu.memory_space<vmem>>
    %dma_start3A_3125 = tpu.memref_squeeze %dma_start3A_3124 : memref<1x16x128xf32, #tpu.memory_space<vmem>> -> memref<16x128xf32, #tpu.memory_space<vmem>>
    %dma_start3A_3126 = arith.constant 0 : i32
    %dma_start3A_3127 = tpu.memref_slice %arg3[%dma_start3A_3126, %multiple_of3A_3120] : memref<16x1000000xf32, #tpu.memory_space<hbm>> -> memref<16x128xf32, #tpu.memory_space<hbm>>
    %dma_start3A_3128 = arith.constant 0 : i32
    %dma_start3A_3129 = arith.constant 0 : i32
    %dma_start3A_3130 = tpu.memref_slice %arg14[%dma_start3A_3121, %dma_start3A_3128, %dma_start3A_3129] : memref<32x16x128xf32, #tpu.memory_space<vmem>> -> memref<1x16x128xf32, #tpu.memory_space<vmem>>
    %dma_start3A_3131 = tpu.memref_squeeze %dma_start3A_3130 : memref<1x16x128xf32, #tpu.memory_space<vmem>> -> memref<16x128xf32, #tpu.memory_space<vmem>>
    %dma_start3A_3132 = arith.constant 0 : i32
    %dma_start3A_3133 = tpu.memref_slice %arg3[%dma_start3A_3132, %multiple_of3A_3120] : memref<16x1000000xf32, #tpu.memory_space<hbm>> -> memref<16x128xf32, #tpu.memory_space<hbm>>
    tpu.enqueue_dma source(%dma_start3A_3133 : memref<16x128xf32, #tpu.memory_space<hbm>>) target(%dma_start3A_3131 : memref<16x128xf32, #tpu.memory_space<vmem>>) target_semaphore(%arg17 : memref<!tpu.dma_semaphore, #tpu.memory_space<semaphore_mem>>)
    %slice3A_3134 = vector.extract_strided_slice %get3A_3005 {offsets = [8], sizes = [1], strides = [1]} : vector<16xi32> to vector<1xi32>
    %squeeze3A_3135 = vector.extract %slice3A_3134[0] : i32 from vector<1xi32>
    %multiple_of3A_3136 = tpu.assume_multiple %squeeze3A_3135, 128 : i32
    %dma_start3A_3137 = arith.constant 8 : i32
    %dma_start3A_3138 = arith.constant 0 : i32
    %dma_start3A_3139 = arith.constant 0 : i32
    %dma_start3A_3140 = tpu.memref_slice %arg14[%dma_start3A_3137, %dma_start3A_3138, %dma_start3A_3139] : memref<32x16x128xf32, #tpu.memory_space<vmem>> -> memref<1x16x128xf32, #tpu.memory_space<vmem>>
    %dma_start3A_3141 = tpu.memref_squeeze %dma_start3A_3140 : memref<1x16x128xf32, #tpu.memory_space<vmem>> -> memref<16x128xf32, #tpu.memory_space<vmem>>
    %dma_start3A_3142 = arith.constant 0 : i32
    %dma_start3A_3143 = tpu.memref_slice %arg3[%dma_start3A_3142, %multiple_of3A_3136] : memref<16x1000000xf32, #tpu.memory_space<hbm>> -> memref<16x128xf32, #tpu.memory_space<hbm>>
    %dma_start3A_3144 = arith.constant 0 : i32
    %dma_start3A_3145 = arith.constant 0 : i32
    %dma_start3A_3146 = tpu.memref_slice %arg14[%dma_start3A_3137, %dma_start3A_3144, %dma_start3A_3145] : memref<32x16x128xf32, #tpu.memory_space<vmem>> -> memref<1x16x128xf32, #tpu.memory_space<vmem>>
    %dma_start3A_3147 = tpu.memref_squeeze %dma_start3A_3146 : memref<1x16x128xf32, #tpu.memory_space<vmem>> -> memref<16x128xf32, #tpu.memory_space<vmem>>
    %dma_start3A_3148 = arith.constant 0 : i32
    %dma_start3A_3149 = tpu.memref_slice %arg3[%dma_start3A_3148, %multiple_of3A_3136] : memref<16x1000000xf32, #tpu.memory_space<hbm>> -> memref<16x128xf32, #tpu.memory_space<hbm>>
    tpu.enqueue_dma source(%dma_start3A_3149 : memref<16x128xf32, #tpu.memory_space<hbm>>) target(%dma_start3A_3147 : memref<16x128xf32, #tpu.memory_space<vmem>>) target_semaphore(%arg17 : memref<!tpu.dma_semaphore, #tpu.memory_space<semaphore_mem>>)
    %slice3A_3150 = vector.extract_strided_slice %get3A_3005 {offsets = [9], sizes = [1], strides = [1]} : vector<16xi32> to vector<1xi32>
    %squeeze3A_3151 = vector.extract %slice3A_3150[0] : i32 from vector<1xi32>
    %multiple_of3A_3152 = tpu.assume_multiple %squeeze3A_3151, 128 : i32
    %dma_start3A_3153 = arith.constant 9 : i32
    %dma_start3A_3154 = arith.constant 0 : i32
    %dma_start3A_3155 = arith.constant 0 : i32
    %dma_start3A_3156 = tpu.memref_slice %arg14[%dma_start3A_3153, %dma_start3A_3154, %dma_start3A_3155] : memref<32x16x128xf32, #tpu.memory_space<vmem>> -> memref<1x16x128xf32, #tpu.memory_space<vmem>>
    %dma_start3A_3157 = tpu.memref_squeeze %dma_start3A_3156 : memref<1x16x128xf32, #tpu.memory_space<vmem>> -> memref<16x128xf32, #tpu.memory_space<vmem>>
    %dma_start3A_3158 = arith.constant 0 : i32
    %dma_start3A_3159 = tpu.memref_slice %arg3[%dma_start3A_3158, %multiple_of3A_3152] : memref<16x1000000xf32, #tpu.memory_space<hbm>> -> memref<16x128xf32, #tpu.memory_space<hbm>>
    %dma_start3A_3160 = arith.constant 0 : i32
    %dma_start3A_3161 = arith.constant 0 : i32
    %dma_start3A_3162 = tpu.memref_slice %arg14[%dma_start3A_3153, %dma_start3A_3160, %dma_start3A_3161] : memref<32x16x128xf32, #tpu.memory_space<vmem>> -> memref<1x16x128xf32, #tpu.memory_space<vmem>>
    %dma_start3A_3163 = tpu.memref_squeeze %dma_start3A_3162 : memref<1x16x128xf32, #tpu.memory_space<vmem>> -> memref<16x128xf32, #tpu.memory_space<vmem>>
    %dma_start3A_3164 = arith.constant 0 : i32
    %dma_start3A_3165 = tpu.memref_slice %arg3[%dma_start3A_3164, %multiple_of3A_3152] : memref<16x1000000xf32, #tpu.memory_space<hbm>> -> memref<16x128xf32, #tpu.memory_space<hbm>>
    tpu.enqueue_dma source(%dma_start3A_3165 : memref<16x128xf32, #tpu.memory_space<hbm>>) target(%dma_start3A_3163 : memref<16x128xf32, #tpu.memory_space<vmem>>) target_semaphore(%arg17 : memref<!tpu.dma_semaphore, #tpu.memory_space<semaphore_mem>>)
    %slice3A_3166 = vector.extract_strided_slice %get3A_3005 {offsets = [10], sizes = [1], strides = [1]} : vector<16xi32> to vector<1xi32>
    %squeeze3A_3167 = vector.extract %slice3A_3166[0] : i32 from vector<1xi32>
    %multiple_of3A_3168 = tpu.assume_multiple %squeeze3A_3167, 128 : i32
    %dma_start3A_3169 = arith.constant 10 : i32
    %dma_start3A_3170 = arith.constant 0 : i32
    %dma_start3A_3171 = arith.constant 0 : i32
    %dma_start3A_3172 = tpu.memref_slice %arg14[%dma_start3A_3169, %dma_start3A_3170, %dma_start3A_3171] : memref<32x16x128xf32, #tpu.memory_space<vmem>> -> memref<1x16x128xf32, #tpu.memory_space<vmem>>
    %dma_start3A_3173 = tpu.memref_squeeze %dma_start3A_3172 : memref<1x16x128xf32, #tpu.memory_space<vmem>> -> memref<16x128xf32, #tpu.memory_space<vmem>>
    %dma_start3A_3174 = arith.constant 0 : i32
    %dma_start3A_3175 = tpu.memref_slice %arg3[%dma_start3A_3174, %multiple_of3A_3168] : memref<16x1000000xf32, #tpu.memory_space<hbm>> -> memref<16x128xf32, #tpu.memory_space<hbm>>
    %dma_start3A_3176 = arith.constant 0 : i32
    %dma_start3A_3177 = arith.constant 0 : i32
    %dma_start3A_3178 = tpu.memref_slice %arg14[%dma_start3A_3169, %dma_start3A_3176, %dma_start3A_3177] : memref<32x16x128xf32, #tpu.memory_space<vmem>> -> memref<1x16x128xf32, #tpu.memory_space<vmem>>
    %dma_start3A_3179 = tpu.memref_squeeze %dma_start3A_3178 : memref<1x16x128xf32, #tpu.memory_space<vmem>> -> memref<16x128xf32, #tpu.memory_space<vmem>>
    %dma_start3A_3180 = arith.constant 0 : i32
    %dma_start3A_3181 = tpu.memref_slice %arg3[%dma_start3A_3180, %multiple_of3A_3168] : memref<16x1000000xf32, #tpu.memory_space<hbm>> -> memref<16x128xf32, #tpu.memory_space<hbm>>
    tpu.enqueue_dma source(%dma_start3A_3181 : memref<16x128xf32, #tpu.memory_space<hbm>>) target(%dma_start3A_3179 : memref<16x128xf32, #tpu.memory_space<vmem>>) target_semaphore(%arg17 : memref<!tpu.dma_semaphore, #tpu.memory_space<semaphore_mem>>)
    %slice3A_3182 = vector.extract_strided_slice %get3A_3005 {offsets = [11], sizes = [1], strides = [1]} : vector<16xi32> to vector<1xi32>
    %squeeze3A_3183 = vector.extract %slice3A_3182[0] : i32 from vector<1xi32>
    %multiple_of3A_3184 = tpu.assume_multiple %squeeze3A_3183, 128 : i32
    %dma_start3A_3185 = arith.constant 11 : i32
    %dma_start3A_3186 = arith.constant 0 : i32
    %dma_start3A_3187 = arith.constant 0 : i32
    %dma_start3A_3188 = tpu.memref_slice %arg14[%dma_start3A_3185, %dma_start3A_3186, %dma_start3A_3187] : memref<32x16x128xf32, #tpu.memory_space<vmem>> -> memref<1x16x128xf32, #tpu.memory_space<vmem>>
    %dma_start3A_3189 = tpu.memref_squeeze %dma_start3A_3188 : memref<1x16x128xf32, #tpu.memory_space<vmem>> -> memref<16x128xf32, #tpu.memory_space<vmem>>
    %dma_start3A_3190 = arith.constant 0 : i32
    %dma_start3A_3191 = tpu.memref_slice %arg3[%dma_start3A_3190, %multiple_of3A_3184] : memref<16x1000000xf32, #tpu.memory_space<hbm>> -> memref<16x128xf32, #tpu.memory_space<hbm>>
    %dma_start3A_3192 = arith.constant 0 : i32
    %dma_start3A_3193 = arith.constant 0 : i32
    %dma_start3A_3194 = tpu.memref_slice %arg14[%dma_start3A_3185, %dma_start3A_3192, %dma_start3A_3193] : memref<32x16x128xf32, #tpu.memory_space<vmem>> -> memref<1x16x128xf32, #tpu.memory_space<vmem>>
    %dma_start3A_3195 = tpu.memref_squeeze %dma_start3A_3194 : memref<1x16x128xf32, #tpu.memory_space<vmem>> -> memref<16x128xf32, #tpu.memory_space<vmem>>
    %dma_start3A_3196 = arith.constant 0 : i32
    %dma_start3A_3197 = tpu.memref_slice %arg3[%dma_start3A_3196, %multiple_of3A_3184] : memref<16x1000000xf32, #tpu.memory_space<hbm>> -> memref<16x128xf32, #tpu.memory_space<hbm>>
    tpu.enqueue_dma source(%dma_start3A_3197 : memref<16x128xf32, #tpu.memory_space<hbm>>) target(%dma_start3A_3195 : memref<16x128xf32, #tpu.memory_space<vmem>>) target_semaphore(%arg17 : memref<!tpu.dma_semaphore, #tpu.memory_space<semaphore_mem>>)
    %slice3A_3198 = vector.extract_strided_slice %get3A_3005 {offsets = [12], sizes = [1], strides = [1]} : vector<16xi32> to vector<1xi32>
    %squeeze3A_3199 = vector.extract %slice3A_3198[0] : i32 from vector<1xi32>
    %multiple_of3A_3200 = tpu.assume_multiple %squeeze3A_3199, 128 : i32
    %dma_start3A_3201 = arith.constant 12 : i32
    %dma_start3A_3202 = arith.constant 0 : i32
    %dma_start3A_3203 = arith.constant 0 : i32
    %dma_start3A_3204 = tpu.memref_slice %arg14[%dma_start3A_3201, %dma_start3A_3202, %dma_start3A_3203] : memref<32x16x128xf32, #tpu.memory_space<vmem>> -> memref<1x16x128xf32, #tpu.memory_space<vmem>>
    %dma_start3A_3205 = tpu.memref_squeeze %dma_start3A_3204 : memref<1x16x128xf32, #tpu.memory_space<vmem>> -> memref<16x128xf32, #tpu.memory_space<vmem>>
    %dma_start3A_3206 = arith.constant 0 : i32
    %dma_start3A_3207 = tpu.memref_slice %arg3[%dma_start3A_3206, %multiple_of3A_3200] : memref<16x1000000xf32, #tpu.memory_space<hbm>> -> memref<16x128xf32, #tpu.memory_space<hbm>>
    %dma_start3A_3208 = arith.constant 0 : i32
    %dma_start3A_3209 = arith.constant 0 : i32
    %dma_start3A_3210 = tpu.memref_slice %arg14[%dma_start3A_3201, %dma_start3A_3208, %dma_start3A_3209] : memref<32x16x128xf32, #tpu.memory_space<vmem>> -> memref<1x16x128xf32, #tpu.memory_space<vmem>>
    %dma_start3A_3211 = tpu.memref_squeeze %dma_start3A_3210 : memref<1x16x128xf32, #tpu.memory_space<vmem>> -> memref<16x128xf32, #tpu.memory_space<vmem>>
    %dma_start3A_3212 = arith.constant 0 : i32
    %dma_start3A_3213 = tpu.memref_slice %arg3[%dma_start3A_3212, %multiple_of3A_3200] : memref<16x1000000xf32, #tpu.memory_space<hbm>> -> memref<16x128xf32, #tpu.memory_space<hbm>>
    tpu.enqueue_dma source(%dma_start3A_3213 : memref<16x128xf32, #tpu.memory_space<hbm>>) target(%dma_start3A_3211 : memref<16x128xf32, #tpu.memory_space<vmem>>) target_semaphore(%arg17 : memref<!tpu.dma_semaphore, #tpu.memory_space<semaphore_mem>>)
    %slice3A_3214 = vector.extract_strided_slice %get3A_3005 {offsets = [13], sizes = [1], strides = [1]} : vector<16xi32> to vector<1xi32>
    %squeeze3A_3215 = vector.extract %slice3A_3214[0] : i32 from vector<1xi32>
    %multiple_of3A_3216 = tpu.assume_multiple %squeeze3A_3215, 128 : i32
    %dma_start3A_3217 = arith.constant 13 : i32
    %dma_start3A_3218 = arith.constant 0 : i32
    %dma_start3A_3219 = arith.constant 0 : i32
    %dma_start3A_3220 = tpu.memref_slice %arg14[%dma_start3A_3217, %dma_start3A_3218, %dma_start3A_3219] : memref<32x16x128xf32, #tpu.memory_space<vmem>> -> memref<1x16x128xf32, #tpu.memory_space<vmem>>
    %dma_start3A_3221 = tpu.memref_squeeze %dma_start3A_3220 : memref<1x16x128xf32, #tpu.memory_space<vmem>> -> memref<16x128xf32, #tpu.memory_space<vmem>>
    %dma_start3A_3222 = arith.constant 0 : i32
    %dma_start3A_3223 = tpu.memref_slice %arg3[%dma_start3A_3222, %multiple_of3A_3216] : memref<16x1000000xf32, #tpu.memory_space<hbm>> -> memref<16x128xf32, #tpu.memory_space<hbm>>
    %dma_start3A_3224 = arith.constant 0 : i32
    %dma_start3A_3225 = arith.constant 0 : i32
    %dma_start3A_3226 = tpu.memref_slice %arg14[%dma_start3A_3217, %dma_start3A_3224, %dma_start3A_3225] : memref<32x16x128xf32, #tpu.memory_space<vmem>> -> memref<1x16x128xf32, #tpu.memory_space<vmem>>
    %dma_start3A_3227 = tpu.memref_squeeze %dma_start3A_3226 : memref<1x16x128xf32, #tpu.memory_space<vmem>> -> memref<16x128xf32, #tpu.memory_space<vmem>>
    %dma_start3A_3228 = arith.constant 0 : i32
    %dma_start3A_3229 = tpu.memref_slice %arg3[%dma_start3A_3228, %multiple_of3A_3216] : memref<16x1000000xf32, #tpu.memory_space<hbm>> -> memref<16x128xf32, #tpu.memory_space<hbm>>
    tpu.enqueue_dma source(%dma_start3A_3229 : memref<16x128xf32, #tpu.memory_space<hbm>>) target(%dma_start3A_3227 : memref<16x128xf32, #tpu.memory_space<vmem>>) target_semaphore(%arg17 : memref<!tpu.dma_semaphore, #tpu.memory_space<semaphore_mem>>)
    %slice3A_3230 = vector.extract_strided_slice %get3A_3005 {offsets = [14], sizes = [1], strides = [1]} : vector<16xi32> to vector<1xi32>
    %squeeze3A_3231 = vector.extract %slice3A_3230[0] : i32 from vector<1xi32>
    %multiple_of3A_3232 = tpu.assume_multiple %squeeze3A_3231, 128 : i32
    %dma_start3A_3233 = arith.constant 14 : i32
    %dma_start3A_3234 = arith.constant 0 : i32
    %dma_start3A_3235 = arith.constant 0 : i32
    %dma_start3A_3236 = tpu.memref_slice %arg14[%dma_start3A_3233, %dma_start3A_3234, %dma_start3A_3235] : memref<32x16x128xf32, #tpu.memory_space<vmem>> -> memref<1x16x128xf32, #tpu.memory_space<vmem>>
    %dma_start3A_3237 = tpu.memref_squeeze %dma_start3A_3236 : memref<1x16x128xf32, #tpu.memory_space<vmem>> -> memref<16x128xf32, #tpu.memory_space<vmem>>
    %dma_start3A_3238 = arith.constant 0 : i32
    %dma_start3A_3239 = tpu.memref_slice %arg3[%dma_start3A_3238, %multiple_of3A_3232] : memref<16x1000000xf32, #tpu.memory_space<hbm>> -> memref<16x128xf32, #tpu.memory_space<hbm>>
    %dma_start3A_3240 = arith.constant 0 : i32
    %dma_start3A_3241 = arith.constant 0 : i32
    %dma_start3A_3242 = tpu.memref_slice %arg14[%dma_start3A_3233, %dma_start3A_3240, %dma_start3A_3241] : memref<32x16x128xf32, #tpu.memory_space<vmem>> -> memref<1x16x128xf32, #tpu.memory_space<vmem>>
    %dma_start3A_3243 = tpu.memref_squeeze %dma_start3A_3242 : memref<1x16x128xf32, #tpu.memory_space<vmem>> -> memref<16x128xf32, #tpu.memory_space<vmem>>
    %dma_start3A_3244 = arith.constant 0 : i32
    %dma_start3A_3245 = tpu.memref_slice %arg3[%dma_start3A_3244, %multiple_of3A_3232] : memref<16x1000000xf32, #tpu.memory_space<hbm>> -> memref<16x128xf32, #tpu.memory_space<hbm>>
    tpu.enqueue_dma source(%dma_start3A_3245 : memref<16x128xf32, #tpu.memory_space<hbm>>) target(%dma_start3A_3243 : memref<16x128xf32, #tpu.memory_space<vmem>>) target_semaphore(%arg17 : memref<!tpu.dma_semaphore, #tpu.memory_space<semaphore_mem>>)
    %slice3A_3246 = vector.extract_strided_slice %get3A_3005 {offsets = [15], sizes = [1], strides = [1]} : vector<16xi32> to vector<1xi32>
    %squeeze3A_3247 = vector.extract %slice3A_3246[0] : i32 from vector<1xi32>
    %multiple_of3A_3248 = tpu.assume_multiple %squeeze3A_3247, 128 : i32
    %dma_start3A_3249 = arith.constant 15 : i32
    %dma_start3A_3250 = arith.constant 0 : i32
    %dma_start3A_3251 = arith.constant 0 : i32
    %dma_start3A_3252 = tpu.memref_slice %arg14[%dma_start3A_3249, %dma_start3A_3250, %dma_start3A_3251] : memref<32x16x128xf32, #tpu.memory_space<vmem>> -> memref<1x16x128xf32, #tpu.memory_space<vmem>>
    %dma_start3A_3253 = tpu.memref_squeeze %dma_start3A_3252 : memref<1x16x128xf32, #tpu.memory_space<vmem>> -> memref<16x128xf32, #tpu.memory_space<vmem>>
    %dma_start3A_3254 = arith.constant 0 : i32
    %dma_start3A_3255 = tpu.memref_slice %arg3[%dma_start3A_3254, %multiple_of3A_3248] : memref<16x1000000xf32, #tpu.memory_space<hbm>> -> memref<16x128xf32, #tpu.memory_space<hbm>>
    %dma_start3A_3256 = arith.constant 0 : i32
    %dma_start3A_3257 = arith.constant 0 : i32
    %dma_start3A_3258 = tpu.memref_slice %arg14[%dma_start3A_3249, %dma_start3A_3256, %dma_start3A_3257] : memref<32x16x128xf32, #tpu.memory_space<vmem>> -> memref<1x16x128xf32, #tpu.memory_space<vmem>>
    %dma_start3A_3259 = tpu.memref_squeeze %dma_start3A_3258 : memref<1x16x128xf32, #tpu.memory_space<vmem>> -> memref<16x128xf32, #tpu.memory_space<vmem>>
    %dma_start3A_3260 = arith.constant 0 : i32
    %dma_start3A_3261 = tpu.memref_slice %arg3[%dma_start3A_3260, %multiple_of3A_3248] : memref<16x1000000xf32, #tpu.memory_space<hbm>> -> memref<16x128xf32, #tpu.memory_space<hbm>>
    tpu.enqueue_dma source(%dma_start3A_3261 : memref<16x128xf32, #tpu.memory_space<hbm>>) target(%dma_start3A_3259 : memref<16x128xf32, #tpu.memory_space<vmem>>) target_semaphore(%arg17 : memref<!tpu.dma_semaphore, #tpu.memory_space<semaphore_mem>>)
    %scan3A_3262 = arith.constant 0 : i32
    %scan3A_3263 = arith.constant 0 : i32
    %scan3A_3264 = arith.constant 32 : i32
    %scan3A_3265 = arith.addi %scan3A_3263, %scan3A_3264 : i32
    %scan3A_3266 = arith.constant 1 : i32
    scf.for %scan3A_3268 = %scan3A_3263 to %scan3A_3265 step %scan3A_3266  : i32 {
      %rem3A_3269 = arith.constant 2 : i32
      %rem3A_3270 = arith.remsi %scan3A_3268, %rem3A_3269 : i32
      %add3A_3271 = arith.constant 1 : i32
      %add3A_3272 = arith.addi %scan3A_3268, %add3A_3271 : i32
      %lt3A = arith.constant 32 : i32
      %lt3A_3273 = arith.cmpi slt, %add3A_3272, %lt3A : i32
      %convert_element_type3A = arith.extui %lt3A_3273 : i1 to i32
      %cond3A = arith.constant 0 : i32
      %cond3A_3274 = arith.cmpi ne, %convert_element_type3A, %cond3A : i32
      scf.if %cond3A_3274 {
        %add3A_3470 = arith.constant 1 : i32
        %add3A_3471 = arith.addi %scan3A_3268, %add3A_3470 : i32
        %sub3A_3472 = arith.constant 1 : i32
        %sub3A_3473 = arith.subi %sub3A_3472, %rem3A_3270 : i32
        %mul3A_3474 = arith.constant 16 : i32
        %mul3A_3475 = arith.muli %add3A_3471, %mul3A_3474 : i32
        %get3A_3476 = arith.index_cast %mul3A_3475 : i32 to index
        %get3A_3477 = tpu.vector_load %arg12[%get3A_3476] {strides = array<i32>} : memref<512xi32, #tpu.memory_space<vmem>>, vector<16xi32>,
        %slice3A_3478 = vector.extract_strided_slice %get3A_3477 {offsets = [0], sizes = [1], strides = [1]} : vector<16xi32> to vector<1xi32>
        %squeeze3A_3479 = vector.extract %slice3A_3478[0] : i32 from vector<1xi32>
        %multiple_of3A_3480 = tpu.assume_multiple %squeeze3A_3479, 128 : i32
        %mul3A_3481 = arith.constant 16 : i32
        %mul3A_3482 = arith.muli %sub3A_3473, %mul3A_3481 : i32
        %add3A_3483 = arith.constant 0 : i32
        %add3A_3484 = arith.addi %mul3A_3482, %add3A_3483 : i32
        %dma_start3A_3485 = arith.constant 0 : i32
        %dma_start3A_3486 = arith.constant 0 : i32
        %dma_start3A_3487 = tpu.memref_slice %arg14[%add3A_3484, %dma_start3A_3485, %dma_start3A_3486] : memref<32x16x128xf32, #tpu.memory_space<vmem>> -> memref<1x16x128xf32, #tpu.memory_space<vmem>>
        %dma_start3A_3488 = tpu.memref_squeeze %dma_start3A_3487 : memref<1x16x128xf32, #tpu.memory_space<vmem>> -> memref<16x128xf32, #tpu.memory_space<vmem>>
        %dma_start3A_3489 = arith.constant 0 : i32
        %dma_start3A_3490 = tpu.memref_slice %arg3[%dma_start3A_3489, %multiple_of3A_3480] : memref<16x1000000xf32, #tpu.memory_space<hbm>> -> memref<16x128xf32, #tpu.memory_space<hbm>>
        %dma_start3A_3491 = arith.constant 0 : i32
        %dma_start3A_3492 = arith.constant 0 : i32
        %dma_start3A_3493 = tpu.memref_slice %arg14[%add3A_3484, %dma_start3A_3491, %dma_start3A_3492] : memref<32x16x128xf32, #tpu.memory_space<vmem>> -> memref<1x16x128xf32, #tpu.memory_space<vmem>>
        %dma_start3A_3494 = tpu.memref_squeeze %dma_start3A_3493 : memref<1x16x128xf32, #tpu.memory_space<vmem>> -> memref<16x128xf32, #tpu.memory_space<vmem>>
        %dma_start3A_3495 = arith.constant 0 : i32
        %dma_start3A_3496 = tpu.memref_slice %arg3[%dma_start3A_3495, %multiple_of3A_3480] : memref<16x1000000xf32, #tpu.memory_space<hbm>> -> memref<16x128xf32, #tpu.memory_space<hbm>>
        tpu.enqueue_dma source(%dma_start3A_3496 : memref<16x128xf32, #tpu.memory_space<hbm>>) target(%dma_start3A_3494 : memref<16x128xf32, #tpu.memory_space<vmem>>) target_semaphore(%arg17 : memref<!tpu.dma_semaphore, #tpu.memory_space<semaphore_mem>>)
        %slice3A_3497 = vector.extract_strided_slice %get3A_3477 {offsets = [1], sizes = [1], strides = [1]} : vector<16xi32> to vector<1xi32>
        %squeeze3A_3498 = vector.extract %slice3A_3497[0] : i32 from vector<1xi32>
        %multiple_of3A_3499 = tpu.assume_multiple %squeeze3A_3498, 128 : i32
        %mul3A_3500 = arith.constant 16 : i32
        %mul3A_3501 = arith.muli %sub3A_3473, %mul3A_3500 : i32
        %add3A_3502 = arith.constant 1 : i32
        %add3A_3503 = arith.addi %mul3A_3501, %add3A_3502 : i32
        %dma_start3A_3504 = arith.constant 0 : i32
        %dma_start3A_3505 = arith.constant 0 : i32
        %dma_start3A_3506 = tpu.memref_slice %arg14[%add3A_3503, %dma_start3A_3504, %dma_start3A_3505] : memref<32x16x128xf32, #tpu.memory_space<vmem>> -> memref<1x16x128xf32, #tpu.memory_space<vmem>>
        %dma_start3A_3507 = tpu.memref_squeeze %dma_start3A_3506 : memref<1x16x128xf32, #tpu.memory_space<vmem>> -> memref<16x128xf32, #tpu.memory_space<vmem>>
        %dma_start3A_3508 = arith.constant 0 : i32
        %dma_start3A_3509 = tpu.memref_slice %arg3[%dma_start3A_3508, %multiple_of3A_3499] : memref<16x1000000xf32, #tpu.memory_space<hbm>> -> memref<16x128xf32, #tpu.memory_space<hbm>>
        %dma_start3A_3510 = arith.constant 0 : i32
        %dma_start3A_3511 = arith.constant 0 : i32
        %dma_start3A_3512 = tpu.memref_slice %arg14[%add3A_3503, %dma_start3A_3510, %dma_start3A_3511] : memref<32x16x128xf32, #tpu.memory_space<vmem>> -> memref<1x16x128xf32, #tpu.memory_space<vmem>>
        %dma_start3A_3513 = tpu.memref_squeeze %dma_start3A_3512 : memref<1x16x128xf32, #tpu.memory_space<vmem>> -> memref<16x128xf32, #tpu.memory_space<vmem>>
        %dma_start3A_3514 = arith.constant 0 : i32
        %dma_start3A_3515 = tpu.memref_slice %arg3[%dma_start3A_3514, %multiple_of3A_3499] : memref<16x1000000xf32, #tpu.memory_space<hbm>> -> memref<16x128xf32, #tpu.memory_space<hbm>>
        tpu.enqueue_dma source(%dma_start3A_3515 : memref<16x128xf32, #tpu.memory_space<hbm>>) target(%dma_start3A_3513 : memref<16x128xf32, #tpu.memory_space<vmem>>) target_semaphore(%arg17 : memref<!tpu.dma_semaphore, #tpu.memory_space<semaphore_mem>>)
        %slice3A_3516 = vector.extract_strided_slice %get3A_3477 {offsets = [2], sizes = [1], strides = [1]} : vector<16xi32> to vector<1xi32>
        %squeeze3A_3517 = vector.extract %slice3A_3516[0] : i32 from vector<1xi32>
        %multiple_of3A_3518 = tpu.assume_multiple %squeeze3A_3517, 128 : i32
        %mul3A_3519 = arith.constant 16 : i32
        %mul3A_3520 = arith.muli %sub3A_3473, %mul3A_3519 : i32
        %add3A_3521 = arith.constant 2 : i32
        %add3A_3522 = arith.addi %mul3A_3520, %add3A_3521 : i32
        %dma_start3A_3523 = arith.constant 0 : i32
        %dma_start3A_3524 = arith.constant 0 : i32
        %dma_start3A_3525 = tpu.memref_slice %arg14[%add3A_3522, %dma_start3A_3523, %dma_start3A_3524] : memref<32x16x128xf32, #tpu.memory_space<vmem>> -> memref<1x16x128xf32, #tpu.memory_space<vmem>>
        %dma_start3A_3526 = tpu.memref_squeeze %dma_start3A_3525 : memref<1x16x128xf32, #tpu.memory_space<vmem>> -> memref<16x128xf32, #tpu.memory_space<vmem>>
        %dma_start3A_3527 = arith.constant 0 : i32
        %dma_start3A_3528 = tpu.memref_slice %arg3[%dma_start3A_3527, %multiple_of3A_3518] : memref<16x1000000xf32, #tpu.memory_space<hbm>> -> memref<16x128xf32, #tpu.memory_space<hbm>>
        %dma_start3A_3529 = arith.constant 0 : i32
        %dma_start3A_3530 = arith.constant 0 : i32
        %dma_start3A_3531 = tpu.memref_slice %arg14[%add3A_3522, %dma_start3A_3529, %dma_start3A_3530] : memref<32x16x128xf32, #tpu.memory_space<vmem>> -> memref<1x16x128xf32, #tpu.memory_space<vmem>>
        %dma_start3A_3532 = tpu.memref_squeeze %dma_start3A_3531 : memref<1x16x128xf32, #tpu.memory_space<vmem>> -> memref<16x128xf32, #tpu.memory_space<vmem>>
        %dma_start3A_3533 = arith.constant 0 : i32
        %dma_start3A_3534 = tpu.memref_slice %arg3[%dma_start3A_3533, %multiple_of3A_3518] : memref<16x1000000xf32, #tpu.memory_space<hbm>> -> memref<16x128xf32, #tpu.memory_space<hbm>>
        tpu.enqueue_dma source(%dma_start3A_3534 : memref<16x128xf32, #tpu.memory_space<hbm>>) target(%dma_start3A_3532 : memref<16x128xf32, #tpu.memory_space<vmem>>) target_semaphore(%arg17 : memref<!tpu.dma_semaphore, #tpu.memory_space<semaphore_mem>>)
        %slice3A_3535 = vector.extract_strided_slice %get3A_3477 {offsets = [3], sizes = [1], strides = [1]} : vector<16xi32> to vector<1xi32>
        %squeeze3A_3536 = vector.extract %slice3A_3535[0] : i32 from vector<1xi32>
        %multiple_of3A_3537 = tpu.assume_multiple %squeeze3A_3536, 128 : i32
        %mul3A_3538 = arith.constant 16 : i32
        %mul3A_3539 = arith.muli %sub3A_3473, %mul3A_3538 : i32
        %add3A_3540 = arith.constant 3 : i32
        %add3A_3541 = arith.addi %mul3A_3539, %add3A_3540 : i32
        %dma_start3A_3542 = arith.constant 0 : i32
        %dma_start3A_3543 = arith.constant 0 : i32
        %dma_start3A_3544 = tpu.memref_slice %arg14[%add3A_3541, %dma_start3A_3542, %dma_start3A_3543] : memref<32x16x128xf32, #tpu.memory_space<vmem>> -> memref<1x16x128xf32, #tpu.memory_space<vmem>>
        %dma_start3A_3545 = tpu.memref_squeeze %dma_start3A_3544 : memref<1x16x128xf32, #tpu.memory_space<vmem>> -> memref<16x128xf32, #tpu.memory_space<vmem>>
        %dma_start3A_3546 = arith.constant 0 : i32
        %dma_start3A_3547 = tpu.memref_slice %arg3[%dma_start3A_3546, %multiple_of3A_3537] : memref<16x1000000xf32, #tpu.memory_space<hbm>> -> memref<16x128xf32, #tpu.memory_space<hbm>>
        %dma_start3A_3548 = arith.constant 0 : i32
        %dma_start3A_3549 = arith.constant 0 : i32
        %dma_start3A_3550 = tpu.memref_slice %arg14[%add3A_3541, %dma_start3A_3548, %dma_start3A_3549] : memref<32x16x128xf32, #tpu.memory_space<vmem>> -> memref<1x16x128xf32, #tpu.memory_space<vmem>>
        %dma_start3A_3551 = tpu.memref_squeeze %dma_start3A_3550 : memref<1x16x128xf32, #tpu.memory_space<vmem>> -> memref<16x128xf32, #tpu.memory_space<vmem>>
        %dma_start3A_3552 = arith.constant 0 : i32
        %dma_start3A_3553 = tpu.memref_slice %arg3[%dma_start3A_3552, %multiple_of3A_3537] : memref<16x1000000xf32, #tpu.memory_space<hbm>> -> memref<16x128xf32, #tpu.memory_space<hbm>>
        tpu.enqueue_dma source(%dma_start3A_3553 : memref<16x128xf32, #tpu.memory_space<hbm>>) target(%dma_start3A_3551 : memref<16x128xf32, #tpu.memory_space<vmem>>) target_semaphore(%arg17 : memref<!tpu.dma_semaphore, #tpu.memory_space<semaphore_mem>>)
        %slice3A_3554 = vector.extract_strided_slice %get3A_3477 {offsets = [4], sizes = [1], strides = [1]} : vector<16xi32> to vector<1xi32>
        %squeeze3A_3555 = vector.extract %slice3A_3554[0] : i32 from vector<1xi32>
        %multiple_of3A_3556 = tpu.assume_multiple %squeeze3A_3555, 128 : i32
        %mul3A_3557 = arith.constant 16 : i32
        %mul3A_3558 = arith.muli %sub3A_3473, %mul3A_3557 : i32
        %add3A_3559 = arith.constant 4 : i32
        %add3A_3560 = arith.addi %mul3A_3558, %add3A_3559 : i32
        %dma_start3A_3561 = arith.constant 0 : i32
        %dma_start3A_3562 = arith.constant 0 : i32
        %dma_start3A_3563 = tpu.memref_slice %arg14[%add3A_3560, %dma_start3A_3561, %dma_start3A_3562] : memref<32x16x128xf32, #tpu.memory_space<vmem>> -> memref<1x16x128xf32, #tpu.memory_space<vmem>>
        %dma_start3A_3564 = tpu.memref_squeeze %dma_start3A_3563 : memref<1x16x128xf32, #tpu.memory_space<vmem>> -> memref<16x128xf32, #tpu.memory_space<vmem>>
        %dma_start3A_3565 = arith.constant 0 : i32
        %dma_start3A_3566 = tpu.memref_slice %arg3[%dma_start3A_3565, %multiple_of3A_3556] : memref<16x1000000xf32, #tpu.memory_space<hbm>> -> memref<16x128xf32, #tpu.memory_space<hbm>>
        %dma_start3A_3567 = arith.constant 0 : i32
        %dma_start3A_3568 = arith.constant 0 : i32
        %dma_start3A_3569 = tpu.memref_slice %arg14[%add3A_3560, %dma_start3A_3567, %dma_start3A_3568] : memref<32x16x128xf32, #tpu.memory_space<vmem>> -> memref<1x16x128xf32, #tpu.memory_space<vmem>>
        %dma_start3A_3570 = tpu.memref_squeeze %dma_start3A_3569 : memref<1x16x128xf32, #tpu.memory_space<vmem>> -> memref<16x128xf32, #tpu.memory_space<vmem>>
        %dma_start3A_3571 = arith.constant 0 : i32
        %dma_start3A_3572 = tpu.memref_slice %arg3[%dma_start3A_3571, %multiple_of3A_3556] : memref<16x1000000xf32, #tpu.memory_space<hbm>> -> memref<16x128xf32, #tpu.memory_space<hbm>>
        tpu.enqueue_dma source(%dma_start3A_3572 : memref<16x128xf32, #tpu.memory_space<hbm>>) target(%dma_start3A_3570 : memref<16x128xf32, #tpu.memory_space<vmem>>) target_semaphore(%arg17 : memref<!tpu.dma_semaphore, #tpu.memory_space<semaphore_mem>>)
        %slice3A_3573 = vector.extract_strided_slice %get3A_3477 {offsets = [5], sizes = [1], strides = [1]} : vector<16xi32> to vector<1xi32>
        %squeeze3A_3574 = vector.extract %slice3A_3573[0] : i32 from vector<1xi32>
        %multiple_of3A_3575 = tpu.assume_multiple %squeeze3A_3574, 128 : i32
        %mul3A_3576 = arith.constant 16 : i32
        %mul3A_3577 = arith.muli %sub3A_3473, %mul3A_3576 : i32
        %add3A_3578 = arith.constant 5 : i32
        %add3A_3579 = arith.addi %mul3A_3577, %add3A_3578 : i32
        %dma_start3A_3580 = arith.constant 0 : i32
        %dma_start3A_3581 = arith.constant 0 : i32
        %dma_start3A_3582 = tpu.memref_slice %arg14[%add3A_3579, %dma_start3A_3580, %dma_start3A_3581] : memref<32x16x128xf32, #tpu.memory_space<vmem>> -> memref<1x16x128xf32, #tpu.memory_space<vmem>>
        %dma_start3A_3583 = tpu.memref_squeeze %dma_start3A_3582 : memref<1x16x128xf32, #tpu.memory_space<vmem>> -> memref<16x128xf32, #tpu.memory_space<vmem>>
        %dma_start3A_3584 = arith.constant 0 : i32
        %dma_start3A_3585 = tpu.memref_slice %arg3[%dma_start3A_3584, %multiple_of3A_3575] : memref<16x1000000xf32, #tpu.memory_space<hbm>> -> memref<16x128xf32, #tpu.memory_space<hbm>>
        %dma_start3A_3586 = arith.constant 0 : i32
        %dma_start3A_3587 = arith.constant 0 : i32
        %dma_start3A_3588 = tpu.memref_slice %arg14[%add3A_3579, %dma_start3A_3586, %dma_start3A_3587] : memref<32x16x128xf32, #tpu.memory_space<vmem>> -> memref<1x16x128xf32, #tpu.memory_space<vmem>>
        %dma_start3A_3589 = tpu.memref_squeeze %dma_start3A_3588 : memref<1x16x128xf32, #tpu.memory_space<vmem>> -> memref<16x128xf32, #tpu.memory_space<vmem>>
        %dma_start3A_3590 = arith.constant 0 : i32
        %dma_start3A_3591 = tpu.memref_slice %arg3[%dma_start3A_3590, %multiple_of3A_3575] : memref<16x1000000xf32, #tpu.memory_space<hbm>> -> memref<16x128xf32, #tpu.memory_space<hbm>>
        tpu.enqueue_dma source(%dma_start3A_3591 : memref<16x128xf32, #tpu.memory_space<hbm>>) target(%dma_start3A_3589 : memref<16x128xf32, #tpu.memory_space<vmem>>) target_semaphore(%arg17 : memref<!tpu.dma_semaphore, #tpu.memory_space<semaphore_mem>>)
        %slice3A_3592 = vector.extract_strided_slice %get3A_3477 {offsets = [6], sizes = [1], strides = [1]} : vector<16xi32> to vector<1xi32>
        %squeeze3A_3593 = vector.extract %slice3A_3592[0] : i32 from vector<1xi32>
        %multiple_of3A_3594 = tpu.assume_multiple %squeeze3A_3593, 128 : i32
        %mul3A_3595 = arith.constant 16 : i32
        %mul3A_3596 = arith.muli %sub3A_3473, %mul3A_3595 : i32
        %add3A_3597 = arith.constant 6 : i32
        %add3A_3598 = arith.addi %mul3A_3596, %add3A_3597 : i32
        %dma_start3A_3599 = arith.constant 0 : i32
        %dma_start3A_3600 = arith.constant 0 : i32
        %dma_start3A_3601 = tpu.memref_slice %arg14[%add3A_3598, %dma_start3A_3599, %dma_start3A_3600] : memref<32x16x128xf32, #tpu.memory_space<vmem>> -> memref<1x16x128xf32, #tpu.memory_space<vmem>>
        %dma_start3A_3602 = tpu.memref_squeeze %dma_start3A_3601 : memref<1x16x128xf32, #tpu.memory_space<vmem>> -> memref<16x128xf32, #tpu.memory_space<vmem>>
        %dma_start3A_3603 = arith.constant 0 : i32
        %dma_start3A_3604 = tpu.memref_slice %arg3[%dma_start3A_3603, %multiple_of3A_3594] : memref<16x1000000xf32, #tpu.memory_space<hbm>> -> memref<16x128xf32, #tpu.memory_space<hbm>>
        %dma_start3A_3605 = arith.constant 0 : i32
        %dma_start3A_3606 = arith.constant 0 : i32
        %dma_start3A_3607 = tpu.memref_slice %arg14[%add3A_3598, %dma_start3A_3605, %dma_start3A_3606] : memref<32x16x128xf32, #tpu.memory_space<vmem>> -> memref<1x16x128xf32, #tpu.memory_space<vmem>>
        %dma_start3A_3608 = tpu.memref_squeeze %dma_start3A_3607 : memref<1x16x128xf32, #tpu.memory_space<vmem>> -> memref<16x128xf32, #tpu.memory_space<vmem>>
        %dma_start3A_3609 = arith.constant 0 : i32
        %dma_start3A_3610 = tpu.memref_slice %arg3[%dma_start3A_3609, %multiple_of3A_3594] : memref<16x1000000xf32, #tpu.memory_space<hbm>> -> memref<16x128xf32, #tpu.memory_space<hbm>>
        tpu.enqueue_dma source(%dma_start3A_3610 : memref<16x128xf32, #tpu.memory_space<hbm>>) target(%dma_start3A_3608 : memref<16x128xf32, #tpu.memory_space<vmem>>) target_semaphore(%arg17 : memref<!tpu.dma_semaphore, #tpu.memory_space<semaphore_mem>>)
        %slice3A_3611 = vector.extract_strided_slice %get3A_3477 {offsets = [7], sizes = [1], strides = [1]} : vector<16xi32> to vector<1xi32>
        %squeeze3A_3612 = vector.extract %slice3A_3611[0] : i32 from vector<1xi32>
        %multiple_of3A_3613 = tpu.assume_multiple %squeeze3A_3612, 128 : i32
        %mul3A_3614 = arith.constant 16 : i32
        %mul3A_3615 = arith.muli %sub3A_3473, %mul3A_3614 : i32
        %add3A_3616 = arith.constant 7 : i32
        %add3A_3617 = arith.addi %mul3A_3615, %add3A_3616 : i32
        %dma_start3A_3618 = arith.constant 0 : i32
        %dma_start3A_3619 = arith.constant 0 : i32
        %dma_start3A_3620 = tpu.memref_slice %arg14[%add3A_3617, %dma_start3A_3618, %dma_start3A_3619] : memref<32x16x128xf32, #tpu.memory_space<vmem>> -> memref<1x16x128xf32, #tpu.memory_space<vmem>>
        %dma_start3A_3621 = tpu.memref_squeeze %dma_start3A_3620 : memref<1x16x128xf32, #tpu.memory_space<vmem>> -> memref<16x128xf32, #tpu.memory_space<vmem>>
        %dma_start3A_3622 = arith.constant 0 : i32
        %dma_start3A_3623 = tpu.memref_slice %arg3[%dma_start3A_3622, %multiple_of3A_3613] : memref<16x1000000xf32, #tpu.memory_space<hbm>> -> memref<16x128xf32, #tpu.memory_space<hbm>>
        %dma_start3A_3624 = arith.constant 0 : i32
        %dma_start3A_3625 = arith.constant 0 : i32
        %dma_start3A_3626 = tpu.memref_slice %arg14[%add3A_3617, %dma_start3A_3624, %dma_start3A_3625] : memref<32x16x128xf32, #tpu.memory_space<vmem>> -> memref<1x16x128xf32, #tpu.memory_space<vmem>>
        %dma_start3A_3627 = tpu.memref_squeeze %dma_start3A_3626 : memref<1x16x128xf32, #tpu.memory_space<vmem>> -> memref<16x128xf32, #tpu.memory_space<vmem>>
        %dma_start3A_3628 = arith.constant 0 : i32
        %dma_start3A_3629 = tpu.memref_slice %arg3[%dma_start3A_3628, %multiple_of3A_3613] : memref<16x1000000xf32, #tpu.memory_space<hbm>> -> memref<16x128xf32, #tpu.memory_space<hbm>>
        tpu.enqueue_dma source(%dma_start3A_3629 : memref<16x128xf32, #tpu.memory_space<hbm>>) target(%dma_start3A_3627 : memref<16x128xf32, #tpu.memory_space<vmem>>) target_semaphore(%arg17 : memref<!tpu.dma_semaphore, #tpu.memory_space<semaphore_mem>>)
        %slice3A_3630 = vector.extract_strided_slice %get3A_3477 {offsets = [8], sizes = [1], strides = [1]} : vector<16xi32> to vector<1xi32>
        %squeeze3A_3631 = vector.extract %slice3A_3630[0] : i32 from vector<1xi32>
        %multiple_of3A_3632 = tpu.assume_multiple %squeeze3A_3631, 128 : i32
        %mul3A_3633 = arith.constant 16 : i32
        %mul3A_3634 = arith.muli %sub3A_3473, %mul3A_3633 : i32
        %add3A_3635 = arith.constant 8 : i32
        %add3A_3636 = arith.addi %mul3A_3634, %add3A_3635 : i32
        %dma_start3A_3637 = arith.constant 0 : i32
        %dma_start3A_3638 = arith.constant 0 : i32
        %dma_start3A_3639 = tpu.memref_slice %arg14[%add3A_3636, %dma_start3A_3637, %dma_start3A_3638] : memref<32x16x128xf32, #tpu.memory_space<vmem>> -> memref<1x16x128xf32, #tpu.memory_space<vmem>>
        %dma_start3A_3640 = tpu.memref_squeeze %dma_start3A_3639 : memref<1x16x128xf32, #tpu.memory_space<vmem>> -> memref<16x128xf32, #tpu.memory_space<vmem>>
        %dma_start3A_3641 = arith.constant 0 : i32
        %dma_start3A_3642 = tpu.memref_slice %arg3[%dma_start3A_3641, %multiple_of3A_3632] : memref<16x1000000xf32, #tpu.memory_space<hbm>> -> memref<16x128xf32, #tpu.memory_space<hbm>>
        %dma_start3A_3643 = arith.constant 0 : i32
        %dma_start3A_3644 = arith.constant 0 : i32
        %dma_start3A_3645 = tpu.memref_slice %arg14[%add3A_3636, %dma_start3A_3643, %dma_start3A_3644] : memref<32x16x128xf32, #tpu.memory_space<vmem>> -> memref<1x16x128xf32, #tpu.memory_space<vmem>>
        %dma_start3A_3646 = tpu.memref_squeeze %dma_start3A_3645 : memref<1x16x128xf32, #tpu.memory_space<vmem>> -> memref<16x128xf32, #tpu.memory_space<vmem>>
        %dma_start3A_3647 = arith.constant 0 : i32
        %dma_start3A_3648 = tpu.memref_slice %arg3[%dma_start3A_3647, %multiple_of3A_3632] : memref<16x1000000xf32, #tpu.memory_space<hbm>> -> memref<16x128xf32, #tpu.memory_space<hbm>>
        tpu.enqueue_dma source(%dma_start3A_3648 : memref<16x128xf32, #tpu.memory_space<hbm>>) target(%dma_start3A_3646 : memref<16x128xf32, #tpu.memory_space<vmem>>) target_semaphore(%arg17 : memref<!tpu.dma_semaphore, #tpu.memory_space<semaphore_mem>>)
        %slice3A_3649 = vector.extract_strided_slice %get3A_3477 {offsets = [9], sizes = [1], strides = [1]} : vector<16xi32> to vector<1xi32>
        %squeeze3A_3650 = vector.extract %slice3A_3649[0] : i32 from vector<1xi32>
        %multiple_of3A_3651 = tpu.assume_multiple %squeeze3A_3650, 128 : i32
        %mul3A_3652 = arith.constant 16 : i32
        %mul3A_3653 = arith.muli %sub3A_3473, %mul3A_3652 : i32
        %add3A_3654 = arith.constant 9 : i32
        %add3A_3655 = arith.addi %mul3A_3653, %add3A_3654 : i32
        %dma_start3A_3656 = arith.constant 0 : i32
        %dma_start3A_3657 = arith.constant 0 : i32
        %dma_start3A_3658 = tpu.memref_slice %arg14[%add3A_3655, %dma_start3A_3656, %dma_start3A_3657] : memref<32x16x128xf32, #tpu.memory_space<vmem>> -> memref<1x16x128xf32, #tpu.memory_space<vmem>>
        %dma_start3A_3659 = tpu.memref_squeeze %dma_start3A_3658 : memref<1x16x128xf32, #tpu.memory_space<vmem>> -> memref<16x128xf32, #tpu.memory_space<vmem>>
        %dma_start3A_3660 = arith.constant 0 : i32
        %dma_start3A_3661 = tpu.memref_slice %arg3[%dma_start3A_3660, %multiple_of3A_3651] : memref<16x1000000xf32, #tpu.memory_space<hbm>> -> memref<16x128xf32, #tpu.memory_space<hbm>>
        %dma_start3A_3662 = arith.constant 0 : i32
        %dma_start3A_3663 = arith.constant 0 : i32
        %dma_start3A_3664 = tpu.memref_slice %arg14[%add3A_3655, %dma_start3A_3662, %dma_start3A_3663] : memref<32x16x128xf32, #tpu.memory_space<vmem>> -> memref<1x16x128xf32, #tpu.memory_space<vmem>>
        %dma_start3A_3665 = tpu.memref_squeeze %dma_start3A_3664 : memref<1x16x128xf32, #tpu.memory_space<vmem>> -> memref<16x128xf32, #tpu.memory_space<vmem>>
        %dma_start3A_3666 = arith.constant 0 : i32
        %dma_start3A_3667 = tpu.memref_slice %arg3[%dma_start3A_3666, %multiple_of3A_3651] : memref<16x1000000xf32, #tpu.memory_space<hbm>> -> memref<16x128xf32, #tpu.memory_space<hbm>>
        tpu.enqueue_dma source(%dma_start3A_3667 : memref<16x128xf32, #tpu.memory_space<hbm>>) target(%dma_start3A_3665 : memref<16x128xf32, #tpu.memory_space<vmem>>) target_semaphore(%arg17 : memref<!tpu.dma_semaphore, #tpu.memory_space<semaphore_mem>>)
        %slice3A_3668 = vector.extract_strided_slice %get3A_3477 {offsets = [10], sizes = [1], strides = [1]} : vector<16xi32> to vector<1xi32>
        %squeeze3A_3669 = vector.extract %slice3A_3668[0] : i32 from vector<1xi32>
        %multiple_of3A_3670 = tpu.assume_multiple %squeeze3A_3669, 128 : i32
        %mul3A_3671 = arith.constant 16 : i32
        %mul3A_3672 = arith.muli %sub3A_3473, %mul3A_3671 : i32
        %add3A_3673 = arith.constant 10 : i32
        %add3A_3674 = arith.addi %mul3A_3672, %add3A_3673 : i32
        %dma_start3A_3675 = arith.constant 0 : i32
        %dma_start3A_3676 = arith.constant 0 : i32
        %dma_start3A_3677 = tpu.memref_slice %arg14[%add3A_3674, %dma_start3A_3675, %dma_start3A_3676] : memref<32x16x128xf32, #tpu.memory_space<vmem>> -> memref<1x16x128xf32, #tpu.memory_space<vmem>>
        %dma_start3A_3678 = tpu.memref_squeeze %dma_start3A_3677 : memref<1x16x128xf32, #tpu.memory_space<vmem>> -> memref<16x128xf32, #tpu.memory_space<vmem>>
        %dma_start3A_3679 = arith.constant 0 : i32
        %dma_start3A_3680 = tpu.memref_slice %arg3[%dma_start3A_3679, %multiple_of3A_3670] : memref<16x1000000xf32, #tpu.memory_space<hbm>> -> memref<16x128xf32, #tpu.memory_space<hbm>>
        %dma_start3A_3681 = arith.constant 0 : i32
        %dma_start3A_3682 = arith.constant 0 : i32
        %dma_start3A_3683 = tpu.memref_slice %arg14[%add3A_3674, %dma_start3A_3681, %dma_start3A_3682] : memref<32x16x128xf32, #tpu.memory_space<vmem>> -> memref<1x16x128xf32, #tpu.memory_space<vmem>>
        %dma_start3A_3684 = tpu.memref_squeeze %dma_start3A_3683 : memref<1x16x128xf32, #tpu.memory_space<vmem>> -> memref<16x128xf32, #tpu.memory_space<vmem>>
        %dma_start3A_3685 = arith.constant 0 : i32
        %dma_start3A_3686 = tpu.memref_slice %arg3[%dma_start3A_3685, %multiple_of3A_3670] : memref<16x1000000xf32, #tpu.memory_space<hbm>> -> memref<16x128xf32, #tpu.memory_space<hbm>>
        tpu.enqueue_dma source(%dma_start3A_3686 : memref<16x128xf32, #tpu.memory_space<hbm>>) target(%dma_start3A_3684 : memref<16x128xf32, #tpu.memory_space<vmem>>) target_semaphore(%arg17 : memref<!tpu.dma_semaphore, #tpu.memory_space<semaphore_mem>>)
        %slice3A_3687 = vector.extract_strided_slice %get3A_3477 {offsets = [11], sizes = [1], strides = [1]} : vector<16xi32> to vector<1xi32>
        %squeeze3A_3688 = vector.extract %slice3A_3687[0] : i32 from vector<1xi32>
        %multiple_of3A_3689 = tpu.assume_multiple %squeeze3A_3688, 128 : i32
        %mul3A_3690 = arith.constant 16 : i32
        %mul3A_3691 = arith.muli %sub3A_3473, %mul3A_3690 : i32
        %add3A_3692 = arith.constant 11 : i32
        %add3A_3693 = arith.addi %mul3A_3691, %add3A_3692 : i32
        %dma_start3A_3694 = arith.constant 0 : i32
        %dma_start3A_3695 = arith.constant 0 : i32
        %dma_start3A_3696 = tpu.memref_slice %arg14[%add3A_3693, %dma_start3A_3694, %dma_start3A_3695] : memref<32x16x128xf32, #tpu.memory_space<vmem>> -> memref<1x16x128xf32, #tpu.memory_space<vmem>>
        %dma_start3A_3697 = tpu.memref_squeeze %dma_start3A_3696 : memref<1x16x128xf32, #tpu.memory_space<vmem>> -> memref<16x128xf32, #tpu.memory_space<vmem>>
        %dma_start3A_3698 = arith.constant 0 : i32
        %dma_start3A_3699 = tpu.memref_slice %arg3[%dma_start3A_3698, %multiple_of3A_3689] : memref<16x1000000xf32, #tpu.memory_space<hbm>> -> memref<16x128xf32, #tpu.memory_space<hbm>>
        %dma_start3A_3700 = arith.constant 0 : i32
        %dma_start3A_3701 = arith.constant 0 : i32
        %dma_start3A_3702 = tpu.memref_slice %arg14[%add3A_3693, %dma_start3A_3700, %dma_start3A_3701] : memref<32x16x128xf32, #tpu.memory_space<vmem>> -> memref<1x16x128xf32, #tpu.memory_space<vmem>>
        %dma_start3A_3703 = tpu.memref_squeeze %dma_start3A_3702 : memref<1x16x128xf32, #tpu.memory_space<vmem>> -> memref<16x128xf32, #tpu.memory_space<vmem>>
        %dma_start3A_3704 = arith.constant 0 : i32
        %dma_start3A_3705 = tpu.memref_slice %arg3[%dma_start3A_3704, %multiple_of3A_3689] : memref<16x1000000xf32, #tpu.memory_space<hbm>> -> memref<16x128xf32, #tpu.memory_space<hbm>>
        tpu.enqueue_dma source(%dma_start3A_3705 : memref<16x128xf32, #tpu.memory_space<hbm>>) target(%dma_start3A_3703 : memref<16x128xf32, #tpu.memory_space<vmem>>) target_semaphore(%arg17 : memref<!tpu.dma_semaphore, #tpu.memory_space<semaphore_mem>>)
        %slice3A_3706 = vector.extract_strided_slice %get3A_3477 {offsets = [12], sizes = [1], strides = [1]} : vector<16xi32> to vector<1xi32>
        %squeeze3A_3707 = vector.extract %slice3A_3706[0] : i32 from vector<1xi32>
        %multiple_of3A_3708 = tpu.assume_multiple %squeeze3A_3707, 128 : i32
        %mul3A_3709 = arith.constant 16 : i32
        %mul3A_3710 = arith.muli %sub3A_3473, %mul3A_3709 : i32
        %add3A_3711 = arith.constant 12 : i32
        %add3A_3712 = arith.addi %mul3A_3710, %add3A_3711 : i32
        %dma_start3A_3713 = arith.constant 0 : i32
        %dma_start3A_3714 = arith.constant 0 : i32
        %dma_start3A_3715 = tpu.memref_slice %arg14[%add3A_3712, %dma_start3A_3713, %dma_start3A_3714] : memref<32x16x128xf32, #tpu.memory_space<vmem>> -> memref<1x16x128xf32, #tpu.memory_space<vmem>>
        %dma_start3A_3716 = tpu.memref_squeeze %dma_start3A_3715 : memref<1x16x128xf32, #tpu.memory_space<vmem>> -> memref<16x128xf32, #tpu.memory_space<vmem>>
        %dma_start3A_3717 = arith.constant 0 : i32
        %dma_start3A_3718 = tpu.memref_slice %arg3[%dma_start3A_3717, %multiple_of3A_3708] : memref<16x1000000xf32, #tpu.memory_space<hbm>> -> memref<16x128xf32, #tpu.memory_space<hbm>>
        %dma_start3A_3719 = arith.constant 0 : i32
        %dma_start3A_3720 = arith.constant 0 : i32
        %dma_start3A_3721 = tpu.memref_slice %arg14[%add3A_3712, %dma_start3A_3719, %dma_start3A_3720] : memref<32x16x128xf32, #tpu.memory_space<vmem>> -> memref<1x16x128xf32, #tpu.memory_space<vmem>>
        %dma_start3A_3722 = tpu.memref_squeeze %dma_start3A_3721 : memref<1x16x128xf32, #tpu.memory_space<vmem>> -> memref<16x128xf32, #tpu.memory_space<vmem>>
        %dma_start3A_3723 = arith.constant 0 : i32
        %dma_start3A_3724 = tpu.memref_slice %arg3[%dma_start3A_3723, %multiple_of3A_3708] : memref<16x1000000xf32, #tpu.memory_space<hbm>> -> memref<16x128xf32, #tpu.memory_space<hbm>>
        tpu.enqueue_dma source(%dma_start3A_3724 : memref<16x128xf32, #tpu.memory_space<hbm>>) target(%dma_start3A_3722 : memref<16x128xf32, #tpu.memory_space<vmem>>) target_semaphore(%arg17 : memref<!tpu.dma_semaphore, #tpu.memory_space<semaphore_mem>>)
        %slice3A_3725 = vector.extract_strided_slice %get3A_3477 {offsets = [13], sizes = [1], strides = [1]} : vector<16xi32> to vector<1xi32>
        %squeeze3A_3726 = vector.extract %slice3A_3725[0] : i32 from vector<1xi32>
        %multiple_of3A_3727 = tpu.assume_multiple %squeeze3A_3726, 128 : i32
        %mul3A_3728 = arith.constant 16 : i32
        %mul3A_3729 = arith.muli %sub3A_3473, %mul3A_3728 : i32
        %add3A_3730 = arith.constant 13 : i32
        %add3A_3731 = arith.addi %mul3A_3729, %add3A_3730 : i32
        %dma_start3A_3732 = arith.constant 0 : i32
        %dma_start3A_3733 = arith.constant 0 : i32
        %dma_start3A_3734 = tpu.memref_slice %arg14[%add3A_3731, %dma_start3A_3732, %dma_start3A_3733] : memref<32x16x128xf32, #tpu.memory_space<vmem>> -> memref<1x16x128xf32, #tpu.memory_space<vmem>>
        %dma_start3A_3735 = tpu.memref_squeeze %dma_start3A_3734 : memref<1x16x128xf32, #tpu.memory_space<vmem>> -> memref<16x128xf32, #tpu.memory_space<vmem>>
        %dma_start3A_3736 = arith.constant 0 : i32
        %dma_start3A_3737 = tpu.memref_slice %arg3[%dma_start3A_3736, %multiple_of3A_3727] : memref<16x1000000xf32, #tpu.memory_space<hbm>> -> memref<16x128xf32, #tpu.memory_space<hbm>>
        %dma_start3A_3738 = arith.constant 0 : i32
        %dma_start3A_3739 = arith.constant 0 : i32
        %dma_start3A_3740 = tpu.memref_slice %arg14[%add3A_3731, %dma_start3A_3738, %dma_start3A_3739] : memref<32x16x128xf32, #tpu.memory_space<vmem>> -> memref<1x16x128xf32, #tpu.memory_space<vmem>>
        %dma_start3A_3741 = tpu.memref_squeeze %dma_start3A_3740 : memref<1x16x128xf32, #tpu.memory_space<vmem>> -> memref<16x128xf32, #tpu.memory_space<vmem>>
        %dma_start3A_3742 = arith.constant 0 : i32
        %dma_start3A_3743 = tpu.memref_slice %arg3[%dma_start3A_3742, %multiple_of3A_3727] : memref<16x1000000xf32, #tpu.memory_space<hbm>> -> memref<16x128xf32, #tpu.memory_space<hbm>>
        tpu.enqueue_dma source(%dma_start3A_3743 : memref<16x128xf32, #tpu.memory_space<hbm>>) target(%dma_start3A_3741 : memref<16x128xf32, #tpu.memory_space<vmem>>) target_semaphore(%arg17 : memref<!tpu.dma_semaphore, #tpu.memory_space<semaphore_mem>>)
        %slice3A_3744 = vector.extract_strided_slice %get3A_3477 {offsets = [14], sizes = [1], strides = [1]} : vector<16xi32> to vector<1xi32>
        %squeeze3A_3745 = vector.extract %slice3A_3744[0] : i32 from vector<1xi32>
        %multiple_of3A_3746 = tpu.assume_multiple %squeeze3A_3745, 128 : i32
        %mul3A_3747 = arith.constant 16 : i32
        %mul3A_3748 = arith.muli %sub3A_3473, %mul3A_3747 : i32
        %add3A_3749 = arith.constant 14 : i32
        %add3A_3750 = arith.addi %mul3A_3748, %add3A_3749 : i32
        %dma_start3A_3751 = arith.constant 0 : i32
        %dma_start3A_3752 = arith.constant 0 : i32
        %dma_start3A_3753 = tpu.memref_slice %arg14[%add3A_3750, %dma_start3A_3751, %dma_start3A_3752] : memref<32x16x128xf32, #tpu.memory_space<vmem>> -> memref<1x16x128xf32, #tpu.memory_space<vmem>>
        %dma_start3A_3754 = tpu.memref_squeeze %dma_start3A_3753 : memref<1x16x128xf32, #tpu.memory_space<vmem>> -> memref<16x128xf32, #tpu.memory_space<vmem>>
        %dma_start3A_3755 = arith.constant 0 : i32
        %dma_start3A_3756 = tpu.memref_slice %arg3[%dma_start3A_3755, %multiple_of3A_3746] : memref<16x1000000xf32, #tpu.memory_space<hbm>> -> memref<16x128xf32, #tpu.memory_space<hbm>>
        %dma_start3A_3757 = arith.constant 0 : i32
        %dma_start3A_3758 = arith.constant 0 : i32
        %dma_start3A_3759 = tpu.memref_slice %arg14[%add3A_3750, %dma_start3A_3757, %dma_start3A_3758] : memref<32x16x128xf32, #tpu.memory_space<vmem>> -> memref<1x16x128xf32, #tpu.memory_space<vmem>>
        %dma_start3A_3760 = tpu.memref_squeeze %dma_start3A_3759 : memref<1x16x128xf32, #tpu.memory_space<vmem>> -> memref<16x128xf32, #tpu.memory_space<vmem>>
        %dma_start3A_3761 = arith.constant 0 : i32
        %dma_start3A_3762 = tpu.memref_slice %arg3[%dma_start3A_3761, %multiple_of3A_3746] : memref<16x1000000xf32, #tpu.memory_space<hbm>> -> memref<16x128xf32, #tpu.memory_space<hbm>>
        tpu.enqueue_dma source(%dma_start3A_3762 : memref<16x128xf32, #tpu.memory_space<hbm>>) target(%dma_start3A_3760 : memref<16x128xf32, #tpu.memory_space<vmem>>) target_semaphore(%arg17 : memref<!tpu.dma_semaphore, #tpu.memory_space<semaphore_mem>>)
        %slice3A_3763 = vector.extract_strided_slice %get3A_3477 {offsets = [15], sizes = [1], strides = [1]} : vector<16xi32> to vector<1xi32>
        %squeeze3A_3764 = vector.extract %slice3A_3763[0] : i32 from vector<1xi32>
        %multiple_of3A_3765 = tpu.assume_multiple %squeeze3A_3764, 128 : i32
        %mul3A_3766 = arith.constant 16 : i32
        %mul3A_3767 = arith.muli %sub3A_3473, %mul3A_3766 : i32
        %add3A_3768 = arith.constant 15 : i32
        %add3A_3769 = arith.addi %mul3A_3767, %add3A_3768 : i32
        %dma_start3A_3770 = arith.constant 0 : i32
        %dma_start3A_3771 = arith.constant 0 : i32
        %dma_start3A_3772 = tpu.memref_slice %arg14[%add3A_3769, %dma_start3A_3770, %dma_start3A_3771] : memref<32x16x128xf32, #tpu.memory_space<vmem>> -> memref<1x16x128xf32, #tpu.memory_space<vmem>>
        %dma_start3A_3773 = tpu.memref_squeeze %dma_start3A_3772 : memref<1x16x128xf32, #tpu.memory_space<vmem>> -> memref<16x128xf32, #tpu.memory_space<vmem>>
        %dma_start3A_3774 = arith.constant 0 : i32
        %dma_start3A_3775 = tpu.memref_slice %arg3[%dma_start3A_3774, %multiple_of3A_3765] : memref<16x1000000xf32, #tpu.memory_space<hbm>> -> memref<16x128xf32, #tpu.memory_space<hbm>>
        %dma_start3A_3776 = arith.constant 0 : i32
        %dma_start3A_3777 = arith.constant 0 : i32
        %dma_start3A_3778 = tpu.memref_slice %arg14[%add3A_3769, %dma_start3A_3776, %dma_start3A_3777] : memref<32x16x128xf32, #tpu.memory_space<vmem>> -> memref<1x16x128xf32, #tpu.memory_space<vmem>>
        %dma_start3A_3779 = tpu.memref_squeeze %dma_start3A_3778 : memref<1x16x128xf32, #tpu.memory_space<vmem>> -> memref<16x128xf32, #tpu.memory_space<vmem>>
        %dma_start3A_3780 = arith.constant 0 : i32
        %dma_start3A_3781 = tpu.memref_slice %arg3[%dma_start3A_3780, %multiple_of3A_3765] : memref<16x1000000xf32, #tpu.memory_space<hbm>> -> memref<16x128xf32, #tpu.memory_space<hbm>>
        tpu.enqueue_dma source(%dma_start3A_3781 : memref<16x128xf32, #tpu.memory_space<hbm>>) target(%dma_start3A_3779 : memref<16x128xf32, #tpu.memory_space<vmem>>) target_semaphore(%arg17 : memref<!tpu.dma_semaphore, #tpu.memory_space<semaphore_mem>>)
      } else {
      }
      %mul3A_3275 = arith.constant 16 : i32
      %mul3A_3276 = arith.muli %rem3A_3270, %mul3A_3275 : i32
      %dma_wait3A = arith.constant 0 : i32
      %dma_wait3A_3277 = arith.constant 0 : i32
      %dma_wait3A_3278 = tpu.memref_slice %arg14[%mul3A_3276, %dma_wait3A, %dma_wait3A_3277] : memref<32x16x128xf32, #tpu.memory_space<vmem>> -> memref<16x16x128xf32, #tpu.memory_space<vmem>>
      %dma_wait3A_3279 = arith.constant 0 : i32
      %dma_wait3A_3280 = arith.constant 0 : i32
      %dma_wait3A_3281 = tpu.memref_slice %arg14[%mul3A_3276, %dma_wait3A_3279, %dma_wait3A_3280] : memref<32x16x128xf32, #tpu.memory_space<vmem>> -> memref<16x16x128xf32, #tpu.memory_space<vmem>>
      tpu.wait_dma2 semaphore(%arg17 : memref<!tpu.dma_semaphore, #tpu.memory_space<semaphore_mem>>) src(%arg6 : memref<16x16x128xf32, #tpu.memory_space<hbm>>) dst(%dma_wait3A_3281 : memref<16x16x128xf32, #tpu.memory_space<vmem>>)
      %mul3A_3282 = arith.constant 16 : i32
      %mul3A_3283 = arith.muli %scan3A_3268, %mul3A_3282 : i32
      %get3A_3284 = arith.index_cast %mul3A_3283 : i32 to index
      %get3A_3285 = tpu.vector_load %arg13[%get3A_3284] {strides = array<i32>} : memref<512xi32, #tpu.memory_space<vmem>>, vector<16xi32>,
      %mul3A_3286 = arith.constant 16 : i32
      %mul3A_3287 = arith.muli %rem3A_3270, %mul3A_3286 : i32
      %add3A_3288 = vector.broadcast %mul3A_3287 : i32 to vector<16xi32>
      %add3A_3289 = arith.addi %add3A_3288, %iota3A : vector<16xi32>
      %broadcast_in_dim3A = arith.constant 0.000000e+00 : f32
      %broadcast_in_dim3A_3290 = vector.broadcast %broadcast_in_dim3A : f32 to vector<16xf32>
      %broadcast_in_dim3A_3291 = arith.constant 0 : i32
      %broadcast_in_dim3A_3292 = vector.broadcast %broadcast_in_dim3A_3291 : i32 to vector<16xi32>
      %gather3A = tpu.vector_load_idx %arg14[%add3A_3289, %broadcast_in_dim3A_3292, %get3A_3285] : memref<32x16x128xf32, #tpu.memory_space<vmem>>[vector<16xi32>, vector<16xi32>, vector<16xi32>], vector<16xf32>,
      %mul3A_3293 = arith.constant 16 : i32
      %mul3A_3294 = arith.muli %scan3A_3268, %mul3A_3293 : i32
      %add3A_3295 = arith.constant 0 : i32
      %add3A_3296 = arith.addi %add3A_3295, %mul3A_3294 : i32
      %get3A_3297 = arith.index_cast %add3A_3296 : i32 to index
      %get3A_3298 = tpu.vector_load %arg15[%get3A_3297] {strides = array<i32>} : memref<8192xf32, #tpu.memory_space<vmem>>, vector<16xf32>,
      %mul3A_3299 = arith.mulf %get3A_3298, %gather3A : vector<16xf32>
      %add3A_3300 = arith.addf %broadcast_in_dim3A_3290, %mul3A_3299 : vector<16xf32>
      %broadcast_in_dim3A_3301 = arith.constant 1 : i32
      %broadcast_in_dim3A_3302 = vector.broadcast %broadcast_in_dim3A_3301 : i32 to vector<16xi32>
      %gather3A_3303 = tpu.vector_load_idx %arg14[%add3A_3289, %broadcast_in_dim3A_3302, %get3A_3285] : memref<32x16x128xf32, #tpu.memory_space<vmem>>[vector<16xi32>, vector<16xi32>, vector<16xi32>], vector<16xf32>,
      %mul3A_3304 = arith.constant 16 : i32
      %mul3A_3305 = arith.muli %scan3A_3268, %mul3A_3304 : i32
      %add3A_3306 = arith.constant 512 : i32
      %add3A_3307 = arith.addi %add3A_3306, %mul3A_3305 : i32
      %get3A_3308 = arith.index_cast %add3A_3307 : i32 to index
      %get3A_3309 = tpu.vector_load %arg15[%get3A_3308] {strides = array<i32>} : memref<8192xf32, #tpu.memory_space<vmem>>, vector<16xf32>,
      %mul3A_3310 = arith.mulf %get3A_3309, %gather3A_3303 : vector<16xf32>
      %add3A_3311 = arith.addf %add3A_3300, %mul3A_3310 : vector<16xf32>
      %broadcast_in_dim3A_3312 = arith.constant 2 : i32
      %broadcast_in_dim3A_3313 = vector.broadcast %broadcast_in_dim3A_3312 : i32 to vector<16xi32>
      %gather3A_3314 = tpu.vector_load_idx %arg14[%add3A_3289, %broadcast_in_dim3A_3313, %get3A_3285] : memref<32x16x128xf32, #tpu.memory_space<vmem>>[vector<16xi32>, vector<16xi32>, vector<16xi32>], vector<16xf32>,
      %mul3A_3315 = arith.constant 16 : i32
      %mul3A_3316 = arith.muli %scan3A_3268, %mul3A_3315 : i32
      %add3A_3317 = arith.constant 1024 : i32
      %add3A_3318 = arith.addi %add3A_3317, %mul3A_3316 : i32
      %get3A_3319 = arith.index_cast %add3A_3318 : i32 to index
      %get3A_3320 = tpu.vector_load %arg15[%get3A_3319] {strides = array<i32>} : memref<8192xf32, #tpu.memory_space<vmem>>, vector<16xf32>,
      %mul3A_3321 = arith.mulf %get3A_3320, %gather3A_3314 : vector<16xf32>
      %add3A_3322 = arith.addf %add3A_3311, %mul3A_3321 : vector<16xf32>
      %broadcast_in_dim3A_3323 = arith.constant 3 : i32
      %broadcast_in_dim3A_3324 = vector.broadcast %broadcast_in_dim3A_3323 : i32 to vector<16xi32>
      %gather3A_3325 = tpu.vector_load_idx %arg14[%add3A_3289, %broadcast_in_dim3A_3324, %get3A_3285] : memref<32x16x128xf32, #tpu.memory_space<vmem>>[vector<16xi32>, vector<16xi32>, vector<16xi32>], vector<16xf32>,
      %mul3A_3326 = arith.constant 16 : i32
      %mul3A_3327 = arith.muli %scan3A_3268, %mul3A_3326 : i32
      %add3A_3328 = arith.constant 1536 : i32
      %add3A_3329 = arith.addi %add3A_3328, %mul3A_3327 : i32
      %get3A_3330 = arith.index_cast %add3A_3329 : i32 to index
      %get3A_3331 = tpu.vector_load %arg15[%get3A_3330] {strides = array<i32>} : memref<8192xf32, #tpu.memory_space<vmem>>, vector<16xf32>,
      %mul3A_3332 = arith.mulf %get3A_3331, %gather3A_3325 : vector<16xf32>
      %add3A_3333 = arith.addf %add3A_3322, %mul3A_3332 : vector<16xf32>
      %broadcast_in_dim3A_3334 = arith.constant 4 : i32
      %broadcast_in_dim3A_3335 = vector.broadcast %broadcast_in_dim3A_3334 : i32 to vector<16xi32>
      %gather3A_3336 = tpu.vector_load_idx %arg14[%add3A_3289, %broadcast_in_dim3A_3335, %get3A_3285] : memref<32x16x128xf32, #tpu.memory_space<vmem>>[vector<16xi32>, vector<16xi32>, vector<16xi32>], vector<16xf32>,
      %mul3A_3337 = arith.constant 16 : i32
      %mul3A_3338 = arith.muli %scan3A_3268, %mul3A_3337 : i32
      %add3A_3339 = arith.constant 2048 : i32
      %add3A_3340 = arith.addi %add3A_3339, %mul3A_3338 : i32
      %get3A_3341 = arith.index_cast %add3A_3340 : i32 to index
      %get3A_3342 = tpu.vector_load %arg15[%get3A_3341] {strides = array<i32>} : memref<8192xf32, #tpu.memory_space<vmem>>, vector<16xf32>,
      %mul3A_3343 = arith.mulf %get3A_3342, %gather3A_3336 : vector<16xf32>
      %add3A_3344 = arith.addf %add3A_3333, %mul3A_3343 : vector<16xf32>
      %broadcast_in_dim3A_3345 = arith.constant 5 : i32
      %broadcast_in_dim3A_3346 = vector.broadcast %broadcast_in_dim3A_3345 : i32 to vector<16xi32>
      %gather3A_3347 = tpu.vector_load_idx %arg14[%add3A_3289, %broadcast_in_dim3A_3346, %get3A_3285] : memref<32x16x128xf32, #tpu.memory_space<vmem>>[vector<16xi32>, vector<16xi32>, vector<16xi32>], vector<16xf32>,
      %mul3A_3348 = arith.constant 16 : i32
      %mul3A_3349 = arith.muli %scan3A_3268, %mul3A_3348 : i32
      %add3A_3350 = arith.constant 2560 : i32
      %add3A_3351 = arith.addi %add3A_3350, %mul3A_3349 : i32
      %get3A_3352 = arith.index_cast %add3A_3351 : i32 to index
      %get3A_3353 = tpu.vector_load %arg15[%get3A_3352] {strides = array<i32>} : memref<8192xf32, #tpu.memory_space<vmem>>, vector<16xf32>,
      %mul3A_3354 = arith.mulf %get3A_3353, %gather3A_3347 : vector<16xf32>
      %add3A_3355 = arith.addf %add3A_3344, %mul3A_3354 : vector<16xf32>
      %broadcast_in_dim3A_3356 = arith.constant 6 : i32
      %broadcast_in_dim3A_3357 = vector.broadcast %broadcast_in_dim3A_3356 : i32 to vector<16xi32>
      %gather3A_3358 = tpu.vector_load_idx %arg14[%add3A_3289, %broadcast_in_dim3A_3357, %get3A_3285] : memref<32x16x128xf32, #tpu.memory_space<vmem>>[vector<16xi32>, vector<16xi32>, vector<16xi32>], vector<16xf32>,
      %mul3A_3359 = arith.constant 16 : i32
      %mul3A_3360 = arith.muli %scan3A_3268, %mul3A_3359 : i32
      %add3A_3361 = arith.constant 3072 : i32
      %add3A_3362 = arith.addi %add3A_3361, %mul3A_3360 : i32
      %get3A_3363 = arith.index_cast %add3A_3362 : i32 to index
      %get3A_3364 = tpu.vector_load %arg15[%get3A_3363] {strides = array<i32>} : memref<8192xf32, #tpu.memory_space<vmem>>, vector<16xf32>,
      %mul3A_3365 = arith.mulf %get3A_3364, %gather3A_3358 : vector<16xf32>
      %add3A_3366 = arith.addf %add3A_3355, %mul3A_3365 : vector<16xf32>
      %broadcast_in_dim3A_3367 = arith.constant 7 : i32
      %broadcast_in_dim3A_3368 = vector.broadcast %broadcast_in_dim3A_3367 : i32 to vector<16xi32>
      %gather3A_3369 = tpu.vector_load_idx %arg14[%add3A_3289, %broadcast_in_dim3A_3368, %get3A_3285] : memref<32x16x128xf32, #tpu.memory_space<vmem>>[vector<16xi32>, vector<16xi32>, vector<16xi32>], vector<16xf32>,
      %mul3A_3370 = arith.constant 16 : i32
      %mul3A_3371 = arith.muli %scan3A_3268, %mul3A_3370 : i32
      %add3A_3372 = arith.constant 3584 : i32
      %add3A_3373 = arith.addi %add3A_3372, %mul3A_3371 : i32
      %get3A_3374 = arith.index_cast %add3A_3373 : i32 to index
      %get3A_3375 = tpu.vector_load %arg15[%get3A_3374] {strides = array<i32>} : memref<8192xf32, #tpu.memory_space<vmem>>, vector<16xf32>,
      %mul3A_3376 = arith.mulf %get3A_3375, %gather3A_3369 : vector<16xf32>
      %add3A_3377 = arith.addf %add3A_3366, %mul3A_3376 : vector<16xf32>
      %broadcast_in_dim3A_3378 = arith.constant 8 : i32
      %broadcast_in_dim3A_3379 = vector.broadcast %broadcast_in_dim3A_3378 : i32 to vector<16xi32>
      %gather3A_3380 = tpu.vector_load_idx %arg14[%add3A_3289, %broadcast_in_dim3A_3379, %get3A_3285] : memref<32x16x128xf32, #tpu.memory_space<vmem>>[vector<16xi32>, vector<16xi32>, vector<16xi32>], vector<16xf32>,
      %mul3A_3381 = arith.constant 16 : i32
      %mul3A_3382 = arith.muli %scan3A_3268, %mul3A_3381 : i32
      %add3A_3383 = arith.constant 4096 : i32
      %add3A_3384 = arith.addi %add3A_3383, %mul3A_3382 : i32
      %get3A_3385 = arith.index_cast %add3A_3384 : i32 to index
      %get3A_3386 = tpu.vector_load %arg15[%get3A_3385] {strides = array<i32>} : memref<8192xf32, #tpu.memory_space<vmem>>, vector<16xf32>,
      %mul3A_3387 = arith.mulf %get3A_3386, %gather3A_3380 : vector<16xf32>
      %add3A_3388 = arith.addf %add3A_3377, %mul3A_3387 : vector<16xf32>
      %broadcast_in_dim3A_3389 = arith.constant 9 : i32
      %broadcast_in_dim3A_3390 = vector.broadcast %broadcast_in_dim3A_3389 : i32 to vector<16xi32>
      %gather3A_3391 = tpu.vector_load_idx %arg14[%add3A_3289, %broadcast_in_dim3A_3390, %get3A_3285] : memref<32x16x128xf32, #tpu.memory_space<vmem>>[vector<16xi32>, vector<16xi32>, vector<16xi32>], vector<16xf32>,
      %mul3A_3392 = arith.constant 16 : i32
      %mul3A_3393 = arith.muli %scan3A_3268, %mul3A_3392 : i32
      %add3A_3394 = arith.constant 4608 : i32
      %add3A_3395 = arith.addi %add3A_3394, %mul3A_3393 : i32
      %get3A_3396 = arith.index_cast %add3A_3395 : i32 to index
      %get3A_3397 = tpu.vector_load %arg15[%get3A_3396] {strides = array<i32>} : memref<8192xf32, #tpu.memory_space<vmem>>, vector<16xf32>,
      %mul3A_3398 = arith.mulf %get3A_3397, %gather3A_3391 : vector<16xf32>
      %add3A_3399 = arith.addf %add3A_3388, %mul3A_3398 : vector<16xf32>
      %broadcast_in_dim3A_3400 = arith.constant 10 : i32
      %broadcast_in_dim3A_3401 = vector.broadcast %broadcast_in_dim3A_3400 : i32 to vector<16xi32>
      %gather3A_3402 = tpu.vector_load_idx %arg14[%add3A_3289, %broadcast_in_dim3A_3401, %get3A_3285] : memref<32x16x128xf32, #tpu.memory_space<vmem>>[vector<16xi32>, vector<16xi32>, vector<16xi32>], vector<16xf32>,
      %mul3A_3403 = arith.constant 16 : i32
      %mul3A_3404 = arith.muli %scan3A_3268, %mul3A_3403 : i32
      %add3A_3405 = arith.constant 5120 : i32
      %add3A_3406 = arith.addi %add3A_3405, %mul3A_3404 : i32
      %get3A_3407 = arith.index_cast %add3A_3406 : i32 to index
      %get3A_3408 = tpu.vector_load %arg15[%get3A_3407] {strides = array<i32>} : memref<8192xf32, #tpu.memory_space<vmem>>, vector<16xf32>,
      %mul3A_3409 = arith.mulf %get3A_3408, %gather3A_3402 : vector<16xf32>
      %add3A_3410 = arith.addf %add3A_3399, %mul3A_3409 : vector<16xf32>
      %broadcast_in_dim3A_3411 = arith.constant 11 : i32
      %broadcast_in_dim3A_3412 = vector.broadcast %broadcast_in_dim3A_3411 : i32 to vector<16xi32>
      %gather3A_3413 = tpu.vector_load_idx %arg14[%add3A_3289, %broadcast_in_dim3A_3412, %get3A_3285] : memref<32x16x128xf32, #tpu.memory_space<vmem>>[vector<16xi32>, vector<16xi32>, vector<16xi32>], vector<16xf32>,
      %mul3A_3414 = arith.constant 16 : i32
      %mul3A_3415 = arith.muli %scan3A_3268, %mul3A_3414 : i32
      %add3A_3416 = arith.constant 5632 : i32
      %add3A_3417 = arith.addi %add3A_3416, %mul3A_3415 : i32
      %get3A_3418 = arith.index_cast %add3A_3417 : i32 to index
      %get3A_3419 = tpu.vector_load %arg15[%get3A_3418] {strides = array<i32>} : memref<8192xf32, #tpu.memory_space<vmem>>, vector<16xf32>,
      %mul3A_3420 = arith.mulf %get3A_3419, %gather3A_3413 : vector<16xf32>
      %add3A_3421 = arith.addf %add3A_3410, %mul3A_3420 : vector<16xf32>
      %broadcast_in_dim3A_3422 = arith.constant 12 : i32
      %broadcast_in_dim3A_3423 = vector.broadcast %broadcast_in_dim3A_3422 : i32 to vector<16xi32>
      %gather3A_3424 = tpu.vector_load_idx %arg14[%add3A_3289, %broadcast_in_dim3A_3423, %get3A_3285] : memref<32x16x128xf32, #tpu.memory_space<vmem>>[vector<16xi32>, vector<16xi32>, vector<16xi32>], vector<16xf32>,
      %mul3A_3425 = arith.constant 16 : i32
      %mul3A_3426 = arith.muli %scan3A_3268, %mul3A_3425 : i32
      %add3A_3427 = arith.constant 6144 : i32
      %add3A_3428 = arith.addi %add3A_3427, %mul3A_3426 : i32
      %get3A_3429 = arith.index_cast %add3A_3428 : i32 to index
      %get3A_3430 = tpu.vector_load %arg15[%get3A_3429] {strides = array<i32>} : memref<8192xf32, #tpu.memory_space<vmem>>, vector<16xf32>,
      %mul3A_3431 = arith.mulf %get3A_3430, %gather3A_3424 : vector<16xf32>
      %add3A_3432 = arith.addf %add3A_3421, %mul3A_3431 : vector<16xf32>
      %broadcast_in_dim3A_3433 = arith.constant 13 : i32
      %broadcast_in_dim3A_3434 = vector.broadcast %broadcast_in_dim3A_3433 : i32 to vector<16xi32>
      %gather3A_3435 = tpu.vector_load_idx %arg14[%add3A_3289, %broadcast_in_dim3A_3434, %get3A_3285] : memref<32x16x128xf32, #tpu.memory_space<vmem>>[vector<16xi32>, vector<16xi32>, vector<16xi32>], vector<16xf32>,
      %mul3A_3436 = arith.constant 16 : i32
      %mul3A_3437 = arith.muli %scan3A_3268, %mul3A_3436 : i32
      %add3A_3438 = arith.constant 6656 : i32
      %add3A_3439 = arith.addi %add3A_3438, %mul3A_3437 : i32
      %get3A_3440 = arith.index_cast %add3A_3439 : i32 to index
      %get3A_3441 = tpu.vector_load %arg15[%get3A_3440] {strides = array<i32>} : memref<8192xf32, #tpu.memory_space<vmem>>, vector<16xf32>,
      %mul3A_3442 = arith.mulf %get3A_3441, %gather3A_3435 : vector<16xf32>
      %add3A_3443 = arith.addf %add3A_3432, %mul3A_3442 : vector<16xf32>
      %broadcast_in_dim3A_3444 = arith.constant 14 : i32
      %broadcast_in_dim3A_3445 = vector.broadcast %broadcast_in_dim3A_3444 : i32 to vector<16xi32>
      %gather3A_3446 = tpu.vector_load_idx %arg14[%add3A_3289, %broadcast_in_dim3A_3445, %get3A_3285] : memref<32x16x128xf32, #tpu.memory_space<vmem>>[vector<16xi32>, vector<16xi32>, vector<16xi32>], vector<16xf32>,
      %mul3A_3447 = arith.constant 16 : i32
      %mul3A_3448 = arith.muli %scan3A_3268, %mul3A_3447 : i32
      %add3A_3449 = arith.constant 7168 : i32
      %add3A_3450 = arith.addi %add3A_3449, %mul3A_3448 : i32
      %get3A_3451 = arith.index_cast %add3A_3450 : i32 to index
      %get3A_3452 = tpu.vector_load %arg15[%get3A_3451] {strides = array<i32>} : memref<8192xf32, #tpu.memory_space<vmem>>, vector<16xf32>,
      %mul3A_3453 = arith.mulf %get3A_3452, %gather3A_3446 : vector<16xf32>
      %add3A_3454 = arith.addf %add3A_3443, %mul3A_3453 : vector<16xf32>
      %broadcast_in_dim3A_3455 = arith.constant 15 : i32
      %broadcast_in_dim3A_3456 = vector.broadcast %broadcast_in_dim3A_3455 : i32 to vector<16xi32>
      %gather3A_3457 = tpu.vector_load_idx %arg14[%add3A_3289, %broadcast_in_dim3A_3456, %get3A_3285] : memref<32x16x128xf32, #tpu.memory_space<vmem>>[vector<16xi32>, vector<16xi32>, vector<16xi32>], vector<16xf32>,
      %mul3A_3458 = arith.constant 16 : i32
      %mul3A_3459 = arith.muli %scan3A_3268, %mul3A_3458 : i32
      %add3A_3460 = arith.constant 7680 : i32
      %add3A_3461 = arith.addi %add3A_3460, %mul3A_3459 : i32
      %get3A_3462 = arith.index_cast %add3A_3461 : i32 to index
      %get3A_3463 = tpu.vector_load %arg15[%get3A_3462] {strides = array<i32>} : memref<8192xf32, #tpu.memory_space<vmem>>, vector<16xf32>,
      %mul3A_3464 = arith.mulf %get3A_3463, %gather3A_3457 : vector<16xf32>
      %add3A_3465 = arith.addf %add3A_3454, %mul3A_3464 : vector<16xf32>
      %mul3A_3466 = arith.constant 16 : i32
      %mul3A_3467 = arith.muli %scan3A_3268, %mul3A_3466 : i32
      %swap3A_3468 = arith.index_cast %mul3A_3467 : i32 to index
      %swap3A_3469 = tpu.vector_load %arg16[%swap3A_3468] {strides = array<i32>} : memref<512xf32, #tpu.memory_space<vmem>>, vector<16xf32>,
      tpu.vector_store %arg16[%swap3A_3468], %add3A_3465 {strides = array<i32>} : memref<512xf32, #tpu.memory_space<vmem>>, vector<16xf32>,
    }
    %scan3A_3267 = arith.constant 32 : i32
    "tpu.region"() ({
      %run_scoped3A = tpu.sem_alloc : memref<!tpu.dma_semaphore, #tpu.memory_space<semaphore_mem>>
      %dma_start3A_3268 = tpu.memref_slice %arg7[%mul3A_2] : memref<16384xf32, #tpu.memory_space<hbm>> -> memref<512xf32, #tpu.memory_space<hbm>>
      %dma_start3A_3269 = tpu.memref_slice %arg7[%mul3A_2] : memref<16384xf32, #tpu.memory_space<hbm>> -> memref<512xf32, #tpu.memory_space<hbm>>
      tpu.enqueue_dma source(%arg16 : memref<512xf32, #tpu.memory_space<vmem>>) target(%dma_start3A_3269 : memref<512xf32, #tpu.memory_space<hbm>>) target_semaphore(%run_scoped3A : memref<!tpu.dma_semaphore, #tpu.memory_space<semaphore_mem>>)
      %dma_wait3A = tpu.memref_slice %arg7[%mul3A_2] : memref<16384xf32, #tpu.memory_space<hbm>> -> memref<512xf32, #tpu.memory_space<hbm>>
      %dma_wait3A_3270 = tpu.memref_slice %arg7[%mul3A_2] : memref<16384xf32, #tpu.memory_space<hbm>> -> memref<512xf32, #tpu.memory_space<hbm>>
      tpu.wait_dma2 semaphore(%run_scoped3A : memref<!tpu.dma_semaphore, #tpu.memory_space<semaphore_mem>>) src(%arg16 : memref<512xf32, #tpu.memory_space<vmem>>) dst(%dma_wait3A_3270 : memref<512xf32, #tpu.memory_space<hbm>>)
      tpu.yield
    }) : () -> ()
    return
  }
}

</mosaic_0001>

<sc_bundles>
// kernel: kernel.3.cloned.1.call-start
scs
__scs_entry_jumppad:
0x0: {  	(pc) =	sbr.rel $0x88, $3  }
0x1: {  	(tag) =	ssettag $0x0;
	lr =	simm.s32 $0x1  }
0x2: {  	[smem:$0x3F9E] =	sst lr;
	_ =	strace $0xD0000000  }
0x3: {  	_ = 	snop  }
0x4: {  	_ = 	snop  }
0x5: {  	_ = 	snop  }
0x6: {  	_ = 	snop  }
0x7: {  	_ = 	snop  }
__scs_overlays_trampoline_lowered:
0x8: {  	[smem:$0x3FAD] =	sst s0  }
0x9: {  	[smem:$0x3FAE] =	sst s1  }
0xa: {  	[smem:$0x3FAF] =	sst s2  }
0xb: {  	[smem:$0x3FB0] =	sst s3  }
0xc: {  	[smem:$0x3FB1] =	sst s4  }
0xd: {  	[smem:$0x3FB2] =	sst s5  }
0xe: {  	[smem:$0x3FB3] =	sst s6  }
0xf: {  	[smem:$0x3FB4] =	sst s7  }
0x10: {  	[smem:$0x3FB5] =	sst s8  }
0x11: {  	[smem:$0x3FB6] =	sst s9;
	s0 =	simm.s32 @!p0 $0x0  }
0x12: {  	s1 =	sld [smem:$0x3F9C];
	s0 =	simm.s32 @p0 $0x1  }
0x13: {  	[smem:$0x3FB7] =	sst s0;
	s0 =	simm.s32 @!p1 $0x0  }
0x14: {  	s2 =	sld [smem:$0x3F9B];
	s0 =	simm.s32 @p1 $0x1  }
0x15: {  	[smem:$0x3FB8] =	sst s0;
	s0 =	simm.s32 @!p2 $0x0  }
0x16: {  	s3 =	sld [smem:$0x3FDB];
	s0 =	simm.s32 @p2 $0x1  }
0x17: {  	s4 =	simm.s32 $0x1BF5;
	[smem:$0x3FBA] =	sst s0  }
0x18: {  	s0 =	sld [smem:$0x3F9D];
	_ =	swait.ge [sflag:s4], $0x0  }
0x19: {  	s7 =	sld [smem:$0x3F9E]  }
0x1a: {  	s8 =	sadd.s32 $0xFFFFE003, lr  }
0x1b: {  	s9 =	sadd.s32 $0xFFFFFEF7, lr;
	s5 =	simm.s32 $0xFFFFFFFF;
	p2 =	slt.u32 s8, $0xFFFFF086  }
0x1c: {  	p1 =	slt.u32 s9, $0xF7A;
	s5 =	simm.s32 @!p2 $0x0  }
0x1d: {  	s5 =	simm.s32 @p1 $0x1;
	p0 =	seq.s32 s7, s2  }
0x1e: {  	s7 =	smul.u32 @!p0 $0xF7A, s2;
	p2 =	seq.s32 @!p0 s5, $0x0  }
0x1f: {  	s9 =	smul.u32 $0xF7A, s1;
	s8 =	simm.s32 @!p0 $0x1BF5;
	p2 =	por !p2, p0  }
0x20: {  	[sflag:s8] =	ssyncset.s32 @!p0 $0xFFFFF086;
	s6 =	sadd.s32 @!p0 s3, s7;
	s7 =	simm.s32 @!p0 $0x108  }
0x21: {  	s3 =	sadd.s32 s3, s9;
	s6 =	sadd.s32 @!p0 $0x88, s6;
	s7 =	simm.s32 @p2 $0x1082  }
0x22: {  	[simem:s7], [sflag:s8] =	dma.local @!p0 [hbm:s6], $0xF7A  }
0x23: {  	s9 =	sor.u32 $0xD0000000, s2;
	s6 =	simm.s32 $0x108;
	_ =	swait.ge @!p0 [sflag:s8], $0x0  }
0x24: {  	s3 =	sadd.s32 $0x88, s3;
	s6 =	simm.s32 @!p1 $0x1082;
	[sflag:s4] =	ssyncset.s32 $0xFFFFF086  }
0x25: {  	[simem:s6], [sflag:s4] =	dma.local [hbm:s3], $0xF7A  }
0x26: {  	[smem:$0x3F9E] =	sst s1;
	(tag) =	ssettag s2;
	_ =	strace s9  }
0x27: {  	s1 =	sld [smem:$0x3FAE]  }
0x28: {  	s2 =	sld [smem:$0x3FAF]  }
0x29: {  	s4 =	sld [smem:$0x3FB1]  }
0x2a: {  	p0 =	seq.s32 s5, $0x0;
	s5 =	sld [smem:$0x3FB2]  }
0x2b: {  	s6 =	sld [smem:$0x3FB3]  }
0x2c: {  	s7 =	sld [smem:$0x3FB4]  }
0x2d: {  	s3 =	simm.s32 $0x108;
	s8 =	sld [smem:$0x3FB5]  }
0x2e: {  	s3 =	simm.s32 @!p0 $0x1082;
	s9 =	sld [smem:$0x3FB6]  }
0x2f: {  	lr =	sadd.s32 s0, s3;
	s0 =	sld [smem:$0x3FAD]  }
0x30: {  	s3 =	sld [smem:$0x3FB0]  }
0x31: {  	[smem:$0x3FB9] =	sst s10  }
0x32: {  	s10 =	sld [smem:$0x3FB7];
	_ =	sdelay $0x3  }
0x33: {  	p0 =	seq.s32 s10, $0x1;
	s10 =	sld [smem:$0x3FB9];
	_ =	sdelay $0x3  }
0x34: {  	[smem:$0x3FB9] =	sst s10  }
0x35: {  	s10 =	sld [smem:$0x3FB8];
	_ =	sdelay $0x3  }
0x36: {  	p1 =	seq.s32 s10, $0x1;
	s10 =	sld [smem:$0x3FB9];
	_ =	sdelay $0x3  }
0x37: {  	[smem:$0x3FB9] =	sst s10  }
0x38: {  	s10 =	sld [smem:$0x3FBA]  }
0x39: {  	_ = 	snop;
	(pc) =	sbr.ind lr, $3  }
0x3a: {  	_ = 	snop  }
0x3b: {  	_ = 	snop  }
0x3c: {  	p2 =	seq.s32 s10, $0x1;
	s10 =	sld [smem:$0x3FB9]  }
0x3d: {  	_ =	shalt  }
0x3e: {  	_ =	shalt  }
0x3f: {  	_ =	shalt  }
0x40: {  	_ =	shalt  }
0x41: {  	_ =	shalt  }
0x42: {  	_ =	shalt  }
0x43: {  	_ =	shalt  }
0x44: {  	_ =	shalt  }
0x45: {  	_ =	shalt  }
0x46: {  	_ =	shalt  }
0x47: {  	_ =	shalt  }
0x48: {  	_ =	shalt  }
0x49: {  	_ =	shalt  }
0x4a: {  	_ =	shalt  }
0x4b: {  	_ =	shalt  }
0x4c: {  	_ =	shalt  }
0x4d: {  	_ =	shalt  }
0x4e: {  	_ =	shalt  }
0x4f: {  	_ =	shalt  }
0x50: {  	_ =	shalt  }
0x51: {  	_ =	shalt  }
0x52: {  	_ =	shalt  }
0x53: {  	_ =	shalt  }
0x54: {  	_ =	shalt  }
0x55: {  	_ =	shalt  }
0x56: {  	_ =	shalt  }
0x57: {  	_ =	shalt  }
0x58: {  	_ =	shalt  }
0x59: {  	_ =	shalt  }
0x5a: {  	_ =	shalt  }
0x5b: {  	_ =	shalt  }
0x5c: {  	_ =	shalt  }
0x5d: {  	_ =	shalt  }
0x5e: {  	_ =	shalt  }
0x5f: {  	_ =	shalt  }
0x60: {  	_ =	shalt  }
0x61: {  	_ =	shalt  }
0x62: {  	_ =	shalt  }
0x63: {  	_ =	shalt  }
0x64: {  	_ =	shalt  }
0x65: {  	_ =	shalt  }
0x66: {  	_ =	shalt  }
0x67: {  	_ =	shalt  }
0x68: {  	_ =	shalt  }
0x69: {  	_ =	shalt  }
0x6a: {  	_ =	shalt  }
0x6b: {  	_ =	shalt  }
0x6c: {  	_ =	shalt  }
0x6d: {  	_ =	shalt  }
0x6e: {  	_ =	shalt  }
0x6f: {  	_ =	shalt  }
0x70: {  	_ =	shalt  }
0x71: {  	_ =	shalt  }
0x72: {  	_ =	shalt  }
0x73: {  	_ =	shalt  }
0x74: {  	_ =	shalt  }
0x75: {  	_ =	shalt  }
0x76: {  	_ =	shalt  }
0x77: {  	_ =	shalt  }
0x78: {  	_ =	shalt  }
0x79: {  	_ =	shalt  }
0x7a: {  	_ =	shalt  }
0x7b: {  	_ =	shalt  }
0x7c: {  	_ =	shalt  }
0x7d: {  	_ =	shalt  }
0x7e: {  	_ =	shalt  }
0x7f: {  	_ =	shalt  }
0x80: {  	_ =	shalt  }
0x81: {  	_ =	shalt  }
0x82: {  	_ =	shalt  }
0x83: {  	_ =	shalt  }
0x84: {  	_ =	shalt  }
0x85: {  	_ =	shalt  }
0x86: {  	_ =	shalt  }
0x87: {  	_ =	shalt  }
.Lfunc_end0:
.L_simem_size_0:
called_computation_lowered:
.L_overlay_start_0:
0x88: {  	s2 =	sld [smem:$0x3FD9]  }
0x89: {  	s3 =	sld [smem:$0x3FFE];
	_ =	sdelay $0x1  }
0x8a: {  	s1 =	srdreg.scid  }
0x8b: {  	s0 =	sand.u32 $0x1, s1  }
0x8c: {  	s17 =	sshll.u32 s0, $0xA;
	s2 =	sadd.s32 s3, s2  }
0x8d: {  	s2 =	sadd.s32 s2, s17  }
0x8e: {  	[smem:$0x3FC5] =	sst s2  }
0x8f: {  	_ = 	snop  }
0x90: {  	s2 =	sld [smem:$0x3FC8]  }
0x91: {  	s18 =	sld [smem:$0x3FC7]  }
0x92: {  	s4 =	sld [smem:$0x3FD0];
	(tm) =	ssettm $0x1  }
0x93: {  	s5 =	sld [smem:$0x3FFB];
	_ =	sdelay $0x3  }
0x94: {  	_ =	strace s5  }
0x95: {  	s5 =	sld [smem:$0x3FFC];
	_ =	sdelay $0x3  }
0x96: {  	_ =	strace s5  }
0x97: {  	s5 =	sld [smem:$0x3FFD];
	_ =	sdelay $0x3  }
0x98: {  	_ =	strace s5  }
0x99: {  	_ =	strace $0x8FFFFFFF  }
0x9a: {  	s19 =	sld [smem:$0x3FDB];
	_ =	sdelay $0x1  }
0x9b: {  	s6 =	simm.s32 $_scs_section_size  }
0x9c: {  	s7 =	simm.s32 $_size__tile_overlayer_lowered;
	s8 =	simm.s32 $_tile_overlayer_lowered  }
0x9d: {  	s22 =	simm.s32 $0x1BFF;
	s21 =	sshll.u32 s8, $0x1;
	s5 =	sadd.s32 s6, s19  }
0x9e: {  	s9 =	simm.s32 $0x0;
	s20 =	sshll.u32 s7, $0x1;
	s7 =	sadd.s32 s21, s5  }
0x9f: {  	[timem:s9], [sflag:s22] =	dma.local [hbm:s7], s20  }
0xa0: {  	_ =	swait.ge [sflag:s22], s20  }
0xa1: {  	s6 =	ssub.s32 $0x0, s20;
	[sflag:s22] =	ssyncset.done $0x0  }
0xa2: {  	[sflag:s22] =	ssyncadd.s32 s6;
	_ =	sdelay $0x1  }
0xa3: {  	s23 =	simm.s32 $0x1B8B  }
0xa4: {  	_ =	swait.ge [sflag:s23], $0x1  }
0xa5: {  	[sflag:s23] =	ssyncset.done $0x0  }
0xa6: {  	s25 =	simm.s32 $0x1B8E;
	s24 =	sld [smem:$0x3FFE];
	[sflag:s23] =	ssyncadd.s32 $0xFFFFFFFF  }
0xa7: {  	s26 =	simm.s32 $execute0_lowered;
	[smem:$0x3FD2] =	sst s25  }
0xa8: {  	s7 =	sshll.u32 s26, $0x1;
	_ =	strace $0x80000046;
	[dreg:$0x1] =	wrdreg $0xFFFFFFFF  }
0xa9: {  	s28 =	simm.s32 $_size_execute0_lowered;
	s5 =	sadd.s32 s5, s7;
	[dreg:$0x0] =	wrdreg $0x0  }
0xaa: {  	s7 =	sshll.u32 s28, $0x1;
	[dreg:$0x2] =	wrdreg s5  }
0xab: {  	[dreg:$0x3] =	wrdreg s7  }
0xac: {  	[dreg:$0x4] =	wrdreg $0xC0  }
0xad: {  	_ =	task [dreg:s9], $0x5FFFF  }
0xae: {  	[dreg:$0x1] =	wrdreg $0xFFFFFFFF  }
0xaf: {  	[dreg:$0x0] =	wrdreg $0x60  }
0xb0: {  	[dreg:$0x2] =	wrdreg s2  }
0xb1: {  	[dreg:$0x3] =	wrdreg s18  }
0xb2: {  	[dreg:$0x4] =	wrdreg s24  }
0xb3: {  	[dreg:$0x5] =	wrdreg s4  }
0xb4: {  	[dreg:$0x6] =	wrdreg $0x9  }
0xb5: {  	_ =	task.clear_ibuf [dreg:s9], $0x7FFFF;
	_ =	strace $0x90000046  }
0xb6: {  	s29 =	simm.s32 $0x9;
	_ =	strace $0x80000048  }
0xb7: {  	_ =	swait.ge [sflag:s29], $0x1  }
0xb8: {  	[sflag:s29] =	ssyncadd.s32 $0xFFFFFFFF  }
0xb9: {  	_ =	strace $0x90000048  }
0xba: {  	_ =	sfence  }
0xbb: {  	s30 =	sld [smem:$0x0];
	_ =	sdelay $0x2  }
0xbc: {  	s31 =	sshll.u32 s1, $0xD;
	s1 =	sshrl.u32 s1, $0x2  }
0xbd: {  	s3 =	sand.u32 $0x4000, s31;
	s1 =	sadd.s32 s1, s30  }
0xbe: {  	s0 =	sor.u32 s3, s0;
	s1 =	sshll.u32 s1, $0x11  }
0xbf: {  	s0 =	sor.u32 s1, s0  }
0xc0: {  	s0 =	sadd.s32 $0x8F2B, s0  }
0xc1: {  	[sflag:s0] =	ssyncadd.remote.s32 $0x1  }
0xc2: {  	_ =	sfence.sel $0xFFFF  }
0xc3: {  	[dreg:$0x0] =	wrdreg $0xFFFFFFFF;
	(pc) =	sbr.abs _section_cstart, $3  }
0xc4: {  	[dreg:$0x1] =	wrdreg $0xFFFFFFFF  }
0xc5: {  	_ =	task.clear_ibuf [dreg:s9], $0x2FFFF;
	_ =	strace $0x9FFFFFFF  }
0xc6: {  	(tm) =	ssettm $0x7FFFFFFF  }
0xc7: {  	_ =	shalt  }
tec
execute0_lowered:
.L_overlay_start_1:
0x0: {  	(tag) =	ssettag $0x1  }
0x1: {  	s1 =	rddreg [dreg:$0x0]  }
0x2: {  	s2 =	rddreg [dreg:$0x1]  }
0x3: {  	s0 =	rddreg [dreg:$0x2]  }
0x4: {  	s3 =	rddreg [dreg:$0x3];
	s5 =	srdreg.scid;
	s4 =	simm.s32 $0x0  }
0x5: {  	s6 =	stileid.u32;
	s9 =	simm.s32 $0x2;
	s11 =	simm.s32 $0x400  }
0x6: {  	s12 =	simm.s32 $0x7A1400;
	s13 =	simm.s32 $0xC00;
	s18 =	simm.s32 $0x3400  }
0x7: {  	s19 =	simm.s32 $0x3C00;
	s20 =	simm.s32 $0x4400;
	s21 =	simm.s32 $0x4C00  }
0x8: {  	s22 =	simm.s32 $0x5400;
	s23 =	simm.s32 $0x5C00;
	s24 =	simm.s32 $0x6400  }
0x9: {  	s25 =	simm.s32 $0x6C00;
	s26 =	simm.s32 $0x7400;
	s28 =	simm.s32 $0x7C00  }
0xa: {  	s29 =	simm.s32 $0x8400;
	s30 =	simm.s32 $0x1;
	s5 =	sand.u32 $0x1, s5  }
.Ltmp0:
0xb: {  	s6 =	sshll.u32 s6, $0x7;
	s7 =	sshll.u32 s5, $0x6;
	(pc) =	sbr.rel .LBB2_1-.Ltmp0, $4  }
0xc: {  	[smem:$0x7FF] =	sst s4;
	s5 =	ssub.s32 $0x2, s5;
	s7 =	sor.u32 s7, s6  }
0xd: {  	_ =	strace $0x80000047;
	s31 =	sshrl.u32 s5, $0x1;
	s0 =	sadd.s32 s7, s0  }
0xe: {  	v1 =	vlaneseq.u32;
	s8 =	ssub.s32 s5, s31;
	s7 =	sadd.s32 s3, s7;
	s5 =	sadd.s32 $0xE00, s0  }
0xf: {  	v57 =	vimm.s32 $0x0;
	v1 =	vmul.u32 $0x800, v1;
	s6 =	sadd.s32 $0x600, s0;
	s8 =	smax.u32 s8, $0x1;
	s0 =	simm.s32 $0x0  }
.LBB2_9:
0x10: {  	s0 =	sadd.s32 $0x1, s0  }
0x11: {  	p0 =	sne.s32 s0, s8  }
.Ltmp1:
0x12: {  	s3 =	simm.s32 $0x12C00;
	(pc) =	sbr.rel @!p0 .LBB2_10-.Ltmp1, $4  }
0x13: {  	[hbm4b:s7+s4] =	stream.linear.scatter [tilespmem:s3], [sflag:$0x2], $0x200, $0x38;
	[tilespmem:$0x12E00] =	vst v63  }
0x14: {  	_ =	swait.ge [sflag:s9], $0x200  }
0x15: {  	[sflag:s9] =	ssyncset.done $0x0  }
0x16: {  	[sflag:s9] =	ssyncadd.s32 $0xFFFFFE00  }
.LBB2_1:
0x17: {  	[tilespmem:s4], [sflag:$0x2] =	stream.linear.gather [hbm4b:s5+s4], $0x200, $0x38;
	[tilespmem:$0x12E00] =	vst v63  }
0x18: {  	_ =	swait.ge [sflag:s9], $0x200  }
0x19: {  	[sflag:s9] =	ssyncset.done $0x0  }
0x1a: {  	s3 =	simm.s32 $0x200;
	[sflag:s9] =	ssyncadd.s32 $0xFFFFFE00  }
0x1b: {  	[tilespmem:s3], [sflag:$0x2] =	stream.linear.gather [hbm4b:s6+s4], $0x200, $0x38;
	[tilespmem:$0x12E00] =	vst v63  }
0x1c: {  	_ =	swait.ge [sflag:s9], $0x200  }
0x1d: {  	[sflag:s9] =	ssyncset.done $0x0  }
0x1e: {  	[sflag:s9] =	ssyncadd.s32 $0xFFFFFE00  }
0x1f: {  	v2 =	vld [tilespmem:$0x0]  }
0x20: {  	v3 =	vld [tilespmem:$0x200]  }
0x21: {  	v6 =	vld [tilespmem:$0x10]  }
0x22: {  	v10 =	vld [tilespmem:$0x210]  }
0x23: {  	v55 =	vld [tilespmem:$0x20]  }
0x24: {  	v12 =	vld [tilespmem:$0x220]  }
0x25: {  	v60 =	vld [tilespmem:$0x30]  }
0x26: {  	v16 =	vld [tilespmem:$0x40];
	v4 =	vshra.s32 v2, $0x1F;
	vm0 =	vlt.s32 v2, $0x1  }
0x27: {  	v19 =	vld [tilespmem:$0x240];
	v7 =	vshra.s32 v3, $0x1F;
	vm9 =	vlt.s32 v3, $0x1;
	v54 =	vshra.s32 v6, $0x1F  }
0x28: {  	v56 =	vshra.s32 v10, $0x1F;
	vm11 =	vlt.s32 v6, $0x1;
	vm13 =	vlt.s32 v10, $0x1  }
0x29: {  	v13 =	vshra.s32 v55, $0x1F;
	vm15 =	vlt.s32 v55, $0x1;
	v4 =	vshrl.u32 v4, $0x19  }
0x2a: {  	v62 =	vshra.s32 v12, $0x1F;
	vm5 =	vlt.s32 v12, $0x1;
	v4 =	vadd.s32 v4, v2  }
0x2b: {  	vm7 =	vlt.s32 v60, $0x1;
	v22 =	vshra.s32 v16, $0x1F;
	v4 =	vshra.s32 v4, $0x7  }
0x2c: {  	v25 =	vshra.s32 v19, $0x1F;
	v7 =	vshrl.u32 v7, $0x19;
	v5 =	vshll.u32 v4, $0x7  }
0x2d: {  	v7 =	vadd.s32 v7, v3;
	vm1 =	vne.s32 v2, v5;
	v0 =	vsub.s32 v2, v5  }
0x2e: {  	v2 =	vand.u32 $0xFFFFFF80, v7;
	v7 =	vshrl.u32 v7, $0x7;
	vm0 =	vmand vm0, vm1  }
0x2f: {  	v5 =	vshra.s32 v60, $0x1F;
	vm10 =	vne.s32 v3, v2;
	v8 =	vsel vm0, $0xFFFFFFFF, v57  }
0x30: {  	[tilespmem:$0x1FF50] =	vst v0;
	vm0 =	vmand vm9, vm10;
	v0 =	vadd.s32 v8, v4;
	v4 =	vshrl.u32 v54, $0x19  }
0x31: {  	v8 =	vshrl.u32 v5, $0x19;
	[tilespmem:$0x1FF30] =	vst v0;
	v0 =	vsub.s32 v3, v2;
	v2 =	vsel vm0, $0xFFFFFFFF, v57  }
0x32: {  	v4 =	vadd.s32 v4, v6;
	v14 =	vadd.s32 v8, v60;
	[tilespmem:$0x1FF60] =	vst v0;
	v0 =	vadd.s32 v2, v7  }
0x33: {  	v2 =	vand.u32 $0xFFFFFF80, v4;
	v7 =	vshrl.u32 v56, $0x19;
	v11 =	vshrl.u32 v4, $0x7  }
0x34: {  	v9 =	vand.u32 $0xFFFFFF80, v14;
	v14 =	vshrl.u32 v14, $0x7;
	vm12 =	vne.s32 v6, v2  }
0x35: {  	[tilespmem:$0x1FF40] =	vst v0;
	v7 =	vadd.s32 v7, v10;
	v0 =	vsub.s32 v6, v2;
	vm8 =	vne.s32 v60, v9  }
0x36: {  	v24 =	vld [tilespmem:$0x50];
	vm0 =	vmand vm11, vm12;
	v58 =	vand.u32 $0xFFFFFF80, v7;
	v7 =	vshrl.u32 v7, $0x7  }
0x37: {  	v4 =	vld [tilespmem:$0x230];
	vm11 =	vlt.s32 v16, $0x1;
	v2 =	vsel vm0, $0xFFFFFFFF, v57;
	vm14 =	vne.s32 v10, v58  }
0x38: {  	[tilespmem:$0x1FF70] =	vst v0;
	v0 =	vsub.s32 v10, v58;
	v10 =	vshrl.u32 v62, $0x19;
	v15 =	vadd.s32 v2, v11  }
0x39: {  	vm0 =	vmand vm13, vm14;
	v2 =	vshrl.u32 v13, $0x19;
	v10 =	vadd.s32 v10, v12  }
0x3a: {  	v13 =	vshrl.u32 v22, $0x19;
	vm13 =	vlt.s32 v19, $0x1;
	v2 =	vadd.s32 v2, v55  }
0x3b: {  	v22 =	vshra.s32 v24, $0x1F;
	v59 =	vsel vm0, $0xFFFFFFFF, v57;
	v61 =	vand.u32 $0xFFFFFF80, v2  }
0x3c: {  	v18 =	vshra.s32 v4, $0x1F;
	vm9 =	vlt.s32 v4, $0x1;
	vm4 =	vne.s32 v55, v61  }
0x3d: {  	v35 =	vld [tilespmem:$0x260];
	v13 =	vadd.s32 v13, v16;
	v15 =	vshll.u32 v15, $0x7;
	vm0 =	vmand vm15, vm4  }
0x3e: {  	v17 =	vadd.s32 v59, v7;
	v2 =	vshrl.u32 v2, $0x7;
	v63 =	vsel vm0, $0xFFFFFFFF, v57  }
0x3f: {  	[tilespmem:$0x1FF80] =	vst v0;
	v0 =	vsub.s32 v55, v61;
	v21 =	vadd.s32 v63, v2;
	v2 =	vand.u32 $0xFFFFFF80, v10  }
0x40: {  	v17 =	vshll.u32 v17, $0x7;
	vm15 =	vlt.s32 v24, $0x1;
	vm6 =	vne.s32 v12, v2  }
0x41: {  	[tilespmem:$0x1FF90] =	vst v0;
	v10 =	vshrl.u32 v10, $0x7;
	v0 =	vsub.s32 v12, v2;
	vm0 =	vmand vm5, vm6  }
0x42: {  	v12 =	vshrl.u32 v25, $0x19;
	v25 =	vshra.s32 v35, $0x1F;
	v2 =	vsel vm0, $0xFFFFFFFF, v57  }
0x43: {  	v26 =	vadd.s32 v12, v19;
	v27 =	vadd.s32 v2, v10;
	v2 =	vshrl.u32 v18, $0x19  }
0x44: {  	v28 =	vand.u32 $0xFFFFFF80, v26;
	v18 =	vshrl.u32 v26, $0x7;
	v26 =	vld [tilespmem:$0x270];
	v2 =	vadd.s32 v2, v4  }
0x45: {  	[tilespmem:$0x1FFA0] =	vst v0;
	v0 =	vsub.s32 v60, v9;
	vm0 =	vmand vm7, vm8;
	v20 =	vand.u32 $0xFFFFFF80, v2  }
0x46: {  	[tilespmem:$0x1FFB0] =	vst v0;
	v10 =	vsel vm0, $0xFFFFFFFF, v57;
	vm10 =	vne.s32 v4, v20;
	v0 =	vsub.s32 v4, v20;
	v20 =	vld [tilespmem:$0x250]  }
0x47: {  	vm14 =	vne.s32 v19, v28;
	v30 =	vadd.s32 v10, v14;
	vm0 =	vmand vm9, vm10  }
0x48: {  	v2 =	vshrl.u32 v2, $0x7;
	vm9 =	vlt.s32 v35, $0x1;
	v23 =	vsel vm0, $0xFFFFFFFF, v57  }
0x49: {  	v45 =	vshra.s32 v26, $0x1F;
	v33 =	vadd.s32 v23, v2;
	v2 =	vand.u32 $0xFFFFFF80, v13  }
0x4a: {  	[tilespmem:$0x1FFC0] =	vst v0;
	v13 =	vshrl.u32 v13, $0x7;
	v23 =	vld [tilespmem:$0x60];
	vm12 =	vne.s32 v16, v2;
	v0 =	vsub.s32 v16, v2  }
0x4b: {  	v44 =	vld [tilespmem:$0x80];
	vm0 =	vmand vm11, vm12;
	[tilespmem:$0x1FFD0] =	vst v0;
	v0 =	vsub.s32 v19, v28;
	v32 =	vshra.s32 v20, $0x1F  }
0x4c: {  	vm5 =	vlt.s32 v20, $0x1;
	v2 =	vsel vm0, $0xFFFFFFFF, v57;
	vm0 =	vmand vm13, vm14  }
0x4d: {  	v28 =	vld [tilespmem:$0x280];
	v40 =	vadd.s32 v2, v13;
	v2 =	vshrl.u32 v22, $0x19;
	v29 =	vsel vm0, $0xFFFFFFFF, v57  }
0x4e: {  	vm13 =	vlt.s32 v26, $0x1;
	v2 =	vadd.s32 v2, v24;
	v6 =	vadd.s32 v29, v18  }
0x4f: {  	v5 =	vld [tilespmem:$0xB0];
	v18 =	vshrl.u32 v32, $0x19;
	v36 =	vshra.s32 v23, $0x1F;
	vm7 =	vlt.s32 v23, $0x1  }
0x50: {  	v56 =	vld [tilespmem:$0x290];
	v29 =	vshra.s32 v44, $0x1F;
	v31 =	vand.u32 $0xFFFFFF80, v2;
	v2 =	vshrl.u32 v2, $0x7  }
0x51: {  	v32 =	vld [tilespmem:$0xA0];
	v18 =	vadd.s32 v18, v20;
	v16 =	vshrl.u32 v36, $0x19;
	vm4 =	vne.s32 v24, v31  }
0x52: {  	[tilespmem:$0x1FFE0] =	vst v0;
	v0 =	vsub.s32 v24, v31;
	v37 =	vadd.s32 v16, v23;
	v54 =	vshra.s32 v28, $0x1F  }
0x53: {  	v24 =	vld [tilespmem:$0x70];
	vm0 =	vmand vm15, vm4;
	v38 =	vand.u32 $0xFFFFFF80, v37;
	v22 =	vshrl.u32 v37, $0x7  }
0x54: {  	v31 =	vld [tilespmem:$0x90];
	vm15 =	vlt.s32 v44, $0x1;
	v37 =	vshra.s32 v5, $0x1F;
	v34 =	vsel vm0, $0xFFFFFFFF, v57  }
0x55: {  	vm8 =	vne.s32 v23, v38;
	v48 =	vadd.s32 v34, v2;
	v2 =	vand.u32 $0xFFFFFF80, v18  }
0x56: {  	v18 =	vshrl.u32 v18, $0x7;
	v34 =	vshra.s32 v56, $0x1F;
	v63 =	vshra.s32 v32, $0x1F  }
0x57: {  	vm6 =	vne.s32 v20, v2;
	v16 =	vsub.s32 v20, v2;
	v20 =	vshrl.u32 v45, $0x19  }
0x58: {  	vm0 =	vmand vm5, vm6;
	v42 =	vshra.s32 v24, $0x1F;
	vm11 =	vlt.s32 v24, $0x1  }
0x59: {  	v46 =	vadd.s32 v20, v26;
	v58 =	vshra.s32 v31, $0x1F;
	vm5 =	vlt.s32 v28, $0x1  }
0x5a: {  	v2 =	vsel vm0, $0xFFFFFFFF, v57;
	vm0 =	vmand vm7, vm8;
	v47 =	vand.u32 $0xFFFFFF80, v46  }
0x5b: {  	vm7 =	vlt.s32 v31, $0x1;
	v49 =	vadd.s32 v2, v18;
	v2 =	vshrl.u32 v25, $0x19  }
0x5c: {  	v39 =	vsel vm0, $0xFFFFFFFF, v57;
	v18 =	vsub.s32 v23, v38;
	v2 =	vadd.s32 v2, v35  }
0x5d: {  	vm14 =	vne.s32 v26, v47;
	v25 =	vshrl.u32 v46, $0x7;
	v41 =	vand.u32 $0xFFFFFF80, v2  }
0x5e: {  	v50 =	vadd.s32 v39, v22;
	vm10 =	vne.s32 v35, v41;
	v19 =	vsub.s32 v35, v41;
	v35 =	vld [tilespmem:$0x2A0]  }
0x5f: {  	v22 =	vshrl.u32 v42, $0x19;
	v2 =	vshrl.u32 v2, $0x7;
	vm0 =	vmand vm9, vm10  }
0x60: {  	v22 =	vadd.s32 v22, v24;
	vm9 =	vlt.s32 v56, $0x1;
	v43 =	vsel vm0, $0xFFFFFFFF, v57  }
0x61: {  	v51 =	vadd.s32 v43, v2;
	v2 =	vand.u32 $0xFFFFFF80, v22;
	v22 =	vshrl.u32 v22, $0x7  }
0x62: {  	vm12 =	vne.s32 v24, v2;
	v20 =	vsub.s32 v24, v2;
	v24 =	vshrl.u32 v58, $0x19  }
0x63: {  	v38 =	vld [tilespmem:$0xC0];
	vm0 =	vmand vm11, vm12;
	v59 =	vadd.s32 v24, v31;
	v7 =	vshra.s32 v35, $0x1F  }
0x64: {  	vm11 =	vlt.s32 v32, $0x1;
	v2 =	vsel vm0, $0xFFFFFFFF, v57;
	vm0 =	vmand vm13, vm14  }
0x65: {  	v60 =	vand.u32 $0xFFFFFF80, v59;
	vm13 =	vlt.s32 v35, $0x1;
	v14 =	vadd.s32 v2, v22  }
0x66: {  	v36 =	vld [tilespmem:$0x2B0];
	v2 =	vshrl.u32 v29, $0x19;
	v52 =	vsel vm0, $0xFFFFFFFF, v57;
	v22 =	vsub.s32 v26, v47  }
0x67: {  	vm8 =	vne.s32 v31, v60;
	v29 =	vshrl.u32 v59, $0x7;
	v2 =	vadd.s32 v2, v44  }
0x68: {  	v47 =	vshra.s32 v38, $0x1F;
	v13 =	vadd.s32 v52, v25;
	v53 =	vand.u32 $0xFFFFFF80, v2  }
0x69: {  	v25 =	vshrl.u32 v54, $0x19;
	v2 =	vshrl.u32 v2, $0x7;
	vm4 =	vne.s32 v44, v53  }
0x6a: {  	v25 =	vadd.s32 v25, v28;
	v23 =	vsub.s32 v44, v53;
	vm0 =	vmand vm15, vm4  }
0x6b: {  	v44 =	vshra.s32 v36, $0x1F;
	vm15 =	vlt.s32 v5, $0x1;
	v55 =	vsel vm0, $0xFFFFFFFF, v57  }
0x6c: {  	v12 =	vadd.s32 v55, v2;
	v2 =	vand.u32 $0xFFFFFF80, v25;
	v25 =	vshrl.u32 v25, $0x7  }
0x6d: {  	vm6 =	vne.s32 v28, v2;
	v24 =	vsub.s32 v28, v2;
	v28 =	vshrl.u32 v7, $0x19  }
0x6e: {  	[tilespmem:$0x410] =	vst v15;
	v15 =	vshll.u32 v12, $0x7;
	vm0 =	vmand vm5, vm6;
	v8 =	vadd.s32 v28, v35  }
0x6f: {  	vm5 =	vlt.s32 v36, $0x1;
	v2 =	vsel vm0, $0xFFFFFFFF, v57;
	vm0 =	vmand vm7, vm8  }
0x70: {  	v9 =	vand.u32 $0xFFFFFF80, v8;
	v11 =	vadd.s32 v2, v25;
	v2 =	vshrl.u32 v34, $0x19  }
0x71: {  	v46 =	vld [tilespmem:$0x2C0];
	vm7 =	vlt.s32 v38, $0x1;
	v61 =	vsel vm0, $0xFFFFFFFF, v57;
	v2 =	vadd.s32 v2, v56  }
0x72: {  	v39 =	vld [tilespmem:$0xD0];
	v25 =	vsub.s32 v31, v60;
	vm14 =	vne.s32 v35, v9;
	v62 =	vand.u32 $0xFFFFFF80, v2  }
0x73: {  	v34 =	vshrl.u32 v8, $0x7;
	v10 =	vadd.s32 v61, v29;
	vm10 =	vne.s32 v56, v62  }
0x74: {  	v29 =	vshrl.u32 v63, $0x19;
	v12 =	vshll.u32 v11, $0x7;
	vm0 =	vmand vm9, vm10  }
0x75: {  	v2 =	vshrl.u32 v2, $0x7;
	v29 =	vadd.s32 v29, v32;
	v4 =	vsel vm0, $0xFFFFFFFF, v57  }
0x76: {  	v26 =	vsub.s32 v56, v62;
	v43 =	vadd.s32 v4, v2;
	v2 =	vand.u32 $0xFFFFFF80, v29  }
0x77: {  	v56 =	vshra.s32 v39, $0x1F;
	vm9 =	vlt.s32 v46, $0x1;
	vm12 =	vne.s32 v32, v2  }
0x78: {  	v29 =	vshrl.u32 v29, $0x7;
	v28 =	vsub.s32 v32, v2;
	vm0 =	vmand vm11, vm12  }
0x79: {  	v32 =	vshrl.u32 v47, $0x19;
	v11 =	vshll.u32 v43, $0x7;
	v2 =	vsel vm0, $0xFFFFFFFF, v57  }
0x7a: {  	v52 =	vadd.s32 v32, v38;
	v58 =	vadd.s32 v2, v29;
	v2 =	vshrl.u32 v37, $0x19  }
0x7b: {  	vm11 =	vlt.s32 v39, $0x1;
	vm0 =	vmand vm13, vm14;
	v2 =	vadd.s32 v2, v5  }
0x7c: {  	v53 =	vand.u32 $0xFFFFFF80, v52;
	v41 =	vsel vm0, $0xFFFFFFFF, v57;
	v42 =	vand.u32 $0xFFFFFF80, v2  }
0x7d: {  	v59 =	vadd.s32 v41, v34;
	v34 =	vshrl.u32 v44, $0x19;
	v44 =	vld [tilespmem:$0x2E0];
	vm4 =	vne.s32 v5, v42  }
0x7e: {  	v29 =	vsub.s32 v35, v9;
	v31 =	vsub.s32 v5, v42;
	v42 =	vld [tilespmem:$0x2D0];
	vm0 =	vmand vm15, vm4  }
0x7f: {  	v2 =	vshrl.u32 v2, $0x7;
	v34 =	vadd.s32 v34, v36;
	v45 =	vsel vm0, $0xFFFFFFFF, v57  }
0x80: {  	v47 =	vld [tilespmem:$0xF0];
	vm8 =	vne.s32 v38, v53;
	v60 =	vadd.s32 v45, v2;
	v2 =	vand.u32 $0xFFFFFF80, v34  }
0x81: {  	v37 =	vshrl.u32 v52, $0x7;
	v41 =	vshra.s32 v46, $0x1F;
	vm6 =	vne.s32 v36, v2  }
0x82: {  	v34 =	vshrl.u32 v34, $0x7;
	v32 =	vsub.s32 v36, v2;
	vm0 =	vmand vm5, vm6  }
0x83: {  	v4 =	vshra.s32 v42, $0x1F;
	vm13 =	vlt.s32 v42, $0x1;
	vm5 =	vlt.s32 v44, $0x1  }
0x84: {  	v2 =	vsel vm0, $0xFFFFFFFF, v57;
	vm0 =	vmand vm7, vm8;
	v36 =	vshrl.u32 v4, $0x19  }
0x85: {  	vm7 =	vlt.s32 v47, $0x1;
	v61 =	vadd.s32 v2, v34;
	v2 =	vshrl.u32 v41, $0x19  }
0x86: {  	v54 =	vsel vm0, $0xFFFFFFFF, v57;
	v34 =	vsub.s32 v38, v53;
	v38 =	vld [tilespmem:$0xE0];
	v5 =	vadd.s32 v36, v42  }
0x87: {  	v2 =	vadd.s32 v2, v46;
	v62 =	vadd.s32 v54, v37;
	v37 =	vshrl.u32 v56, $0x19  }
0x88: {  	v7 =	vand.u32 $0xFFFFFF80, v5;
	v41 =	vshrl.u32 v5, $0x7;
	v55 =	vand.u32 $0xFFFFFF80, v2  }
0x89: {  	v2 =	vshrl.u32 v2, $0x7;
	v37 =	vadd.s32 v37, v39;
	vm10 =	vne.s32 v46, v55  }
0x8a: {  	vm14 =	vne.s32 v42, v7;
	v35 =	vsub.s32 v46, v55;
	vm0 =	vmand vm9, vm10  }
0x8b: {  	v55 =	vshra.s32 v44, $0x1F;
	v63 =	vsel vm0, $0xFFFFFFFF, v57;
	v45 =	vshra.s32 v38, $0x1F  }
0x8c: {  	vm15 =	vlt.s32 v38, $0x1;
	v63 =	vadd.s32 v63, v2;
	v2 =	vand.u32 $0xFFFFFF80, v37  }
0x8d: {  	v37 =	vshrl.u32 v37, $0x7;
	v52 =	vshrl.u32 v45, $0x19;
	vm12 =	vne.s32 v39, v2  }
0x8e: {  	v36 =	vsub.s32 v39, v2;
	v46 =	vadd.s32 v52, v38;
	vm0 =	vmand vm11, vm12  }
0x8f: {  	v45 =	vld [tilespmem:$0x2F0];
	v54 =	vand.u32 $0xFFFFFF80, v46;
	v56 =	vshrl.u32 v46, $0x7;
	v2 =	vsel vm0, $0xFFFFFFFF, v57  }
0x90: {  	vm0 =	vmand vm13, vm14;
	vm4 =	vne.s32 v38, v54;
	v38 =	vsub.s32 v38, v54  }
0x91: {  	v46 =	vld [tilespmem:$0x100];
	v54 =	vshra.s32 v47, $0x1F;
	v9 =	vadd.s32 v2, v37;
	v53 =	vsel vm0, $0xFFFFFFFF, v57  }
0x92: {  	v37 =	vsub.s32 v42, v7;
	vm0 =	vmand vm15, vm4;
	v8 =	vadd.s32 v53, v41  }
0x93: {  	v41 =	vshrl.u32 v55, $0x19;
	v4 =	vsel vm0, $0xFFFFFFFF, v57;
	v55 =	vshrl.u32 v54, $0x19  }
0x94: {  	v52 =	vshra.s32 v45, $0x1F;
	vm9 =	vlt.s32 v45, $0x1;
	v41 =	vadd.s32 v41, v44  }
0x95: {  	v7 =	vadd.s32 v4, v56;
	v53 =	vshrl.u32 v52, $0x19;
	v5 =	vshrl.u32 v41, $0x7  }
0x96: {  	v41 =	vand.u32 $0xFFFFFF80, v41;
	v52 =	vadd.s32 v53, v45;
	vm11 =	vlt.s32 v46, $0x1  }
0x97: {  	vm6 =	vne.s32 v44, v41;
	v39 =	vsub.s32 v44, v41;
	v41 =	vadd.s32 v55, v47  }
0x98: {  	v53 =	vld [tilespmem:$0x300];
	v54 =	vand.u32 $0xFFFFFF80, v52;
	v55 =	vshra.s32 v46, $0x1F;
	vm0 =	vmand vm5, vm6  }
0x99: {  	v56 =	vand.u32 $0xFFFFFF80, v41;
	v41 =	vshrl.u32 v41, $0x7;
	vm10 =	vne.s32 v45, v54  }
0x9a: {  	[tilespmem:$0x1FFF0] =	vst v0;
	v44 =	vshrl.u32 v55, $0x19;
	vm2 =	vne.s32 v47, v56;
	v0 =	vsel vm0, $0xFFFFFFFF, v57  }
0x9b: {  	v42 =	vsub.s32 v47, v56;
	vm0 =	vmand vm9, vm10;
	v56 =	vshrl.u32 v52, $0x7  }
0x9c: {  	v47 =	vadd.s32 v44, v46;
	v52 =	vld [tilespmem:$0x110];
	v4 =	vadd.s32 v0, v5;
	vm8 =	vmand vm7, vm2  }
0x9d: {  	v5 =	vsel vm0, $0xFFFFFFFF, v57;
	v0 =	vsel vm8, $0xFFFFFFFF, v57;
	vm13 =	vlt.s32 v53, $0x1  }
0x9e: {  	v3 =	vadd.s32 v0, v41;
	v41 =	vsub.s32 v45, v54;
	v45 =	vadd.s32 v5, v56  }
0x9f: {  	v56 =	vand.u32 $0xFFFFFF80, v47;
	v0 =	vshra.s32 v53, $0x1F;
	v5 =	vshrl.u32 v47, $0x7  }
0xa0: {  	vm12 =	vne.s32 v46, v56;
	v0 =	vshrl.u32 v0, $0x19;
	v44 =	vsub.s32 v46, v56  }
0xa1: {  	v54 =	vld [tilespmem:$0x310];
	v0 =	vadd.s32 v0, v53;
	vm0 =	vmand vm11, vm12;
	v56 =	vshra.s32 v52, $0x1F  }
0xa2: {  	vm4 =	vlt.s32 v52, $0x1;
	v47 =	vand.u32 $0xFFFFFF80, v0;
	v55 =	vsel vm0, $0xFFFFFFFF, v57  }
0xa3: {  	v56 =	vshrl.u32 v56, $0x19;
	v0 =	vshrl.u32 v0, $0x7;
	vm14 =	vne.s32 v53, v47  }
0xa4: {  	v55 =	vadd.s32 v55, v5;
	v56 =	vadd.s32 v56, v52;
	vm15 =	vmand vm13, vm14  }
0xa5: {  	v53 =	vsub.s32 v53, v47;
	v46 =	vand.u32 $0xFFFFFF80, v56;
	v5 =	vsel vm15, $0xFFFFFFFF, v57  }
0xa6: {  	v47 =	vshra.s32 v54, $0x1F;
	vm5 =	vne.s32 v52, v46;
	v5 =	vadd.s32 v5, v0;
	v0 =	vld [tilespmem:$0x1FF30]  }
0xa7: {  	v52 =	vsub.s32 v52, v46;
	v46 =	vshrl.u32 v47, $0x19;
	vm0 =	vmand vm4, vm5  }
0xa8: {  	v47 =	vshrl.u32 v56, $0x7;
	v46 =	vadd.s32 v46, v54;
	v56 =	vsel vm0, $0xFFFFFFFF, v57  }
0xa9: {  	v43 =	vshll.u32 v60, $0x7;
	v56 =	vadd.s32 v56, v47;
	v47 =	vand.u32 $0xFFFFFF80, v46  }
0xaa: {  	v60 =	vshll.u32 v62, $0x7;
	vm6 =	vlt.s32 v54, $0x1;
	vm7 =	vne.s32 v54, v47  }
0xab: {  	[tilespmem:$0x810] =	vst v17;
	v17 =	vld [tilespmem:$0x320];
	v47 =	vsub.s32 v54, v47;
	vm0 =	vmand vm6, vm7;
	v54 =	vshll.u32 v0, $0x7  }
0xac: {  	v2 =	vld [tilespmem:$0x1FF50];
	[tilespmem:$0x400] =	vst v54;
	v54 =	vshll.u32 v21, $0x7;
	v21 =	vshll.u32 v27, $0x7;
	v27 =	vshll.u32 v30, $0x7  }
0xad: {  	v0 =	vld [tilespmem:$0x1FF40];
	v30 =	vshll.u32 v33, $0x7;
	v33 =	vshll.u32 v40, $0x7;
	v40 =	vshll.u32 v6, $0x7  }
0xae: {  	v6 =	vshll.u32 v14, $0x7;
	v14 =	vshll.u32 v59, $0x7;
	v59 =	vshll.u32 v63, $0x7  }
0xaf: {  	v62 =	vld [tilespmem:$0x1FF80];
	[tilespmem:$0x420] =	vst v54;
	v54 =	vshll.u32 v4, $0x7;
	v4 =	vshrl.u32 v46, $0x7;
	v46 =	vsel vm0, $0xFFFFFFFF, v57  }
0xb0: {  	[tilespmem:$0xAD0] =	vst v37;
	v37 =	vld [tilespmem:$0x1B0];
	v63 =	vshll.u32 v7, $0x7;
	v7 =	vadd.s32 v46, v4;
	v46 =	vshra.s32 v17, $0x1F  }
0xb1: {  	v4 =	vshrl.u32 v46, $0x19;
	v46 =	vld [tilespmem:$0x1FFB0]  }
0xb2: {  	[tilespmem:$0x600] =	vst v2;
	v2 =	vshll.u32 v49, $0x7;
	v49 =	vld [tilespmem:$0x1FF70];
	v0 =	vshll.u32 v0, $0x7  }
0xb3: {  	[tilespmem:$0x800] =	vst v0;
	v0 =	vshll.u32 v48, $0x7;
	v48 =	vshll.u32 v50, $0x7;
	v50 =	vld [tilespmem:$0x1FF60]  }
0xb4: {  	[tilespmem:$0xA10] =	vst v62;
	v62 =	vshll.u32 v8, $0x7;
	v8 =	vld [tilespmem:$0x130]  }
0xb5: {  	[tilespmem:$0x440] =	vst v33;
	v33 =	vld [tilespmem:$0x1FFD0]  }
0xb6: {  	[tilespmem:$0x630] =	vst v46;
	v46 =	vld [tilespmem:$0x1FFC0]  }
0xb7: {  	[tilespmem:$0x610] =	vst v49;
	v49 =	vshll.u32 v58, $0x7;
	v58 =	vshll.u32 v9, $0x7;
	v9 =	vshll.u32 v3, $0x7;
	v3 =	vld [tilespmem:$0x1FF90]  }
0xb8: {  	[tilespmem:$0xA00] =	vst v50;
	v50 =	vshll.u32 v51, $0x7;
	v51 =	vshll.u32 v10, $0x7;
	v10 =	vld [tilespmem:$0x120]  }
0xb9: {  	[tilespmem:$0x820] =	vst v21;
	v21 =	vld [tilespmem:$0x1FFA0]  }
0xba: {  	[tilespmem:$0x640] =	vst v33;
	v33 =	vshll.u32 v55, $0x7;
	v55 =	vld [tilespmem:$0x140]  }
0xbb: {  	v13 =	vshll.u32 v13, $0x7;
	[tilespmem:$0xA30] =	vst v46;
	v46 =	vld [tilespmem:$0x330]  }
0xbc: {  	v61 =	vshll.u32 v61, $0x7;
	vm10 =	vlt.s32 v17, $0x1;
	v45 =	vshll.u32 v45, $0x7;
	[tilespmem:$0x700] =	vst v44  }
0xbd: {  	vm12 =	vlt.s32 v8, $0x1;
	v44 =	vshra.s32 v37, $0x1F;
	[tilespmem:$0x620] =	vst v3;
	v3 =	vshra.s32 v10, $0x1F  }
0xbe: {  	[tilespmem:$0x670] =	vst v20;
	v20 =	vshll.u32 v7, $0x7;
	v4 =	vadd.s32 v4, v17;
	v3 =	vshrl.u32 v3, $0x19  }
0xbf: {  	[tilespmem:$0xA60] =	vst v19;
	vm4 =	vlt.s32 v55, $0x1;
	vm8 =	vlt.s32 v10, $0x1;
	v3 =	vadd.s32 v3, v10  }
0xc0: {  	v19 =	vld [tilespmem:$0x150];
	[tilespmem:$0xA20] =	vst v21;
	v21 =	vshrl.u32 v3, $0x7;
	v3 =	vand.u32 $0xFFFFFF80, v3;
	vm14 =	vlt.s32 v46, $0x1  }
0xc1: {  	[tilespmem:$0x430] =	vst v27;
	vm9 =	vne.s32 v10, v3;
	v27 =	vsub.s32 v10, v3;
	v3 =	vand.u32 $0xFFFFFF80, v4  }
0xc2: {  	[tilespmem:$0x830] =	vst v30;
	v10 =	vshra.s32 v8, $0x1F;
	v4 =	vshrl.u32 v4, $0x7;
	vm0 =	vmand vm8, vm9  }
0xc3: {  	[tilespmem:$0x450] =	vst v0;
	v0 =	vld [tilespmem:$0x1FFF0];
	vm11 =	vne.s32 v17, v3;
	v10 =	vshrl.u32 v10, $0x19;
	v30 =	vsel vm0, $0xFFFFFFFF, v57  }
0xc4: {  	v3 =	vsub.s32 v17, v3;
	vm0 =	vmand vm10, vm11;
	v21 =	vadd.s32 v30, v21;
	v30 =	vld [tilespmem:$0x1FFE0]  }
0xc5: {  	[tilespmem:$0x840] =	vst v40;
	vm8 =	vlt.s32 v19, $0x1;
	v40 =	vadd.s32 v10, v8;
	v17 =	vsel vm0, $0xFFFFFFFF, v57  }
0xc6: {  	[tilespmem:$0xA50] =	vst v16;
	v10 =	vshll.u32 v56, $0x7;
	v17 =	vadd.s32 v17, v4;
	v4 =	vand.u32 $0xFFFFFF80, v40  }
0xc7: {  	[tilespmem:$0x850] =	vst v2;
	v56 =	vshra.s32 v46, $0x1F;
	vm13 =	vne.s32 v8, v4;
	v4 =	vsub.s32 v8, v4;
	v8 =	vld [tilespmem:$0x340]  }
0xc8: {  	[tilespmem:$0x650] =	vst v0;
	v0 =	vshrl.u32 v40, $0x7;
	v40 =	vshra.s32 v55, $0x1F;
	vm0 =	vmand vm12, vm13  }
0xc9: {  	v2 =	vsel vm0, $0xFFFFFFFF, v57;
	[tilespmem:$0xA40] =	vst v30;
	v30 =	vshll.u32 v5, $0x7;
	v5 =	vshrl.u32 v56, $0x19  }
0xca: {  	[tilespmem:$0xA70] =	vst v22;
	v22 =	vshll.u32 v21, $0x7;
	v0 =	vadd.s32 v2, v0;
	v2 =	vadd.s32 v5, v46  }
0xcb: {  	[tilespmem:$0xA80] =	vst v24;
	v5 =	vshrl.u32 v40, $0x19;
	v24 =	vshll.u32 v0, $0x7;
	v56 =	vshrl.u32 v2, $0x7  }
0xcc: {  	[tilespmem:$0x860] =	vst v50;
	v2 =	vand.u32 $0xFFFFFF80, v2;
	v40 =	vadd.s32 v5, v55;
	v50 =	vshra.s32 v8, $0x1F  }
0xcd: {  	[tilespmem:$0x660] =	vst v18;
	v21 =	vld [tilespmem:$0x170];
	vm6 =	vlt.s32 v8, $0x1;
	vm15 =	vne.s32 v46, v2;
	v5 =	vsub.s32 v46, v2  }
0xce: {  	[tilespmem:$0x870] =	vst v13;
	v2 =	vand.u32 $0xFFFFFF80, v40;
	v18 =	vshrl.u32 v40, $0x7;
	v16 =	vshrl.u32 v50, $0x19  }
0xcf: {  	[tilespmem:$0x480] =	vst v15;
	v40 =	vshra.s32 v19, $0x1F;
	vm0 =	vmand vm14, vm15;
	vm5 =	vne.s32 v55, v2  }
0xd0: {  	[tilespmem:$0x8B0] =	vst v61;
	v7 =	vsub.s32 v55, v2;
	v55 =	vadd.s32 v16, v8;
	v15 =	vshrl.u32 v40, $0x19  }
0xd1: {  	v61 =	vld [tilespmem:$0x370];
	[tilespmem:$0x460] =	vst v48;
	v48 =	vsel vm0, $0xFFFFFFFF, v57;
	vm0 =	vmand vm4, vm5;
	v13 =	vshrl.u32 v55, $0x7  }
0xd2: {  	[tilespmem:$0x470] =	vst v6;
	v16 =	vld [tilespmem:$0x350];
	vm4 =	vlt.s32 v21, $0x1;
	v6 =	vadd.s32 v48, v56;
	v2 =	vsel vm0, $0xFFFFFFFF, v57  }
0xd3: {  	v56 =	vand.u32 $0xFFFFFF80, v55;
	v48 =	vadd.s32 v15, v19;
	v2 =	vadd.s32 v2, v18  }
0xd4: {  	v18 =	vshll.u32 v17, $0x7;
	vm7 =	vne.s32 v8, v56;
	v8 =	vsub.s32 v8, v56  }
0xd5: {  	[tilespmem:$0x690] =	vst v25;
	v17 =	vld [tilespmem:$0x160];
	v55 =	vshrl.u32 v48, $0x7;
	v25 =	vshll.u32 v6, $0x7;
	vm0 =	vmand vm6, vm7  }
0xd6: {  	[tilespmem:$0x680] =	vst v23;
	v23 =	vshll.u32 v2, $0x7;
	vm6 =	vlt.s32 v61, $0x1;
	v46 =	vsel vm0, $0xFFFFFFFF, v57  }
0xd7: {  	[tilespmem:$0x880] =	vst v12;
	v50 =	vshra.s32 v16, $0x1F;
	v12 =	vadd.s32 v46, v13;
	v13 =	vand.u32 $0xFFFFFF80, v48  }
0xd8: {  	vm10 =	vlt.s32 v16, $0x1;
	v15 =	vshrl.u32 v50, $0x19;
	vm9 =	vne.s32 v19, v13  }
0xd9: {  	[tilespmem:$0x890] =	vst v11;
	v15 =	vadd.s32 v15, v16;
	v11 =	vsub.s32 v19, v13;
	v12 =	vshll.u32 v12, $0x7  }
0xda: {  	[tilespmem:$0xA90] =	vst v26;
	vm0 =	vmand vm8, vm9;
	v56 =	vand.u32 $0xFFFFFF80, v15;
	v46 =	vshra.s32 v17, $0x1F  }
0xdb: {  	[tilespmem:$0x6A0] =	vst v28;
	v19 =	vld [tilespmem:$0x360];
	v0 =	vshrl.u32 v15, $0x7;
	vm12 =	vlt.s32 v17, $0x1;
	v40 =	vsel vm0, $0xFFFFFFFF, v57  }
0xdc: {  	[tilespmem:$0x8A0] =	vst v14;
	vm11 =	vne.s32 v16, v56;
	v48 =	vshrl.u32 v46, $0x19;
	v14 =	vsub.s32 v16, v56  }
0xdd: {  	[tilespmem:$0xAA0] =	vst v29;
	v26 =	vadd.s32 v40, v55;
	vm0 =	vmand vm10, vm11;
	v15 =	vadd.s32 v48, v17  }
0xde: {  	[tilespmem:$0x4A0] =	vst v49;
	v40 =	vshra.s32 v21, $0x1F;
	v49 =	vsel vm0, $0xFFFFFFFF, v57;
	v50 =	vand.u32 $0xFFFFFF80, v15  }
0xdf: {  	[tilespmem:$0x4E0] =	vst v63;
	v63 =	vld [tilespmem:$0x190];
	v2 =	vshrl.u32 v15, $0x7;
	v15 =	vshrl.u32 v40, $0x19;
	v26 =	vshll.u32 v26, $0x7  }
0xe0: {  	[tilespmem:$0x490] =	vst v51;
	v0 =	vadd.s32 v49, v0;
	vm13 =	vne.s32 v17, v50;
	v51 =	vshra.s32 v19, $0x1F  }
0xe1: {  	[tilespmem:$0x6B0] =	vst v31;
	v16 =	vsub.s32 v17, v50;
	vm14 =	vlt.s32 v19, $0x1;
	v15 =	vadd.s32 v15, v21  }
0xe2: {  	[tilespmem:$0x4B0] =	vst v43;
	v49 =	vshra.s32 v61, $0x1F;
	vm0 =	vmand vm12, vm13;
	v13 =	vshrl.u32 v51, $0x19  }
0xe3: {  	[tilespmem:$0xAB0] =	vst v32;
	v46 =	vand.u32 $0xFFFFFF80, v15;
	v15 =	vshrl.u32 v15, $0x7;
	v28 =	vshrl.u32 v49, $0x19  }
0xe4: {  	[tilespmem:$0x6C0] =	vst v34;
	v0 =	vshll.u32 v0, $0x7;
	v49 =	vshra.s32 v63, $0x1F;
	vm12 =	vlt.s32 v63, $0x1  }
0xe5: {  	[tilespmem:$0x4C0] =	vst v60;
	v50 =	vld [tilespmem:$0x180];
	v55 =	vsel vm0, $0xFFFFFFFF, v57;
	v56 =	vadd.s32 v13, v19;
	vm5 =	vne.s32 v21, v46  }
0xe6: {  	[tilespmem:$0xAC0] =	vst v35;
	v21 =	vsub.s32 v21, v46;
	v28 =	vadd.s32 v28, v61;
	v2 =	vadd.s32 v55, v2  }
0xe7: {  	[tilespmem:$0x6D0] =	vst v36;
	v43 =	vshrl.u32 v56, $0x7;
	v6 =	vand.u32 $0xFFFFFF80, v56;
	v56 =	vand.u32 $0xFFFFFF80, v28  }
0xe8: {  	[tilespmem:$0x6E0] =	vst v38;
	v28 =	vshrl.u32 v28, $0x7;
	vm15 =	vne.s32 v19, v6;
	v19 =	vsub.s32 v19, v6  }
0xe9: {  	[tilespmem:$0x8D0] =	vst v62;
	v55 =	vld [tilespmem:$0x380];
	vm7 =	vne.s32 v61, v56;
	v2 =	vshll.u32 v2, $0x7;
	vm0 =	vmand vm14, vm15  }
0xea: {  	[tilespmem:$0x4D0] =	vst v58;
	v58 =	vshra.s32 v50, $0x1F;
	v48 =	vsel vm0, $0xFFFFFFFF, v57;
	vm0 =	vmand vm4, vm5  }
0xeb: {  	[tilespmem:$0xAE0] =	vst v39;
	vm8 =	vlt.s32 v50, $0x1;
	v60 =	vshrl.u32 v58, $0x19;
	v51 =	vsel vm0, $0xFFFFFFFF, v57  }
0xec: {  	[tilespmem:$0x6F0] =	vst v42;
	v17 =	vadd.s32 v48, v43;
	vm0 =	vmand vm6, vm7;
	v32 =	vadd.s32 v51, v15  }
0xed: {  	[tilespmem:$0x8C0] =	vst v59;
	v15 =	vsub.s32 v61, v56;
	v59 =	vsel vm0, $0xFFFFFFFF, v57;
	v61 =	vadd.s32 v60, v50  }
0xee: {  	[tilespmem:$0xAF0] =	vst v41;
	v62 =	vshra.s32 v55, $0x1F;
	vm10 =	vlt.s32 v55, $0x1;
	v17 =	vshll.u32 v17, $0x7  }
0xef: {  	[tilespmem:$0x4F0] =	vst v9;
	v28 =	vadd.s32 v59, v28;
	v40 =	vshrl.u32 v61, $0x7;
	v6 =	vand.u32 $0xFFFFFF80, v61  }
0xf0: {  	[tilespmem:$0x8F0] =	vst v45;
	v48 =	vld [tilespmem:$0x390];
	v13 =	vshrl.u32 v62, $0x19;
	v32 =	vshll.u32 v32, $0x7;
	vm9 =	vne.s32 v50, v6  }
0xf1: {  	[tilespmem:$0xB00] =	vst v53;
	v13 =	vadd.s32 v13, v55;
	v6 =	vsub.s32 v50, v6;
	v50 =	vshrl.u32 v49, $0x19  }
0xf2: {  	[tilespmem:$0x710] =	vst v52;
	v38 =	vshll.u32 v28, $0x7;
	vm0 =	vmand vm8, vm9;
	v43 =	vand.u32 $0xFFFFFF80, v13  }
0xf3: {  	[tilespmem:$0x8E0] =	vst v54;
	v13 =	vshrl.u32 v13, $0x7;
	v54 =	vadd.s32 v50, v63;
	vm8 =	vlt.s32 v37, $0x1  }
0xf4: {  	[tilespmem:$0xB10] =	vst v47;
	v61 =	vld [tilespmem:$0x3A0];
	v45 =	vsel vm0, $0xFFFFFFFF, v57;
	vm11 =	vne.s32 v55, v43;
	v9 =	vsub.s32 v55, v43  }
0xf5: {  	[tilespmem:$0x900] =	vst v30;
	v56 =	vand.u32 $0xFFFFFF80, v54;
	v30 =	vshrl.u32 v54, $0x7;
	v58 =	vshra.s32 v48, $0x1F  }
0xf6: {  	[tilespmem:$0x910] =	vst v20;
	v49 =	vld [tilespmem:$0x1C0];
	vm14 =	vlt.s32 v48, $0x1;
	v46 =	vadd.s32 v45, v40;
	vm0 =	vmand vm10, vm11  }
0xf7: {  	[tilespmem:$0x510] =	vst v10;
	vm13 =	vne.s32 v63, v56;
	v10 =	vsub.s32 v63, v56;
	v60 =	vshrl.u32 v58, $0x19  }
0xf8: {  	[tilespmem:$0x500] =	vst v33;
	v55 =	vld [tilespmem:$0x1A0];
	v51 =	vsel vm0, $0xFFFFFFFF, v57;
	vm0 =	vmand vm12, vm13;
	v29 =	vadd.s32 v60, v48  }
0xf9: {  	[tilespmem:$0x720] =	vst v27;
	v36 =	vshra.s32 v61, $0x1F;
	v41 =	vshll.u32 v46, $0x7;
	vm6 =	vlt.s32 v61, $0x1  }
0xfa: {  	[tilespmem:$0xB20] =	vst v3;
	v13 =	vadd.s32 v51, v13;
	v59 =	vsel vm0, $0xFFFFFFFF, v57;
	v63 =	vshrl.u32 v29, $0x7  }
0xfb: {  	[tilespmem:$0x520] =	vst v22;
	v54 =	vld [tilespmem:$0x3C0];
	v29 =	vand.u32 $0xFFFFFF80, v29;
	v22 =	vshrl.u32 v36, $0x19;
	vm12 =	vlt.s32 v49, $0x1  }
0xfc: {  	[tilespmem:$0x920] =	vst v18;
	v20 =	vadd.s32 v59, v30;
	vm15 =	vne.s32 v48, v29;
	v18 =	vsub.s32 v48, v29  }
0xfd: {  	[tilespmem:$0x730] =	vst v4;
	v40 =	vld [tilespmem:$0x3B0];
	v22 =	vadd.s32 v22, v61;
	v13 =	vshll.u32 v13, $0x7;
	v62 =	vshra.s32 v55, $0x1F  }
0xfe: {  	[tilespmem:$0x530] =	vst v24;
	vm0 =	vmand vm14, vm15;
	vm4 =	vlt.s32 v55, $0x1;
	v42 =	vand.u32 $0xFFFFFF80, v22  }
0xff: {  	[tilespmem:$0xB30] =	vst v5;
	v60 =	vld [tilespmem:$0x1D0];
	v43 =	vshrl.u32 v22, $0x7;
	v22 =	vshrl.u32 v44, $0x19;
	v56 =	vshll.u32 v20, $0x7  }
0x100: {  	[tilespmem:$0x740] =	vst v7;
	vm14 =	vlt.s32 v54, $0x1;
	v34 =	vshrl.u32 v62, $0x19;
	v3 =	vsel vm0, $0xFFFFFFFF, v57  }
0x101: {  	[tilespmem:$0x930] =	vst v25;
	vm7 =	vne.s32 v61, v42;
	v45 =	vsub.s32 v61, v42;
	v47 =	vadd.s32 v22, v37  }
0x102: {  	[tilespmem:$0xB40] =	vst v8;
	v48 =	vshra.s32 v40, $0x1F;
	vm10 =	vlt.s32 v40, $0x1;
	v34 =	vadd.s32 v34, v55  }
0x103: {  	[tilespmem:$0x540] =	vst v23;
	v3 =	vadd.s32 v3, v63;
	v50 =	vshrl.u32 v47, $0x7;
	v8 =	vand.u32 $0xFFFFFF80, v47  }
0x104: {  	[tilespmem:$0x940] =	vst v12;
	v29 =	vld [tilespmem:$0x3D0];
	v22 =	vshrl.u32 v48, $0x19;
	v63 =	vshra.s32 v54, $0x1F;
	v30 =	vshra.s32 v60, $0x1F  }
0x105: {  	[tilespmem:$0x750] =	vst v11;
	v35 =	vand.u32 $0xFFFFFF80, v34;
	v27 =	vshrl.u32 v34, $0x7;
	vm9 =	vne.s32 v37, v8  }
0x106: {  	[tilespmem:$0x950] =	vst v0;
	v51 =	vadd.s32 v22, v40;
	v0 =	vsub.s32 v37, v8;
	v3 =	vshll.u32 v3, $0x7  }
0x107: {  	[tilespmem:$0x770] =	vst v21;
	v21 =	vshrl.u32 v63, $0x19;
	vm5 =	vne.s32 v55, v35;
	v25 =	vsub.s32 v55, v35  }
0x108: {  	[tilespmem:$0xB50] =	vst v14;
	v52 =	vand.u32 $0xFFFFFF80, v51;
	v55 =	vshra.s32 v49, $0x1F;
	v11 =	vshrl.u32 v51, $0x7  }
0x109: {  	[tilespmem:$0x550] =	vst v26;
	v28 =	vadd.s32 v21, v54;
	v21 =	vshrl.u32 v30, $0x19;
	v36 =	vshra.s32 v29, $0x1F  }
0x10a: {  	[tilespmem:$0x760] =	vst v16;
	vm0 =	vmand vm4, vm5;
	vm11 =	vne.s32 v40, v52;
	v58 =	vshrl.u32 v55, $0x19  }
0x10b: {  	[tilespmem:$0x960] =	vst v17;
	v8 =	vsub.s32 v40, v52;
	v31 =	vshrl.u32 v28, $0x7;
	v17 =	vand.u32 $0xFFFFFF80, v28  }
0x10c: {  	[tilespmem:$0x570] =	vst v32;
	v32 =	vadd.s32 v21, v60;
	vm4 =	vlt.s32 v60, $0x1;
	v39 =	vsel vm0, $0xFFFFFFFF, v57  }
0x10d: {  	[tilespmem:$0x560] =	vst v2;
	vm0 =	vmand vm6, vm7;
	v20 =	vadd.s32 v58, v49;
	vm15 =	vne.s32 v54, v17  }
0x10e: {  	[tilespmem:$0x990] =	vst v3;
	v33 =	vsub.s32 v54, v17;
	v34 =	vand.u32 $0xFFFFFF80, v32;
	v3 =	vshrl.u32 v32, $0x7  }
0x10f: {  	[tilespmem:$0xB60] =	vst v19;
	vm6 =	vlt.s32 v29, $0x1;
	v46 =	vsel vm0, $0xFFFFFFFF, v57;
	vm0 =	vmand vm8, vm9  }
0x110: {  	[tilespmem:$0xB70] =	vst v15;
	v27 =	vadd.s32 v39, v27;
	v61 =	vand.u32 $0xFFFFFF80, v20;
	v53 =	vsel vm0, $0xFFFFFFFF, v57  }
0x111: {  	[tilespmem:$0x970] =	vst v38;
	v37 =	vld [tilespmem:$0x1E0];
	v20 =	vshrl.u32 v20, $0x7;
	vm5 =	vne.s32 v60, v34;
	v2 =	vadd.s32 v53, v50  }
0x112: {  	[tilespmem:$0x780] =	vst v6;
	v14 =	vsub.s32 v60, v34;
	v38 =	vshll.u32 v2, $0x7;
	v2 =	vshrl.u32 v36, $0x19  }
0x113: {  	[tilespmem:$0xB80] =	vst v9;
	v7 =	vadd.s32 v46, v43;
	vm0 =	vmand vm10, vm11;
	v9 =	vadd.s32 v2, v29  }
0x114: {  	[tilespmem:$0x790] =	vst v10;
	v40 =	vld [tilespmem:$0x3E0];
	v62 =	vshll.u32 v27, $0x7;
	vm13 =	vne.s32 v49, v61;
	v2 =	vand.u32 $0xFFFFFF80, v9  }
0x115: {  	[tilespmem:$0x580] =	vst v41;
	v24 =	vsub.s32 v49, v61;
	vm7 =	vne.s32 v29, v2;
	v41 =	vsub.s32 v29, v2;
	v2 =	vld [tilespmem:$0x400]  }
0x116: {  	[tilespmem:$0x980] =	vst v13;
	v42 =	vshra.s32 v37, $0x1F;
	vm8 =	vlt.s32 v37, $0x1;
	v59 =	vsel vm0, $0xFFFFFFFF, v57  }
0x117: {  	[tilespmem:$0xB90] =	vst v18;
	vm0 =	vmand vm12, vm13;
	v7 =	vshll.u32 v7, $0x7;
	v18 =	vshrl.u32 v42, $0x19  }
0x118: {  	[tilespmem:$0x590] =	vst v56;
	v11 =	vadd.s32 v59, v11;
	v26 =	vsel vm0, $0xFFFFFFFF, v57;
	vm0 =	vmand vm14, vm15  }
0x119: {  	[tilespmem:$0xBA0] =	vst v45;
	v46 =	vadd.s32 v18, v37;
	v48 =	vshra.s32 v40, $0x1F;
	vm10 =	vlt.s32 v40, $0x1  }
0x11a: {  	[tilespmem:$0x7B0] =	vst v0;
	v27 =	vadd.s32 v26, v20;
	v35 =	vsel vm0, $0xFFFFFFFF, v57;
	(v2sf) =	vpush v2, $0x0  }
0x11b: {  	[tilespmem:$0x7A0] =	vst v25;
	v49 =	vld [tilespmem:$0x1F0];
	vm0 =	vmand vm4, vm5;
	v11 =	vshll.u32 v11, $0x7;
	(v2sf) =	vpush v2, $0x1  }
0x11c: {  	[tilespmem:$0xBB0] =	vst v8;
	v47 =	vshrl.u32 v46, $0x7;
	v0 =	vshrl.u32 v48, $0x19;
	v5 =	vadd.s32 v35, v31  }
0x11d: {  	[tilespmem:$0xBC0] =	vst v33;
	v39 =	vsel vm0, $0xFFFFFFFF, v57;
	v43 =	vshrl.u32 v9, $0x7;
	v45 =	vshll.u32 v27, $0x7  }
0x11e: {  	[tilespmem:$0x7D0] =	vst v14;
	v53 =	vld [tilespmem:$0x3F0];
	v9 =	vand.u32 $0xFFFFFF80, v46;
	v0 =	vadd.s32 v0, v40;
	v3 =	vadd.s32 v39, v3  }
0x11f: {  	[tilespmem:$0x5A0] =	vst v62;
	vm9 =	vne.s32 v37, v9;
	v50 =	vsub.s32 v37, v9;
	v52 =	vand.u32 $0xFFFFFF80, v0  }
0x120: {  	[tilespmem:$0x7C0] =	vst v24;
	v5 =	vshll.u32 v5, $0x7;
	v0 =	vshrl.u32 v0, $0x7;
	v56 =	vshra.s32 v49, $0x1F  }
0x121: {  	[tilespmem:$0x9A0] =	vst v7;
	vm12 =	vlt.s32 v49, $0x1;
	vm0 =	vmand vm6, vm7;
	(v2sf) =	vpush v2, $0x2  }
0x122: {  	[tilespmem:$0x5B0] =	vst v38;
	vm11 =	vne.s32 v40, v52;
	v54 =	vsub.s32 v40, v52;
	v3 =	vshll.u32 v3, $0x7  }
0x123: {  	[tilespmem:$0x9C0] =	vst v5;
	v5 =	vshrl.u32 v56, $0x19;
	v59 =	vshra.s32 v53, $0x1F;
	(v2sf) =	vpush v2, $0x3  }
0x124: {  	[tilespmem:$0x9B0] =	vst v11;
	vm14 =	vlt.s32 v53, $0x1;
	v44 =	vsel vm0, $0xFFFFFFFF, v57;
	vm0 =	vmand vm8, vm9  }
0x125: {  	[tilespmem:$0x5C0] =	vst v45;
	v5 =	vadd.s32 v5, v49;
	v51 =	vsel vm0, $0xFFFFFFFF, v57;
	vm0 =	vmand vm10, vm11  }
0x126: {  	[tilespmem:$0xBD0] =	vst v41;
	v7 =	vadd.s32 v44, v43;
	v9 =	vadd.s32 v51, v47;
	v55 =	vsel vm0, $0xFFFFFFFF, v57  }
0x127: {  	[tilespmem:$0x5D0] =	vst v3;
	v3 =	vshll.u32 v7, $0x7;
	v7 =	vshrl.u32 v59, $0x19;
	v0 =	vadd.s32 v55, v0  }
0x128: {  	v58 =	vshll.u32 v9, $0x7;
	[tilespmem:$0x9D0] =	vst v3;
	v3 =	vand.u32 $0xFFFFFF80, v5;
	v7 =	vadd.s32 v7, v53  }
0x129: {  	[tilespmem:$0x7E0] =	vst v50;
	v5 =	vshrl.u32 v5, $0x7;
	vm13 =	vne.s32 v49, v3;
	s17 =	spop (v2sf);
	(v2sf) =	vpush v2, $0x4  }
0x12a: {  	[tilespmem:$0xBE0] =	vst v54;
	v60 =	vand.u32 $0xFFFFFF80, v7;
	vm0 =	vmand vm12, vm13;
	s10 =	spop (v2sf);
	(v2sf) =	vpush v2, $0x5  }
0x12b: {  	v0 =	vshll.u32 v0, $0x7;
	[tilespmem:$0x5E0] =	vst v58;
	vm15 =	vne.s32 v53, v60;
	v61 =	vsel vm0, $0xFFFFFFFF, v57  }
0x12c: {  	v3 =	vsub.s32 v49, v3;
	[tilespmem:$0x9E0] =	vst v0;
	vm0 =	vmand vm14, vm15;
	v0 =	vadd.s32 v61, v5  }
0x12d: {  	v62 =	vshrl.u32 v7, $0x7;
	[tilespmem:$0x7F0] =	vst v3;
	v63 =	vsel vm0, $0xFFFFFFFF, v57;
	v0 =	vshll.u32 v0, $0x7  }
0x12e: {  	v3 =	vsub.s32 v53, v60;
	[tilespmem:$0x5F0] =	vst v0;
	v0 =	vadd.s32 v63, v62  }
0x12f: {  	[tilespmem:$0xBF0] =	vst v3;
	v0 =	vshll.u32 v0, $0x7;
	s3 =	sand.u32 $0xFFFFF80, s17  }
0x130: {  	[tilespmem:$0x9F0] =	vst v0;
	s3 =	sadd.s32 s1, s3;
	s14 =	spop (v2sf);
	(v2sf) =	vpush v2, $0x6  }
0x131: {  	[tilespmem:s13], [sflag:$0x1] =	stream.strided.gather [hbm4b:s3+s11], $0x800, s12, s11, $0x38;
	[tilespmem:$0x12E00] =	vst v63  }
0x132: {  	s3 =	sand.u32 $0xFFFFF80, s10;
	s16 =	spop (v2sf);
	(v2sf) =	vpush v2, $0x7  }
0x133: {  	s10 =	simm.s32 $0x1400;
	s3 =	sadd.s32 s1, s3  }
0x134: {  	[tilespmem:s10], [sflag:$0x1] =	stream.strided.gather [hbm4b:s3+s11], $0x800, s12, s11, $0x38;
	[tilespmem:$0x12E00] =	vst v63  }
0x135: {  	s3 =	sand.u32 $0xFFFFF80, s14  }
0x136: {  	s15 =	simm.s32 $0x1C00;
	s3 =	sadd.s32 s1, s3  }
0x137: {  	[tilespmem:s15], [sflag:$0x1] =	stream.strided.gather [hbm4b:s3+s11], $0x800, s12, s11, $0x38;
	[tilespmem:$0x12E00] =	vst v63  }
0x138: {  	s3 =	sand.u32 $0xFFFFF80, s16;
	s14 =	spop (v2sf);
	(v2sf) =	vpush v2, $0x8  }
0x139: {  	s17 =	simm.s32 $0x2400;
	s3 =	sadd.s32 s1, s3;
	s16 =	spop (v2sf);
	(v2sf) =	vpush v2, $0x9  }
0x13a: {  	[tilespmem:s17], [sflag:$0x1] =	stream.strided.gather [hbm4b:s3+s11], $0x800, s12, s11, $0x38;
	[tilespmem:$0x12E00] =	vst v63  }
0x13b: {  	s3 =	sand.u32 $0xFFFFF80, s14  }
0x13c: {  	s15 =	simm.s32 $0x2C00;
	s3 =	sadd.s32 s1, s3  }
0x13d: {  	[tilespmem:s15], [sflag:$0x1] =	stream.strided.gather [hbm4b:s3+s11], $0x800, s12, s11, $0x38;
	[tilespmem:$0x12E00] =	vst v63  }
0x13e: {  	(v2sf) =	vpush v2, $0xA;
	s3 =	sand.u32 $0xFFFFF80, s16  }
0x13f: {  	s17 =	spop (v2sf);
	s3 =	sadd.s32 s1, s3  }
0x140: {  	(v2sf) =	vpush v2, $0xB;
	[tilespmem:s18], [sflag:$0x1] =	stream.strided.gather [hbm4b:s3+s11], $0x800, s12, s11, $0x38;
	[tilespmem:$0x12E00] =	vst v63  }
0x141: {  	s10 =	spop (v2sf);
	(v2sf) =	vpush v2, $0xC;
	s3 =	sand.u32 $0xFFFFF80, s17  }
0x142: {  	s3 =	sadd.s32 s1, s3  }
0x143: {  	[tilespmem:s19], [sflag:$0x1] =	stream.strided.gather [hbm4b:s3+s11], $0x800, s12, s11, $0x38;
	[tilespmem:$0x12E00] =	vst v63  }
0x144: {  	s3 =	sand.u32 $0xFFFFF80, s10  }
0x145: {  	s3 =	sadd.s32 s1, s3  }
0x146: {  	[tilespmem:s20], [sflag:$0x1] =	stream.strided.gather [hbm4b:s3+s11], $0x800, s12, s11, $0x38;
	[tilespmem:$0x12E00] =	vst v63  }
0x147: {  	s14 =	spop (v2sf);
	(v2sf) =	vpush v2, $0xD  }
0x148: {  	s15 =	spop (v2sf);
	(v2sf) =	vpush v2, $0xE  }
0x149: {  	s3 =	sand.u32 $0xFFFFF80, s14  }
0x14a: {  	s3 =	sadd.s32 s1, s3  }
0x14b: {  	[tilespmem:s21], [sflag:$0x1] =	stream.strided.gather [hbm4b:s3+s11], $0x800, s12, s11, $0x38;
	[tilespmem:$0x12E00] =	vst v63  }
0x14c: {  	s3 =	sand.u32 $0xFFFFF80, s15  }
0x14d: {  	s16 =	spop (v2sf);
	(v2sf) =	vpush v2, $0xF;
	s3 =	sadd.s32 s1, s3  }
0x14e: {  	[tilespmem:s22], [sflag:$0x1] =	stream.strided.gather [hbm4b:s3+s11], $0x800, s12, s11, $0x38;
	[tilespmem:$0x12E00] =	vst v63  }
0x14f: {  	s17 =	spop (v2sf);
	s3 =	sand.u32 $0xFFFFF80, s16  }
0x150: {  	s14 =	sand.u32 $0xFFFFF80, s17;
	s15 =	spop (v2sf);
	s3 =	sadd.s32 s1, s3  }
0x151: {  	[tilespmem:s23], [sflag:$0x1] =	stream.strided.gather [hbm4b:s3+s11], $0x800, s12, s11, $0x38;
	[tilespmem:$0x12E00] =	vst v63  }
0x152: {  	s16 =	sand.u32 $0xFFFFF80, s15;
	s3 =	sadd.s32 s1, s14  }
0x153: {  	[tilespmem:s24], [sflag:$0x1] =	stream.strided.gather [hbm4b:s3+s11], $0x800, s12, s11, $0x38;
	[tilespmem:$0x12E00] =	vst v63  }
0x154: {  	s3 =	sadd.s32 s1, s16  }
0x155: {  	[tilespmem:s25], [sflag:$0x1] =	stream.strided.gather [hbm4b:s3+s11], $0x800, s12, s11, $0x38;
	[tilespmem:$0x12E00] =	vst v63  }
0x156: {  	s17 =	spop (v2sf)  }
0x157: {  	s14 =	sand.u32 $0xFFFFF80, s17;
	s15 =	spop (v2sf)  }
0x158: {  	s3 =	sadd.s32 s1, s14;
	s16 =	sand.u32 $0xFFFFF80, s15  }
0x159: {  	[tilespmem:s26], [sflag:$0x1] =	stream.strided.gather [hbm4b:s3+s11], $0x800, s12, s11, $0x38;
	[tilespmem:$0x12E00] =	vst v63  }
0x15a: {  	s3 =	sadd.s32 s1, s16  }
0x15b: {  	[tilespmem:s28], [sflag:$0x1] =	stream.strided.gather [hbm4b:s3+s11], $0x800, s12, s11, $0x38;
	[tilespmem:$0x12E00] =	vst v63  }
.Ltmp2:
0x15c: {  	s17 =	spop (v2sf);
	(pc) =	sbr.rel .LBB2_2-.Ltmp2, $4  }
0x15d: {  	s3 =	sand.u32 $0xFFFFF80, s17  }
0x15e: {  	s3 =	sadd.s32 s1, s3  }
0x15f: {  	[tilespmem:s29], [sflag:$0x1] =	stream.strided.gather [hbm4b:s3+s11], $0x800, s12, s11, $0x38;
	[tilespmem:$0x12E00] =	vst v63  }
0x160: {  	s31 =	simm.s32 $0x0;
	s10 =	simm.s32 $0x0;
	s3 =	simm.s32 $0x0  }
.LBB2_4:
0x161: {  	_ =	swait.ge [sflag:s30], $0x8000  }
0x162: {  	[sflag:s30] =	ssyncset.done $0x0  }
0x163: {  	s15 =	sshra.s32 s3, $0x2;
	[sflag:s30] =	ssyncadd.s32 $0xFFFF8000  }
0x164: {  	v0 =	vld [tilespmem:s15+$0x600];
	_ =	sdelay $0x1  }
0x165: {  	s14 =	sshll.u32 s14, $0x4  }
0x166: {  	v2 =	vmov s14  }
0x167: {  	v2 =	vshll.u32 v2, $0xB  }
0x168: {  	v2 =	vor.u32 v1, v2;
	v3 =	vand.u32 $0xFFFFFF80, v0  }
0x169: {  	v0 =	vand.u32 $0x7F, v0;
	v2 =	vadd.s32 v2, v3  }
0x16a: {  	v0 =	vor.u32 v0, v2;
	_ =	sdelay $0x4  }
0x16b: {  	v2 =	vld.idx.msk [tilespmem:v0+s13+$0x0], $0xffff  }
0x16c: {  	v3 =	vadd.s32 $0x80, v0;
	_ =	sdelay $0x3  }
0x16d: {  	[tilespmem:s15+$0x10C00] =	vst v2  }
0x16e: {  	v2 =	vld.idx.msk [tilespmem:v3+s13+$0x0], $0xffff  }
0x16f: {  	v3 =	vadd.s32 $0x100, v0;
	_ =	sdelay $0x2  }
0x170: {  	s17 =	sand.u32 $0x1F0, s10  }
0x171: {  	[tilespmem:s17+$0x10E00] =	vst v2  }
0x172: {  	v2 =	vld.idx.msk [tilespmem:v3+s13+$0x0], $0xffff  }
0x173: {  	v3 =	vadd.s32 $0x180, v0;
	_ =	sdelay $0x3  }
0x174: {  	[tilespmem:s17+$0x11000] =	vst v2  }
0x175: {  	v2 =	vld.idx.msk [tilespmem:v3+s13+$0x0], $0xffff  }
0x176: {  	v3 =	vadd.s32 $0x200, v0;
	_ =	sdelay $0x3  }
0x177: {  	[tilespmem:s17+$0x11200] =	vst v2  }
0x178: {  	v2 =	vld.idx.msk [tilespmem:v3+s13+$0x0], $0xffff  }
0x179: {  	v3 =	vadd.s32 $0x280, v0;
	_ =	sdelay $0x3  }
0x17a: {  	[tilespmem:s17+$0x11400] =	vst v2  }
0x17b: {  	v2 =	vld.idx.msk [tilespmem:v3+s13+$0x0], $0xffff  }
0x17c: {  	v3 =	vadd.s32 $0x300, v0;
	_ =	sdelay $0x3  }
0x17d: {  	[tilespmem:s17+$0x11600] =	vst v2  }
0x17e: {  	v2 =	vld.idx.msk [tilespmem:v3+s13+$0x0], $0xffff  }
0x17f: {  	v3 =	vadd.s32 $0x380, v0;
	_ =	sdelay $0x3  }
0x180: {  	[tilespmem:s17+$0x11800] =	vst v2  }
0x181: {  	v2 =	vld.idx.msk [tilespmem:v3+s13+$0x0], $0xffff  }
0x182: {  	v3 =	vadd.s32 $0x400, v0;
	_ =	sdelay $0x3  }
0x183: {  	[tilespmem:s17+$0x11A00] =	vst v2  }
0x184: {  	v2 =	vld.idx.msk [tilespmem:v3+s13+$0x0], $0xffff  }
0x185: {  	v3 =	vadd.s32 $0x480, v0;
	_ =	sdelay $0x3  }
0x186: {  	[tilespmem:s17+$0x11C00] =	vst v2  }
0x187: {  	v2 =	vld.idx.msk [tilespmem:v3+s13+$0x0], $0xffff  }
0x188: {  	v3 =	vadd.s32 $0x500, v0;
	_ =	sdelay $0x3  }
0x189: {  	[tilespmem:s17+$0x11E00] =	vst v2  }
0x18a: {  	v2 =	vld.idx.msk [tilespmem:v3+s13+$0x0], $0xffff  }
0x18b: {  	v3 =	vadd.s32 $0x580, v0;
	_ =	sdelay $0x3  }
0x18c: {  	[tilespmem:s17+$0x12000] =	vst v2  }
0x18d: {  	v2 =	vld.idx.msk [tilespmem:v3+s13+$0x0], $0xffff  }
0x18e: {  	v3 =	vadd.s32 $0x600, v0;
	_ =	sdelay $0x3  }
0x18f: {  	[tilespmem:s17+$0x12200] =	vst v2  }
0x190: {  	v2 =	vld.idx.msk [tilespmem:v3+s13+$0x0], $0xffff  }
0x191: {  	v3 =	vadd.s32 $0x680, v0;
	_ =	sdelay $0x3  }
0x192: {  	[tilespmem:s17+$0x12400] =	vst v2  }
0x193: {  	v2 =	vld.idx.msk [tilespmem:v3+s13+$0x0], $0xffff  }
0x194: {  	v3 =	vadd.s32 $0x700, v0;
	_ =	sdelay $0x3  }
0x195: {  	[tilespmem:s17+$0x12600] =	vst v2  }
0x196: {  	v2 =	vld.idx.msk [tilespmem:v3+s13+$0x0], $0xffff  }
0x197: {  	v0 =	vadd.s32 $0x780, v0;
	_ =	sdelay $0x3  }
0x198: {  	s3 =	sadd.s32 $0x40, s3;
	[tilespmem:s17+$0x12800] =	vst v2  }
0x199: {  	p0 =	sne.s32 s3, $0x800;
	v0 =	vld.idx.msk [tilespmem:v0+s13+$0x0], $0xffff  }
.Ltmp3:
0x19a: {  	_ = 	snop;
	(pc) =	sbr.rel @!p0 .LBB2_5-.Ltmp3, $2  }
0x19b: {  	_ =	sdelay $0x2  }
0x19c: {  	s10 =	sadd.s32 $0x10, s10;
	s31 =	sadd.s32 $0x1, s31;
	[tilespmem:s17+$0x12A00] =	vst v0  }
.LBB2_2:
0x19d: {  	p0 =	seq.s32 s3, $0x7C0  }
.Ltmp4:
0x19e: {  	_ = 	snop;
	(pc) =	sbr.rel @p0 .LBB2_4-.Ltmp4, $2  }
0x19f: {  	_ =	sdelay $0x2  }
0x1a0: {  	s14 =	sand.u32 $0x1, s31  }
0x1a1: {  	s15 =	sshra.s32 s3, $0x2  }
0x1a2: {  	v0 =	vld [tilespmem:s15+$0x410];
	_ =	sdelay $0x4  }
0x1a3: {  	(v2sf) =	vpush v0, $0x0;
	_ =	sdelay $0x3  }
0x1a4: {  	(v2sf) =	vpush v0, $0x1;
	_ =	sdelay $0x3  }
0x1a5: {  	(v2sf) =	vpush v0, $0x2;
	_ =	sdelay $0x3  }
0x1a6: {  	(v2sf) =	vpush v0, $0x3;
	_ =	sdelay $0x2  }
0x1a7: {  	s15 =	sshll.u32 s14, $0xF;
	s16 =	spop (v2sf)  }
0x1a8: {  	s17 =	sxor.u32 $0x8000, s15;
	(v2sf) =	vpush v0, $0x4;
	s16 =	sand.u32 $0xFFFFF80, s16  }
0x1a9: {  	s17 =	sor.u32 $0xC00, s17;
	s16 =	sadd.s32 s1, s16  }
0x1aa: {  	[tilespmem:s17], [sflag:$0x1] =	stream.strided.gather [hbm4b:s16+s11], $0x800, s12, s11, $0x38;
	[tilespmem:$0x12E00] =	vst v63  }
0x1ab: {  	s17 =	spop (v2sf)  }
0x1ac: {  	(v2sf) =	vpush v0, $0x5;
	s16 =	sand.u32 $0xFFFFF80, s17  }
0x1ad: {  	s17 =	sxor.u32 $0x9400, s15;
	s16 =	sadd.s32 s1, s16  }
0x1ae: {  	[tilespmem:s17], [sflag:$0x1] =	stream.strided.gather [hbm4b:s16+s11], $0x800, s12, s11, $0x38;
	[tilespmem:$0x12E00] =	vst v63  }
0x1af: {  	s17 =	spop (v2sf)  }
0x1b0: {  	(v2sf) =	vpush v0, $0x6;
	s16 =	sand.u32 $0xFFFFF80, s17  }
0x1b1: {  	s17 =	sxor.u32 $0x9C00, s15;
	s16 =	sadd.s32 s1, s16  }
0x1b2: {  	[tilespmem:s17], [sflag:$0x1] =	stream.strided.gather [hbm4b:s16+s11], $0x800, s12, s11, $0x38;
	[tilespmem:$0x12E00] =	vst v63  }
0x1b3: {  	s17 =	spop (v2sf)  }
0x1b4: {  	(v2sf) =	vpush v0, $0x7;
	s16 =	sand.u32 $0xFFFFF80, s17  }
0x1b5: {  	s17 =	sxor.u32 $0xA400, s15;
	s16 =	sadd.s32 s1, s16  }
0x1b6: {  	[tilespmem:s17], [sflag:$0x1] =	stream.strided.gather [hbm4b:s16+s11], $0x800, s12, s11, $0x38;
	[tilespmem:$0x12E00] =	vst v63  }
0x1b7: {  	s17 =	spop (v2sf)  }
0x1b8: {  	(v2sf) =	vpush v0, $0x8;
	s16 =	sand.u32 $0xFFFFF80, s17  }
0x1b9: {  	s17 =	sxor.u32 $0xAC00, s15;
	s16 =	sadd.s32 s1, s16  }
0x1ba: {  	[tilespmem:s17], [sflag:$0x1] =	stream.strided.gather [hbm4b:s16+s11], $0x800, s12, s11, $0x38;
	[tilespmem:$0x12E00] =	vst v63  }
0x1bb: {  	s17 =	spop (v2sf)  }
0x1bc: {  	(v2sf) =	vpush v0, $0x9;
	s16 =	sand.u32 $0xFFFFF80, s17  }
0x1bd: {  	s17 =	sxor.u32 $0xB400, s15;
	s16 =	sadd.s32 s1, s16  }
0x1be: {  	[tilespmem:s17], [sflag:$0x1] =	stream.strided.gather [hbm4b:s16+s11], $0x800, s12, s11, $0x38;
	[tilespmem:$0x12E00] =	vst v63  }
0x1bf: {  	s17 =	spop (v2sf)  }
0x1c0: {  	(v2sf) =	vpush v0, $0xA;
	s16 =	sand.u32 $0xFFFFF80, s17  }
0x1c1: {  	s17 =	sxor.u32 $0xBC00, s15;
	s16 =	sadd.s32 s1, s16  }
0x1c2: {  	[tilespmem:s17], [sflag:$0x1] =	stream.strided.gather [hbm4b:s16+s11], $0x800, s12, s11, $0x38;
	[tilespmem:$0x12E00] =	vst v63  }
0x1c3: {  	s17 =	spop (v2sf)  }
0x1c4: {  	(v2sf) =	vpush v0, $0xB;
	s16 =	sand.u32 $0xFFFFF80, s17  }
0x1c5: {  	s17 =	sxor.u32 $0xC400, s15;
	s16 =	sadd.s32 s1, s16  }
0x1c6: {  	[tilespmem:s17], [sflag:$0x1] =	stream.strided.gather [hbm4b:s16+s11], $0x800, s12, s11, $0x38;
	[tilespmem:$0x12E00] =	vst v63  }
0x1c7: {  	s17 =	spop (v2sf)  }
0x1c8: {  	(v2sf) =	vpush v0, $0xC;
	s16 =	sand.u32 $0xFFFFF80, s17  }
0x1c9: {  	s17 =	sxor.u32 $0xCC00, s15;
	s16 =	sadd.s32 s1, s16  }
0x1ca: {  	[tilespmem:s17], [sflag:$0x1] =	stream.strided.gather [hbm4b:s16+s11], $0x800, s12, s11, $0x38;
	[tilespmem:$0x12E00] =	vst v63  }
0x1cb: {  	s17 =	spop (v2sf)  }
0x1cc: {  	(v2sf) =	vpush v0, $0xD;
	s16 =	sand.u32 $0xFFFFF80, s17  }
0x1cd: {  	s17 =	sxor.u32 $0xD400, s15;
	s16 =	sadd.s32 s1, s16  }
0x1ce: {  	[tilespmem:s17], [sflag:$0x1] =	stream.strided.gather [hbm4b:s16+s11], $0x800, s12, s11, $0x38;
	[tilespmem:$0x12E00] =	vst v63  }
0x1cf: {  	s17 =	spop (v2sf)  }
0x1d0: {  	(v2sf) =	vpush v0, $0xE;
	s16 =	sand.u32 $0xFFFFF80, s17  }
0x1d1: {  	s17 =	sxor.u32 $0xDC00, s15;
	s16 =	sadd.s32 s1, s16  }
0x1d2: {  	[tilespmem:s17], [sflag:$0x1] =	stream.strided.gather [hbm4b:s16+s11], $0x800, s12, s11, $0x38;
	[tilespmem:$0x12E00] =	vst v63  }
0x1d3: {  	s17 =	spop (v2sf)  }
0x1d4: {  	s16 =	sand.u32 $0xFFFFF80, s17  }
0x1d5: {  	(v2sf) =	vpush v0, $0xF;
	s17 =	sxor.u32 $0xE400, s15;
	s16 =	sadd.s32 s1, s16  }
0x1d6: {  	[tilespmem:s17], [sflag:$0x1] =	stream.strided.gather [hbm4b:s16+s11], $0x800, s12, s11, $0x38;
	[tilespmem:$0x12E00] =	vst v63  }
0x1d7: {  	s17 =	spop (v2sf)  }
0x1d8: {  	s16 =	sand.u32 $0xFFFFF80, s17  }
0x1d9: {  	s17 =	sxor.u32 $0xEC00, s15;
	s16 =	sadd.s32 s1, s16  }
0x1da: {  	[tilespmem:s17], [sflag:$0x1] =	stream.strided.gather [hbm4b:s16+s11], $0x800, s12, s11, $0x38;
	[tilespmem:$0x12E00] =	vst v63  }
0x1db: {  	s17 =	spop (v2sf)  }
0x1dc: {  	s16 =	sand.u32 $0xFFFFF80, s17  }
0x1dd: {  	s17 =	sxor.u32 $0xF400, s15;
	s16 =	sadd.s32 s1, s16  }
0x1de: {  	[tilespmem:s17], [sflag:$0x1] =	stream.strided.gather [hbm4b:s16+s11], $0x800, s12, s11, $0x38;
	[tilespmem:$0x12E00] =	vst v63  }
0x1df: {  	s17 =	spop (v2sf)  }
0x1e0: {  	s16 =	sand.u32 $0xFFFFF80, s17  }
0x1e1: {  	s17 =	sxor.u32 $0xFC00, s15;
	s16 =	sadd.s32 s1, s16  }
0x1e2: {  	[tilespmem:s17], [sflag:$0x1] =	stream.strided.gather [hbm4b:s16+s11], $0x800, s12, s11, $0x38;
	[tilespmem:$0x12E00] =	vst v63  }
.Ltmp5:
0x1e3: {  	_ = 	snop;
	(pc) =	sbr.rel .LBB2_4-.Ltmp5, $4  }
0x1e4: {  	s17 =	spop (v2sf)  }
0x1e5: {  	s16 =	sand.u32 $0xFFFFF80, s17  }
0x1e6: {  	s15 =	ssub.s32 $0x10400, s15;
	s16 =	sadd.s32 s1, s16  }
0x1e7: {  	[tilespmem:s15], [sflag:$0x1] =	stream.strided.gather [hbm4b:s16+s11], $0x800, s12, s11, $0x38;
	[tilespmem:$0x12E00] =	vst v63  }
.LBB2_5:
0x1e8: {  	v0 =	vld [tilespmem:$0x800];
	_ =	sdelay $0x4  }
0x1e9: {  	(v2sf) =	vpush v0, $0x0  }
0x1ea: {  	(v2sf) =	vpush v0, $0x1;
	_ =	sdelay $0x5  }
0x1eb: {  	(v2sf) =	vpush v0, $0x2;
	_ =	sdelay $0x1  }
0x1ec: {  	(v2sf) =	vpush v0, $0x3;
	_ =	sdelay $0x5  }
0x1ed: {  	s3 =	spop (v2sf);
	(v2sf) =	vpush v0, $0x4  }
0x1ee: {  	s10 =	spop (v2sf);
	(v2sf) =	vpush v0, $0x5;
	_ =	sdelay $0x4  }
0x1ef: {  	s3 =	sand.u32 $0xFFFFF80, s3  }
0x1f0: {  	s3 =	sadd.s32 s2, s3;
	s14 =	spop (v2sf);
	(v2sf) =	vpush v0, $0x6  }
0x1f1: {  	[tilespmem:s13], [sflag:$0x1] =	stream.strided.gather [hbm4b:s3+s11], $0x800, s12, s11, $0x38;
	[tilespmem:$0x12E00] =	vst v63  }
0x1f2: {  	s3 =	sand.u32 $0xFFFFF80, s10;
	s16 =	spop (v2sf);
	(v2sf) =	vpush v0, $0x7  }
0x1f3: {  	s10 =	simm.s32 $0x1400;
	s3 =	sadd.s32 s2, s3  }
0x1f4: {  	[tilespmem:s10], [sflag:$0x1] =	stream.strided.gather [hbm4b:s3+s11], $0x800, s12, s11, $0x38;
	[tilespmem:$0x12E00] =	vst v63  }
0x1f5: {  	s3 =	sand.u32 $0xFFFFF80, s14  }
0x1f6: {  	s15 =	simm.s32 $0x1C00;
	s3 =	sadd.s32 s2, s3  }
0x1f7: {  	[tilespmem:s15], [sflag:$0x1] =	stream.strided.gather [hbm4b:s3+s11], $0x800, s12, s11, $0x38;
	[tilespmem:$0x12E00] =	vst v63  }
0x1f8: {  	s3 =	sand.u32 $0xFFFFF80, s16;
	s14 =	spop (v2sf);
	(v2sf) =	vpush v0, $0x8  }
0x1f9: {  	s17 =	simm.s32 $0x2400;
	s3 =	sadd.s32 s2, s3;
	s16 =	spop (v2sf);
	(v2sf) =	vpush v0, $0x9  }
0x1fa: {  	[tilespmem:s17], [sflag:$0x1] =	stream.strided.gather [hbm4b:s3+s11], $0x800, s12, s11, $0x38;
	[tilespmem:$0x12E00] =	vst v63  }
0x1fb: {  	s3 =	sand.u32 $0xFFFFF80, s14  }
0x1fc: {  	s15 =	simm.s32 $0x2C00;
	s3 =	sadd.s32 s2, s3  }
0x1fd: {  	[tilespmem:s15], [sflag:$0x1] =	stream.strided.gather [hbm4b:s3+s11], $0x800, s12, s11, $0x38;
	[tilespmem:$0x12E00] =	vst v63  }
0x1fe: {  	(v2sf) =	vpush v0, $0xA;
	s3 =	sand.u32 $0xFFFFF80, s16  }
0x1ff: {  	s17 =	spop (v2sf);
	s3 =	sadd.s32 s2, s3  }
0x200: {  	(v2sf) =	vpush v0, $0xB;
	[tilespmem:s18], [sflag:$0x1] =	stream.strided.gather [hbm4b:s3+s11], $0x800, s12, s11, $0x38;
	[tilespmem:$0x12E00] =	vst v63  }
0x201: {  	s10 =	spop (v2sf);
	(v2sf) =	vpush v0, $0xC;
	s3 =	sand.u32 $0xFFFFF80, s17  }
0x202: {  	s3 =	sadd.s32 s2, s3  }
0x203: {  	[tilespmem:s19], [sflag:$0x1] =	stream.strided.gather [hbm4b:s3+s11], $0x800, s12, s11, $0x38;
	[tilespmem:$0x12E00] =	vst v63  }
0x204: {  	s3 =	sand.u32 $0xFFFFF80, s10  }
0x205: {  	s3 =	sadd.s32 s2, s3  }
0x206: {  	[tilespmem:s20], [sflag:$0x1] =	stream.strided.gather [hbm4b:s3+s11], $0x800, s12, s11, $0x38;
	[tilespmem:$0x12E00] =	vst v63  }
0x207: {  	s14 =	spop (v2sf);
	(v2sf) =	vpush v0, $0xD  }
0x208: {  	s15 =	spop (v2sf);
	(v2sf) =	vpush v0, $0xE  }
0x209: {  	s3 =	sand.u32 $0xFFFFF80, s14  }
0x20a: {  	s3 =	sadd.s32 s2, s3  }
0x20b: {  	[tilespmem:s21], [sflag:$0x1] =	stream.strided.gather [hbm4b:s3+s11], $0x800, s12, s11, $0x38;
	[tilespmem:$0x12E00] =	vst v63  }
0x20c: {  	s3 =	sand.u32 $0xFFFFF80, s15  }
0x20d: {  	s16 =	spop (v2sf);
	(v2sf) =	vpush v0, $0xF;
	s3 =	sadd.s32 s2, s3  }
0x20e: {  	[tilespmem:s22], [sflag:$0x1] =	stream.strided.gather [hbm4b:s3+s11], $0x800, s12, s11, $0x38;
	[tilespmem:$0x12E00] =	vst v63  }
0x20f: {  	s17 =	spop (v2sf);
	s3 =	sand.u32 $0xFFFFF80, s16  }
0x210: {  	s14 =	sand.u32 $0xFFFFF80, s17;
	s15 =	spop (v2sf);
	s3 =	sadd.s32 s2, s3  }
0x211: {  	[tilespmem:s23], [sflag:$0x1] =	stream.strided.gather [hbm4b:s3+s11], $0x800, s12, s11, $0x38;
	[tilespmem:$0x12E00] =	vst v63  }
0x212: {  	s16 =	sand.u32 $0xFFFFF80, s15;
	s3 =	sadd.s32 s2, s14  }
0x213: {  	[tilespmem:s24], [sflag:$0x1] =	stream.strided.gather [hbm4b:s3+s11], $0x800, s12, s11, $0x38;
	[tilespmem:$0x12E00] =	vst v63  }
0x214: {  	s3 =	sadd.s32 s2, s16  }
0x215: {  	[tilespmem:s25], [sflag:$0x1] =	stream.strided.gather [hbm4b:s3+s11], $0x800, s12, s11, $0x38;
	[tilespmem:$0x12E00] =	vst v63  }
0x216: {  	s17 =	spop (v2sf)  }
0x217: {  	s14 =	sand.u32 $0xFFFFF80, s17;
	s15 =	spop (v2sf)  }
0x218: {  	s3 =	sadd.s32 s2, s14;
	s16 =	sand.u32 $0xFFFFF80, s15  }
0x219: {  	[tilespmem:s26], [sflag:$0x1] =	stream.strided.gather [hbm4b:s3+s11], $0x800, s12, s11, $0x38;
	[tilespmem:$0x12E00] =	vst v63  }
0x21a: {  	s3 =	sadd.s32 s2, s16  }
0x21b: {  	[tilespmem:s28], [sflag:$0x1] =	stream.strided.gather [hbm4b:s3+s11], $0x800, s12, s11, $0x38;
	[tilespmem:$0x12E00] =	vst v63  }
.Ltmp6:
0x21c: {  	s17 =	spop (v2sf);
	(pc) =	sbr.rel .LBB2_6-.Ltmp6, $4  }
0x21d: {  	s3 =	sand.u32 $0xFFFFF80, s17  }
0x21e: {  	s3 =	sadd.s32 s2, s3  }
0x21f: {  	[tilespmem:s29], [sflag:$0x1] =	stream.strided.gather [hbm4b:s3+s11], $0x800, s12, s11, $0x38;
	[tilespmem:$0x12E00] =	vst v63  }
0x220: {  	s31 =	simm.s32 $0x0;
	s10 =	simm.s32 $0x0;
	s3 =	simm.s32 $0x0  }
.LBB2_8:
0x221: {  	_ =	swait.ge [sflag:s30], $0x8000  }
0x222: {  	[sflag:s30] =	ssyncset.done $0x0  }
0x223: {  	s15 =	sshra.s32 s3, $0x2;
	[sflag:s30] =	ssyncadd.s32 $0xFFFF8000  }
0x224: {  	v0 =	vld [tilespmem:s15+$0xA00];
	_ =	sdelay $0x1  }
0x225: {  	s14 =	sshll.u32 s14, $0x4  }
0x226: {  	v2 =	vmov s14  }
0x227: {  	v2 =	vshll.u32 v2, $0xB  }
0x228: {  	v2 =	vor.u32 v1, v2;
	v3 =	vand.u32 $0xFFFFFF80, v0  }
0x229: {  	v0 =	vand.u32 $0x7F, v0;
	v2 =	vadd.s32 v2, v3  }
0x22a: {  	v0 =	vor.u32 v0, v2;
	_ =	sdelay $0x1  }
0x22b: {  	v2 =	vadd.s32 $0x80, v0;
	_ =	sdelay $0x1  }
0x22c: {  	v5 =	vld [tilespmem:s15+$0x10C00];
	v3 =	vadd.s32 $0x100, v0  }
0x22d: {  	s17 =	sand.u32 $0x1F0, s10;
	v4 =	vld.idx.msk [tilespmem:v0+s13+$0x0], $0xffff  }
0x22e: {  	v7 =	vld [tilespmem:s17+$0x10E00];
	v6 =	vadd.s32 $0x180, v0  }
0x22f: {  	v2 =	vld.idx.msk [tilespmem:v2+s13+$0x0], $0xffff  }
0x230: {  	v9 =	vld [tilespmem:s17+$0x11000];
	v8 =	vadd.s32 $0x200, v0  }
0x231: {  	v3 =	vld.idx.msk [tilespmem:v3+s13+$0x0], $0xffff  }
0x232: {  	v32 =	vld [tilespmem:s17+$0x11200];
	v10 =	vadd.s32 $0x280, v0;
	v4 =	vmul.f32 v5, v4  }
0x233: {  	v31 =	vld.idx.msk [tilespmem:v6+s13+$0x0], $0xffff  }
0x234: {  	v34 =	vld [tilespmem:s17+$0x11400];
	v11 =	vadd.s32 $0x300, v0;
	v2 =	vmul.f32 v7, v2;
	v4 =	vadd.f32 $0.0e+00, v4  }
0x235: {  	v33 =	vld.idx.msk [tilespmem:v8+s13+$0x0], $0xffff  }
0x236: {  	v36 =	vld [tilespmem:s17+$0x11600];
	v12 =	vadd.s32 $0x380, v0;
	v3 =	vmul.f32 v9, v3;
	v2 =	vadd.f32 v2, v4  }
0x237: {  	v35 =	vld.idx.msk [tilespmem:v10+s13+$0x0], $0xffff  }
0x238: {  	v39 =	vld [tilespmem:s17+$0x11800];
	v37 =	vadd.s32 $0x400, v0;
	v2 =	vadd.f32 v3, v2;
	v3 =	vmul.f32 v32, v31  }
0x239: {  	v38 =	vld.idx.msk [tilespmem:v11+s13+$0x0], $0xffff  }
0x23a: {  	v42 =	vld [tilespmem:s17+$0x11A00];
	v40 =	vadd.s32 $0x480, v0;
	v2 =	vadd.f32 v3, v2;
	v3 =	vmul.f32 v34, v33  }
0x23b: {  	v41 =	vld.idx.msk [tilespmem:v12+s13+$0x0], $0xffff  }
0x23c: {  	v45 =	vld [tilespmem:s17+$0x11C00];
	v43 =	vadd.s32 $0x500, v0;
	v2 =	vadd.f32 v3, v2;
	v3 =	vmul.f32 v36, v35  }
0x23d: {  	v44 =	vld.idx.msk [tilespmem:v37+s13+$0x0], $0xffff  }
0x23e: {  	v48 =	vld [tilespmem:s17+$0x11E00];
	v46 =	vadd.s32 $0x580, v0;
	v2 =	vadd.f32 v3, v2;
	v3 =	vmul.f32 v39, v38  }
0x23f: {  	v47 =	vld.idx.msk [tilespmem:v40+s13+$0x0], $0xffff  }
0x240: {  	v51 =	vld [tilespmem:s17+$0x12000];
	v49 =	vadd.s32 $0x600, v0;
	v2 =	vadd.f32 v3, v2;
	v3 =	vmul.f32 v42, v41  }
0x241: {  	v50 =	vld.idx.msk [tilespmem:v43+s13+$0x0], $0xffff  }
0x242: {  	v54 =	vld [tilespmem:s17+$0x12200];
	v52 =	vadd.s32 $0x680, v0;
	v2 =	vadd.f32 v3, v2;
	v3 =	vmul.f32 v45, v44  }
0x243: {  	v53 =	vld.idx.msk [tilespmem:v46+s13+$0x0], $0xffff  }
0x244: {  	v58 =	vld [tilespmem:s17+$0x12400];
	v55 =	vadd.s32 $0x700, v0;
	v2 =	vadd.f32 v3, v2;
	v3 =	vmul.f32 v48, v47  }
0x245: {  	v56 =	vld.idx.msk [tilespmem:v49+s13+$0x0], $0xffff  }
0x246: {  	v60 =	vld [tilespmem:s17+$0x12600];
	v0 =	vadd.s32 $0x780, v0;
	v2 =	vadd.f32 v3, v2;
	v3 =	vmul.f32 v51, v50  }
0x247: {  	v59 =	vld.idx.msk [tilespmem:v52+s13+$0x0], $0xffff  }
0x248: {  	v62 =	vld [tilespmem:s17+$0x12800];
	v2 =	vadd.f32 v3, v2;
	v3 =	vmul.f32 v54, v53  }
0x249: {  	v61 =	vld.idx.msk [tilespmem:v55+s13+$0x0], $0xffff  }
0x24a: {  	v63 =	vld [tilespmem:s17+$0x12A00];
	v2 =	vadd.f32 v3, v2;
	v3 =	vmul.f32 v58, v56  }
0x24b: {  	v0 =	vld.idx.msk [tilespmem:v0+s13+$0x0], $0xffff  }
0x24c: {  	v2 =	vadd.f32 v3, v2;
	v3 =	vmul.f32 v60, v59;
	_ =	sdelay $0x1  }
0x24d: {  	s3 =	sadd.s32 $0x40, s3;
	v2 =	vadd.f32 v3, v2;
	v3 =	vmul.f32 v62, v61  }
0x24e: {  	p0 =	sne.s32 s3, $0x800  }
.Ltmp7:
0x24f: {  	v0 =	vmul.f32 v63, v0;
	v2 =	vadd.f32 v3, v2;
	(pc) =	sbr.rel @!p0 .LBB2_9-.Ltmp7, $3  }
0x250: {  	_ = 	snop  }
0x251: {  	v0 =	vadd.f32 v0, v2;
	_ =	sdelay $0x1  }
0x252: {  	s10 =	sadd.s32 $0x10, s10;
	s31 =	sadd.s32 $0x1, s31;
	[tilespmem:s15+$0x12C00] =	vst v0  }
.LBB2_6:
0x253: {  	p0 =	seq.s32 s3, $0x7C0  }
.Ltmp8:
0x254: {  	_ = 	snop;
	(pc) =	sbr.rel @p0 .LBB2_8-.Ltmp8, $2  }
0x255: {  	_ =	sdelay $0x2  }
0x256: {  	s14 =	sand.u32 $0x1, s31  }
0x257: {  	s15 =	sshra.s32 s3, $0x2  }
0x258: {  	v0 =	vld [tilespmem:s15+$0x810];
	_ =	sdelay $0x4  }
0x259: {  	(v2sf) =	vpush v0, $0x0;
	_ =	sdelay $0x3  }
0x25a: {  	(v2sf) =	vpush v0, $0x1;
	_ =	sdelay $0x3  }
0x25b: {  	(v2sf) =	vpush v0, $0x2;
	_ =	sdelay $0x3  }
0x25c: {  	(v2sf) =	vpush v0, $0x3;
	_ =	sdelay $0x2  }
0x25d: {  	s15 =	sshll.u32 s14, $0xF;
	s16 =	spop (v2sf)  }
0x25e: {  	s17 =	sxor.u32 $0x8000, s15;
	(v2sf) =	vpush v0, $0x4;
	s16 =	sand.u32 $0xFFFFF80, s16  }
0x25f: {  	s17 =	sor.u32 $0xC00, s17;
	s16 =	sadd.s32 s2, s16  }
0x260: {  	[tilespmem:s17], [sflag:$0x1] =	stream.strided.gather [hbm4b:s16+s11], $0x800, s12, s11, $0x38;
	[tilespmem:$0x12E00] =	vst v63  }
0x261: {  	s17 =	spop (v2sf)  }
0x262: {  	(v2sf) =	vpush v0, $0x5;
	s16 =	sand.u32 $0xFFFFF80, s17  }
0x263: {  	s17 =	sxor.u32 $0x9400, s15;
	s16 =	sadd.s32 s2, s16  }
0x264: {  	[tilespmem:s17], [sflag:$0x1] =	stream.strided.gather [hbm4b:s16+s11], $0x800, s12, s11, $0x38;
	[tilespmem:$0x12E00] =	vst v63  }
0x265: {  	s17 =	spop (v2sf)  }
0x266: {  	(v2sf) =	vpush v0, $0x6;
	s16 =	sand.u32 $0xFFFFF80, s17  }
0x267: {  	s17 =	sxor.u32 $0x9C00, s15;
	s16 =	sadd.s32 s2, s16  }
0x268: {  	[tilespmem:s17], [sflag:$0x1] =	stream.strided.gather [hbm4b:s16+s11], $0x800, s12, s11, $0x38;
	[tilespmem:$0x12E00] =	vst v63  }
0x269: {  	s17 =	spop (v2sf)  }
0x26a: {  	(v2sf) =	vpush v0, $0x7;
	s16 =	sand.u32 $0xFFFFF80, s17  }
0x26b: {  	s17 =	sxor.u32 $0xA400, s15;
	s16 =	sadd.s32 s2, s16  }
0x26c: {  	[tilespmem:s17], [sflag:$0x1] =	stream.strided.gather [hbm4b:s16+s11], $0x800, s12, s11, $0x38;
	[tilespmem:$0x12E00] =	vst v63  }
0x26d: {  	s17 =	spop (v2sf)  }
0x26e: {  	(v2sf) =	vpush v0, $0x8;
	s16 =	sand.u32 $0xFFFFF80, s17  }
0x26f: {  	s17 =	sxor.u32 $0xAC00, s15;
	s16 =	sadd.s32 s2, s16  }
0x270: {  	[tilespmem:s17], [sflag:$0x1] =	stream.strided.gather [hbm4b:s16+s11], $0x800, s12, s11, $0x38;
	[tilespmem:$0x12E00] =	vst v63  }
0x271: {  	s17 =	spop (v2sf)  }
0x272: {  	(v2sf) =	vpush v0, $0x9;
	s16 =	sand.u32 $0xFFFFF80, s17  }
0x273: {  	s17 =	sxor.u32 $0xB400, s15;
	s16 =	sadd.s32 s2, s16  }
0x274: {  	[tilespmem:s17], [sflag:$0x1] =	stream.strided.gather [hbm4b:s16+s11], $0x800, s12, s11, $0x38;
	[tilespmem:$0x12E00] =	vst v63  }
0x275: {  	s17 =	spop (v2sf)  }
0x276: {  	(v2sf) =	vpush v0, $0xA;
	s16 =	sand.u32 $0xFFFFF80, s17  }
0x277: {  	s17 =	sxor.u32 $0xBC00, s15;
	s16 =	sadd.s32 s2, s16  }
0x278: {  	[tilespmem:s17], [sflag:$0x1] =	stream.strided.gather [hbm4b:s16+s11], $0x800, s12, s11, $0x38;
	[tilespmem:$0x12E00] =	vst v63  }
0x279: {  	s17 =	spop (v2sf)  }
0x27a: {  	(v2sf) =	vpush v0, $0xB;
	s16 =	sand.u32 $0xFFFFF80, s17  }
0x27b: {  	s17 =	sxor.u32 $0xC400, s15;
	s16 =	sadd.s32 s2, s16  }
0x27c: {  	[tilespmem:s17], [sflag:$0x1] =	stream.strided.gather [hbm4b:s16+s11], $0x800, s12, s11, $0x38;
	[tilespmem:$0x12E00] =	vst v63  }
0x27d: {  	s17 =	spop (v2sf)  }
0x27e: {  	(v2sf) =	vpush v0, $0xC;
	s16 =	sand.u32 $0xFFFFF80, s17  }
0x27f: {  	s17 =	sxor.u32 $0xCC00, s15;
	s16 =	sadd.s32 s2, s16  }
0x280: {  	[tilespmem:s17], [sflag:$0x1] =	stream.strided.gather [hbm4b:s16+s11], $0x800, s12, s11, $0x38;
	[tilespmem:$0x12E00] =	vst v63  }
0x281: {  	s17 =	spop (v2sf)  }
0x282: {  	(v2sf) =	vpush v0, $0xD;
	s16 =	sand.u32 $0xFFFFF80, s17  }
0x283: {  	s17 =	sxor.u32 $0xD400, s15;
	s16 =	sadd.s32 s2, s16  }
0x284: {  	[tilespmem:s17], [sflag:$0x1] =	stream.strided.gather [hbm4b:s16+s11], $0x800, s12, s11, $0x38;
	[tilespmem:$0x12E00] =	vst v63  }
0x285: {  	s17 =	spop (v2sf)  }
0x286: {  	(v2sf) =	vpush v0, $0xE;
	s16 =	sand.u32 $0xFFFFF80, s17  }
0x287: {  	s17 =	sxor.u32 $0xDC00, s15;
	s16 =	sadd.s32 s2, s16  }
0x288: {  	[tilespmem:s17], [sflag:$0x1] =	stream.strided.gather [hbm4b:s16+s11], $0x800, s12, s11, $0x38;
	[tilespmem:$0x12E00] =	vst v63  }
0x289: {  	s17 =	spop (v2sf)  }
0x28a: {  	s16 =	sand.u32 $0xFFFFF80, s17  }
0x28b: {  	(v2sf) =	vpush v0, $0xF;
	s17 =	sxor.u32 $0xE400, s15;
	s16 =	sadd.s32 s2, s16  }
0x28c: {  	[tilespmem:s17], [sflag:$0x1] =	stream.strided.gather [hbm4b:s16+s11], $0x800, s12, s11, $0x38;
	[tilespmem:$0x12E00] =	vst v63  }
0x28d: {  	s17 =	spop (v2sf)  }
0x28e: {  	s16 =	sand.u32 $0xFFFFF80, s17  }
0x28f: {  	s17 =	sxor.u32 $0xEC00, s15;
	s16 =	sadd.s32 s2, s16  }
0x290: {  	[tilespmem:s17], [sflag:$0x1] =	stream.strided.gather [hbm4b:s16+s11], $0x800, s12, s11, $0x38;
	[tilespmem:$0x12E00] =	vst v63  }
0x291: {  	s17 =	spop (v2sf)  }
0x292: {  	s16 =	sand.u32 $0xFFFFF80, s17  }
0x293: {  	s17 =	sxor.u32 $0xF400, s15;
	s16 =	sadd.s32 s2, s16  }
0x294: {  	[tilespmem:s17], [sflag:$0x1] =	stream.strided.gather [hbm4b:s16+s11], $0x800, s12, s11, $0x38;
	[tilespmem:$0x12E00] =	vst v63  }
0x295: {  	s17 =	spop (v2sf)  }
0x296: {  	s16 =	sand.u32 $0xFFFFF80, s17  }
0x297: {  	s17 =	sxor.u32 $0xFC00, s15;
	s16 =	sadd.s32 s2, s16  }
0x298: {  	[tilespmem:s17], [sflag:$0x1] =	stream.strided.gather [hbm4b:s16+s11], $0x800, s12, s11, $0x38;
	[tilespmem:$0x12E00] =	vst v63  }
.Ltmp9:
0x299: {  	_ = 	snop;
	(pc) =	sbr.rel .LBB2_8-.Ltmp9, $4  }
0x29a: {  	s17 =	spop (v2sf)  }
0x29b: {  	s16 =	sand.u32 $0xFFFFF80, s17  }
0x29c: {  	s15 =	ssub.s32 $0x10400, s15;
	s16 =	sadd.s32 s2, s16  }
0x29d: {  	[tilespmem:s15], [sflag:$0x1] =	stream.strided.gather [hbm4b:s16+s11], $0x800, s12, s11, $0x38;
	[tilespmem:$0x12E00] =	vst v63  }
.LBB2_10:
0x29e: {  	_ =	sfence.sel $0x180000  }
0x29f: {  	[bflag:$0x0] =	sbarrier.arrive $0xFFFF  }
0x2a0: {  	_ =	strace $0x90000047  }
0x2a1: {  	s0 =	stileid.u32;
	[bflag:$0x2] =	sbarrier.arrive $0xFFFF  }
0x2a2: {  	p0 =	sne.s32 s0, $0x0;
	s0 =	rddreg [dreg:$0x4]  }
0x2a3: {  	s0 =	sadd.s32 @!p0 $0x100000, s0  }
0x2a4: {  	[sflag:s0] =	ssyncadd.tile.s32 @!p0 $0x1;
	_ =	shalt  }
.Lfunc_end2:
_tile_overlayer_lowered:
.L_overlay_start_2:
0x2a5: {  	(tag) =	ssettag $0x2  }
0x2a6: {  	s0 =	rddreg [dreg:$0x0];
	s2 =	stileid.u32  }
0x2a7: {  	s1 =	rddreg [dreg:$0x1];
	p0 =	sne.s32 s2, $0x0  }
0x2a8: {  	s3 =	rddreg [dreg:$0x2];
	[bflag:$0x3] =	sbarrier.arrive $0xFFFF;
	s2 =	simm.s32 @!p0 $0x1C02  }
0x2a9: {  	[timem:s3], [sflag:s2] =	dma.local @!p0 [hbm:s0], s1  }
0x2aa: {  	s0 =	simm.s32 @!p0 $0x2  }
0x2ab: {  	_ =	swait.ge @!p0 [sflag:s0], s1  }
0x2ac: {  	s1 =	ssub.s32 @!p0 $0x0, s1;
	[sflag:s0] =	ssyncset.done @!p0 $0x0  }
0x2ad: {  	[sflag:s0] =	ssyncadd.s32 @!p0 s1  }
0x2ae: {  	[bflag:$0x3] =	sbarrier.arrive $0xFFFF  }
0x2af: {  	_ =	shalt  }

</sc_bundles>
